<compile_context>
chip_gen: v7x
topology: tpu7x:2x2x1
jax: 0.10.2.dev20260603
libtpu: 0.0.44.dev20260713+nightly
codegen_flags: <defaults>
</compile_context>

<pallas_src>
import functools

import jax
import jax.numpy as jnp
from jax import lax
from jax.experimental import pallas as pl
from jax.experimental.pallas import tpu as pltpu
from jax.experimental.pallas import tpu_sc as plsc

N = 10000
D = 128
H = 16
A = 8
E = 320000

NTILES = 32
C = 128
K = 8
NPAIR = 5
NITER = 2 * NPAIR
CHUNKS = K * NITER
EP = NTILES * CHUNKS * C
ECHUNKS = EP // C + K
ROWS_PER_TILE = 632
NP = 16 * ROWS_PER_TILE
NPq = NP // 8

_mesh = plsc.VectorSubcoreMesh(core_axis_name="c", subcore_axis_name="s")
_sc_params = pltpu.CompilerParams(use_tc_tiling_on_sc=False)


@functools.partial(
    pl.kernel,
    mesh=_mesh,
    compiler_params=_sc_params,
    out_type=jax.ShapeDtypeStruct((2 * NP, H), jnp.float32),
    scratch_types=[
        pltpu.VMEM((2, K, C), jnp.int32),
        pltpu.VMEM((C, H), jnp.float32),
        pltpu.VMEM_SHARED((NP, H), jnp.float32),
        pltpu.SemaphoreType.DMA,
        pltpu.SemaphoreType.DMA,
        pltpu.SemaphoreType.DMA,
    ],
)
def _sc_degree(ei_hbm, ones_hbm, zeros_hbm, out_hbm,
               dst_v, ones_v, acc, isem0, isem1, ssem):
    c = lax.axis_index("c")
    s = lax.axis_index("s")
    wid = s * 2 + c
    r0 = s * ROWS_PER_TILE
    pltpu.sync_copy(zeros_hbm.at[pl.ds(r0, ROWS_PER_TILE)],
                    acc.at[pl.ds(r0, ROWS_PER_TILE)])
    pltpu.sync_copy(ones_hbm, ones_v)
    plsc.subcore_barrier()
    base = wid * CHUNKS

    def idx_copy(row0, b, sem):
        return pltpu.async_copy(ei_hbm.at[1, pl.ds(row0, K)], dst_v.at[b],
                                sem)

    def fire_scatters(b):
        return [pltpu.async_copy(ones_v, acc.at[dst_v.at[b, j]], ssem,
                                 add=True)
                for j in range(K)]

    idx_copy(base, 0, isem0)

    def body(i, carry):
        row0 = base + (2 * i) * K
        i1 = idx_copy(row0 + K, 1, isem1)
        pltpu.make_async_copy(ei_hbm.at[1, pl.ds(row0, K)], dst_v.at[0],
                              isem0).wait()
        sa = fire_scatters(0)
        i1.wait()
        sb = fire_scatters(1)
        for d in sa:
            d.wait()
        idx_copy(row0 + 2 * K, 0, isem0)
        for d in sb:
            d.wait()
        return carry

    lax.fori_loop(0, NPAIR, body, 0)
    pltpu.make_async_copy(ei_hbm.at[1, pl.ds(base + CHUNKS, K)], dst_v.at[0],
                          isem0).wait()
    plsc.subcore_barrier()
    pltpu.sync_copy(acc.at[pl.ds(r0, ROWS_PER_TILE)],
                    out_hbm.at[pl.ds(c * NP + r0, ROWS_PER_TILE)])


@functools.partial(
    pl.kernel,
    mesh=_mesh,
    compiler_params=_sc_params,
    out_type=jax.ShapeDtypeStruct((2 * NP, H), jnp.float32),
    scratch_types=[
        pltpu.VMEM((2, K, C), jnp.int32),
        pltpu.VMEM((2, K, C), jnp.int32),
        pltpu.VMEM((2, K, C, H), jnp.float32),
        pltpu.VMEM_SHARED((NP, H), jnp.float32),
        pltpu.VMEM_SHARED((NP, H), jnp.float32),
        pltpu.SemaphoreType.DMA,
        pltpu.SemaphoreType.DMA,
        pltpu.SemaphoreType.DMA,
        pltpu.SemaphoreType.DMA,
    ],
)
def _sc_aggregate(ei_hbm, g_hbm, zeros_hbm, out_hbm,
                  src_v, dst_v, rows_v, gtab, acc, isem0, isem1, gsem, ssem):
    c = lax.axis_index("c")
    s = lax.axis_index("s")
    wid = s * 2 + c
    r0 = s * ROWS_PER_TILE
    pltpu.sync_copy(zeros_hbm.at[pl.ds(r0, ROWS_PER_TILE)],
                    acc.at[pl.ds(r0, ROWS_PER_TILE)])
    pltpu.sync_copy(g_hbm.at[pl.ds(r0, ROWS_PER_TILE)],
                    gtab.at[pl.ds(r0, ROWS_PER_TILE)])
    plsc.subcore_barrier()
    base = wid * CHUNKS

    def idx_copy(row0, b, sem):
        return (pltpu.async_copy(ei_hbm.at[0, pl.ds(row0, K)], src_v.at[b],
                                 sem),
                pltpu.async_copy(ei_hbm.at[1, pl.ds(row0, K)], dst_v.at[b],
                                 sem))

    def fire_gathers(b):
        return [pltpu.async_copy(gtab.at[src_v.at[b, j]], rows_v.at[b, j],
                                 gsem)
                for j in range(K)]

    def fire_scatters(b):
        return [pltpu.async_copy(rows_v.at[b, j], acc.at[dst_v.at[b, j]],
                                 ssem, add=True)
                for j in range(K)]

    idx_copy(base, 0, isem0)

    def body(i, carry):
        row0 = base + (2 * i) * K
        i1 = idx_copy(row0 + K, 1, isem1)
        pltpu.make_async_copy(ei_hbm.at[0, pl.ds(row0, K)], src_v.at[0],
                              isem0).wait()
        pltpu.make_async_copy(ei_hbm.at[1, pl.ds(row0, K)], dst_v.at[0],
                              isem0).wait()
        ga = fire_gathers(0)
        for d in ga:
            d.wait()
        sa = fire_scatters(0)
        i1[0].wait()
        i1[1].wait()
        gb = fire_gathers(1)
        for d in gb:
            d.wait()
        sb = fire_scatters(1)
        for d in sa:
            d.wait()
        idx_copy(row0 + 2 * K, 0, isem0)
        for d in sb:
            d.wait()
        return carry

    lax.fori_loop(0, NPAIR, body, 0)
    pltpu.make_async_copy(ei_hbm.at[0, pl.ds(base + CHUNKS, K)], src_v.at[0],
                          isem0).wait()
    pltpu.make_async_copy(ei_hbm.at[1, pl.ds(base + CHUNKS, K)], dst_v.at[0],
                          isem0).wait()
    plsc.subcore_barrier()
    pltpu.sync_copy(acc.at[pl.ds(r0, ROWS_PER_TILE)],
                    out_hbm.at[pl.ds(c * NP + r0, ROWS_PER_TILE)])


Nq = N // 8


def _tc_matmul1(xq_ref, w1b_ref, h1p_ref):
    h1p_ref[...] = jnp.dot(xq_ref[...], w1b_ref[...],
                           preferred_element_type=jnp.float32)


def _tc_first(h1p_ref, degp_ref, g1_ref, dinv_ref):
    deg = degp_ref[0:NPq, :] + degp_ref[NPq:2 * NPq, :] + 1.0
    dinv = lax.rsqrt(deg)
    dinv_ref[...] = dinv
    g1_ref[0:Nq, :] = h1p_ref[...] * dinv[0:Nq, :]
    g1_ref[Nq:NPq, :] = jnp.zeros((NPq - Nq, 8 * H), jnp.float32)


def _tc_mid(s1p_ref, g1_ref, dinv_ref, b1_ref, w2b_ref, g2_ref):
    s = s1p_ref[0:NPq, :] + s1p_ref[NPq:2 * NPq, :] + g1_ref[...]
    h = jnp.maximum(s * dinv_ref[...] + b1_ref[...], 0.0)
    h2 = jnp.dot(h, w2b_ref[...], preferred_element_type=jnp.float32)
    g2_ref[...] = h2 * dinv_ref[...]


def _tc_last(s2p_ref, g2_ref, dinv_ref, b2_ref, out_ref):
    s = s2p_ref[0:NPq, :] + s2p_ref[NPq:2 * NPq, :] + g2_ref[...]
    out_ref[...] = s * dinv_ref[...] + b2_ref[...]


_tc_matmul1_call = pl.pallas_call(
    _tc_matmul1,
    out_shape=jax.ShapeDtypeStruct((Nq, 8 * H), jnp.float32),
)

_tc_first_call = pl.pallas_call(
    _tc_first,
    out_shape=(jax.ShapeDtypeStruct((NPq, 8 * H), jnp.float32),
               jax.ShapeDtypeStruct((NPq, 8 * H), jnp.float32)),
)

_tc_mid_call = pl.pallas_call(
    _tc_mid,
    out_shape=jax.ShapeDtypeStruct((NPq, 8 * H), jnp.float32),
)

_tc_last_call = pl.pallas_call(
    _tc_last,
    out_shape=jax.ShapeDtypeStruct((NPq, 8 * H), jnp.float32),
)


def kernel(x, edge_index, W1, b1, W2, b2):
    ei = jnp.pad(edge_index.reshape(2, E // C, C),
                 ((0, 0), (0, ECHUNKS - E // C), (0, 0)),
                 constant_values=N)
    zeros = jnp.zeros((NP, H), jnp.float32)
    ones = jnp.ones((C, H), jnp.float32)
    W2p = jnp.pad(W2, ((0, 0), (0, H - A)))
    eye8 = jnp.eye(8, dtype=jnp.float32)
    w1b = (eye8[:, None, :, None]
           * W1[None, :, None, :]).reshape(8 * D, 8 * H)
    w2b = (eye8[:, None, :, None]
           * W2p[None, :, None, :]).reshape(8 * H, 8 * H)
    b1p = jnp.tile(b1, 8).reshape(1, 8 * H)
    b2p = jnp.tile(jnp.pad(b2, (0, H - A)), 8).reshape(1, 8 * H)

    h1p = _tc_matmul1_call(x.reshape(Nq, 8 * D), w1b)
    degp = _sc_degree(ei, ones, zeros).reshape(2 * NPq, 8 * H)
    g1p, dinvp = _tc_first_call(h1p, degp)
    s1p = _sc_aggregate(ei, g1p.reshape(NP, H),
                        zeros).reshape(2 * NPq, 8 * H)
    g2p = _tc_mid_call(s1p, g1p, dinvp, b1p, w2b)
    s2p = _sc_aggregate(ei, g2p.reshape(NP, H),
                        zeros).reshape(2 * NPq, 8 * H)
    outp = _tc_last_call(s2p, g2p, dinvp, b2p)
    return outp[0:Nq].reshape(Nq, 8, H)[:, :, 0:A].reshape(N, A)

# --- scband reference (transcript-rebuilt; emitter-appended) ---
"""Pipeline reference for scband-gcn-72739566125755 (READ-ONLY COPY).

The authoritative reference and input builder live on the scoring server;
editing this copy changes nothing except your own understanding.
"""

import jax, jax.numpy as jnp
import numpy as np

N = 10000
E = 320000
D = 128
H = 16
A = 8


def setup_inputs(seed: int = 0) -> dict:
    key = jax.random.key(seed)
    k1, k2, k3, k4, k5, k6 = jax.random.split(key, 6)
    x = jax.random.normal(k1, (N, D), dtype=jnp.float32)
    edge_index = jax.random.randint(k2, (2, E), 0, N, dtype=jnp.int32)
    W1 = jax.random.normal(k3, (D, H), dtype=jnp.float32) * (1.0 / np.sqrt(D))
    b1 = jnp.zeros((H,), dtype=jnp.float32)
    W2 = jax.random.normal(k4, (H, A), dtype=jnp.float32) * (1.0 / np.sqrt(H))
    b2 = jnp.zeros((A,), dtype=jnp.float32)
    return {"x": x, "edge_index": edge_index, "W1": W1, "b1": b1, "W2": W2, "b2": b2}


def _gcn_conv(x, edge_index, W, b):
    # PyG GCNConv: add self-loops, symmetric normalization D^-1/2 (A+I) D^-1/2 X W + b
    src = edge_index[0]
    dst = edge_index[1]
    loop = jnp.arange(N, dtype=src.dtype)
    src = jnp.concatenate([src, loop])
    dst = jnp.concatenate([dst, loop])
    h = x @ W
    deg = jax.ops.segment_sum(jnp.ones_like(dst, dtype=h.dtype), dst, num_segments=N)
    deg_inv_sqrt = jnp.where(deg > 0, jax.lax.rsqrt(deg), 0.0)
    norm = deg_inv_sqrt[src] * deg_inv_sqrt[dst]
    msg = h[src] * norm[:, None]
    out = jax.ops.segment_sum(msg, dst, num_segments=N)
    return out + b


def reference(x, edge_index, W1, b1, W2, b2):
    h = jax.nn.relu(_gcn_conv(x, edge_index, W1, b1))
    out = _gcn_conv(h, edge_index, W2, b2)
    return out

if __name__ == "__main__":
    import jax
    _d = setup_inputs()
    print(jax.jit(kernel)(*tuple(_d.values())))

</pallas_src>

<mosaic_0001>
#map = affine_map<(d0, d1) -> (0, 0, 0)>
#map1 = affine_map<(d0, d1) -> (0, 0)>
module attributes {stable_mosaic.version = 14 : i64} {
  func.func @_sc_degree(%arg0: i32, %arg1: i32, %arg2: memref<2x2568x128xi32, #tpu.memory_space<hbm>>, %arg3: memref<128x16xf32, #tpu.memory_space<hbm>>, %arg4: memref<10112x16xf32, #tpu.memory_space<hbm>>, %arg5: memref<20224x16xf32, #tpu.memory_space<hbm>>, %arg6: memref<2x8x128xi32, #tpu.memory_space<vmem>>, %arg7: memref<128x16xf32, #tpu.memory_space<vmem>>, %arg8: memref<10112x16xf32, #tpu.memory_space<vmem_shared>>, %arg9: memref<!tpu.dma_semaphore, #tpu.memory_space<semaphore_mem>>, %arg10: memref<!tpu.dma_semaphore, #tpu.memory_space<semaphore_mem>>, %arg11: memref<!tpu.dma_semaphore, #tpu.memory_space<semaphore_mem>>) attributes {dimension_semantics = [#tpu.dimension_semantics<core_parallel>, #tpu.dimension_semantics<subcore_parallel>], iteration_bounds = array<i64: 2, 16>, scalar_prefetch = 0 : i64, scratch_operands = 6 : i64, tpu.core_type = #tpu.core_type<sc_vector_subcore>, window_params = [{transform_indices = #map}, {transform_indices = #map1}, {transform_indices = #map1}, {transform_indices = #map1}]} {
    %mul3A = arith.constant 2 : i32
    %mul3A_0 = arith.muli %arg1, %mul3A : i32
    %add3A = arith.addi %mul3A_0, %arg0 : i32
    %mul3A_1 = arith.constant 632 : i32
    %mul3A_2 = arith.muli %arg1, %mul3A_1 : i32
    "tpu.region"() ({
      %run_scoped3A = tpu.sem_alloc : memref<!tpu.dma_semaphore, #tpu.memory_space<semaphore_mem>>
      %dma_start3A_46 = arith.constant 0 : i32
      %dma_start3A_47 = tpu.memref_slice %arg8[%mul3A_2, %dma_start3A_46] : memref<10112x16xf32, #tpu.memory_space<vmem_shared>> -> memref<632x16xf32, #tpu.memory_space<vmem_shared>>
      %dma_start3A_48 = arith.constant 0 : i32
      %dma_start3A_49 = tpu.memref_slice %arg4[%mul3A_2, %dma_start3A_48] : memref<10112x16xf32, #tpu.memory_space<hbm>> -> memref<632x16xf32, #tpu.memory_space<hbm>>
      tpu.enqueue_dma source(%dma_start3A_49 : memref<632x16xf32, #tpu.memory_space<hbm>>) target(%dma_start3A_47 : memref<632x16xf32, #tpu.memory_space<vmem_shared>>) target_semaphore(%run_scoped3A : memref<!tpu.dma_semaphore, #tpu.memory_space<semaphore_mem>>)
      %dma_wait3A_50 = arith.constant 0 : i32
      %dma_wait3A_51 = tpu.memref_slice %arg8[%mul3A_2, %dma_wait3A_50] : memref<10112x16xf32, #tpu.memory_space<vmem_shared>> -> memref<632x16xf32, #tpu.memory_space<vmem_shared>>
      %dma_wait3A_52 = arith.constant 0 : i32
      %dma_wait3A_53 = tpu.memref_slice %arg4[%mul3A_2, %dma_wait3A_52] : memref<10112x16xf32, #tpu.memory_space<hbm>> -> memref<632x16xf32, #tpu.memory_space<hbm>>
      tpu.wait_dma2 semaphore(%run_scoped3A : memref<!tpu.dma_semaphore, #tpu.memory_space<semaphore_mem>>) src(%dma_wait3A_53 : memref<632x16xf32, #tpu.memory_space<hbm>>) dst(%dma_wait3A_51 : memref<632x16xf32, #tpu.memory_space<vmem_shared>>)
      tpu.yield
    }) : () -> ()
    "tpu.region"() ({
      %run_scoped3A = tpu.sem_alloc : memref<!tpu.dma_semaphore, #tpu.memory_space<semaphore_mem>>
      tpu.enqueue_dma source(%arg3 : memref<128x16xf32, #tpu.memory_space<hbm>>) target(%arg7 : memref<128x16xf32, #tpu.memory_space<vmem>>) target_semaphore(%run_scoped3A : memref<!tpu.dma_semaphore, #tpu.memory_space<semaphore_mem>>)
      tpu.wait_dma2 semaphore(%run_scoped3A : memref<!tpu.dma_semaphore, #tpu.memory_space<semaphore_mem>>) src(%arg3 : memref<128x16xf32, #tpu.memory_space<hbm>>) dst(%arg7 : memref<128x16xf32, #tpu.memory_space<vmem>>)
      tpu.yield
    }) : () -> ()
    %barrier3A = arith.constant 0 : index
    tpu.barrier barrier_id(%barrier3A)
    %mul3A_3 = arith.constant 80 : i32
    %mul3A_4 = arith.muli %add3A, %mul3A_3 : i32
    %dma_start3A = arith.constant 1 : i32
    %dma_start3A_5 = arith.constant 0 : i32
    %dma_start3A_6 = arith.constant 0 : i32
    %dma_start3A_7 = arith.constant 0 : i32
    %dma_start3A_8 = tpu.memref_slice %arg6[%dma_start3A_5, %dma_start3A_6, %dma_start3A_7] : memref<2x8x128xi32, #tpu.memory_space<vmem>> -> memref<1x8x128xi32, #tpu.memory_space<vmem>>
    %dma_start3A_9 = tpu.memref_squeeze %dma_start3A_8 : memref<1x8x128xi32, #tpu.memory_space<vmem>> -> memref<8x128xi32, #tpu.memory_space<vmem>>
    %dma_start3A_10 = arith.constant 0 : i32
    %dma_start3A_11 = tpu.memref_slice %arg2[%dma_start3A, %mul3A_4, %dma_start3A_10] : memref<2x2568x128xi32, #tpu.memory_space<hbm>> -> memref<1x8x128xi32, #tpu.memory_space<hbm>>
    %dma_start3A_12 = tpu.memref_squeeze %dma_start3A_11 : memref<1x8x128xi32, #tpu.memory_space<hbm>> -> memref<8x128xi32, #tpu.memory_space<hbm>>
    %dma_start3A_13 = arith.constant 0 : i32
    %dma_start3A_14 = arith.constant 0 : i32
    %dma_start3A_15 = tpu.memref_slice %arg6[%dma_start3A_5, %dma_start3A_13, %dma_start3A_14] : memref<2x8x128xi32, #tpu.memory_space<vmem>> -> memref<1x8x128xi32, #tpu.memory_space<vmem>>
    %dma_start3A_16 = tpu.memref_squeeze %dma_start3A_15 : memref<1x8x128xi32, #tpu.memory_space<vmem>> -> memref<8x128xi32, #tpu.memory_space<vmem>>
    %dma_start3A_17 = arith.constant 0 : i32
    %dma_start3A_18 = tpu.memref_slice %arg2[%dma_start3A, %mul3A_4, %dma_start3A_17] : memref<2x2568x128xi32, #tpu.memory_space<hbm>> -> memref<1x8x128xi32, #tpu.memory_space<hbm>>
    %dma_start3A_19 = tpu.memref_squeeze %dma_start3A_18 : memref<1x8x128xi32, #tpu.memory_space<hbm>> -> memref<8x128xi32, #tpu.memory_space<hbm>>
    tpu.enqueue_dma source(%dma_start3A_19 : memref<8x128xi32, #tpu.memory_space<hbm>>) target(%dma_start3A_16 : memref<8x128xi32, #tpu.memory_space<vmem>>) target_semaphore(%arg9 : memref<!tpu.dma_semaphore, #tpu.memory_space<semaphore_mem>>)
    %scan3A = arith.constant 0 : i32
    %scan3A_20 = arith.constant 0 : i32
    %scan3A_21 = arith.constant 5 : i32
    %scan3A_22 = arith.addi %scan3A_20, %scan3A_21 : i32
    %scan3A_23 = arith.constant 1 : i32
    scf.for %scan3A_46 = %scan3A_20 to %scan3A_22 step %scan3A_23  : i32 {
      %mul3A_47 = arith.constant 2 : i32
      %mul3A_48 = arith.muli %mul3A_47, %scan3A_46 : i32
      %mul3A_49 = arith.constant 8 : i32
      %mul3A_50 = arith.muli %mul3A_48, %mul3A_49 : i32
      %add3A_51 = arith.addi %mul3A_4, %mul3A_50 : i32
      %add3A_52 = arith.constant 8 : i32
      %add3A_53 = arith.addi %add3A_51, %add3A_52 : i32
      %dma_start3A_54 = arith.constant 1 : i32
      %dma_start3A_55 = arith.constant 1 : i32
      %dma_start3A_56 = arith.constant 0 : i32
      %dma_start3A_57 = arith.constant 0 : i32
      %dma_start3A_58 = tpu.memref_slice %arg6[%dma_start3A_55, %dma_start3A_56, %dma_start3A_57] : memref<2x8x128xi32, #tpu.memory_space<vmem>> -> memref<1x8x128xi32, #tpu.memory_space<vmem>>
      %dma_start3A_59 = tpu.memref_squeeze %dma_start3A_58 : memref<1x8x128xi32, #tpu.memory_space<vmem>> -> memref<8x128xi32, #tpu.memory_space<vmem>>
      %dma_start3A_60 = arith.constant 0 : i32
      %dma_start3A_61 = tpu.memref_slice %arg2[%dma_start3A_54, %add3A_53, %dma_start3A_60] : memref<2x2568x128xi32, #tpu.memory_space<hbm>> -> memref<1x8x128xi32, #tpu.memory_space<hbm>>
      %dma_start3A_62 = tpu.memref_squeeze %dma_start3A_61 : memref<1x8x128xi32, #tpu.memory_space<hbm>> -> memref<8x128xi32, #tpu.memory_space<hbm>>
      %dma_start3A_63 = arith.constant 0 : i32
      %dma_start3A_64 = arith.constant 0 : i32
      %dma_start3A_65 = tpu.memref_slice %arg6[%dma_start3A_55, %dma_start3A_63, %dma_start3A_64] : memref<2x8x128xi32, #tpu.memory_space<vmem>> -> memref<1x8x128xi32, #tpu.memory_space<vmem>>
      %dma_start3A_66 = tpu.memref_squeeze %dma_start3A_65 : memref<1x8x128xi32, #tpu.memory_space<vmem>> -> memref<8x128xi32, #tpu.memory_space<vmem>>
      %dma_start3A_67 = arith.constant 0 : i32
      %dma_start3A_68 = tpu.memref_slice %arg2[%dma_start3A_54, %add3A_53, %dma_start3A_67] : memref<2x2568x128xi32, #tpu.memory_space<hbm>> -> memref<1x8x128xi32, #tpu.memory_space<hbm>>
      %dma_start3A_69 = tpu.memref_squeeze %dma_start3A_68 : memref<1x8x128xi32, #tpu.memory_space<hbm>> -> memref<8x128xi32, #tpu.memory_space<hbm>>
      tpu.enqueue_dma source(%dma_start3A_69 : memref<8x128xi32, #tpu.memory_space<hbm>>) target(%dma_start3A_66 : memref<8x128xi32, #tpu.memory_space<vmem>>) target_semaphore(%arg10 : memref<!tpu.dma_semaphore, #tpu.memory_space<semaphore_mem>>)
      %dma_wait3A_70 = arith.constant 1 : i32
      %dma_wait3A_71 = arith.constant 0 : i32
      %dma_wait3A_72 = arith.constant 0 : i32
      %dma_wait3A_73 = arith.constant 0 : i32
      %dma_wait3A_74 = tpu.memref_slice %arg6[%dma_wait3A_71, %dma_wait3A_72, %dma_wait3A_73] : memref<2x8x128xi32, #tpu.memory_space<vmem>> -> memref<1x8x128xi32, #tpu.memory_space<vmem>>
      %dma_wait3A_75 = tpu.memref_squeeze %dma_wait3A_74 : memref<1x8x128xi32, #tpu.memory_space<vmem>> -> memref<8x128xi32, #tpu.memory_space<vmem>>
      %dma_wait3A_76 = arith.constant 0 : i32
      %dma_wait3A_77 = tpu.memref_slice %arg2[%dma_wait3A_70, %add3A_51, %dma_wait3A_76] : memref<2x2568x128xi32, #tpu.memory_space<hbm>> -> memref<1x8x128xi32, #tpu.memory_space<hbm>>
      %dma_wait3A_78 = tpu.memref_squeeze %dma_wait3A_77 : memref<1x8x128xi32, #tpu.memory_space<hbm>> -> memref<8x128xi32, #tpu.memory_space<hbm>>
      %dma_wait3A_79 = arith.constant 0 : i32
      %dma_wait3A_80 = arith.constant 0 : i32
      %dma_wait3A_81 = tpu.memref_slice %arg6[%dma_wait3A_71, %dma_wait3A_79, %dma_wait3A_80] : memref<2x8x128xi32, #tpu.memory_space<vmem>> -> memref<1x8x128xi32, #tpu.memory_space<vmem>>
      %dma_wait3A_82 = tpu.memref_squeeze %dma_wait3A_81 : memref<1x8x128xi32, #tpu.memory_space<vmem>> -> memref<8x128xi32, #tpu.memory_space<vmem>>
      %dma_wait3A_83 = arith.constant 0 : i32
      %dma_wait3A_84 = tpu.memref_slice %arg2[%dma_wait3A_70, %add3A_51, %dma_wait3A_83] : memref<2x2568x128xi32, #tpu.memory_space<hbm>> -> memref<1x8x128xi32, #tpu.memory_space<hbm>>
      %dma_wait3A_85 = tpu.memref_squeeze %dma_wait3A_84 : memref<1x8x128xi32, #tpu.memory_space<hbm>> -> memref<8x128xi32, #tpu.memory_space<hbm>>
      tpu.wait_dma2 semaphore(%arg9 : memref<!tpu.dma_semaphore, #tpu.memory_space<semaphore_mem>>) src(%dma_wait3A_85 : memref<8x128xi32, #tpu.memory_space<hbm>>) dst(%dma_wait3A_82 : memref<8x128xi32, #tpu.memory_space<vmem>>)
      %dma_start3A_86 = arith.constant 0 : i32
      %dma_start3A_87 = arith.constant 0 : i32
      %dma_start3A_88 = arith.constant 0 : i32
      %dma_start3A_89 = tpu.memref_slice %arg6[%dma_start3A_86, %dma_start3A_87, %dma_start3A_88] : memref<2x8x128xi32, #tpu.memory_space<vmem>> -> memref<1x1x128xi32, #tpu.memory_space<vmem>>
      %dma_start3A_90 = tpu.memref_squeeze %dma_start3A_89 : memref<1x1x128xi32, #tpu.memory_space<vmem>> -> memref<128xi32, #tpu.memory_space<vmem>>
      %dma_start3A_91 = arith.constant 0 : i32
      %dma_start3A_92 = arith.constant 0 : i32
      %dma_start3A_93 = tpu.memref_slice %arg8[%dma_start3A_91, %dma_start3A_92] : memref<10112x16xf32, #tpu.memory_space<vmem_shared>> -> memref<10112x16xf32, #tpu.memory_space<vmem_shared>>
      tpu.enqueue_indirect_dma source(%arg7 : memref<128x16xf32, #tpu.memory_space<vmem>>) target(%dma_start3A_93 : memref<10112x16xf32, #tpu.memory_space<vmem_shared>>) offsets(%dma_start3A_90 : memref<128xi32, #tpu.memory_space<vmem>>) semaphore(%arg11 : memref<!tpu.dma_semaphore, #tpu.memory_space<semaphore_mem>>) {add = true}
      %dma_start3A_94 = arith.constant 0 : i32
      %dma_start3A_95 = arith.constant 1 : i32
      %dma_start3A_96 = arith.constant 0 : i32
      %dma_start3A_97 = tpu.memref_slice %arg6[%dma_start3A_94, %dma_start3A_95, %dma_start3A_96] : memref<2x8x128xi32, #tpu.memory_space<vmem>> -> memref<1x1x128xi32, #tpu.memory_space<vmem>>
      %dma_start3A_98 = tpu.memref_squeeze %dma_start3A_97 : memref<1x1x128xi32, #tpu.memory_space<vmem>> -> memref<128xi32, #tpu.memory_space<vmem>>
      %dma_start3A_99 = arith.constant 0 : i32
      %dma_start3A_100 = arith.constant 0 : i32
      %dma_start3A_101 = tpu.memref_slice %arg8[%dma_start3A_99, %dma_start3A_100] : memref<10112x16xf32, #tpu.memory_space<vmem_shared>> -> memref<10112x16xf32, #tpu.memory_space<vmem_shared>>
      tpu.enqueue_indirect_dma source(%arg7 : memref<128x16xf32, #tpu.memory_space<vmem>>) target(%dma_start3A_101 : memref<10112x16xf32, #tpu.memory_space<vmem_shared>>) offsets(%dma_start3A_98 : memref<128xi32, #tpu.memory_space<vmem>>) semaphore(%arg11 : memref<!tpu.dma_semaphore, #tpu.memory_space<semaphore_mem>>) {add = true}
      %dma_start3A_102 = arith.constant 0 : i32
      %dma_start3A_103 = arith.constant 2 : i32
      %dma_start3A_104 = arith.constant 0 : i32
      %dma_start3A_105 = tpu.memref_slice %arg6[%dma_start3A_102, %dma_start3A_103, %dma_start3A_104] : memref<2x8x128xi32, #tpu.memory_space<vmem>> -> memref<1x1x128xi32, #tpu.memory_space<vmem>>
      %dma_start3A_106 = tpu.memref_squeeze %dma_start3A_105 : memref<1x1x128xi32, #tpu.memory_space<vmem>> -> memref<128xi32, #tpu.memory_space<vmem>>
      %dma_start3A_107 = arith.constant 0 : i32
      %dma_start3A_108 = arith.constant 0 : i32
      %dma_start3A_109 = tpu.memref_slice %arg8[%dma_start3A_107, %dma_start3A_108] : memref<10112x16xf32, #tpu.memory_space<vmem_shared>> -> memref<10112x16xf32, #tpu.memory_space<vmem_shared>>
      tpu.enqueue_indirect_dma source(%arg7 : memref<128x16xf32, #tpu.memory_space<vmem>>) target(%dma_start3A_109 : memref<10112x16xf32, #tpu.memory_space<vmem_shared>>) offsets(%dma_start3A_106 : memref<128xi32, #tpu.memory_space<vmem>>) semaphore(%arg11 : memref<!tpu.dma_semaphore, #tpu.memory_space<semaphore_mem>>) {add = true}
      %dma_start3A_110 = arith.constant 0 : i32
      %dma_start3A_111 = arith.constant 3 : i32
      %dma_start3A_112 = arith.constant 0 : i32
      %dma_start3A_113 = tpu.memref_slice %arg6[%dma_start3A_110, %dma_start3A_111, %dma_start3A_112] : memref<2x8x128xi32, #tpu.memory_space<vmem>> -> memref<1x1x128xi32, #tpu.memory_space<vmem>>
      %dma_start3A_114 = tpu.memref_squeeze %dma_start3A_113 : memref<1x1x128xi32, #tpu.memory_space<vmem>> -> memref<128xi32, #tpu.memory_space<vmem>>
      %dma_start3A_115 = arith.constant 0 : i32
      %dma_start3A_116 = arith.constant 0 : i32
      %dma_start3A_117 = tpu.memref_slice %arg8[%dma_start3A_115, %dma_start3A_116] : memref<10112x16xf32, #tpu.memory_space<vmem_shared>> -> memref<10112x16xf32, #tpu.memory_space<vmem_shared>>
      tpu.enqueue_indirect_dma source(%arg7 : memref<128x16xf32, #tpu.memory_space<vmem>>) target(%dma_start3A_117 : memref<10112x16xf32, #tpu.memory_space<vmem_shared>>) offsets(%dma_start3A_114 : memref<128xi32, #tpu.memory_space<vmem>>) semaphore(%arg11 : memref<!tpu.dma_semaphore, #tpu.memory_space<semaphore_mem>>) {add = true}
      %dma_start3A_118 = arith.constant 0 : i32
      %dma_start3A_119 = arith.constant 4 : i32
      %dma_start3A_120 = arith.constant 0 : i32
      %dma_start3A_121 = tpu.memref_slice %arg6[%dma_start3A_118, %dma_start3A_119, %dma_start3A_120] : memref<2x8x128xi32, #tpu.memory_space<vmem>> -> memref<1x1x128xi32, #tpu.memory_space<vmem>>
      %dma_start3A_122 = tpu.memref_squeeze %dma_start3A_121 : memref<1x1x128xi32, #tpu.memory_space<vmem>> -> memref<128xi32, #tpu.memory_space<vmem>>
      %dma_start3A_123 = arith.constant 0 : i32
      %dma_start3A_124 = arith.constant 0 : i32
      %dma_start3A_125 = tpu.memref_slice %arg8[%dma_start3A_123, %dma_start3A_124] : memref<10112x16xf32, #tpu.memory_space<vmem_shared>> -> memref<10112x16xf32, #tpu.memory_space<vmem_shared>>
      tpu.enqueue_indirect_dma source(%arg7 : memref<128x16xf32, #tpu.memory_space<vmem>>) target(%dma_start3A_125 : memref<10112x16xf32, #tpu.memory_space<vmem_shared>>) offsets(%dma_start3A_122 : memref<128xi32, #tpu.memory_space<vmem>>) semaphore(%arg11 : memref<!tpu.dma_semaphore, #tpu.memory_space<semaphore_mem>>) {add = true}
      %dma_start3A_126 = arith.constant 0 : i32
      %dma_start3A_127 = arith.constant 5 : i32
      %dma_start3A_128 = arith.constant 0 : i32
      %dma_start3A_129 = tpu.memref_slice %arg6[%dma_start3A_126, %dma_start3A_127, %dma_start3A_128] : memref<2x8x128xi32, #tpu.memory_space<vmem>> -> memref<1x1x128xi32, #tpu.memory_space<vmem>>
      %dma_start3A_130 = tpu.memref_squeeze %dma_start3A_129 : memref<1x1x128xi32, #tpu.memory_space<vmem>> -> memref<128xi32, #tpu.memory_space<vmem>>
      %dma_start3A_131 = arith.constant 0 : i32
      %dma_start3A_132 = arith.constant 0 : i32
      %dma_start3A_133 = tpu.memref_slice %arg8[%dma_start3A_131, %dma_start3A_132] : memref<10112x16xf32, #tpu.memory_space<vmem_shared>> -> memref<10112x16xf32, #tpu.memory_space<vmem_shared>>
      tpu.enqueue_indirect_dma source(%arg7 : memref<128x16xf32, #tpu.memory_space<vmem>>) target(%dma_start3A_133 : memref<10112x16xf32, #tpu.memory_space<vmem_shared>>) offsets(%dma_start3A_130 : memref<128xi32, #tpu.memory_space<vmem>>) semaphore(%arg11 : memref<!tpu.dma_semaphore, #tpu.memory_space<semaphore_mem>>) {add = true}
      %dma_start3A_134 = arith.constant 0 : i32
      %dma_start3A_135 = arith.constant 6 : i32
      %dma_start3A_136 = arith.constant 0 : i32
      %dma_start3A_137 = tpu.memref_slice %arg6[%dma_start3A_134, %dma_start3A_135, %dma_start3A_136] : memref<2x8x128xi32, #tpu.memory_space<vmem>> -> memref<1x1x128xi32, #tpu.memory_space<vmem>>
      %dma_start3A_138 = tpu.memref_squeeze %dma_start3A_137 : memref<1x1x128xi32, #tpu.memory_space<vmem>> -> memref<128xi32, #tpu.memory_space<vmem>>
      %dma_start3A_139 = arith.constant 0 : i32
      %dma_start3A_140 = arith.constant 0 : i32
      %dma_start3A_141 = tpu.memref_slice %arg8[%dma_start3A_139, %dma_start3A_140] : memref<10112x16xf32, #tpu.memory_space<vmem_shared>> -> memref<10112x16xf32, #tpu.memory_space<vmem_shared>>
      tpu.enqueue_indirect_dma source(%arg7 : memref<128x16xf32, #tpu.memory_space<vmem>>) target(%dma_start3A_141 : memref<10112x16xf32, #tpu.memory_space<vmem_shared>>) offsets(%dma_start3A_138 : memref<128xi32, #tpu.memory_space<vmem>>) semaphore(%arg11 : memref<!tpu.dma_semaphore, #tpu.memory_space<semaphore_mem>>) {add = true}
      %dma_start3A_142 = arith.constant 0 : i32
      %dma_start3A_143 = arith.constant 7 : i32
      %dma_start3A_144 = arith.constant 0 : i32
      %dma_start3A_145 = tpu.memref_slice %arg6[%dma_start3A_142, %dma_start3A_143, %dma_start3A_144] : memref<2x8x128xi32, #tpu.memory_space<vmem>> -> memref<1x1x128xi32, #tpu.memory_space<vmem>>
      %dma_start3A_146 = tpu.memref_squeeze %dma_start3A_145 : memref<1x1x128xi32, #tpu.memory_space<vmem>> -> memref<128xi32, #tpu.memory_space<vmem>>
      %dma_start3A_147 = arith.constant 0 : i32
      %dma_start3A_148 = arith.constant 0 : i32
      %dma_start3A_149 = tpu.memref_slice %arg8[%dma_start3A_147, %dma_start3A_148] : memref<10112x16xf32, #tpu.memory_space<vmem_shared>> -> memref<10112x16xf32, #tpu.memory_space<vmem_shared>>
      tpu.enqueue_indirect_dma source(%arg7 : memref<128x16xf32, #tpu.memory_space<vmem>>) target(%dma_start3A_149 : memref<10112x16xf32, #tpu.memory_space<vmem_shared>>) offsets(%dma_start3A_146 : memref<128xi32, #tpu.memory_space<vmem>>) semaphore(%arg11 : memref<!tpu.dma_semaphore, #tpu.memory_space<semaphore_mem>>) {add = true}
      %dma_wait3A_150 = arith.constant 1 : i32
      %dma_wait3A_151 = arith.constant 1 : i32
      %dma_wait3A_152 = arith.constant 0 : i32
      %dma_wait3A_153 = arith.constant 0 : i32
      %dma_wait3A_154 = tpu.memref_slice %arg6[%dma_wait3A_151, %dma_wait3A_152, %dma_wait3A_153] : memref<2x8x128xi32, #tpu.memory_space<vmem>> -> memref<1x8x128xi32, #tpu.memory_space<vmem>>
      %dma_wait3A_155 = tpu.memref_squeeze %dma_wait3A_154 : memref<1x8x128xi32, #tpu.memory_space<vmem>> -> memref<8x128xi32, #tpu.memory_space<vmem>>
      %dma_wait3A_156 = arith.constant 0 : i32
      %dma_wait3A_157 = tpu.memref_slice %arg2[%dma_wait3A_150, %add3A_53, %dma_wait3A_156] : memref<2x2568x128xi32, #tpu.memory_space<hbm>> -> memref<1x8x128xi32, #tpu.memory_space<hbm>>
      %dma_wait3A_158 = tpu.memref_squeeze %dma_wait3A_157 : memref<1x8x128xi32, #tpu.memory_space<hbm>> -> memref<8x128xi32, #tpu.memory_space<hbm>>
      %dma_wait3A_159 = arith.constant 0 : i32
      %dma_wait3A_160 = arith.constant 0 : i32
      %dma_wait3A_161 = tpu.memref_slice %arg6[%dma_wait3A_151, %dma_wait3A_159, %dma_wait3A_160] : memref<2x8x128xi32, #tpu.memory_space<vmem>> -> memref<1x8x128xi32, #tpu.memory_space<vmem>>
      %dma_wait3A_162 = tpu.memref_squeeze %dma_wait3A_161 : memref<1x8x128xi32, #tpu.memory_space<vmem>> -> memref<8x128xi32, #tpu.memory_space<vmem>>
      %dma_wait3A_163 = arith.constant 0 : i32
      %dma_wait3A_164 = tpu.memref_slice %arg2[%dma_wait3A_150, %add3A_53, %dma_wait3A_163] : memref<2x2568x128xi32, #tpu.memory_space<hbm>> -> memref<1x8x128xi32, #tpu.memory_space<hbm>>
      %dma_wait3A_165 = tpu.memref_squeeze %dma_wait3A_164 : memref<1x8x128xi32, #tpu.memory_space<hbm>> -> memref<8x128xi32, #tpu.memory_space<hbm>>
      tpu.wait_dma2 semaphore(%arg10 : memref<!tpu.dma_semaphore, #tpu.memory_space<semaphore_mem>>) src(%dma_wait3A_165 : memref<8x128xi32, #tpu.memory_space<hbm>>) dst(%dma_wait3A_162 : memref<8x128xi32, #tpu.memory_space<vmem>>)
      %dma_start3A_166 = arith.constant 1 : i32
      %dma_start3A_167 = arith.constant 0 : i32
      %dma_start3A_168 = arith.constant 0 : i32
      %dma_start3A_169 = tpu.memref_slice %arg6[%dma_start3A_166, %dma_start3A_167, %dma_start3A_168] : memref<2x8x128xi32, #tpu.memory_space<vmem>> -> memref<1x1x128xi32, #tpu.memory_space<vmem>>
      %dma_start3A_170 = tpu.memref_squeeze %dma_start3A_169 : memref<1x1x128xi32, #tpu.memory_space<vmem>> -> memref<128xi32, #tpu.memory_space<vmem>>
      %dma_start3A_171 = arith.constant 0 : i32
      %dma_start3A_172 = arith.constant 0 : i32
      %dma_start3A_173 = tpu.memref_slice %arg8[%dma_start3A_171, %dma_start3A_172] : memref<10112x16xf32, #tpu.memory_space<vmem_shared>> -> memref<10112x16xf32, #tpu.memory_space<vmem_shared>>
      tpu.enqueue_indirect_dma source(%arg7 : memref<128x16xf32, #tpu.memory_space<vmem>>) target(%dma_start3A_173 : memref<10112x16xf32, #tpu.memory_space<vmem_shared>>) offsets(%dma_start3A_170 : memref<128xi32, #tpu.memory_space<vmem>>) semaphore(%arg11 : memref<!tpu.dma_semaphore, #tpu.memory_space<semaphore_mem>>) {add = true}
      %dma_start3A_174 = arith.constant 1 : i32
      %dma_start3A_175 = arith.constant 1 : i32
      %dma_start3A_176 = arith.constant 0 : i32
      %dma_start3A_177 = tpu.memref_slice %arg6[%dma_start3A_174, %dma_start3A_175, %dma_start3A_176] : memref<2x8x128xi32, #tpu.memory_space<vmem>> -> memref<1x1x128xi32, #tpu.memory_space<vmem>>
      %dma_start3A_178 = tpu.memref_squeeze %dma_start3A_177 : memref<1x1x128xi32, #tpu.memory_space<vmem>> -> memref<128xi32, #tpu.memory_space<vmem>>
      %dma_start3A_179 = arith.constant 0 : i32
      %dma_start3A_180 = arith.constant 0 : i32
      %dma_start3A_181 = tpu.memref_slice %arg8[%dma_start3A_179, %dma_start3A_180] : memref<10112x16xf32, #tpu.memory_space<vmem_shared>> -> memref<10112x16xf32, #tpu.memory_space<vmem_shared>>
      tpu.enqueue_indirect_dma source(%arg7 : memref<128x16xf32, #tpu.memory_space<vmem>>) target(%dma_start3A_181 : memref<10112x16xf32, #tpu.memory_space<vmem_shared>>) offsets(%dma_start3A_178 : memref<128xi32, #tpu.memory_space<vmem>>) semaphore(%arg11 : memref<!tpu.dma_semaphore, #tpu.memory_space<semaphore_mem>>) {add = true}
      %dma_start3A_182 = arith.constant 1 : i32
      %dma_start3A_183 = arith.constant 2 : i32
      %dma_start3A_184 = arith.constant 0 : i32
      %dma_start3A_185 = tpu.memref_slice %arg6[%dma_start3A_182, %dma_start3A_183, %dma_start3A_184] : memref<2x8x128xi32, #tpu.memory_space<vmem>> -> memref<1x1x128xi32, #tpu.memory_space<vmem>>
      %dma_start3A_186 = tpu.memref_squeeze %dma_start3A_185 : memref<1x1x128xi32, #tpu.memory_space<vmem>> -> memref<128xi32, #tpu.memory_space<vmem>>
      %dma_start3A_187 = arith.constant 0 : i32
      %dma_start3A_188 = arith.constant 0 : i32
      %dma_start3A_189 = tpu.memref_slice %arg8[%dma_start3A_187, %dma_start3A_188] : memref<10112x16xf32, #tpu.memory_space<vmem_shared>> -> memref<10112x16xf32, #tpu.memory_space<vmem_shared>>
      tpu.enqueue_indirect_dma source(%arg7 : memref<128x16xf32, #tpu.memory_space<vmem>>) target(%dma_start3A_189 : memref<10112x16xf32, #tpu.memory_space<vmem_shared>>) offsets(%dma_start3A_186 : memref<128xi32, #tpu.memory_space<vmem>>) semaphore(%arg11 : memref<!tpu.dma_semaphore, #tpu.memory_space<semaphore_mem>>) {add = true}
      %dma_start3A_190 = arith.constant 1 : i32
      %dma_start3A_191 = arith.constant 3 : i32
      %dma_start3A_192 = arith.constant 0 : i32
      %dma_start3A_193 = tpu.memref_slice %arg6[%dma_start3A_190, %dma_start3A_191, %dma_start3A_192] : memref<2x8x128xi32, #tpu.memory_space<vmem>> -> memref<1x1x128xi32, #tpu.memory_space<vmem>>
      %dma_start3A_194 = tpu.memref_squeeze %dma_start3A_193 : memref<1x1x128xi32, #tpu.memory_space<vmem>> -> memref<128xi32, #tpu.memory_space<vmem>>
      %dma_start3A_195 = arith.constant 0 : i32
      %dma_start3A_196 = arith.constant 0 : i32
      %dma_start3A_197 = tpu.memref_slice %arg8[%dma_start3A_195, %dma_start3A_196] : memref<10112x16xf32, #tpu.memory_space<vmem_shared>> -> memref<10112x16xf32, #tpu.memory_space<vmem_shared>>
      tpu.enqueue_indirect_dma source(%arg7 : memref<128x16xf32, #tpu.memory_space<vmem>>) target(%dma_start3A_197 : memref<10112x16xf32, #tpu.memory_space<vmem_shared>>) offsets(%dma_start3A_194 : memref<128xi32, #tpu.memory_space<vmem>>) semaphore(%arg11 : memref<!tpu.dma_semaphore, #tpu.memory_space<semaphore_mem>>) {add = true}
      %dma_start3A_198 = arith.constant 1 : i32
      %dma_start3A_199 = arith.constant 4 : i32
      %dma_start3A_200 = arith.constant 0 : i32
      %dma_start3A_201 = tpu.memref_slice %arg6[%dma_start3A_198, %dma_start3A_199, %dma_start3A_200] : memref<2x8x128xi32, #tpu.memory_space<vmem>> -> memref<1x1x128xi32, #tpu.memory_space<vmem>>
      %dma_start3A_202 = tpu.memref_squeeze %dma_start3A_201 : memref<1x1x128xi32, #tpu.memory_space<vmem>> -> memref<128xi32, #tpu.memory_space<vmem>>
      %dma_start3A_203 = arith.constant 0 : i32
      %dma_start3A_204 = arith.constant 0 : i32
      %dma_start3A_205 = tpu.memref_slice %arg8[%dma_start3A_203, %dma_start3A_204] : memref<10112x16xf32, #tpu.memory_space<vmem_shared>> -> memref<10112x16xf32, #tpu.memory_space<vmem_shared>>
      tpu.enqueue_indirect_dma source(%arg7 : memref<128x16xf32, #tpu.memory_space<vmem>>) target(%dma_start3A_205 : memref<10112x16xf32, #tpu.memory_space<vmem_shared>>) offsets(%dma_start3A_202 : memref<128xi32, #tpu.memory_space<vmem>>) semaphore(%arg11 : memref<!tpu.dma_semaphore, #tpu.memory_space<semaphore_mem>>) {add = true}
      %dma_start3A_206 = arith.constant 1 : i32
      %dma_start3A_207 = arith.constant 5 : i32
      %dma_start3A_208 = arith.constant 0 : i32
      %dma_start3A_209 = tpu.memref_slice %arg6[%dma_start3A_206, %dma_start3A_207, %dma_start3A_208] : memref<2x8x128xi32, #tpu.memory_space<vmem>> -> memref<1x1x128xi32, #tpu.memory_space<vmem>>
      %dma_start3A_210 = tpu.memref_squeeze %dma_start3A_209 : memref<1x1x128xi32, #tpu.memory_space<vmem>> -> memref<128xi32, #tpu.memory_space<vmem>>
      %dma_start3A_211 = arith.constant 0 : i32
      %dma_start3A_212 = arith.constant 0 : i32
      %dma_start3A_213 = tpu.memref_slice %arg8[%dma_start3A_211, %dma_start3A_212] : memref<10112x16xf32, #tpu.memory_space<vmem_shared>> -> memref<10112x16xf32, #tpu.memory_space<vmem_shared>>
      tpu.enqueue_indirect_dma source(%arg7 : memref<128x16xf32, #tpu.memory_space<vmem>>) target(%dma_start3A_213 : memref<10112x16xf32, #tpu.memory_space<vmem_shared>>) offsets(%dma_start3A_210 : memref<128xi32, #tpu.memory_space<vmem>>) semaphore(%arg11 : memref<!tpu.dma_semaphore, #tpu.memory_space<semaphore_mem>>) {add = true}
      %dma_start3A_214 = arith.constant 1 : i32
      %dma_start3A_215 = arith.constant 6 : i32
      %dma_start3A_216 = arith.constant 0 : i32
      %dma_start3A_217 = tpu.memref_slice %arg6[%dma_start3A_214, %dma_start3A_215, %dma_start3A_216] : memref<2x8x128xi32, #tpu.memory_space<vmem>> -> memref<1x1x128xi32, #tpu.memory_space<vmem>>
      %dma_start3A_218 = tpu.memref_squeeze %dma_start3A_217 : memref<1x1x128xi32, #tpu.memory_space<vmem>> -> memref<128xi32, #tpu.memory_space<vmem>>
      %dma_start3A_219 = arith.constant 0 : i32
      %dma_start3A_220 = arith.constant 0 : i32
      %dma_start3A_221 = tpu.memref_slice %arg8[%dma_start3A_219, %dma_start3A_220] : memref<10112x16xf32, #tpu.memory_space<vmem_shared>> -> memref<10112x16xf32, #tpu.memory_space<vmem_shared>>
      tpu.enqueue_indirect_dma source(%arg7 : memref<128x16xf32, #tpu.memory_space<vmem>>) target(%dma_start3A_221 : memref<10112x16xf32, #tpu.memory_space<vmem_shared>>) offsets(%dma_start3A_218 : memref<128xi32, #tpu.memory_space<vmem>>) semaphore(%arg11 : memref<!tpu.dma_semaphore, #tpu.memory_space<semaphore_mem>>) {add = true}
      %dma_start3A_222 = arith.constant 1 : i32
      %dma_start3A_223 = arith.constant 7 : i32
      %dma_start3A_224 = arith.constant 0 : i32
      %dma_start3A_225 = tpu.memref_slice %arg6[%dma_start3A_222, %dma_start3A_223, %dma_start3A_224] : memref<2x8x128xi32, #tpu.memory_space<vmem>> -> memref<1x1x128xi32, #tpu.memory_space<vmem>>
      %dma_start3A_226 = tpu.memref_squeeze %dma_start3A_225 : memref<1x1x128xi32, #tpu.memory_space<vmem>> -> memref<128xi32, #tpu.memory_space<vmem>>
      %dma_start3A_227 = arith.constant 0 : i32
      %dma_start3A_228 = arith.constant 0 : i32
      %dma_start3A_229 = tpu.memref_slice %arg8[%dma_start3A_227, %dma_start3A_228] : memref<10112x16xf32, #tpu.memory_space<vmem_shared>> -> memref<10112x16xf32, #tpu.memory_space<vmem_shared>>
      tpu.enqueue_indirect_dma source(%arg7 : memref<128x16xf32, #tpu.memory_space<vmem>>) target(%dma_start3A_229 : memref<10112x16xf32, #tpu.memory_space<vmem_shared>>) offsets(%dma_start3A_226 : memref<128xi32, #tpu.memory_space<vmem>>) semaphore(%arg11 : memref<!tpu.dma_semaphore, #tpu.memory_space<semaphore_mem>>) {add = true}
      %dma_wait3A_230 = arith.constant 0 : i32
      %dma_wait3A_231 = arith.constant 0 : i32
      %dma_wait3A_232 = arith.constant 0 : i32
      %dma_wait3A_233 = tpu.memref_slice %arg6[%dma_wait3A_230, %dma_wait3A_231, %dma_wait3A_232] : memref<2x8x128xi32, #tpu.memory_space<vmem>> -> memref<1x1x128xi32, #tpu.memory_space<vmem>>
      %dma_wait3A_234 = tpu.memref_squeeze %dma_wait3A_233 : memref<1x1x128xi32, #tpu.memory_space<vmem>> -> memref<128xi32, #tpu.memory_space<vmem>>
      %dma_wait3A_235 = arith.constant 0 : i32
      %dma_wait3A_236 = arith.constant 0 : i32
      %dma_wait3A_237 = tpu.memref_slice %arg8[%dma_wait3A_235, %dma_wait3A_236] : memref<10112x16xf32, #tpu.memory_space<vmem_shared>> -> memref<10112x16xf32, #tpu.memory_space<vmem_shared>>
      tpu.wait_indirect_dma semaphore(%arg11 : memref<!tpu.dma_semaphore, #tpu.memory_space<semaphore_mem>>) src(%arg7 : memref<128x16xf32, #tpu.memory_space<vmem>>) dst(%dma_wait3A_237 : memref<10112x16xf32, #tpu.memory_space<vmem_shared>>)
      %dma_wait3A_238 = arith.constant 0 : i32
      %dma_wait3A_239 = arith.constant 1 : i32
      %dma_wait3A_240 = arith.constant 0 : i32
      %dma_wait3A_241 = tpu.memref_slice %arg6[%dma_wait3A_238, %dma_wait3A_239, %dma_wait3A_240] : memref<2x8x128xi32, #tpu.memory_space<vmem>> -> memref<1x1x128xi32, #tpu.memory_space<vmem>>
      %dma_wait3A_242 = tpu.memref_squeeze %dma_wait3A_241 : memref<1x1x128xi32, #tpu.memory_space<vmem>> -> memref<128xi32, #tpu.memory_space<vmem>>
      %dma_wait3A_243 = arith.constant 0 : i32
      %dma_wait3A_244 = arith.constant 0 : i32
      %dma_wait3A_245 = tpu.memref_slice %arg8[%dma_wait3A_243, %dma_wait3A_244] : memref<10112x16xf32, #tpu.memory_space<vmem_shared>> -> memref<10112x16xf32, #tpu.memory_space<vmem_shared>>
      tpu.wait_indirect_dma semaphore(%arg11 : memref<!tpu.dma_semaphore, #tpu.memory_space<semaphore_mem>>) src(%arg7 : memref<128x16xf32, #tpu.memory_space<vmem>>) dst(%dma_wait3A_245 : memref<10112x16xf32, #tpu.memory_space<vmem_shared>>)
      %dma_wait3A_246 = arith.constant 0 : i32
      %dma_wait3A_247 = arith.constant 2 : i32
      %dma_wait3A_248 = arith.constant 0 : i32
      %dma_wait3A_249 = tpu.memref_slice %arg6[%dma_wait3A_246, %dma_wait3A_247, %dma_wait3A_248] : memref<2x8x128xi32, #tpu.memory_space<vmem>> -> memref<1x1x128xi32, #tpu.memory_space<vmem>>
      %dma_wait3A_250 = tpu.memref_squeeze %dma_wait3A_249 : memref<1x1x128xi32, #tpu.memory_space<vmem>> -> memref<128xi32, #tpu.memory_space<vmem>>
      %dma_wait3A_251 = arith.constant 0 : i32
      %dma_wait3A_252 = arith.constant 0 : i32
      %dma_wait3A_253 = tpu.memref_slice %arg8[%dma_wait3A_251, %dma_wait3A_252] : memref<10112x16xf32, #tpu.memory_space<vmem_shared>> -> memref<10112x16xf32, #tpu.memory_space<vmem_shared>>
      tpu.wait_indirect_dma semaphore(%arg11 : memref<!tpu.dma_semaphore, #tpu.memory_space<semaphore_mem>>) src(%arg7 : memref<128x16xf32, #tpu.memory_space<vmem>>) dst(%dma_wait3A_253 : memref<10112x16xf32, #tpu.memory_space<vmem_shared>>)
      %dma_wait3A_254 = arith.constant 0 : i32
      %dma_wait3A_255 = arith.constant 3 : i32
      %dma_wait3A_256 = arith.constant 0 : i32
      %dma_wait3A_257 = tpu.memref_slice %arg6[%dma_wait3A_254, %dma_wait3A_255, %dma_wait3A_256] : memref<2x8x128xi32, #tpu.memory_space<vmem>> -> memref<1x1x128xi32, #tpu.memory_space<vmem>>
      %dma_wait3A_258 = tpu.memref_squeeze %dma_wait3A_257 : memref<1x1x128xi32, #tpu.memory_space<vmem>> -> memref<128xi32, #tpu.memory_space<vmem>>
      %dma_wait3A_259 = arith.constant 0 : i32
      %dma_wait3A_260 = arith.constant 0 : i32
      %dma_wait3A_261 = tpu.memref_slice %arg8[%dma_wait3A_259, %dma_wait3A_260] : memref<10112x16xf32, #tpu.memory_space<vmem_shared>> -> memref<10112x16xf32, #tpu.memory_space<vmem_shared>>
      tpu.wait_indirect_dma semaphore(%arg11 : memref<!tpu.dma_semaphore, #tpu.memory_space<semaphore_mem>>) src(%arg7 : memref<128x16xf32, #tpu.memory_space<vmem>>) dst(%dma_wait3A_261 : memref<10112x16xf32, #tpu.memory_space<vmem_shared>>)
      %dma_wait3A_262 = arith.constant 0 : i32
      %dma_wait3A_263 = arith.constant 4 : i32
      %dma_wait3A_264 = arith.constant 0 : i32
      %dma_wait3A_265 = tpu.memref_slice %arg6[%dma_wait3A_262, %dma_wait3A_263, %dma_wait3A_264] : memref<2x8x128xi32, #tpu.memory_space<vmem>> -> memref<1x1x128xi32, #tpu.memory_space<vmem>>
      %dma_wait3A_266 = tpu.memref_squeeze %dma_wait3A_265 : memref<1x1x128xi32, #tpu.memory_space<vmem>> -> memref<128xi32, #tpu.memory_space<vmem>>
      %dma_wait3A_267 = arith.constant 0 : i32
      %dma_wait3A_268 = arith.constant 0 : i32
      %dma_wait3A_269 = tpu.memref_slice %arg8[%dma_wait3A_267, %dma_wait3A_268] : memref<10112x16xf32, #tpu.memory_space<vmem_shared>> -> memref<10112x16xf32, #tpu.memory_space<vmem_shared>>
      tpu.wait_indirect_dma semaphore(%arg11 : memref<!tpu.dma_semaphore, #tpu.memory_space<semaphore_mem>>) src(%arg7 : memref<128x16xf32, #tpu.memory_space<vmem>>) dst(%dma_wait3A_269 : memref<10112x16xf32, #tpu.memory_space<vmem_shared>>)
      %dma_wait3A_270 = arith.constant 0 : i32
      %dma_wait3A_271 = arith.constant 5 : i32
      %dma_wait3A_272 = arith.constant 0 : i32
      %dma_wait3A_273 = tpu.memref_slice %arg6[%dma_wait3A_270, %dma_wait3A_271, %dma_wait3A_272] : memref<2x8x128xi32, #tpu.memory_space<vmem>> -> memref<1x1x128xi32, #tpu.memory_space<vmem>>
      %dma_wait3A_274 = tpu.memref_squeeze %dma_wait3A_273 : memref<1x1x128xi32, #tpu.memory_space<vmem>> -> memref<128xi32, #tpu.memory_space<vmem>>
      %dma_wait3A_275 = arith.constant 0 : i32
      %dma_wait3A_276 = arith.constant 0 : i32
      %dma_wait3A_277 = tpu.memref_slice %arg8[%dma_wait3A_275, %dma_wait3A_276] : memref<10112x16xf32, #tpu.memory_space<vmem_shared>> -> memref<10112x16xf32, #tpu.memory_space<vmem_shared>>
      tpu.wait_indirect_dma semaphore(%arg11 : memref<!tpu.dma_semaphore, #tpu.memory_space<semaphore_mem>>) src(%arg7 : memref<128x16xf32, #tpu.memory_space<vmem>>) dst(%dma_wait3A_277 : memref<10112x16xf32, #tpu.memory_space<vmem_shared>>)
      %dma_wait3A_278 = arith.constant 0 : i32
      %dma_wait3A_279 = arith.constant 6 : i32
      %dma_wait3A_280 = arith.constant 0 : i32
      %dma_wait3A_281 = tpu.memref_slice %arg6[%dma_wait3A_278, %dma_wait3A_279, %dma_wait3A_280] : memref<2x8x128xi32, #tpu.memory_space<vmem>> -> memref<1x1x128xi32, #tpu.memory_space<vmem>>
      %dma_wait3A_282 = tpu.memref_squeeze %dma_wait3A_281 : memref<1x1x128xi32, #tpu.memory_space<vmem>> -> memref<128xi32, #tpu.memory_space<vmem>>
      %dma_wait3A_283 = arith.constant 0 : i32
      %dma_wait3A_284 = arith.constant 0 : i32
      %dma_wait3A_285 = tpu.memref_slice %arg8[%dma_wait3A_283, %dma_wait3A_284] : memref<10112x16xf32, #tpu.memory_space<vmem_shared>> -> memref<10112x16xf32, #tpu.memory_space<vmem_shared>>
      tpu.wait_indirect_dma semaphore(%arg11 : memref<!tpu.dma_semaphore, #tpu.memory_space<semaphore_mem>>) src(%arg7 : memref<128x16xf32, #tpu.memory_space<vmem>>) dst(%dma_wait3A_285 : memref<10112x16xf32, #tpu.memory_space<vmem_shared>>)
      %dma_wait3A_286 = arith.constant 0 : i32
      %dma_wait3A_287 = arith.constant 7 : i32
      %dma_wait3A_288 = arith.constant 0 : i32
      %dma_wait3A_289 = tpu.memref_slice %arg6[%dma_wait3A_286, %dma_wait3A_287, %dma_wait3A_288] : memref<2x8x128xi32, #tpu.memory_space<vmem>> -> memref<1x1x128xi32, #tpu.memory_space<vmem>>
      %dma_wait3A_290 = tpu.memref_squeeze %dma_wait3A_289 : memref<1x1x128xi32, #tpu.memory_space<vmem>> -> memref<128xi32, #tpu.memory_space<vmem>>
      %dma_wait3A_291 = arith.constant 0 : i32
      %dma_wait3A_292 = arith.constant 0 : i32
      %dma_wait3A_293 = tpu.memref_slice %arg8[%dma_wait3A_291, %dma_wait3A_292] : memref<10112x16xf32, #tpu.memory_space<vmem_shared>> -> memref<10112x16xf32, #tpu.memory_space<vmem_shared>>
      tpu.wait_indirect_dma semaphore(%arg11 : memref<!tpu.dma_semaphore, #tpu.memory_space<semaphore_mem>>) src(%arg7 : memref<128x16xf32, #tpu.memory_space<vmem>>) dst(%dma_wait3A_293 : memref<10112x16xf32, #tpu.memory_space<vmem_shared>>)
      %add3A_294 = arith.constant 16 : i32
      %add3A_295 = arith.addi %add3A_51, %add3A_294 : i32
      %dma_start3A_296 = arith.constant 1 : i32
      %dma_start3A_297 = arith.constant 0 : i32
      %dma_start3A_298 = arith.constant 0 : i32
      %dma_start3A_299 = arith.constant 0 : i32
      %dma_start3A_300 = tpu.memref_slice %arg6[%dma_start3A_297, %dma_start3A_298, %dma_start3A_299] : memref<2x8x128xi32, #tpu.memory_space<vmem>> -> memref<1x8x128xi32, #tpu.memory_space<vmem>>
      %dma_start3A_301 = tpu.memref_squeeze %dma_start3A_300 : memref<1x8x128xi32, #tpu.memory_space<vmem>> -> memref<8x128xi32, #tpu.memory_space<vmem>>
      %dma_start3A_302 = arith.constant 0 : i32
      %dma_start3A_303 = tpu.memref_slice %arg2[%dma_start3A_296, %add3A_295, %dma_start3A_302] : memref<2x2568x128xi32, #tpu.memory_space<hbm>> -> memref<1x8x128xi32, #tpu.memory_space<hbm>>
      %dma_start3A_304 = tpu.memref_squeeze %dma_start3A_303 : memref<1x8x128xi32, #tpu.memory_space<hbm>> -> memref<8x128xi32, #tpu.memory_space<hbm>>
      %dma_start3A_305 = arith.constant 0 : i32
      %dma_start3A_306 = arith.constant 0 : i32
      %dma_start3A_307 = tpu.memref_slice %arg6[%dma_start3A_297, %dma_start3A_305, %dma_start3A_306] : memref<2x8x128xi32, #tpu.memory_space<vmem>> -> memref<1x8x128xi32, #tpu.memory_space<vmem>>
      %dma_start3A_308 = tpu.memref_squeeze %dma_start3A_307 : memref<1x8x128xi32, #tpu.memory_space<vmem>> -> memref<8x128xi32, #tpu.memory_space<vmem>>
      %dma_start3A_309 = arith.constant 0 : i32
      %dma_start3A_310 = tpu.memref_slice %arg2[%dma_start3A_296, %add3A_295, %dma_start3A_309] : memref<2x2568x128xi32, #tpu.memory_space<hbm>> -> memref<1x8x128xi32, #tpu.memory_space<hbm>>
      %dma_start3A_311 = tpu.memref_squeeze %dma_start3A_310 : memref<1x8x128xi32, #tpu.memory_space<hbm>> -> memref<8x128xi32, #tpu.memory_space<hbm>>
      tpu.enqueue_dma source(%dma_start3A_311 : memref<8x128xi32, #tpu.memory_space<hbm>>) target(%dma_start3A_308 : memref<8x128xi32, #tpu.memory_space<vmem>>) target_semaphore(%arg9 : memref<!tpu.dma_semaphore, #tpu.memory_space<semaphore_mem>>)
      %dma_wait3A_312 = arith.constant 1 : i32
      %dma_wait3A_313 = arith.constant 0 : i32
      %dma_wait3A_314 = arith.constant 0 : i32
      %dma_wait3A_315 = tpu.memref_slice %arg6[%dma_wait3A_312, %dma_wait3A_313, %dma_wait3A_314] : memref<2x8x128xi32, #tpu.memory_space<vmem>> -> memref<1x1x128xi32, #tpu.memory_space<vmem>>
      %dma_wait3A_316 = tpu.memref_squeeze %dma_wait3A_315 : memref<1x1x128xi32, #tpu.memory_space<vmem>> -> memref<128xi32, #tpu.memory_space<vmem>>
      %dma_wait3A_317 = arith.constant 0 : i32
      %dma_wait3A_318 = arith.constant 0 : i32
      %dma_wait3A_319 = tpu.memref_slice %arg8[%dma_wait3A_317, %dma_wait3A_318] : memref<10112x16xf32, #tpu.memory_space<vmem_shared>> -> memref<10112x16xf32, #tpu.memory_space<vmem_shared>>
      tpu.wait_indirect_dma semaphore(%arg11 : memref<!tpu.dma_semaphore, #tpu.memory_space<semaphore_mem>>) src(%arg7 : memref<128x16xf32, #tpu.memory_space<vmem>>) dst(%dma_wait3A_319 : memref<10112x16xf32, #tpu.memory_space<vmem_shared>>)
      %dma_wait3A_320 = arith.constant 1 : i32
      %dma_wait3A_321 = arith.constant 1 : i32
      %dma_wait3A_322 = arith.constant 0 : i32
      %dma_wait3A_323 = tpu.memref_slice %arg6[%dma_wait3A_320, %dma_wait3A_321, %dma_wait3A_322] : memref<2x8x128xi32, #tpu.memory_space<vmem>> -> memref<1x1x128xi32, #tpu.memory_space<vmem>>
      %dma_wait3A_324 = tpu.memref_squeeze %dma_wait3A_323 : memref<1x1x128xi32, #tpu.memory_space<vmem>> -> memref<128xi32, #tpu.memory_space<vmem>>
      %dma_wait3A_325 = arith.constant 0 : i32
      %dma_wait3A_326 = arith.constant 0 : i32
      %dma_wait3A_327 = tpu.memref_slice %arg8[%dma_wait3A_325, %dma_wait3A_326] : memref<10112x16xf32, #tpu.memory_space<vmem_shared>> -> memref<10112x16xf32, #tpu.memory_space<vmem_shared>>
      tpu.wait_indirect_dma semaphore(%arg11 : memref<!tpu.dma_semaphore, #tpu.memory_space<semaphore_mem>>) src(%arg7 : memref<128x16xf32, #tpu.memory_space<vmem>>) dst(%dma_wait3A_327 : memref<10112x16xf32, #tpu.memory_space<vmem_shared>>)
      %dma_wait3A_328 = arith.constant 1 : i32
      %dma_wait3A_329 = arith.constant 2 : i32
      %dma_wait3A_330 = arith.constant 0 : i32
      %dma_wait3A_331 = tpu.memref_slice %arg6[%dma_wait3A_328, %dma_wait3A_329, %dma_wait3A_330] : memref<2x8x128xi32, #tpu.memory_space<vmem>> -> memref<1x1x128xi32, #tpu.memory_space<vmem>>
      %dma_wait3A_332 = tpu.memref_squeeze %dma_wait3A_331 : memref<1x1x128xi32, #tpu.memory_space<vmem>> -> memref<128xi32, #tpu.memory_space<vmem>>
      %dma_wait3A_333 = arith.constant 0 : i32
      %dma_wait3A_334 = arith.constant 0 : i32
      %dma_wait3A_335 = tpu.memref_slice %arg8[%dma_wait3A_333, %dma_wait3A_334] : memref<10112x16xf32, #tpu.memory_space<vmem_shared>> -> memref<10112x16xf32, #tpu.memory_space<vmem_shared>>
      tpu.wait_indirect_dma semaphore(%arg11 : memref<!tpu.dma_semaphore, #tpu.memory_space<semaphore_mem>>) src(%arg7 : memref<128x16xf32, #tpu.memory_space<vmem>>) dst(%dma_wait3A_335 : memref<10112x16xf32, #tpu.memory_space<vmem_shared>>)
      %dma_wait3A_336 = arith.constant 1 : i32
      %dma_wait3A_337 = arith.constant 3 : i32
      %dma_wait3A_338 = arith.constant 0 : i32
      %dma_wait3A_339 = tpu.memref_slice %arg6[%dma_wait3A_336, %dma_wait3A_337, %dma_wait3A_338] : memref<2x8x128xi32, #tpu.memory_space<vmem>> -> memref<1x1x128xi32, #tpu.memory_space<vmem>>
      %dma_wait3A_340 = tpu.memref_squeeze %dma_wait3A_339 : memref<1x1x128xi32, #tpu.memory_space<vmem>> -> memref<128xi32, #tpu.memory_space<vmem>>
      %dma_wait3A_341 = arith.constant 0 : i32
      %dma_wait3A_342 = arith.constant 0 : i32
      %dma_wait3A_343 = tpu.memref_slice %arg8[%dma_wait3A_341, %dma_wait3A_342] : memref<10112x16xf32, #tpu.memory_space<vmem_shared>> -> memref<10112x16xf32, #tpu.memory_space<vmem_shared>>
      tpu.wait_indirect_dma semaphore(%arg11 : memref<!tpu.dma_semaphore, #tpu.memory_space<semaphore_mem>>) src(%arg7 : memref<128x16xf32, #tpu.memory_space<vmem>>) dst(%dma_wait3A_343 : memref<10112x16xf32, #tpu.memory_space<vmem_shared>>)
      %dma_wait3A_344 = arith.constant 1 : i32
      %dma_wait3A_345 = arith.constant 4 : i32
      %dma_wait3A_346 = arith.constant 0 : i32
      %dma_wait3A_347 = tpu.memref_slice %arg6[%dma_wait3A_344, %dma_wait3A_345, %dma_wait3A_346] : memref<2x8x128xi32, #tpu.memory_space<vmem>> -> memref<1x1x128xi32, #tpu.memory_space<vmem>>
      %dma_wait3A_348 = tpu.memref_squeeze %dma_wait3A_347 : memref<1x1x128xi32, #tpu.memory_space<vmem>> -> memref<128xi32, #tpu.memory_space<vmem>>
      %dma_wait3A_349 = arith.constant 0 : i32
      %dma_wait3A_350 = arith.constant 0 : i32
      %dma_wait3A_351 = tpu.memref_slice %arg8[%dma_wait3A_349, %dma_wait3A_350] : memref<10112x16xf32, #tpu.memory_space<vmem_shared>> -> memref<10112x16xf32, #tpu.memory_space<vmem_shared>>
      tpu.wait_indirect_dma semaphore(%arg11 : memref<!tpu.dma_semaphore, #tpu.memory_space<semaphore_mem>>) src(%arg7 : memref<128x16xf32, #tpu.memory_space<vmem>>) dst(%dma_wait3A_351 : memref<10112x16xf32, #tpu.memory_space<vmem_shared>>)
      %dma_wait3A_352 = arith.constant 1 : i32
      %dma_wait3A_353 = arith.constant 5 : i32
      %dma_wait3A_354 = arith.constant 0 : i32
      %dma_wait3A_355 = tpu.memref_slice %arg6[%dma_wait3A_352, %dma_wait3A_353, %dma_wait3A_354] : memref<2x8x128xi32, #tpu.memory_space<vmem>> -> memref<1x1x128xi32, #tpu.memory_space<vmem>>
      %dma_wait3A_356 = tpu.memref_squeeze %dma_wait3A_355 : memref<1x1x128xi32, #tpu.memory_space<vmem>> -> memref<128xi32, #tpu.memory_space<vmem>>
      %dma_wait3A_357 = arith.constant 0 : i32
      %dma_wait3A_358 = arith.constant 0 : i32
      %dma_wait3A_359 = tpu.memref_slice %arg8[%dma_wait3A_357, %dma_wait3A_358] : memref<10112x16xf32, #tpu.memory_space<vmem_shared>> -> memref<10112x16xf32, #tpu.memory_space<vmem_shared>>
      tpu.wait_indirect_dma semaphore(%arg11 : memref<!tpu.dma_semaphore, #tpu.memory_space<semaphore_mem>>) src(%arg7 : memref<128x16xf32, #tpu.memory_space<vmem>>) dst(%dma_wait3A_359 : memref<10112x16xf32, #tpu.memory_space<vmem_shared>>)
      %dma_wait3A_360 = arith.constant 1 : i32
      %dma_wait3A_361 = arith.constant 6 : i32
      %dma_wait3A_362 = arith.constant 0 : i32
      %dma_wait3A_363 = tpu.memref_slice %arg6[%dma_wait3A_360, %dma_wait3A_361, %dma_wait3A_362] : memref<2x8x128xi32, #tpu.memory_space<vmem>> -> memref<1x1x128xi32, #tpu.memory_space<vmem>>
      %dma_wait3A_364 = tpu.memref_squeeze %dma_wait3A_363 : memref<1x1x128xi32, #tpu.memory_space<vmem>> -> memref<128xi32, #tpu.memory_space<vmem>>
      %dma_wait3A_365 = arith.constant 0 : i32
      %dma_wait3A_366 = arith.constant 0 : i32
      %dma_wait3A_367 = tpu.memref_slice %arg8[%dma_wait3A_365, %dma_wait3A_366] : memref<10112x16xf32, #tpu.memory_space<vmem_shared>> -> memref<10112x16xf32, #tpu.memory_space<vmem_shared>>
      tpu.wait_indirect_dma semaphore(%arg11 : memref<!tpu.dma_semaphore, #tpu.memory_space<semaphore_mem>>) src(%arg7 : memref<128x16xf32, #tpu.memory_space<vmem>>) dst(%dma_wait3A_367 : memref<10112x16xf32, #tpu.memory_space<vmem_shared>>)
      %dma_wait3A_368 = arith.constant 1 : i32
      %dma_wait3A_369 = arith.constant 7 : i32
      %dma_wait3A_370 = arith.constant 0 : i32
      %dma_wait3A_371 = tpu.memref_slice %arg6[%dma_wait3A_368, %dma_wait3A_369, %dma_wait3A_370] : memref<2x8x128xi32, #tpu.memory_space<vmem>> -> memref<1x1x128xi32, #tpu.memory_space<vmem>>
      %dma_wait3A_372 = tpu.memref_squeeze %dma_wait3A_371 : memref<1x1x128xi32, #tpu.memory_space<vmem>> -> memref<128xi32, #tpu.memory_space<vmem>>
      %dma_wait3A_373 = arith.constant 0 : i32
      %dma_wait3A_374 = arith.constant 0 : i32
      %dma_wait3A_375 = tpu.memref_slice %arg8[%dma_wait3A_373, %dma_wait3A_374] : memref<10112x16xf32, #tpu.memory_space<vmem_shared>> -> memref<10112x16xf32, #tpu.memory_space<vmem_shared>>
      tpu.wait_indirect_dma semaphore(%arg11 : memref<!tpu.dma_semaphore, #tpu.memory_space<semaphore_mem>>) src(%arg7 : memref<128x16xf32, #tpu.memory_space<vmem>>) dst(%dma_wait3A_375 : memref<10112x16xf32, #tpu.memory_space<vmem_shared>>)
    }
    %scan3A_24 = arith.constant 5 : i32
    %add3A_25 = arith.constant 80 : i32
    %add3A_26 = arith.addi %mul3A_4, %add3A_25 : i32
    %dma_wait3A = arith.constant 1 : i32
    %dma_wait3A_27 = arith.constant 0 : i32
    %dma_wait3A_28 = arith.constant 0 : i32
    %dma_wait3A_29 = arith.constant 0 : i32
    %dma_wait3A_30 = tpu.memref_slice %arg6[%dma_wait3A_27, %dma_wait3A_28, %dma_wait3A_29] : memref<2x8x128xi32, #tpu.memory_space<vmem>> -> memref<1x8x128xi32, #tpu.memory_space<vmem>>
    %dma_wait3A_31 = tpu.memref_squeeze %dma_wait3A_30 : memref<1x8x128xi32, #tpu.memory_space<vmem>> -> memref<8x128xi32, #tpu.memory_space<vmem>>
    %dma_wait3A_32 = arith.constant 0 : i32
    %dma_wait3A_33 = tpu.memref_slice %arg2[%dma_wait3A, %add3A_26, %dma_wait3A_32] : memref<2x2568x128xi32, #tpu.memory_space<hbm>> -> memref<1x8x128xi32, #tpu.memory_space<hbm>>
    %dma_wait3A_34 = tpu.memref_squeeze %dma_wait3A_33 : memref<1x8x128xi32, #tpu.memory_space<hbm>> -> memref<8x128xi32, #tpu.memory_space<hbm>>
    %dma_wait3A_35 = arith.constant 0 : i32
    %dma_wait3A_36 = arith.constant 0 : i32
    %dma_wait3A_37 = tpu.memref_slice %arg6[%dma_wait3A_27, %dma_wait3A_35, %dma_wait3A_36] : memref<2x8x128xi32, #tpu.memory_space<vmem>> -> memref<1x8x128xi32, #tpu.memory_space<vmem>>
    %dma_wait3A_38 = tpu.memref_squeeze %dma_wait3A_37 : memref<1x8x128xi32, #tpu.memory_space<vmem>> -> memref<8x128xi32, #tpu.memory_space<vmem>>
    %dma_wait3A_39 = arith.constant 0 : i32
    %dma_wait3A_40 = tpu.memref_slice %arg2[%dma_wait3A, %add3A_26, %dma_wait3A_39] : memref<2x2568x128xi32, #tpu.memory_space<hbm>> -> memref<1x8x128xi32, #tpu.memory_space<hbm>>
    %dma_wait3A_41 = tpu.memref_squeeze %dma_wait3A_40 : memref<1x8x128xi32, #tpu.memory_space<hbm>> -> memref<8x128xi32, #tpu.memory_space<hbm>>
    tpu.wait_dma2 semaphore(%arg9 : memref<!tpu.dma_semaphore, #tpu.memory_space<semaphore_mem>>) src(%dma_wait3A_41 : memref<8x128xi32, #tpu.memory_space<hbm>>) dst(%dma_wait3A_38 : memref<8x128xi32, #tpu.memory_space<vmem>>)
    %barrier3A_42 = arith.constant 0 : index
    tpu.barrier barrier_id(%barrier3A_42)
    %mul3A_43 = arith.constant 10112 : i32
    %mul3A_44 = arith.muli %arg0, %mul3A_43 : i32
    %add3A_45 = arith.addi %mul3A_44, %mul3A_2 : i32
    "tpu.region"() ({
      %run_scoped3A = tpu.sem_alloc : memref<!tpu.dma_semaphore, #tpu.memory_space<semaphore_mem>>
      %dma_start3A_46 = arith.constant 0 : i32
      %dma_start3A_47 = tpu.memref_slice %arg5[%add3A_45, %dma_start3A_46] : memref<20224x16xf32, #tpu.memory_space<hbm>> -> memref<632x16xf32, #tpu.memory_space<hbm>>
      %dma_start3A_48 = arith.constant 0 : i32
      %dma_start3A_49 = tpu.memref_slice %arg8[%mul3A_2, %dma_start3A_48] : memref<10112x16xf32, #tpu.memory_space<vmem_shared>> -> memref<632x16xf32, #tpu.memory_space<vmem_shared>>
      tpu.enqueue_dma source(%dma_start3A_49 : memref<632x16xf32, #tpu.memory_space<vmem_shared>>) target(%dma_start3A_47 : memref<632x16xf32, #tpu.memory_space<hbm>>) target_semaphore(%run_scoped3A : memref<!tpu.dma_semaphore, #tpu.memory_space<semaphore_mem>>)
      %dma_wait3A_50 = arith.constant 0 : i32
      %dma_wait3A_51 = tpu.memref_slice %arg5[%add3A_45, %dma_wait3A_50] : memref<20224x16xf32, #tpu.memory_space<hbm>> -> memref<632x16xf32, #tpu.memory_space<hbm>>
      %dma_wait3A_52 = arith.constant 0 : i32
      %dma_wait3A_53 = tpu.memref_slice %arg8[%mul3A_2, %dma_wait3A_52] : memref<10112x16xf32, #tpu.memory_space<vmem_shared>> -> memref<632x16xf32, #tpu.memory_space<vmem_shared>>
      tpu.wait_dma2 semaphore(%run_scoped3A : memref<!tpu.dma_semaphore, #tpu.memory_space<semaphore_mem>>) src(%dma_wait3A_53 : memref<632x16xf32, #tpu.memory_space<vmem_shared>>) dst(%dma_wait3A_51 : memref<632x16xf32, #tpu.memory_space<hbm>>)
      tpu.yield
    }) : () -> ()
    return
  }
}

#map = affine_map<(d0, d1) -> (0, 0, 0)>
#map1 = affine_map<(d0, d1) -> (0, 0)>
module attributes {stable_mosaic.version = 14 : i64} {
  func.func @_sc_aggregate(%arg0: i32, %arg1: i32, %arg2: memref<2x2568x128xi32, #tpu.memory_space<hbm>>, %arg3: memref<10112x16xf32, #tpu.memory_space<hbm>>, %arg4: memref<10112x16xf32, #tpu.memory_space<hbm>>, %arg5: memref<20224x16xf32, #tpu.memory_space<hbm>>, %arg6: memref<2x8x128xi32, #tpu.memory_space<vmem>>, %arg7: memref<2x8x128xi32, #tpu.memory_space<vmem>>, %arg8: memref<2x8x128x16xf32, #tpu.memory_space<vmem>>, %arg9: memref<10112x16xf32, #tpu.memory_space<vmem_shared>>, %arg10: memref<10112x16xf32, #tpu.memory_space<vmem_shared>>, %arg11: memref<!tpu.dma_semaphore, #tpu.memory_space<semaphore_mem>>, %arg12: memref<!tpu.dma_semaphore, #tpu.memory_space<semaphore_mem>>, %arg13: memref<!tpu.dma_semaphore, #tpu.memory_space<semaphore_mem>>, %arg14: memref<!tpu.dma_semaphore, #tpu.memory_space<semaphore_mem>>) attributes {dimension_semantics = [#tpu.dimension_semantics<core_parallel>, #tpu.dimension_semantics<subcore_parallel>], iteration_bounds = array<i64: 2, 16>, scalar_prefetch = 0 : i64, scratch_operands = 9 : i64, tpu.core_type = #tpu.core_type<sc_vector_subcore>, window_params = [{transform_indices = #map}, {transform_indices = #map1}, {transform_indices = #map1}, {transform_indices = #map1}]} {
    %mul3A = arith.constant 2 : i32
    %mul3A_0 = arith.muli %arg1, %mul3A : i32
    %add3A = arith.addi %mul3A_0, %arg0 : i32
    %mul3A_1 = arith.constant 632 : i32
    %mul3A_2 = arith.muli %arg1, %mul3A_1 : i32
    "tpu.region"() ({
      %run_scoped3A = tpu.sem_alloc : memref<!tpu.dma_semaphore, #tpu.memory_space<semaphore_mem>>
      %dma_start3A_80 = arith.constant 0 : i32
      %dma_start3A_81 = tpu.memref_slice %arg10[%mul3A_2, %dma_start3A_80] : memref<10112x16xf32, #tpu.memory_space<vmem_shared>> -> memref<632x16xf32, #tpu.memory_space<vmem_shared>>
      %dma_start3A_82 = arith.constant 0 : i32
      %dma_start3A_83 = tpu.memref_slice %arg4[%mul3A_2, %dma_start3A_82] : memref<10112x16xf32, #tpu.memory_space<hbm>> -> memref<632x16xf32, #tpu.memory_space<hbm>>
      tpu.enqueue_dma source(%dma_start3A_83 : memref<632x16xf32, #tpu.memory_space<hbm>>) target(%dma_start3A_81 : memref<632x16xf32, #tpu.memory_space<vmem_shared>>) target_semaphore(%run_scoped3A : memref<!tpu.dma_semaphore, #tpu.memory_space<semaphore_mem>>)
      %dma_wait3A_84 = arith.constant 0 : i32
      %dma_wait3A_85 = tpu.memref_slice %arg10[%mul3A_2, %dma_wait3A_84] : memref<10112x16xf32, #tpu.memory_space<vmem_shared>> -> memref<632x16xf32, #tpu.memory_space<vmem_shared>>
      %dma_wait3A_86 = arith.constant 0 : i32
      %dma_wait3A_87 = tpu.memref_slice %arg4[%mul3A_2, %dma_wait3A_86] : memref<10112x16xf32, #tpu.memory_space<hbm>> -> memref<632x16xf32, #tpu.memory_space<hbm>>
      tpu.wait_dma2 semaphore(%run_scoped3A : memref<!tpu.dma_semaphore, #tpu.memory_space<semaphore_mem>>) src(%dma_wait3A_87 : memref<632x16xf32, #tpu.memory_space<hbm>>) dst(%dma_wait3A_85 : memref<632x16xf32, #tpu.memory_space<vmem_shared>>)
      tpu.yield
    }) : () -> ()
    "tpu.region"() ({
      %run_scoped3A = tpu.sem_alloc : memref<!tpu.dma_semaphore, #tpu.memory_space<semaphore_mem>>
      %dma_start3A_80 = arith.constant 0 : i32
      %dma_start3A_81 = tpu.memref_slice %arg9[%mul3A_2, %dma_start3A_80] : memref<10112x16xf32, #tpu.memory_space<vmem_shared>> -> memref<632x16xf32, #tpu.memory_space<vmem_shared>>
      %dma_start3A_82 = arith.constant 0 : i32
      %dma_start3A_83 = tpu.memref_slice %arg3[%mul3A_2, %dma_start3A_82] : memref<10112x16xf32, #tpu.memory_space<hbm>> -> memref<632x16xf32, #tpu.memory_space<hbm>>
      tpu.enqueue_dma source(%dma_start3A_83 : memref<632x16xf32, #tpu.memory_space<hbm>>) target(%dma_start3A_81 : memref<632x16xf32, #tpu.memory_space<vmem_shared>>) target_semaphore(%run_scoped3A : memref<!tpu.dma_semaphore, #tpu.memory_space<semaphore_mem>>)
      %dma_wait3A_84 = arith.constant 0 : i32
      %dma_wait3A_85 = tpu.memref_slice %arg9[%mul3A_2, %dma_wait3A_84] : memref<10112x16xf32, #tpu.memory_space<vmem_shared>> -> memref<632x16xf32, #tpu.memory_space<vmem_shared>>
      %dma_wait3A_86 = arith.constant 0 : i32
      %dma_wait3A_87 = tpu.memref_slice %arg3[%mul3A_2, %dma_wait3A_86] : memref<10112x16xf32, #tpu.memory_space<hbm>> -> memref<632x16xf32, #tpu.memory_space<hbm>>
      tpu.wait_dma2 semaphore(%run_scoped3A : memref<!tpu.dma_semaphore, #tpu.memory_space<semaphore_mem>>) src(%dma_wait3A_87 : memref<632x16xf32, #tpu.memory_space<hbm>>) dst(%dma_wait3A_85 : memref<632x16xf32, #tpu.memory_space<vmem_shared>>)
      tpu.yield
    }) : () -> ()
    %barrier3A = arith.constant 0 : index
    tpu.barrier barrier_id(%barrier3A)
    %mul3A_3 = arith.constant 80 : i32
    %mul3A_4 = arith.muli %add3A, %mul3A_3 : i32
    %dma_start3A = arith.constant 0 : i32
    %dma_start3A_5 = arith.constant 0 : i32
    %dma_start3A_6 = arith.constant 0 : i32
    %dma_start3A_7 = arith.constant 0 : i32
    %dma_start3A_8 = tpu.memref_slice %arg6[%dma_start3A_5, %dma_start3A_6, %dma_start3A_7] : memref<2x8x128xi32, #tpu.memory_space<vmem>> -> memref<1x8x128xi32, #tpu.memory_space<vmem>>
    %dma_start3A_9 = tpu.memref_squeeze %dma_start3A_8 : memref<1x8x128xi32, #tpu.memory_space<vmem>> -> memref<8x128xi32, #tpu.memory_space<vmem>>
    %dma_start3A_10 = arith.constant 0 : i32
    %dma_start3A_11 = tpu.memref_slice %arg2[%dma_start3A, %mul3A_4, %dma_start3A_10] : memref<2x2568x128xi32, #tpu.memory_space<hbm>> -> memref<1x8x128xi32, #tpu.memory_space<hbm>>
    %dma_start3A_12 = tpu.memref_squeeze %dma_start3A_11 : memref<1x8x128xi32, #tpu.memory_space<hbm>> -> memref<8x128xi32, #tpu.memory_space<hbm>>
    %dma_start3A_13 = arith.constant 0 : i32
    %dma_start3A_14 = arith.constant 0 : i32
    %dma_start3A_15 = tpu.memref_slice %arg6[%dma_start3A_5, %dma_start3A_13, %dma_start3A_14] : memref<2x8x128xi32, #tpu.memory_space<vmem>> -> memref<1x8x128xi32, #tpu.memory_space<vmem>>
    %dma_start3A_16 = tpu.memref_squeeze %dma_start3A_15 : memref<1x8x128xi32, #tpu.memory_space<vmem>> -> memref<8x128xi32, #tpu.memory_space<vmem>>
    %dma_start3A_17 = arith.constant 0 : i32
    %dma_start3A_18 = tpu.memref_slice %arg2[%dma_start3A, %mul3A_4, %dma_start3A_17] : memref<2x2568x128xi32, #tpu.memory_space<hbm>> -> memref<1x8x128xi32, #tpu.memory_space<hbm>>
    %dma_start3A_19 = tpu.memref_squeeze %dma_start3A_18 : memref<1x8x128xi32, #tpu.memory_space<hbm>> -> memref<8x128xi32, #tpu.memory_space<hbm>>
    tpu.enqueue_dma source(%dma_start3A_19 : memref<8x128xi32, #tpu.memory_space<hbm>>) target(%dma_start3A_16 : memref<8x128xi32, #tpu.memory_space<vmem>>) target_semaphore(%arg11 : memref<!tpu.dma_semaphore, #tpu.memory_space<semaphore_mem>>)
    %dma_start3A_20 = arith.constant 1 : i32
    %dma_start3A_21 = arith.constant 0 : i32
    %dma_start3A_22 = arith.constant 0 : i32
    %dma_start3A_23 = arith.constant 0 : i32
    %dma_start3A_24 = tpu.memref_slice %arg7[%dma_start3A_21, %dma_start3A_22, %dma_start3A_23] : memref<2x8x128xi32, #tpu.memory_space<vmem>> -> memref<1x8x128xi32, #tpu.memory_space<vmem>>
    %dma_start3A_25 = tpu.memref_squeeze %dma_start3A_24 : memref<1x8x128xi32, #tpu.memory_space<vmem>> -> memref<8x128xi32, #tpu.memory_space<vmem>>
    %dma_start3A_26 = arith.constant 0 : i32
    %dma_start3A_27 = tpu.memref_slice %arg2[%dma_start3A_20, %mul3A_4, %dma_start3A_26] : memref<2x2568x128xi32, #tpu.memory_space<hbm>> -> memref<1x8x128xi32, #tpu.memory_space<hbm>>
    %dma_start3A_28 = tpu.memref_squeeze %dma_start3A_27 : memref<1x8x128xi32, #tpu.memory_space<hbm>> -> memref<8x128xi32, #tpu.memory_space<hbm>>
    %dma_start3A_29 = arith.constant 0 : i32
    %dma_start3A_30 = arith.constant 0 : i32
    %dma_start3A_31 = tpu.memref_slice %arg7[%dma_start3A_21, %dma_start3A_29, %dma_start3A_30] : memref<2x8x128xi32, #tpu.memory_space<vmem>> -> memref<1x8x128xi32, #tpu.memory_space<vmem>>
    %dma_start3A_32 = tpu.memref_squeeze %dma_start3A_31 : memref<1x8x128xi32, #tpu.memory_space<vmem>> -> memref<8x128xi32, #tpu.memory_space<vmem>>
    %dma_start3A_33 = arith.constant 0 : i32
    %dma_start3A_34 = tpu.memref_slice %arg2[%dma_start3A_20, %mul3A_4, %dma_start3A_33] : memref<2x2568x128xi32, #tpu.memory_space<hbm>> -> memref<1x8x128xi32, #tpu.memory_space<hbm>>
    %dma_start3A_35 = tpu.memref_squeeze %dma_start3A_34 : memref<1x8x128xi32, #tpu.memory_space<hbm>> -> memref<8x128xi32, #tpu.memory_space<hbm>>
    tpu.enqueue_dma source(%dma_start3A_35 : memref<8x128xi32, #tpu.memory_space<hbm>>) target(%dma_start3A_32 : memref<8x128xi32, #tpu.memory_space<vmem>>) target_semaphore(%arg11 : memref<!tpu.dma_semaphore, #tpu.memory_space<semaphore_mem>>)
    %scan3A = arith.constant 0 : i32
    %scan3A_36 = arith.constant 0 : i32
    %scan3A_37 = arith.constant 5 : i32
    %scan3A_38 = arith.addi %scan3A_36, %scan3A_37 : i32
    %scan3A_39 = arith.constant 1 : i32
    scf.for %scan3A_80 = %scan3A_36 to %scan3A_38 step %scan3A_39  : i32 {
      %mul3A_81 = arith.constant 2 : i32
      %mul3A_82 = arith.muli %mul3A_81, %scan3A_80 : i32
      %mul3A_83 = arith.constant 8 : i32
      %mul3A_84 = arith.muli %mul3A_82, %mul3A_83 : i32
      %add3A_85 = arith.addi %mul3A_4, %mul3A_84 : i32
      %add3A_86 = arith.constant 8 : i32
      %add3A_87 = arith.addi %add3A_85, %add3A_86 : i32
      %dma_start3A_88 = arith.constant 0 : i32
      %dma_start3A_89 = arith.constant 1 : i32
      %dma_start3A_90 = arith.constant 0 : i32
      %dma_start3A_91 = arith.constant 0 : i32
      %dma_start3A_92 = tpu.memref_slice %arg6[%dma_start3A_89, %dma_start3A_90, %dma_start3A_91] : memref<2x8x128xi32, #tpu.memory_space<vmem>> -> memref<1x8x128xi32, #tpu.memory_space<vmem>>
      %dma_start3A_93 = tpu.memref_squeeze %dma_start3A_92 : memref<1x8x128xi32, #tpu.memory_space<vmem>> -> memref<8x128xi32, #tpu.memory_space<vmem>>
      %dma_start3A_94 = arith.constant 0 : i32
      %dma_start3A_95 = tpu.memref_slice %arg2[%dma_start3A_88, %add3A_87, %dma_start3A_94] : memref<2x2568x128xi32, #tpu.memory_space<hbm>> -> memref<1x8x128xi32, #tpu.memory_space<hbm>>
      %dma_start3A_96 = tpu.memref_squeeze %dma_start3A_95 : memref<1x8x128xi32, #tpu.memory_space<hbm>> -> memref<8x128xi32, #tpu.memory_space<hbm>>
      %dma_start3A_97 = arith.constant 0 : i32
      %dma_start3A_98 = arith.constant 0 : i32
      %dma_start3A_99 = tpu.memref_slice %arg6[%dma_start3A_89, %dma_start3A_97, %dma_start3A_98] : memref<2x8x128xi32, #tpu.memory_space<vmem>> -> memref<1x8x128xi32, #tpu.memory_space<vmem>>
      %dma_start3A_100 = tpu.memref_squeeze %dma_start3A_99 : memref<1x8x128xi32, #tpu.memory_space<vmem>> -> memref<8x128xi32, #tpu.memory_space<vmem>>
      %dma_start3A_101 = arith.constant 0 : i32
      %dma_start3A_102 = tpu.memref_slice %arg2[%dma_start3A_88, %add3A_87, %dma_start3A_101] : memref<2x2568x128xi32, #tpu.memory_space<hbm>> -> memref<1x8x128xi32, #tpu.memory_space<hbm>>
      %dma_start3A_103 = tpu.memref_squeeze %dma_start3A_102 : memref<1x8x128xi32, #tpu.memory_space<hbm>> -> memref<8x128xi32, #tpu.memory_space<hbm>>
      tpu.enqueue_dma source(%dma_start3A_103 : memref<8x128xi32, #tpu.memory_space<hbm>>) target(%dma_start3A_100 : memref<8x128xi32, #tpu.memory_space<vmem>>) target_semaphore(%arg12 : memref<!tpu.dma_semaphore, #tpu.memory_space<semaphore_mem>>)
      %dma_start3A_104 = arith.constant 1 : i32
      %dma_start3A_105 = arith.constant 1 : i32
      %dma_start3A_106 = arith.constant 0 : i32
      %dma_start3A_107 = arith.constant 0 : i32
      %dma_start3A_108 = tpu.memref_slice %arg7[%dma_start3A_105, %dma_start3A_106, %dma_start3A_107] : memref<2x8x128xi32, #tpu.memory_space<vmem>> -> memref<1x8x128xi32, #tpu.memory_space<vmem>>
      %dma_start3A_109 = tpu.memref_squeeze %dma_start3A_108 : memref<1x8x128xi32, #tpu.memory_space<vmem>> -> memref<8x128xi32, #tpu.memory_space<vmem>>
      %dma_start3A_110 = arith.constant 0 : i32
      %dma_start3A_111 = tpu.memref_slice %arg2[%dma_start3A_104, %add3A_87, %dma_start3A_110] : memref<2x2568x128xi32, #tpu.memory_space<hbm>> -> memref<1x8x128xi32, #tpu.memory_space<hbm>>
      %dma_start3A_112 = tpu.memref_squeeze %dma_start3A_111 : memref<1x8x128xi32, #tpu.memory_space<hbm>> -> memref<8x128xi32, #tpu.memory_space<hbm>>
      %dma_start3A_113 = arith.constant 0 : i32
      %dma_start3A_114 = arith.constant 0 : i32
      %dma_start3A_115 = tpu.memref_slice %arg7[%dma_start3A_105, %dma_start3A_113, %dma_start3A_114] : memref<2x8x128xi32, #tpu.memory_space<vmem>> -> memref<1x8x128xi32, #tpu.memory_space<vmem>>
      %dma_start3A_116 = tpu.memref_squeeze %dma_start3A_115 : memref<1x8x128xi32, #tpu.memory_space<vmem>> -> memref<8x128xi32, #tpu.memory_space<vmem>>
      %dma_start3A_117 = arith.constant 0 : i32
      %dma_start3A_118 = tpu.memref_slice %arg2[%dma_start3A_104, %add3A_87, %dma_start3A_117] : memref<2x2568x128xi32, #tpu.memory_space<hbm>> -> memref<1x8x128xi32, #tpu.memory_space<hbm>>
      %dma_start3A_119 = tpu.memref_squeeze %dma_start3A_118 : memref<1x8x128xi32, #tpu.memory_space<hbm>> -> memref<8x128xi32, #tpu.memory_space<hbm>>
      tpu.enqueue_dma source(%dma_start3A_119 : memref<8x128xi32, #tpu.memory_space<hbm>>) target(%dma_start3A_116 : memref<8x128xi32, #tpu.memory_space<vmem>>) target_semaphore(%arg12 : memref<!tpu.dma_semaphore, #tpu.memory_space<semaphore_mem>>)
      %dma_wait3A_120 = arith.constant 0 : i32
      %dma_wait3A_121 = arith.constant 0 : i32
      %dma_wait3A_122 = arith.constant 0 : i32
      %dma_wait3A_123 = arith.constant 0 : i32
      %dma_wait3A_124 = tpu.memref_slice %arg6[%dma_wait3A_121, %dma_wait3A_122, %dma_wait3A_123] : memref<2x8x128xi32, #tpu.memory_space<vmem>> -> memref<1x8x128xi32, #tpu.memory_space<vmem>>
      %dma_wait3A_125 = tpu.memref_squeeze %dma_wait3A_124 : memref<1x8x128xi32, #tpu.memory_space<vmem>> -> memref<8x128xi32, #tpu.memory_space<vmem>>
      %dma_wait3A_126 = arith.constant 0 : i32
      %dma_wait3A_127 = tpu.memref_slice %arg2[%dma_wait3A_120, %add3A_85, %dma_wait3A_126] : memref<2x2568x128xi32, #tpu.memory_space<hbm>> -> memref<1x8x128xi32, #tpu.memory_space<hbm>>
      %dma_wait3A_128 = tpu.memref_squeeze %dma_wait3A_127 : memref<1x8x128xi32, #tpu.memory_space<hbm>> -> memref<8x128xi32, #tpu.memory_space<hbm>>
      %dma_wait3A_129 = arith.constant 0 : i32
      %dma_wait3A_130 = arith.constant 0 : i32
      %dma_wait3A_131 = tpu.memref_slice %arg6[%dma_wait3A_121, %dma_wait3A_129, %dma_wait3A_130] : memref<2x8x128xi32, #tpu.memory_space<vmem>> -> memref<1x8x128xi32, #tpu.memory_space<vmem>>
      %dma_wait3A_132 = tpu.memref_squeeze %dma_wait3A_131 : memref<1x8x128xi32, #tpu.memory_space<vmem>> -> memref<8x128xi32, #tpu.memory_space<vmem>>
      %dma_wait3A_133 = arith.constant 0 : i32
      %dma_wait3A_134 = tpu.memref_slice %arg2[%dma_wait3A_120, %add3A_85, %dma_wait3A_133] : memref<2x2568x128xi32, #tpu.memory_space<hbm>> -> memref<1x8x128xi32, #tpu.memory_space<hbm>>
      %dma_wait3A_135 = tpu.memref_squeeze %dma_wait3A_134 : memref<1x8x128xi32, #tpu.memory_space<hbm>> -> memref<8x128xi32, #tpu.memory_space<hbm>>
      tpu.wait_dma2 semaphore(%arg11 : memref<!tpu.dma_semaphore, #tpu.memory_space<semaphore_mem>>) src(%dma_wait3A_135 : memref<8x128xi32, #tpu.memory_space<hbm>>) dst(%dma_wait3A_132 : memref<8x128xi32, #tpu.memory_space<vmem>>)
      %dma_wait3A_136 = arith.constant 1 : i32
      %dma_wait3A_137 = arith.constant 0 : i32
      %dma_wait3A_138 = arith.constant 0 : i32
      %dma_wait3A_139 = arith.constant 0 : i32
      %dma_wait3A_140 = tpu.memref_slice %arg7[%dma_wait3A_137, %dma_wait3A_138, %dma_wait3A_139] : memref<2x8x128xi32, #tpu.memory_space<vmem>> -> memref<1x8x128xi32, #tpu.memory_space<vmem>>
      %dma_wait3A_141 = tpu.memref_squeeze %dma_wait3A_140 : memref<1x8x128xi32, #tpu.memory_space<vmem>> -> memref<8x128xi32, #tpu.memory_space<vmem>>
      %dma_wait3A_142 = arith.constant 0 : i32
      %dma_wait3A_143 = tpu.memref_slice %arg2[%dma_wait3A_136, %add3A_85, %dma_wait3A_142] : memref<2x2568x128xi32, #tpu.memory_space<hbm>> -> memref<1x8x128xi32, #tpu.memory_space<hbm>>
      %dma_wait3A_144 = tpu.memref_squeeze %dma_wait3A_143 : memref<1x8x128xi32, #tpu.memory_space<hbm>> -> memref<8x128xi32, #tpu.memory_space<hbm>>
      %dma_wait3A_145 = arith.constant 0 : i32
      %dma_wait3A_146 = arith.constant 0 : i32
      %dma_wait3A_147 = tpu.memref_slice %arg7[%dma_wait3A_137, %dma_wait3A_145, %dma_wait3A_146] : memref<2x8x128xi32, #tpu.memory_space<vmem>> -> memref<1x8x128xi32, #tpu.memory_space<vmem>>
      %dma_wait3A_148 = tpu.memref_squeeze %dma_wait3A_147 : memref<1x8x128xi32, #tpu.memory_space<vmem>> -> memref<8x128xi32, #tpu.memory_space<vmem>>
      %dma_wait3A_149 = arith.constant 0 : i32
      %dma_wait3A_150 = tpu.memref_slice %arg2[%dma_wait3A_136, %add3A_85, %dma_wait3A_149] : memref<2x2568x128xi32, #tpu.memory_space<hbm>> -> memref<1x8x128xi32, #tpu.memory_space<hbm>>
      %dma_wait3A_151 = tpu.memref_squeeze %dma_wait3A_150 : memref<1x8x128xi32, #tpu.memory_space<hbm>> -> memref<8x128xi32, #tpu.memory_space<hbm>>
      tpu.wait_dma2 semaphore(%arg11 : memref<!tpu.dma_semaphore, #tpu.memory_space<semaphore_mem>>) src(%dma_wait3A_151 : memref<8x128xi32, #tpu.memory_space<hbm>>) dst(%dma_wait3A_148 : memref<8x128xi32, #tpu.memory_space<vmem>>)
      %dma_start3A_152 = arith.constant 0 : i32
      %dma_start3A_153 = arith.constant 0 : i32
      %dma_start3A_154 = arith.constant 0 : i32
      %dma_start3A_155 = arith.constant 0 : i32
      %dma_start3A_156 = arith.constant 0 : i32
      %dma_start3A_157 = arith.constant 0 : i32
      %dma_start3A_158 = tpu.memref_slice %arg8[%dma_start3A_154, %dma_start3A_155, %dma_start3A_156, %dma_start3A_157] : memref<2x8x128x16xf32, #tpu.memory_space<vmem>> -> memref<1x1x128x16xf32, #tpu.memory_space<vmem>>
      %dma_start3A_159 = tpu.memref_squeeze %dma_start3A_158 : memref<1x1x128x16xf32, #tpu.memory_space<vmem>> -> memref<128x16xf32, #tpu.memory_space<vmem>>
      %dma_start3A_160 = arith.constant 0 : i32
      %dma_start3A_161 = tpu.memref_slice %arg6[%dma_start3A_152, %dma_start3A_153, %dma_start3A_160] : memref<2x8x128xi32, #tpu.memory_space<vmem>> -> memref<1x1x128xi32, #tpu.memory_space<vmem>>
      %dma_start3A_162 = tpu.memref_squeeze %dma_start3A_161 : memref<1x1x128xi32, #tpu.memory_space<vmem>> -> memref<128xi32, #tpu.memory_space<vmem>>
      %dma_start3A_163 = arith.constant 0 : i32
      %dma_start3A_164 = arith.constant 0 : i32
      %dma_start3A_165 = tpu.memref_slice %arg9[%dma_start3A_163, %dma_start3A_164] : memref<10112x16xf32, #tpu.memory_space<vmem_shared>> -> memref<10112x16xf32, #tpu.memory_space<vmem_shared>>
      tpu.enqueue_indirect_dma source(%dma_start3A_165 : memref<10112x16xf32, #tpu.memory_space<vmem_shared>>) target(%dma_start3A_159 : memref<128x16xf32, #tpu.memory_space<vmem>>) offsets(%dma_start3A_162 : memref<128xi32, #tpu.memory_space<vmem>>) semaphore(%arg13 : memref<!tpu.dma_semaphore, #tpu.memory_space<semaphore_mem>>)
      %dma_start3A_166 = arith.constant 0 : i32
      %dma_start3A_167 = arith.constant 1 : i32
      %dma_start3A_168 = arith.constant 0 : i32
      %dma_start3A_169 = arith.constant 1 : i32
      %dma_start3A_170 = arith.constant 0 : i32
      %dma_start3A_171 = arith.constant 0 : i32
      %dma_start3A_172 = tpu.memref_slice %arg8[%dma_start3A_168, %dma_start3A_169, %dma_start3A_170, %dma_start3A_171] : memref<2x8x128x16xf32, #tpu.memory_space<vmem>> -> memref<1x1x128x16xf32, #tpu.memory_space<vmem>>
      %dma_start3A_173 = tpu.memref_squeeze %dma_start3A_172 : memref<1x1x128x16xf32, #tpu.memory_space<vmem>> -> memref<128x16xf32, #tpu.memory_space<vmem>>
      %dma_start3A_174 = arith.constant 0 : i32
      %dma_start3A_175 = tpu.memref_slice %arg6[%dma_start3A_166, %dma_start3A_167, %dma_start3A_174] : memref<2x8x128xi32, #tpu.memory_space<vmem>> -> memref<1x1x128xi32, #tpu.memory_space<vmem>>
      %dma_start3A_176 = tpu.memref_squeeze %dma_start3A_175 : memref<1x1x128xi32, #tpu.memory_space<vmem>> -> memref<128xi32, #tpu.memory_space<vmem>>
      %dma_start3A_177 = arith.constant 0 : i32
      %dma_start3A_178 = arith.constant 0 : i32
      %dma_start3A_179 = tpu.memref_slice %arg9[%dma_start3A_177, %dma_start3A_178] : memref<10112x16xf32, #tpu.memory_space<vmem_shared>> -> memref<10112x16xf32, #tpu.memory_space<vmem_shared>>
      tpu.enqueue_indirect_dma source(%dma_start3A_179 : memref<10112x16xf32, #tpu.memory_space<vmem_shared>>) target(%dma_start3A_173 : memref<128x16xf32, #tpu.memory_space<vmem>>) offsets(%dma_start3A_176 : memref<128xi32, #tpu.memory_space<vmem>>) semaphore(%arg13 : memref<!tpu.dma_semaphore, #tpu.memory_space<semaphore_mem>>)
      %dma_start3A_180 = arith.constant 0 : i32
      %dma_start3A_181 = arith.constant 2 : i32
      %dma_start3A_182 = arith.constant 0 : i32
      %dma_start3A_183 = arith.constant 2 : i32
      %dma_start3A_184 = arith.constant 0 : i32
      %dma_start3A_185 = arith.constant 0 : i32
      %dma_start3A_186 = tpu.memref_slice %arg8[%dma_start3A_182, %dma_start3A_183, %dma_start3A_184, %dma_start3A_185] : memref<2x8x128x16xf32, #tpu.memory_space<vmem>> -> memref<1x1x128x16xf32, #tpu.memory_space<vmem>>
      %dma_start3A_187 = tpu.memref_squeeze %dma_start3A_186 : memref<1x1x128x16xf32, #tpu.memory_space<vmem>> -> memref<128x16xf32, #tpu.memory_space<vmem>>
      %dma_start3A_188 = arith.constant 0 : i32
      %dma_start3A_189 = tpu.memref_slice %arg6[%dma_start3A_180, %dma_start3A_181, %dma_start3A_188] : memref<2x8x128xi32, #tpu.memory_space<vmem>> -> memref<1x1x128xi32, #tpu.memory_space<vmem>>
      %dma_start3A_190 = tpu.memref_squeeze %dma_start3A_189 : memref<1x1x128xi32, #tpu.memory_space<vmem>> -> memref<128xi32, #tpu.memory_space<vmem>>
      %dma_start3A_191 = arith.constant 0 : i32
      %dma_start3A_192 = arith.constant 0 : i32
      %dma_start3A_193 = tpu.memref_slice %arg9[%dma_start3A_191, %dma_start3A_192] : memref<10112x16xf32, #tpu.memory_space<vmem_shared>> -> memref<10112x16xf32, #tpu.memory_space<vmem_shared>>
      tpu.enqueue_indirect_dma source(%dma_start3A_193 : memref<10112x16xf32, #tpu.memory_space<vmem_shared>>) target(%dma_start3A_187 : memref<128x16xf32, #tpu.memory_space<vmem>>) offsets(%dma_start3A_190 : memref<128xi32, #tpu.memory_space<vmem>>) semaphore(%arg13 : memref<!tpu.dma_semaphore, #tpu.memory_space<semaphore_mem>>)
      %dma_start3A_194 = arith.constant 0 : i32
      %dma_start3A_195 = arith.constant 3 : i32
      %dma_start3A_196 = arith.constant 0 : i32
      %dma_start3A_197 = arith.constant 3 : i32
      %dma_start3A_198 = arith.constant 0 : i32
      %dma_start3A_199 = arith.constant 0 : i32
      %dma_start3A_200 = tpu.memref_slice %arg8[%dma_start3A_196, %dma_start3A_197, %dma_start3A_198, %dma_start3A_199] : memref<2x8x128x16xf32, #tpu.memory_space<vmem>> -> memref<1x1x128x16xf32, #tpu.memory_space<vmem>>
      %dma_start3A_201 = tpu.memref_squeeze %dma_start3A_200 : memref<1x1x128x16xf32, #tpu.memory_space<vmem>> -> memref<128x16xf32, #tpu.memory_space<vmem>>
      %dma_start3A_202 = arith.constant 0 : i32
      %dma_start3A_203 = tpu.memref_slice %arg6[%dma_start3A_194, %dma_start3A_195, %dma_start3A_202] : memref<2x8x128xi32, #tpu.memory_space<vmem>> -> memref<1x1x128xi32, #tpu.memory_space<vmem>>
      %dma_start3A_204 = tpu.memref_squeeze %dma_start3A_203 : memref<1x1x128xi32, #tpu.memory_space<vmem>> -> memref<128xi32, #tpu.memory_space<vmem>>
      %dma_start3A_205 = arith.constant 0 : i32
      %dma_start3A_206 = arith.constant 0 : i32
      %dma_start3A_207 = tpu.memref_slice %arg9[%dma_start3A_205, %dma_start3A_206] : memref<10112x16xf32, #tpu.memory_space<vmem_shared>> -> memref<10112x16xf32, #tpu.memory_space<vmem_shared>>
      tpu.enqueue_indirect_dma source(%dma_start3A_207 : memref<10112x16xf32, #tpu.memory_space<vmem_shared>>) target(%dma_start3A_201 : memref<128x16xf32, #tpu.memory_space<vmem>>) offsets(%dma_start3A_204 : memref<128xi32, #tpu.memory_space<vmem>>) semaphore(%arg13 : memref<!tpu.dma_semaphore, #tpu.memory_space<semaphore_mem>>)
      %dma_start3A_208 = arith.constant 0 : i32
      %dma_start3A_209 = arith.constant 4 : i32
      %dma_start3A_210 = arith.constant 0 : i32
      %dma_start3A_211 = arith.constant 4 : i32
      %dma_start3A_212 = arith.constant 0 : i32
      %dma_start3A_213 = arith.constant 0 : i32
      %dma_start3A_214 = tpu.memref_slice %arg8[%dma_start3A_210, %dma_start3A_211, %dma_start3A_212, %dma_start3A_213] : memref<2x8x128x16xf32, #tpu.memory_space<vmem>> -> memref<1x1x128x16xf32, #tpu.memory_space<vmem>>
      %dma_start3A_215 = tpu.memref_squeeze %dma_start3A_214 : memref<1x1x128x16xf32, #tpu.memory_space<vmem>> -> memref<128x16xf32, #tpu.memory_space<vmem>>
      %dma_start3A_216 = arith.constant 0 : i32
      %dma_start3A_217 = tpu.memref_slice %arg6[%dma_start3A_208, %dma_start3A_209, %dma_start3A_216] : memref<2x8x128xi32, #tpu.memory_space<vmem>> -> memref<1x1x128xi32, #tpu.memory_space<vmem>>
      %dma_start3A_218 = tpu.memref_squeeze %dma_start3A_217 : memref<1x1x128xi32, #tpu.memory_space<vmem>> -> memref<128xi32, #tpu.memory_space<vmem>>
      %dma_start3A_219 = arith.constant 0 : i32
      %dma_start3A_220 = arith.constant 0 : i32
      %dma_start3A_221 = tpu.memref_slice %arg9[%dma_start3A_219, %dma_start3A_220] : memref<10112x16xf32, #tpu.memory_space<vmem_shared>> -> memref<10112x16xf32, #tpu.memory_space<vmem_shared>>
      tpu.enqueue_indirect_dma source(%dma_start3A_221 : memref<10112x16xf32, #tpu.memory_space<vmem_shared>>) target(%dma_start3A_215 : memref<128x16xf32, #tpu.memory_space<vmem>>) offsets(%dma_start3A_218 : memref<128xi32, #tpu.memory_space<vmem>>) semaphore(%arg13 : memref<!tpu.dma_semaphore, #tpu.memory_space<semaphore_mem>>)
      %dma_start3A_222 = arith.constant 0 : i32
      %dma_start3A_223 = arith.constant 5 : i32
      %dma_start3A_224 = arith.constant 0 : i32
      %dma_start3A_225 = arith.constant 5 : i32
      %dma_start3A_226 = arith.constant 0 : i32
      %dma_start3A_227 = arith.constant 0 : i32
      %dma_start3A_228 = tpu.memref_slice %arg8[%dma_start3A_224, %dma_start3A_225, %dma_start3A_226, %dma_start3A_227] : memref<2x8x128x16xf32, #tpu.memory_space<vmem>> -> memref<1x1x128x16xf32, #tpu.memory_space<vmem>>
      %dma_start3A_229 = tpu.memref_squeeze %dma_start3A_228 : memref<1x1x128x16xf32, #tpu.memory_space<vmem>> -> memref<128x16xf32, #tpu.memory_space<vmem>>
      %dma_start3A_230 = arith.constant 0 : i32
      %dma_start3A_231 = tpu.memref_slice %arg6[%dma_start3A_222, %dma_start3A_223, %dma_start3A_230] : memref<2x8x128xi32, #tpu.memory_space<vmem>> -> memref<1x1x128xi32, #tpu.memory_space<vmem>>
      %dma_start3A_232 = tpu.memref_squeeze %dma_start3A_231 : memref<1x1x128xi32, #tpu.memory_space<vmem>> -> memref<128xi32, #tpu.memory_space<vmem>>
      %dma_start3A_233 = arith.constant 0 : i32
      %dma_start3A_234 = arith.constant 0 : i32
      %dma_start3A_235 = tpu.memref_slice %arg9[%dma_start3A_233, %dma_start3A_234] : memref<10112x16xf32, #tpu.memory_space<vmem_shared>> -> memref<10112x16xf32, #tpu.memory_space<vmem_shared>>
      tpu.enqueue_indirect_dma source(%dma_start3A_235 : memref<10112x16xf32, #tpu.memory_space<vmem_shared>>) target(%dma_start3A_229 : memref<128x16xf32, #tpu.memory_space<vmem>>) offsets(%dma_start3A_232 : memref<128xi32, #tpu.memory_space<vmem>>) semaphore(%arg13 : memref<!tpu.dma_semaphore, #tpu.memory_space<semaphore_mem>>)
      %dma_start3A_236 = arith.constant 0 : i32
      %dma_start3A_237 = arith.constant 6 : i32
      %dma_start3A_238 = arith.constant 0 : i32
      %dma_start3A_239 = arith.constant 6 : i32
      %dma_start3A_240 = arith.constant 0 : i32
      %dma_start3A_241 = arith.constant 0 : i32
      %dma_start3A_242 = tpu.memref_slice %arg8[%dma_start3A_238, %dma_start3A_239, %dma_start3A_240, %dma_start3A_241] : memref<2x8x128x16xf32, #tpu.memory_space<vmem>> -> memref<1x1x128x16xf32, #tpu.memory_space<vmem>>
      %dma_start3A_243 = tpu.memref_squeeze %dma_start3A_242 : memref<1x1x128x16xf32, #tpu.memory_space<vmem>> -> memref<128x16xf32, #tpu.memory_space<vmem>>
      %dma_start3A_244 = arith.constant 0 : i32
      %dma_start3A_245 = tpu.memref_slice %arg6[%dma_start3A_236, %dma_start3A_237, %dma_start3A_244] : memref<2x8x128xi32, #tpu.memory_space<vmem>> -> memref<1x1x128xi32, #tpu.memory_space<vmem>>
      %dma_start3A_246 = tpu.memref_squeeze %dma_start3A_245 : memref<1x1x128xi32, #tpu.memory_space<vmem>> -> memref<128xi32, #tpu.memory_space<vmem>>
      %dma_start3A_247 = arith.constant 0 : i32
      %dma_start3A_248 = arith.constant 0 : i32
      %dma_start3A_249 = tpu.memref_slice %arg9[%dma_start3A_247, %dma_start3A_248] : memref<10112x16xf32, #tpu.memory_space<vmem_shared>> -> memref<10112x16xf32, #tpu.memory_space<vmem_shared>>
      tpu.enqueue_indirect_dma source(%dma_start3A_249 : memref<10112x16xf32, #tpu.memory_space<vmem_shared>>) target(%dma_start3A_243 : memref<128x16xf32, #tpu.memory_space<vmem>>) offsets(%dma_start3A_246 : memref<128xi32, #tpu.memory_space<vmem>>) semaphore(%arg13 : memref<!tpu.dma_semaphore, #tpu.memory_space<semaphore_mem>>)
      %dma_start3A_250 = arith.constant 0 : i32
      %dma_start3A_251 = arith.constant 7 : i32
      %dma_start3A_252 = arith.constant 0 : i32
      %dma_start3A_253 = arith.constant 7 : i32
      %dma_start3A_254 = arith.constant 0 : i32
      %dma_start3A_255 = arith.constant 0 : i32
      %dma_start3A_256 = tpu.memref_slice %arg8[%dma_start3A_252, %dma_start3A_253, %dma_start3A_254, %dma_start3A_255] : memref<2x8x128x16xf32, #tpu.memory_space<vmem>> -> memref<1x1x128x16xf32, #tpu.memory_space<vmem>>
      %dma_start3A_257 = tpu.memref_squeeze %dma_start3A_256 : memref<1x1x128x16xf32, #tpu.memory_space<vmem>> -> memref<128x16xf32, #tpu.memory_space<vmem>>
      %dma_start3A_258 = arith.constant 0 : i32
      %dma_start3A_259 = tpu.memref_slice %arg6[%dma_start3A_250, %dma_start3A_251, %dma_start3A_258] : memref<2x8x128xi32, #tpu.memory_space<vmem>> -> memref<1x1x128xi32, #tpu.memory_space<vmem>>
      %dma_start3A_260 = tpu.memref_squeeze %dma_start3A_259 : memref<1x1x128xi32, #tpu.memory_space<vmem>> -> memref<128xi32, #tpu.memory_space<vmem>>
      %dma_start3A_261 = arith.constant 0 : i32
      %dma_start3A_262 = arith.constant 0 : i32
      %dma_start3A_263 = tpu.memref_slice %arg9[%dma_start3A_261, %dma_start3A_262] : memref<10112x16xf32, #tpu.memory_space<vmem_shared>> -> memref<10112x16xf32, #tpu.memory_space<vmem_shared>>
      tpu.enqueue_indirect_dma source(%dma_start3A_263 : memref<10112x16xf32, #tpu.memory_space<vmem_shared>>) target(%dma_start3A_257 : memref<128x16xf32, #tpu.memory_space<vmem>>) offsets(%dma_start3A_260 : memref<128xi32, #tpu.memory_space<vmem>>) semaphore(%arg13 : memref<!tpu.dma_semaphore, #tpu.memory_space<semaphore_mem>>)
      %dma_wait3A_264 = arith.constant 0 : i32
      %dma_wait3A_265 = arith.constant 0 : i32
      %dma_wait3A_266 = arith.constant 0 : i32
      %dma_wait3A_267 = arith.constant 0 : i32
      %dma_wait3A_268 = arith.constant 0 : i32
      %dma_wait3A_269 = arith.constant 0 : i32
      %dma_wait3A_270 = tpu.memref_slice %arg8[%dma_wait3A_266, %dma_wait3A_267, %dma_wait3A_268, %dma_wait3A_269] : memref<2x8x128x16xf32, #tpu.memory_space<vmem>> -> memref<1x1x128x16xf32, #tpu.memory_space<vmem>>
      %dma_wait3A_271 = tpu.memref_squeeze %dma_wait3A_270 : memref<1x1x128x16xf32, #tpu.memory_space<vmem>> -> memref<128x16xf32, #tpu.memory_space<vmem>>
      %dma_wait3A_272 = arith.constant 0 : i32
      %dma_wait3A_273 = tpu.memref_slice %arg6[%dma_wait3A_264, %dma_wait3A_265, %dma_wait3A_272] : memref<2x8x128xi32, #tpu.memory_space<vmem>> -> memref<1x1x128xi32, #tpu.memory_space<vmem>>
      %dma_wait3A_274 = tpu.memref_squeeze %dma_wait3A_273 : memref<1x1x128xi32, #tpu.memory_space<vmem>> -> memref<128xi32, #tpu.memory_space<vmem>>
      %dma_wait3A_275 = arith.constant 0 : i32
      %dma_wait3A_276 = arith.constant 0 : i32
      %dma_wait3A_277 = tpu.memref_slice %arg9[%dma_wait3A_275, %dma_wait3A_276] : memref<10112x16xf32, #tpu.memory_space<vmem_shared>> -> memref<10112x16xf32, #tpu.memory_space<vmem_shared>>
      tpu.wait_indirect_dma semaphore(%arg13 : memref<!tpu.dma_semaphore, #tpu.memory_space<semaphore_mem>>) src(%dma_wait3A_277 : memref<10112x16xf32, #tpu.memory_space<vmem_shared>>) dst(%dma_wait3A_271 : memref<128x16xf32, #tpu.memory_space<vmem>>)
      %dma_wait3A_278 = arith.constant 0 : i32
      %dma_wait3A_279 = arith.constant 1 : i32
      %dma_wait3A_280 = arith.constant 0 : i32
      %dma_wait3A_281 = arith.constant 1 : i32
      %dma_wait3A_282 = arith.constant 0 : i32
      %dma_wait3A_283 = arith.constant 0 : i32
      %dma_wait3A_284 = tpu.memref_slice %arg8[%dma_wait3A_280, %dma_wait3A_281, %dma_wait3A_282, %dma_wait3A_283] : memref<2x8x128x16xf32, #tpu.memory_space<vmem>> -> memref<1x1x128x16xf32, #tpu.memory_space<vmem>>
      %dma_wait3A_285 = tpu.memref_squeeze %dma_wait3A_284 : memref<1x1x128x16xf32, #tpu.memory_space<vmem>> -> memref<128x16xf32, #tpu.memory_space<vmem>>
      %dma_wait3A_286 = arith.constant 0 : i32
      %dma_wait3A_287 = tpu.memref_slice %arg6[%dma_wait3A_278, %dma_wait3A_279, %dma_wait3A_286] : memref<2x8x128xi32, #tpu.memory_space<vmem>> -> memref<1x1x128xi32, #tpu.memory_space<vmem>>
      %dma_wait3A_288 = tpu.memref_squeeze %dma_wait3A_287 : memref<1x1x128xi32, #tpu.memory_space<vmem>> -> memref<128xi32, #tpu.memory_space<vmem>>
      %dma_wait3A_289 = arith.constant 0 : i32
      %dma_wait3A_290 = arith.constant 0 : i32
      %dma_wait3A_291 = tpu.memref_slice %arg9[%dma_wait3A_289, %dma_wait3A_290] : memref<10112x16xf32, #tpu.memory_space<vmem_shared>> -> memref<10112x16xf32, #tpu.memory_space<vmem_shared>>
      tpu.wait_indirect_dma semaphore(%arg13 : memref<!tpu.dma_semaphore, #tpu.memory_space<semaphore_mem>>) src(%dma_wait3A_291 : memref<10112x16xf32, #tpu.memory_space<vmem_shared>>) dst(%dma_wait3A_285 : memref<128x16xf32, #tpu.memory_space<vmem>>)
      %dma_wait3A_292 = arith.constant 0 : i32
      %dma_wait3A_293 = arith.constant 2 : i32
      %dma_wait3A_294 = arith.constant 0 : i32
      %dma_wait3A_295 = arith.constant 2 : i32
      %dma_wait3A_296 = arith.constant 0 : i32
      %dma_wait3A_297 = arith.constant 0 : i32
      %dma_wait3A_298 = tpu.memref_slice %arg8[%dma_wait3A_294, %dma_wait3A_295, %dma_wait3A_296, %dma_wait3A_297] : memref<2x8x128x16xf32, #tpu.memory_space<vmem>> -> memref<1x1x128x16xf32, #tpu.memory_space<vmem>>
      %dma_wait3A_299 = tpu.memref_squeeze %dma_wait3A_298 : memref<1x1x128x16xf32, #tpu.memory_space<vmem>> -> memref<128x16xf32, #tpu.memory_space<vmem>>
      %dma_wait3A_300 = arith.constant 0 : i32
      %dma_wait3A_301 = tpu.memref_slice %arg6[%dma_wait3A_292, %dma_wait3A_293, %dma_wait3A_300] : memref<2x8x128xi32, #tpu.memory_space<vmem>> -> memref<1x1x128xi32, #tpu.memory_space<vmem>>
      %dma_wait3A_302 = tpu.memref_squeeze %dma_wait3A_301 : memref<1x1x128xi32, #tpu.memory_space<vmem>> -> memref<128xi32, #tpu.memory_space<vmem>>
      %dma_wait3A_303 = arith.constant 0 : i32
      %dma_wait3A_304 = arith.constant 0 : i32
      %dma_wait3A_305 = tpu.memref_slice %arg9[%dma_wait3A_303, %dma_wait3A_304] : memref<10112x16xf32, #tpu.memory_space<vmem_shared>> -> memref<10112x16xf32, #tpu.memory_space<vmem_shared>>
      tpu.wait_indirect_dma semaphore(%arg13 : memref<!tpu.dma_semaphore, #tpu.memory_space<semaphore_mem>>) src(%dma_wait3A_305 : memref<10112x16xf32, #tpu.memory_space<vmem_shared>>) dst(%dma_wait3A_299 : memref<128x16xf32, #tpu.memory_space<vmem>>)
      %dma_wait3A_306 = arith.constant 0 : i32
      %dma_wait3A_307 = arith.constant 3 : i32
      %dma_wait3A_308 = arith.constant 0 : i32
      %dma_wait3A_309 = arith.constant 3 : i32
      %dma_wait3A_310 = arith.constant 0 : i32
      %dma_wait3A_311 = arith.constant 0 : i32
      %dma_wait3A_312 = tpu.memref_slice %arg8[%dma_wait3A_308, %dma_wait3A_309, %dma_wait3A_310, %dma_wait3A_311] : memref<2x8x128x16xf32, #tpu.memory_space<vmem>> -> memref<1x1x128x16xf32, #tpu.memory_space<vmem>>
      %dma_wait3A_313 = tpu.memref_squeeze %dma_wait3A_312 : memref<1x1x128x16xf32, #tpu.memory_space<vmem>> -> memref<128x16xf32, #tpu.memory_space<vmem>>
      %dma_wait3A_314 = arith.constant 0 : i32
      %dma_wait3A_315 = tpu.memref_slice %arg6[%dma_wait3A_306, %dma_wait3A_307, %dma_wait3A_314] : memref<2x8x128xi32, #tpu.memory_space<vmem>> -> memref<1x1x128xi32, #tpu.memory_space<vmem>>
      %dma_wait3A_316 = tpu.memref_squeeze %dma_wait3A_315 : memref<1x1x128xi32, #tpu.memory_space<vmem>> -> memref<128xi32, #tpu.memory_space<vmem>>
      %dma_wait3A_317 = arith.constant 0 : i32
      %dma_wait3A_318 = arith.constant 0 : i32
      %dma_wait3A_319 = tpu.memref_slice %arg9[%dma_wait3A_317, %dma_wait3A_318] : memref<10112x16xf32, #tpu.memory_space<vmem_shared>> -> memref<10112x16xf32, #tpu.memory_space<vmem_shared>>
      tpu.wait_indirect_dma semaphore(%arg13 : memref<!tpu.dma_semaphore, #tpu.memory_space<semaphore_mem>>) src(%dma_wait3A_319 : memref<10112x16xf32, #tpu.memory_space<vmem_shared>>) dst(%dma_wait3A_313 : memref<128x16xf32, #tpu.memory_space<vmem>>)
      %dma_wait3A_320 = arith.constant 0 : i32
      %dma_wait3A_321 = arith.constant 4 : i32
      %dma_wait3A_322 = arith.constant 0 : i32
      %dma_wait3A_323 = arith.constant 4 : i32
      %dma_wait3A_324 = arith.constant 0 : i32
      %dma_wait3A_325 = arith.constant 0 : i32
      %dma_wait3A_326 = tpu.memref_slice %arg8[%dma_wait3A_322, %dma_wait3A_323, %dma_wait3A_324, %dma_wait3A_325] : memref<2x8x128x16xf32, #tpu.memory_space<vmem>> -> memref<1x1x128x16xf32, #tpu.memory_space<vmem>>
      %dma_wait3A_327 = tpu.memref_squeeze %dma_wait3A_326 : memref<1x1x128x16xf32, #tpu.memory_space<vmem>> -> memref<128x16xf32, #tpu.memory_space<vmem>>
      %dma_wait3A_328 = arith.constant 0 : i32
      %dma_wait3A_329 = tpu.memref_slice %arg6[%dma_wait3A_320, %dma_wait3A_321, %dma_wait3A_328] : memref<2x8x128xi32, #tpu.memory_space<vmem>> -> memref<1x1x128xi32, #tpu.memory_space<vmem>>
      %dma_wait3A_330 = tpu.memref_squeeze %dma_wait3A_329 : memref<1x1x128xi32, #tpu.memory_space<vmem>> -> memref<128xi32, #tpu.memory_space<vmem>>
      %dma_wait3A_331 = arith.constant 0 : i32
      %dma_wait3A_332 = arith.constant 0 : i32
      %dma_wait3A_333 = tpu.memref_slice %arg9[%dma_wait3A_331, %dma_wait3A_332] : memref<10112x16xf32, #tpu.memory_space<vmem_shared>> -> memref<10112x16xf32, #tpu.memory_space<vmem_shared>>
      tpu.wait_indirect_dma semaphore(%arg13 : memref<!tpu.dma_semaphore, #tpu.memory_space<semaphore_mem>>) src(%dma_wait3A_333 : memref<10112x16xf32, #tpu.memory_space<vmem_shared>>) dst(%dma_wait3A_327 : memref<128x16xf32, #tpu.memory_space<vmem>>)
      %dma_wait3A_334 = arith.constant 0 : i32
      %dma_wait3A_335 = arith.constant 5 : i32
      %dma_wait3A_336 = arith.constant 0 : i32
      %dma_wait3A_337 = arith.constant 5 : i32
      %dma_wait3A_338 = arith.constant 0 : i32
      %dma_wait3A_339 = arith.constant 0 : i32
      %dma_wait3A_340 = tpu.memref_slice %arg8[%dma_wait3A_336, %dma_wait3A_337, %dma_wait3A_338, %dma_wait3A_339] : memref<2x8x128x16xf32, #tpu.memory_space<vmem>> -> memref<1x1x128x16xf32, #tpu.memory_space<vmem>>
      %dma_wait3A_341 = tpu.memref_squeeze %dma_wait3A_340 : memref<1x1x128x16xf32, #tpu.memory_space<vmem>> -> memref<128x16xf32, #tpu.memory_space<vmem>>
      %dma_wait3A_342 = arith.constant 0 : i32
      %dma_wait3A_343 = tpu.memref_slice %arg6[%dma_wait3A_334, %dma_wait3A_335, %dma_wait3A_342] : memref<2x8x128xi32, #tpu.memory_space<vmem>> -> memref<1x1x128xi32, #tpu.memory_space<vmem>>
      %dma_wait3A_344 = tpu.memref_squeeze %dma_wait3A_343 : memref<1x1x128xi32, #tpu.memory_space<vmem>> -> memref<128xi32, #tpu.memory_space<vmem>>
      %dma_wait3A_345 = arith.constant 0 : i32
      %dma_wait3A_346 = arith.constant 0 : i32
      %dma_wait3A_347 = tpu.memref_slice %arg9[%dma_wait3A_345, %dma_wait3A_346] : memref<10112x16xf32, #tpu.memory_space<vmem_shared>> -> memref<10112x16xf32, #tpu.memory_space<vmem_shared>>
      tpu.wait_indirect_dma semaphore(%arg13 : memref<!tpu.dma_semaphore, #tpu.memory_space<semaphore_mem>>) src(%dma_wait3A_347 : memref<10112x16xf32, #tpu.memory_space<vmem_shared>>) dst(%dma_wait3A_341 : memref<128x16xf32, #tpu.memory_space<vmem>>)
      %dma_wait3A_348 = arith.constant 0 : i32
      %dma_wait3A_349 = arith.constant 6 : i32
      %dma_wait3A_350 = arith.constant 0 : i32
      %dma_wait3A_351 = arith.constant 6 : i32
      %dma_wait3A_352 = arith.constant 0 : i32
      %dma_wait3A_353 = arith.constant 0 : i32
      %dma_wait3A_354 = tpu.memref_slice %arg8[%dma_wait3A_350, %dma_wait3A_351, %dma_wait3A_352, %dma_wait3A_353] : memref<2x8x128x16xf32, #tpu.memory_space<vmem>> -> memref<1x1x128x16xf32, #tpu.memory_space<vmem>>
      %dma_wait3A_355 = tpu.memref_squeeze %dma_wait3A_354 : memref<1x1x128x16xf32, #tpu.memory_space<vmem>> -> memref<128x16xf32, #tpu.memory_space<vmem>>
      %dma_wait3A_356 = arith.constant 0 : i32
      %dma_wait3A_357 = tpu.memref_slice %arg6[%dma_wait3A_348, %dma_wait3A_349, %dma_wait3A_356] : memref<2x8x128xi32, #tpu.memory_space<vmem>> -> memref<1x1x128xi32, #tpu.memory_space<vmem>>
      %dma_wait3A_358 = tpu.memref_squeeze %dma_wait3A_357 : memref<1x1x128xi32, #tpu.memory_space<vmem>> -> memref<128xi32, #tpu.memory_space<vmem>>
      %dma_wait3A_359 = arith.constant 0 : i32
      %dma_wait3A_360 = arith.constant 0 : i32
      %dma_wait3A_361 = tpu.memref_slice %arg9[%dma_wait3A_359, %dma_wait3A_360] : memref<10112x16xf32, #tpu.memory_space<vmem_shared>> -> memref<10112x16xf32, #tpu.memory_space<vmem_shared>>
      tpu.wait_indirect_dma semaphore(%arg13 : memref<!tpu.dma_semaphore, #tpu.memory_space<semaphore_mem>>) src(%dma_wait3A_361 : memref<10112x16xf32, #tpu.memory_space<vmem_shared>>) dst(%dma_wait3A_355 : memref<128x16xf32, #tpu.memory_space<vmem>>)
      %dma_wait3A_362 = arith.constant 0 : i32
      %dma_wait3A_363 = arith.constant 7 : i32
      %dma_wait3A_364 = arith.constant 0 : i32
      %dma_wait3A_365 = arith.constant 7 : i32
      %dma_wait3A_366 = arith.constant 0 : i32
      %dma_wait3A_367 = arith.constant 0 : i32
      %dma_wait3A_368 = tpu.memref_slice %arg8[%dma_wait3A_364, %dma_wait3A_365, %dma_wait3A_366, %dma_wait3A_367] : memref<2x8x128x16xf32, #tpu.memory_space<vmem>> -> memref<1x1x128x16xf32, #tpu.memory_space<vmem>>
      %dma_wait3A_369 = tpu.memref_squeeze %dma_wait3A_368 : memref<1x1x128x16xf32, #tpu.memory_space<vmem>> -> memref<128x16xf32, #tpu.memory_space<vmem>>
      %dma_wait3A_370 = arith.constant 0 : i32
      %dma_wait3A_371 = tpu.memref_slice %arg6[%dma_wait3A_362, %dma_wait3A_363, %dma_wait3A_370] : memref<2x8x128xi32, #tpu.memory_space<vmem>> -> memref<1x1x128xi32, #tpu.memory_space<vmem>>
      %dma_wait3A_372 = tpu.memref_squeeze %dma_wait3A_371 : memref<1x1x128xi32, #tpu.memory_space<vmem>> -> memref<128xi32, #tpu.memory_space<vmem>>
      %dma_wait3A_373 = arith.constant 0 : i32
      %dma_wait3A_374 = arith.constant 0 : i32
      %dma_wait3A_375 = tpu.memref_slice %arg9[%dma_wait3A_373, %dma_wait3A_374] : memref<10112x16xf32, #tpu.memory_space<vmem_shared>> -> memref<10112x16xf32, #tpu.memory_space<vmem_shared>>
      tpu.wait_indirect_dma semaphore(%arg13 : memref<!tpu.dma_semaphore, #tpu.memory_space<semaphore_mem>>) src(%dma_wait3A_375 : memref<10112x16xf32, #tpu.memory_space<vmem_shared>>) dst(%dma_wait3A_369 : memref<128x16xf32, #tpu.memory_space<vmem>>)
      %dma_start3A_376 = arith.constant 0 : i32
      %dma_start3A_377 = arith.constant 0 : i32
      %dma_start3A_378 = arith.constant 0 : i32
      %dma_start3A_379 = arith.constant 0 : i32
      %dma_start3A_380 = arith.constant 0 : i32
      %dma_start3A_381 = arith.constant 0 : i32
      %dma_start3A_382 = tpu.memref_slice %arg8[%dma_start3A_376, %dma_start3A_377, %dma_start3A_380, %dma_start3A_381] : memref<2x8x128x16xf32, #tpu.memory_space<vmem>> -> memref<1x1x128x16xf32, #tpu.memory_space<vmem>>
      %dma_start3A_383 = tpu.memref_squeeze %dma_start3A_382 : memref<1x1x128x16xf32, #tpu.memory_space<vmem>> -> memref<128x16xf32, #tpu.memory_space<vmem>>
      %dma_start3A_384 = arith.constant 0 : i32
      %dma_start3A_385 = tpu.memref_slice %arg7[%dma_start3A_378, %dma_start3A_379, %dma_start3A_384] : memref<2x8x128xi32, #tpu.memory_space<vmem>> -> memref<1x1x128xi32, #tpu.memory_space<vmem>>
      %dma_start3A_386 = tpu.memref_squeeze %dma_start3A_385 : memref<1x1x128xi32, #tpu.memory_space<vmem>> -> memref<128xi32, #tpu.memory_space<vmem>>
      %dma_start3A_387 = arith.constant 0 : i32
      %dma_start3A_388 = arith.constant 0 : i32
      %dma_start3A_389 = tpu.memref_slice %arg10[%dma_start3A_387, %dma_start3A_388] : memref<10112x16xf32, #tpu.memory_space<vmem_shared>> -> memref<10112x16xf32, #tpu.memory_space<vmem_shared>>
      tpu.enqueue_indirect_dma source(%dma_start3A_383 : memref<128x16xf32, #tpu.memory_space<vmem>>) target(%dma_start3A_389 : memref<10112x16xf32, #tpu.memory_space<vmem_shared>>) offsets(%dma_start3A_386 : memref<128xi32, #tpu.memory_space<vmem>>) semaphore(%arg14 : memref<!tpu.dma_semaphore, #tpu.memory_space<semaphore_mem>>) {add = true}
      %dma_start3A_390 = arith.constant 0 : i32
      %dma_start3A_391 = arith.constant 1 : i32
      %dma_start3A_392 = arith.constant 0 : i32
      %dma_start3A_393 = arith.constant 1 : i32
      %dma_start3A_394 = arith.constant 0 : i32
      %dma_start3A_395 = arith.constant 0 : i32
      %dma_start3A_396 = tpu.memref_slice %arg8[%dma_start3A_390, %dma_start3A_391, %dma_start3A_394, %dma_start3A_395] : memref<2x8x128x16xf32, #tpu.memory_space<vmem>> -> memref<1x1x128x16xf32, #tpu.memory_space<vmem>>
      %dma_start3A_397 = tpu.memref_squeeze %dma_start3A_396 : memref<1x1x128x16xf32, #tpu.memory_space<vmem>> -> memref<128x16xf32, #tpu.memory_space<vmem>>
      %dma_start3A_398 = arith.constant 0 : i32
      %dma_start3A_399 = tpu.memref_slice %arg7[%dma_start3A_392, %dma_start3A_393, %dma_start3A_398] : memref<2x8x128xi32, #tpu.memory_space<vmem>> -> memref<1x1x128xi32, #tpu.memory_space<vmem>>
      %dma_start3A_400 = tpu.memref_squeeze %dma_start3A_399 : memref<1x1x128xi32, #tpu.memory_space<vmem>> -> memref<128xi32, #tpu.memory_space<vmem>>
      %dma_start3A_401 = arith.constant 0 : i32
      %dma_start3A_402 = arith.constant 0 : i32
      %dma_start3A_403 = tpu.memref_slice %arg10[%dma_start3A_401, %dma_start3A_402] : memref<10112x16xf32, #tpu.memory_space<vmem_shared>> -> memref<10112x16xf32, #tpu.memory_space<vmem_shared>>
      tpu.enqueue_indirect_dma source(%dma_start3A_397 : memref<128x16xf32, #tpu.memory_space<vmem>>) target(%dma_start3A_403 : memref<10112x16xf32, #tpu.memory_space<vmem_shared>>) offsets(%dma_start3A_400 : memref<128xi32, #tpu.memory_space<vmem>>) semaphore(%arg14 : memref<!tpu.dma_semaphore, #tpu.memory_space<semaphore_mem>>) {add = true}
      %dma_start3A_404 = arith.constant 0 : i32
      %dma_start3A_405 = arith.constant 2 : i32
      %dma_start3A_406 = arith.constant 0 : i32
      %dma_start3A_407 = arith.constant 2 : i32
      %dma_start3A_408 = arith.constant 0 : i32
      %dma_start3A_409 = arith.constant 0 : i32
      %dma_start3A_410 = tpu.memref_slice %arg8[%dma_start3A_404, %dma_start3A_405, %dma_start3A_408, %dma_start3A_409] : memref<2x8x128x16xf32, #tpu.memory_space<vmem>> -> memref<1x1x128x16xf32, #tpu.memory_space<vmem>>
      %dma_start3A_411 = tpu.memref_squeeze %dma_start3A_410 : memref<1x1x128x16xf32, #tpu.memory_space<vmem>> -> memref<128x16xf32, #tpu.memory_space<vmem>>
      %dma_start3A_412 = arith.constant 0 : i32
      %dma_start3A_413 = tpu.memref_slice %arg7[%dma_start3A_406, %dma_start3A_407, %dma_start3A_412] : memref<2x8x128xi32, #tpu.memory_space<vmem>> -> memref<1x1x128xi32, #tpu.memory_space<vmem>>
      %dma_start3A_414 = tpu.memref_squeeze %dma_start3A_413 : memref<1x1x128xi32, #tpu.memory_space<vmem>> -> memref<128xi32, #tpu.memory_space<vmem>>
      %dma_start3A_415 = arith.constant 0 : i32
      %dma_start3A_416 = arith.constant 0 : i32
      %dma_start3A_417 = tpu.memref_slice %arg10[%dma_start3A_415, %dma_start3A_416] : memref<10112x16xf32, #tpu.memory_space<vmem_shared>> -> memref<10112x16xf32, #tpu.memory_space<vmem_shared>>
      tpu.enqueue_indirect_dma source(%dma_start3A_411 : memref<128x16xf32, #tpu.memory_space<vmem>>) target(%dma_start3A_417 : memref<10112x16xf32, #tpu.memory_space<vmem_shared>>) offsets(%dma_start3A_414 : memref<128xi32, #tpu.memory_space<vmem>>) semaphore(%arg14 : memref<!tpu.dma_semaphore, #tpu.memory_space<semaphore_mem>>) {add = true}
      %dma_start3A_418 = arith.constant 0 : i32
      %dma_start3A_419 = arith.constant 3 : i32
      %dma_start3A_420 = arith.constant 0 : i32
      %dma_start3A_421 = arith.constant 3 : i32
      %dma_start3A_422 = arith.constant 0 : i32
      %dma_start3A_423 = arith.constant 0 : i32
      %dma_start3A_424 = tpu.memref_slice %arg8[%dma_start3A_418, %dma_start3A_419, %dma_start3A_422, %dma_start3A_423] : memref<2x8x128x16xf32, #tpu.memory_space<vmem>> -> memref<1x1x128x16xf32, #tpu.memory_space<vmem>>
      %dma_start3A_425 = tpu.memref_squeeze %dma_start3A_424 : memref<1x1x128x16xf32, #tpu.memory_space<vmem>> -> memref<128x16xf32, #tpu.memory_space<vmem>>
      %dma_start3A_426 = arith.constant 0 : i32
      %dma_start3A_427 = tpu.memref_slice %arg7[%dma_start3A_420, %dma_start3A_421, %dma_start3A_426] : memref<2x8x128xi32, #tpu.memory_space<vmem>> -> memref<1x1x128xi32, #tpu.memory_space<vmem>>
      %dma_start3A_428 = tpu.memref_squeeze %dma_start3A_427 : memref<1x1x128xi32, #tpu.memory_space<vmem>> -> memref<128xi32, #tpu.memory_space<vmem>>
      %dma_start3A_429 = arith.constant 0 : i32
      %dma_start3A_430 = arith.constant 0 : i32
      %dma_start3A_431 = tpu.memref_slice %arg10[%dma_start3A_429, %dma_start3A_430] : memref<10112x16xf32, #tpu.memory_space<vmem_shared>> -> memref<10112x16xf32, #tpu.memory_space<vmem_shared>>
      tpu.enqueue_indirect_dma source(%dma_start3A_425 : memref<128x16xf32, #tpu.memory_space<vmem>>) target(%dma_start3A_431 : memref<10112x16xf32, #tpu.memory_space<vmem_shared>>) offsets(%dma_start3A_428 : memref<128xi32, #tpu.memory_space<vmem>>) semaphore(%arg14 : memref<!tpu.dma_semaphore, #tpu.memory_space<semaphore_mem>>) {add = true}
      %dma_start3A_432 = arith.constant 0 : i32
      %dma_start3A_433 = arith.constant 4 : i32
      %dma_start3A_434 = arith.constant 0 : i32
      %dma_start3A_435 = arith.constant 4 : i32
      %dma_start3A_436 = arith.constant 0 : i32
      %dma_start3A_437 = arith.constant 0 : i32
      %dma_start3A_438 = tpu.memref_slice %arg8[%dma_start3A_432, %dma_start3A_433, %dma_start3A_436, %dma_start3A_437] : memref<2x8x128x16xf32, #tpu.memory_space<vmem>> -> memref<1x1x128x16xf32, #tpu.memory_space<vmem>>
      %dma_start3A_439 = tpu.memref_squeeze %dma_start3A_438 : memref<1x1x128x16xf32, #tpu.memory_space<vmem>> -> memref<128x16xf32, #tpu.memory_space<vmem>>
      %dma_start3A_440 = arith.constant 0 : i32
      %dma_start3A_441 = tpu.memref_slice %arg7[%dma_start3A_434, %dma_start3A_435, %dma_start3A_440] : memref<2x8x128xi32, #tpu.memory_space<vmem>> -> memref<1x1x128xi32, #tpu.memory_space<vmem>>
      %dma_start3A_442 = tpu.memref_squeeze %dma_start3A_441 : memref<1x1x128xi32, #tpu.memory_space<vmem>> -> memref<128xi32, #tpu.memory_space<vmem>>
      %dma_start3A_443 = arith.constant 0 : i32
      %dma_start3A_444 = arith.constant 0 : i32
      %dma_start3A_445 = tpu.memref_slice %arg10[%dma_start3A_443, %dma_start3A_444] : memref<10112x16xf32, #tpu.memory_space<vmem_shared>> -> memref<10112x16xf32, #tpu.memory_space<vmem_shared>>
      tpu.enqueue_indirect_dma source(%dma_start3A_439 : memref<128x16xf32, #tpu.memory_space<vmem>>) target(%dma_start3A_445 : memref<10112x16xf32, #tpu.memory_space<vmem_shared>>) offsets(%dma_start3A_442 : memref<128xi32, #tpu.memory_space<vmem>>) semaphore(%arg14 : memref<!tpu.dma_semaphore, #tpu.memory_space<semaphore_mem>>) {add = true}
      %dma_start3A_446 = arith.constant 0 : i32
      %dma_start3A_447 = arith.constant 5 : i32
      %dma_start3A_448 = arith.constant 0 : i32
      %dma_start3A_449 = arith.constant 5 : i32
      %dma_start3A_450 = arith.constant 0 : i32
      %dma_start3A_451 = arith.constant 0 : i32
      %dma_start3A_452 = tpu.memref_slice %arg8[%dma_start3A_446, %dma_start3A_447, %dma_start3A_450, %dma_start3A_451] : memref<2x8x128x16xf32, #tpu.memory_space<vmem>> -> memref<1x1x128x16xf32, #tpu.memory_space<vmem>>
      %dma_start3A_453 = tpu.memref_squeeze %dma_start3A_452 : memref<1x1x128x16xf32, #tpu.memory_space<vmem>> -> memref<128x16xf32, #tpu.memory_space<vmem>>
      %dma_start3A_454 = arith.constant 0 : i32
      %dma_start3A_455 = tpu.memref_slice %arg7[%dma_start3A_448, %dma_start3A_449, %dma_start3A_454] : memref<2x8x128xi32, #tpu.memory_space<vmem>> -> memref<1x1x128xi32, #tpu.memory_space<vmem>>
      %dma_start3A_456 = tpu.memref_squeeze %dma_start3A_455 : memref<1x1x128xi32, #tpu.memory_space<vmem>> -> memref<128xi32, #tpu.memory_space<vmem>>
      %dma_start3A_457 = arith.constant 0 : i32
      %dma_start3A_458 = arith.constant 0 : i32
      %dma_start3A_459 = tpu.memref_slice %arg10[%dma_start3A_457, %dma_start3A_458] : memref<10112x16xf32, #tpu.memory_space<vmem_shared>> -> memref<10112x16xf32, #tpu.memory_space<vmem_shared>>
      tpu.enqueue_indirect_dma source(%dma_start3A_453 : memref<128x16xf32, #tpu.memory_space<vmem>>) target(%dma_start3A_459 : memref<10112x16xf32, #tpu.memory_space<vmem_shared>>) offsets(%dma_start3A_456 : memref<128xi32, #tpu.memory_space<vmem>>) semaphore(%arg14 : memref<!tpu.dma_semaphore, #tpu.memory_space<semaphore_mem>>) {add = true}
      %dma_start3A_460 = arith.constant 0 : i32
      %dma_start3A_461 = arith.constant 6 : i32
      %dma_start3A_462 = arith.constant 0 : i32
      %dma_start3A_463 = arith.constant 6 : i32
      %dma_start3A_464 = arith.constant 0 : i32
      %dma_start3A_465 = arith.constant 0 : i32
      %dma_start3A_466 = tpu.memref_slice %arg8[%dma_start3A_460, %dma_start3A_461, %dma_start3A_464, %dma_start3A_465] : memref<2x8x128x16xf32, #tpu.memory_space<vmem>> -> memref<1x1x128x16xf32, #tpu.memory_space<vmem>>
      %dma_start3A_467 = tpu.memref_squeeze %dma_start3A_466 : memref<1x1x128x16xf32, #tpu.memory_space<vmem>> -> memref<128x16xf32, #tpu.memory_space<vmem>>
      %dma_start3A_468 = arith.constant 0 : i32
      %dma_start3A_469 = tpu.memref_slice %arg7[%dma_start3A_462, %dma_start3A_463, %dma_start3A_468] : memref<2x8x128xi32, #tpu.memory_space<vmem>> -> memref<1x1x128xi32, #tpu.memory_space<vmem>>
      %dma_start3A_470 = tpu.memref_squeeze %dma_start3A_469 : memref<1x1x128xi32, #tpu.memory_space<vmem>> -> memref<128xi32, #tpu.memory_space<vmem>>
      %dma_start3A_471 = arith.constant 0 : i32
      %dma_start3A_472 = arith.constant 0 : i32
      %dma_start3A_473 = tpu.memref_slice %arg10[%dma_start3A_471, %dma_start3A_472] : memref<10112x16xf32, #tpu.memory_space<vmem_shared>> -> memref<10112x16xf32, #tpu.memory_space<vmem_shared>>
      tpu.enqueue_indirect_dma source(%dma_start3A_467 : memref<128x16xf32, #tpu.memory_space<vmem>>) target(%dma_start3A_473 : memref<10112x16xf32, #tpu.memory_space<vmem_shared>>) offsets(%dma_start3A_470 : memref<128xi32, #tpu.memory_space<vmem>>) semaphore(%arg14 : memref<!tpu.dma_semaphore, #tpu.memory_space<semaphore_mem>>) {add = true}
      %dma_start3A_474 = arith.constant 0 : i32
      %dma_start3A_475 = arith.constant 7 : i32
      %dma_start3A_476 = arith.constant 0 : i32
      %dma_start3A_477 = arith.constant 7 : i32
      %dma_start3A_478 = arith.constant 0 : i32
      %dma_start3A_479 = arith.constant 0 : i32
      %dma_start3A_480 = tpu.memref_slice %arg8[%dma_start3A_474, %dma_start3A_475, %dma_start3A_478, %dma_start3A_479] : memref<2x8x128x16xf32, #tpu.memory_space<vmem>> -> memref<1x1x128x16xf32, #tpu.memory_space<vmem>>
      %dma_start3A_481 = tpu.memref_squeeze %dma_start3A_480 : memref<1x1x128x16xf32, #tpu.memory_space<vmem>> -> memref<128x16xf32, #tpu.memory_space<vmem>>
      %dma_start3A_482 = arith.constant 0 : i32
      %dma_start3A_483 = tpu.memref_slice %arg7[%dma_start3A_476, %dma_start3A_477, %dma_start3A_482] : memref<2x8x128xi32, #tpu.memory_space<vmem>> -> memref<1x1x128xi32, #tpu.memory_space<vmem>>
      %dma_start3A_484 = tpu.memref_squeeze %dma_start3A_483 : memref<1x1x128xi32, #tpu.memory_space<vmem>> -> memref<128xi32, #tpu.memory_space<vmem>>
      %dma_start3A_485 = arith.constant 0 : i32
      %dma_start3A_486 = arith.constant 0 : i32
      %dma_start3A_487 = tpu.memref_slice %arg10[%dma_start3A_485, %dma_start3A_486] : memref<10112x16xf32, #tpu.memory_space<vmem_shared>> -> memref<10112x16xf32, #tpu.memory_space<vmem_shared>>
      tpu.enqueue_indirect_dma source(%dma_start3A_481 : memref<128x16xf32, #tpu.memory_space<vmem>>) target(%dma_start3A_487 : memref<10112x16xf32, #tpu.memory_space<vmem_shared>>) offsets(%dma_start3A_484 : memref<128xi32, #tpu.memory_space<vmem>>) semaphore(%arg14 : memref<!tpu.dma_semaphore, #tpu.memory_space<semaphore_mem>>) {add = true}
      %dma_wait3A_488 = arith.constant 0 : i32
      %dma_wait3A_489 = arith.constant 1 : i32
      %dma_wait3A_490 = arith.constant 0 : i32
      %dma_wait3A_491 = arith.constant 0 : i32
      %dma_wait3A_492 = tpu.memref_slice %arg6[%dma_wait3A_489, %dma_wait3A_490, %dma_wait3A_491] : memref<2x8x128xi32, #tpu.memory_space<vmem>> -> memref<1x8x128xi32, #tpu.memory_space<vmem>>
      %dma_wait3A_493 = tpu.memref_squeeze %dma_wait3A_492 : memref<1x8x128xi32, #tpu.memory_space<vmem>> -> memref<8x128xi32, #tpu.memory_space<vmem>>
      %dma_wait3A_494 = arith.constant 0 : i32
      %dma_wait3A_495 = tpu.memref_slice %arg2[%dma_wait3A_488, %add3A_87, %dma_wait3A_494] : memref<2x2568x128xi32, #tpu.memory_space<hbm>> -> memref<1x8x128xi32, #tpu.memory_space<hbm>>
      %dma_wait3A_496 = tpu.memref_squeeze %dma_wait3A_495 : memref<1x8x128xi32, #tpu.memory_space<hbm>> -> memref<8x128xi32, #tpu.memory_space<hbm>>
      %dma_wait3A_497 = arith.constant 0 : i32
      %dma_wait3A_498 = arith.constant 0 : i32
      %dma_wait3A_499 = tpu.memref_slice %arg6[%dma_wait3A_489, %dma_wait3A_497, %dma_wait3A_498] : memref<2x8x128xi32, #tpu.memory_space<vmem>> -> memref<1x8x128xi32, #tpu.memory_space<vmem>>
      %dma_wait3A_500 = tpu.memref_squeeze %dma_wait3A_499 : memref<1x8x128xi32, #tpu.memory_space<vmem>> -> memref<8x128xi32, #tpu.memory_space<vmem>>
      %dma_wait3A_501 = arith.constant 0 : i32
      %dma_wait3A_502 = tpu.memref_slice %arg2[%dma_wait3A_488, %add3A_87, %dma_wait3A_501] : memref<2x2568x128xi32, #tpu.memory_space<hbm>> -> memref<1x8x128xi32, #tpu.memory_space<hbm>>
      %dma_wait3A_503 = tpu.memref_squeeze %dma_wait3A_502 : memref<1x8x128xi32, #tpu.memory_space<hbm>> -> memref<8x128xi32, #tpu.memory_space<hbm>>
      tpu.wait_dma2 semaphore(%arg12 : memref<!tpu.dma_semaphore, #tpu.memory_space<semaphore_mem>>) src(%dma_wait3A_503 : memref<8x128xi32, #tpu.memory_space<hbm>>) dst(%dma_wait3A_500 : memref<8x128xi32, #tpu.memory_space<vmem>>)
      %dma_wait3A_504 = arith.constant 1 : i32
      %dma_wait3A_505 = arith.constant 1 : i32
      %dma_wait3A_506 = arith.constant 0 : i32
      %dma_wait3A_507 = arith.constant 0 : i32
      %dma_wait3A_508 = tpu.memref_slice %arg7[%dma_wait3A_505, %dma_wait3A_506, %dma_wait3A_507] : memref<2x8x128xi32, #tpu.memory_space<vmem>> -> memref<1x8x128xi32, #tpu.memory_space<vmem>>
      %dma_wait3A_509 = tpu.memref_squeeze %dma_wait3A_508 : memref<1x8x128xi32, #tpu.memory_space<vmem>> -> memref<8x128xi32, #tpu.memory_space<vmem>>
      %dma_wait3A_510 = arith.constant 0 : i32
      %dma_wait3A_511 = tpu.memref_slice %arg2[%dma_wait3A_504, %add3A_87, %dma_wait3A_510] : memref<2x2568x128xi32, #tpu.memory_space<hbm>> -> memref<1x8x128xi32, #tpu.memory_space<hbm>>
      %dma_wait3A_512 = tpu.memref_squeeze %dma_wait3A_511 : memref<1x8x128xi32, #tpu.memory_space<hbm>> -> memref<8x128xi32, #tpu.memory_space<hbm>>
      %dma_wait3A_513 = arith.constant 0 : i32
      %dma_wait3A_514 = arith.constant 0 : i32
      %dma_wait3A_515 = tpu.memref_slice %arg7[%dma_wait3A_505, %dma_wait3A_513, %dma_wait3A_514] : memref<2x8x128xi32, #tpu.memory_space<vmem>> -> memref<1x8x128xi32, #tpu.memory_space<vmem>>
      %dma_wait3A_516 = tpu.memref_squeeze %dma_wait3A_515 : memref<1x8x128xi32, #tpu.memory_space<vmem>> -> memref<8x128xi32, #tpu.memory_space<vmem>>
      %dma_wait3A_517 = arith.constant 0 : i32
      %dma_wait3A_518 = tpu.memref_slice %arg2[%dma_wait3A_504, %add3A_87, %dma_wait3A_517] : memref<2x2568x128xi32, #tpu.memory_space<hbm>> -> memref<1x8x128xi32, #tpu.memory_space<hbm>>
      %dma_wait3A_519 = tpu.memref_squeeze %dma_wait3A_518 : memref<1x8x128xi32, #tpu.memory_space<hbm>> -> memref<8x128xi32, #tpu.memory_space<hbm>>
      tpu.wait_dma2 semaphore(%arg12 : memref<!tpu.dma_semaphore, #tpu.memory_space<semaphore_mem>>) src(%dma_wait3A_519 : memref<8x128xi32, #tpu.memory_space<hbm>>) dst(%dma_wait3A_516 : memref<8x128xi32, #tpu.memory_space<vmem>>)
      %dma_start3A_520 = arith.constant 1 : i32
      %dma_start3A_521 = arith.constant 0 : i32
      %dma_start3A_522 = arith.constant 1 : i32
      %dma_start3A_523 = arith.constant 0 : i32
      %dma_start3A_524 = arith.constant 0 : i32
      %dma_start3A_525 = arith.constant 0 : i32
      %dma_start3A_526 = tpu.memref_slice %arg8[%dma_start3A_522, %dma_start3A_523, %dma_start3A_524, %dma_start3A_525] : memref<2x8x128x16xf32, #tpu.memory_space<vmem>> -> memref<1x1x128x16xf32, #tpu.memory_space<vmem>>
      %dma_start3A_527 = tpu.memref_squeeze %dma_start3A_526 : memref<1x1x128x16xf32, #tpu.memory_space<vmem>> -> memref<128x16xf32, #tpu.memory_space<vmem>>
      %dma_start3A_528 = arith.constant 0 : i32
      %dma_start3A_529 = tpu.memref_slice %arg6[%dma_start3A_520, %dma_start3A_521, %dma_start3A_528] : memref<2x8x128xi32, #tpu.memory_space<vmem>> -> memref<1x1x128xi32, #tpu.memory_space<vmem>>
      %dma_start3A_530 = tpu.memref_squeeze %dma_start3A_529 : memref<1x1x128xi32, #tpu.memory_space<vmem>> -> memref<128xi32, #tpu.memory_space<vmem>>
      %dma_start3A_531 = arith.constant 0 : i32
      %dma_start3A_532 = arith.constant 0 : i32
      %dma_start3A_533 = tpu.memref_slice %arg9[%dma_start3A_531, %dma_start3A_532] : memref<10112x16xf32, #tpu.memory_space<vmem_shared>> -> memref<10112x16xf32, #tpu.memory_space<vmem_shared>>
      tpu.enqueue_indirect_dma source(%dma_start3A_533 : memref<10112x16xf32, #tpu.memory_space<vmem_shared>>) target(%dma_start3A_527 : memref<128x16xf32, #tpu.memory_space<vmem>>) offsets(%dma_start3A_530 : memref<128xi32, #tpu.memory_space<vmem>>) semaphore(%arg13 : memref<!tpu.dma_semaphore, #tpu.memory_space<semaphore_mem>>)
      %dma_start3A_534 = arith.constant 1 : i32
      %dma_start3A_535 = arith.constant 1 : i32
      %dma_start3A_536 = arith.constant 1 : i32
      %dma_start3A_537 = arith.constant 1 : i32
      %dma_start3A_538 = arith.constant 0 : i32
      %dma_start3A_539 = arith.constant 0 : i32
      %dma_start3A_540 = tpu.memref_slice %arg8[%dma_start3A_536, %dma_start3A_537, %dma_start3A_538, %dma_start3A_539] : memref<2x8x128x16xf32, #tpu.memory_space<vmem>> -> memref<1x1x128x16xf32, #tpu.memory_space<vmem>>
      %dma_start3A_541 = tpu.memref_squeeze %dma_start3A_540 : memref<1x1x128x16xf32, #tpu.memory_space<vmem>> -> memref<128x16xf32, #tpu.memory_space<vmem>>
      %dma_start3A_542 = arith.constant 0 : i32
      %dma_start3A_543 = tpu.memref_slice %arg6[%dma_start3A_534, %dma_start3A_535, %dma_start3A_542] : memref<2x8x128xi32, #tpu.memory_space<vmem>> -> memref<1x1x128xi32, #tpu.memory_space<vmem>>
      %dma_start3A_544 = tpu.memref_squeeze %dma_start3A_543 : memref<1x1x128xi32, #tpu.memory_space<vmem>> -> memref<128xi32, #tpu.memory_space<vmem>>
      %dma_start3A_545 = arith.constant 0 : i32
      %dma_start3A_546 = arith.constant 0 : i32
      %dma_start3A_547 = tpu.memref_slice %arg9[%dma_start3A_545, %dma_start3A_546] : memref<10112x16xf32, #tpu.memory_space<vmem_shared>> -> memref<10112x16xf32, #tpu.memory_space<vmem_shared>>
      tpu.enqueue_indirect_dma source(%dma_start3A_547 : memref<10112x16xf32, #tpu.memory_space<vmem_shared>>) target(%dma_start3A_541 : memref<128x16xf32, #tpu.memory_space<vmem>>) offsets(%dma_start3A_544 : memref<128xi32, #tpu.memory_space<vmem>>) semaphore(%arg13 : memref<!tpu.dma_semaphore, #tpu.memory_space<semaphore_mem>>)
      %dma_start3A_548 = arith.constant 1 : i32
      %dma_start3A_549 = arith.constant 2 : i32
      %dma_start3A_550 = arith.constant 1 : i32
      %dma_start3A_551 = arith.constant 2 : i32
      %dma_start3A_552 = arith.constant 0 : i32
      %dma_start3A_553 = arith.constant 0 : i32
      %dma_start3A_554 = tpu.memref_slice %arg8[%dma_start3A_550, %dma_start3A_551, %dma_start3A_552, %dma_start3A_553] : memref<2x8x128x16xf32, #tpu.memory_space<vmem>> -> memref<1x1x128x16xf32, #tpu.memory_space<vmem>>
      %dma_start3A_555 = tpu.memref_squeeze %dma_start3A_554 : memref<1x1x128x16xf32, #tpu.memory_space<vmem>> -> memref<128x16xf32, #tpu.memory_space<vmem>>
      %dma_start3A_556 = arith.constant 0 : i32
      %dma_start3A_557 = tpu.memref_slice %arg6[%dma_start3A_548, %dma_start3A_549, %dma_start3A_556] : memref<2x8x128xi32, #tpu.memory_space<vmem>> -> memref<1x1x128xi32, #tpu.memory_space<vmem>>
      %dma_start3A_558 = tpu.memref_squeeze %dma_start3A_557 : memref<1x1x128xi32, #tpu.memory_space<vmem>> -> memref<128xi32, #tpu.memory_space<vmem>>
      %dma_start3A_559 = arith.constant 0 : i32
      %dma_start3A_560 = arith.constant 0 : i32
      %dma_start3A_561 = tpu.memref_slice %arg9[%dma_start3A_559, %dma_start3A_560] : memref<10112x16xf32, #tpu.memory_space<vmem_shared>> -> memref<10112x16xf32, #tpu.memory_space<vmem_shared>>
      tpu.enqueue_indirect_dma source(%dma_start3A_561 : memref<10112x16xf32, #tpu.memory_space<vmem_shared>>) target(%dma_start3A_555 : memref<128x16xf32, #tpu.memory_space<vmem>>) offsets(%dma_start3A_558 : memref<128xi32, #tpu.memory_space<vmem>>) semaphore(%arg13 : memref<!tpu.dma_semaphore, #tpu.memory_space<semaphore_mem>>)
      %dma_start3A_562 = arith.constant 1 : i32
      %dma_start3A_563 = arith.constant 3 : i32
      %dma_start3A_564 = arith.constant 1 : i32
      %dma_start3A_565 = arith.constant 3 : i32
      %dma_start3A_566 = arith.constant 0 : i32
      %dma_start3A_567 = arith.constant 0 : i32
      %dma_start3A_568 = tpu.memref_slice %arg8[%dma_start3A_564, %dma_start3A_565, %dma_start3A_566, %dma_start3A_567] : memref<2x8x128x16xf32, #tpu.memory_space<vmem>> -> memref<1x1x128x16xf32, #tpu.memory_space<vmem>>
      %dma_start3A_569 = tpu.memref_squeeze %dma_start3A_568 : memref<1x1x128x16xf32, #tpu.memory_space<vmem>> -> memref<128x16xf32, #tpu.memory_space<vmem>>
      %dma_start3A_570 = arith.constant 0 : i32
      %dma_start3A_571 = tpu.memref_slice %arg6[%dma_start3A_562, %dma_start3A_563, %dma_start3A_570] : memref<2x8x128xi32, #tpu.memory_space<vmem>> -> memref<1x1x128xi32, #tpu.memory_space<vmem>>
      %dma_start3A_572 = tpu.memref_squeeze %dma_start3A_571 : memref<1x1x128xi32, #tpu.memory_space<vmem>> -> memref<128xi32, #tpu.memory_space<vmem>>
      %dma_start3A_573 = arith.constant 0 : i32
      %dma_start3A_574 = arith.constant 0 : i32
      %dma_start3A_575 = tpu.memref_slice %arg9[%dma_start3A_573, %dma_start3A_574] : memref<10112x16xf32, #tpu.memory_space<vmem_shared>> -> memref<10112x16xf32, #tpu.memory_space<vmem_shared>>
      tpu.enqueue_indirect_dma source(%dma_start3A_575 : memref<10112x16xf32, #tpu.memory_space<vmem_shared>>) target(%dma_start3A_569 : memref<128x16xf32, #tpu.memory_space<vmem>>) offsets(%dma_start3A_572 : memref<128xi32, #tpu.memory_space<vmem>>) semaphore(%arg13 : memref<!tpu.dma_semaphore, #tpu.memory_space<semaphore_mem>>)
      %dma_start3A_576 = arith.constant 1 : i32
      %dma_start3A_577 = arith.constant 4 : i32
      %dma_start3A_578 = arith.constant 1 : i32
      %dma_start3A_579 = arith.constant 4 : i32
      %dma_start3A_580 = arith.constant 0 : i32
      %dma_start3A_581 = arith.constant 0 : i32
      %dma_start3A_582 = tpu.memref_slice %arg8[%dma_start3A_578, %dma_start3A_579, %dma_start3A_580, %dma_start3A_581] : memref<2x8x128x16xf32, #tpu.memory_space<vmem>> -> memref<1x1x128x16xf32, #tpu.memory_space<vmem>>
      %dma_start3A_583 = tpu.memref_squeeze %dma_start3A_582 : memref<1x1x128x16xf32, #tpu.memory_space<vmem>> -> memref<128x16xf32, #tpu.memory_space<vmem>>
      %dma_start3A_584 = arith.constant 0 : i32
      %dma_start3A_585 = tpu.memref_slice %arg6[%dma_start3A_576, %dma_start3A_577, %dma_start3A_584] : memref<2x8x128xi32, #tpu.memory_space<vmem>> -> memref<1x1x128xi32, #tpu.memory_space<vmem>>
      %dma_start3A_586 = tpu.memref_squeeze %dma_start3A_585 : memref<1x1x128xi32, #tpu.memory_space<vmem>> -> memref<128xi32, #tpu.memory_space<vmem>>
      %dma_start3A_587 = arith.constant 0 : i32
      %dma_start3A_588 = arith.constant 0 : i32
      %dma_start3A_589 = tpu.memref_slice %arg9[%dma_start3A_587, %dma_start3A_588] : memref<10112x16xf32, #tpu.memory_space<vmem_shared>> -> memref<10112x16xf32, #tpu.memory_space<vmem_shared>>
      tpu.enqueue_indirect_dma source(%dma_start3A_589 : memref<10112x16xf32, #tpu.memory_space<vmem_shared>>) target(%dma_start3A_583 : memref<128x16xf32, #tpu.memory_space<vmem>>) offsets(%dma_start3A_586 : memref<128xi32, #tpu.memory_space<vmem>>) semaphore(%arg13 : memref<!tpu.dma_semaphore, #tpu.memory_space<semaphore_mem>>)
      %dma_start3A_590 = arith.constant 1 : i32
      %dma_start3A_591 = arith.constant 5 : i32
      %dma_start3A_592 = arith.constant 1 : i32
      %dma_start3A_593 = arith.constant 5 : i32
      %dma_start3A_594 = arith.constant 0 : i32
      %dma_start3A_595 = arith.constant 0 : i32
      %dma_start3A_596 = tpu.memref_slice %arg8[%dma_start3A_592, %dma_start3A_593, %dma_start3A_594, %dma_start3A_595] : memref<2x8x128x16xf32, #tpu.memory_space<vmem>> -> memref<1x1x128x16xf32, #tpu.memory_space<vmem>>
      %dma_start3A_597 = tpu.memref_squeeze %dma_start3A_596 : memref<1x1x128x16xf32, #tpu.memory_space<vmem>> -> memref<128x16xf32, #tpu.memory_space<vmem>>
      %dma_start3A_598 = arith.constant 0 : i32
      %dma_start3A_599 = tpu.memref_slice %arg6[%dma_start3A_590, %dma_start3A_591, %dma_start3A_598] : memref<2x8x128xi32, #tpu.memory_space<vmem>> -> memref<1x1x128xi32, #tpu.memory_space<vmem>>
      %dma_start3A_600 = tpu.memref_squeeze %dma_start3A_599 : memref<1x1x128xi32, #tpu.memory_space<vmem>> -> memref<128xi32, #tpu.memory_space<vmem>>
      %dma_start3A_601 = arith.constant 0 : i32
      %dma_start3A_602 = arith.constant 0 : i32
      %dma_start3A_603 = tpu.memref_slice %arg9[%dma_start3A_601, %dma_start3A_602] : memref<10112x16xf32, #tpu.memory_space<vmem_shared>> -> memref<10112x16xf32, #tpu.memory_space<vmem_shared>>
      tpu.enqueue_indirect_dma source(%dma_start3A_603 : memref<10112x16xf32, #tpu.memory_space<vmem_shared>>) target(%dma_start3A_597 : memref<128x16xf32, #tpu.memory_space<vmem>>) offsets(%dma_start3A_600 : memref<128xi32, #tpu.memory_space<vmem>>) semaphore(%arg13 : memref<!tpu.dma_semaphore, #tpu.memory_space<semaphore_mem>>)
      %dma_start3A_604 = arith.constant 1 : i32
      %dma_start3A_605 = arith.constant 6 : i32
      %dma_start3A_606 = arith.constant 1 : i32
      %dma_start3A_607 = arith.constant 6 : i32
      %dma_start3A_608 = arith.constant 0 : i32
      %dma_start3A_609 = arith.constant 0 : i32
      %dma_start3A_610 = tpu.memref_slice %arg8[%dma_start3A_606, %dma_start3A_607, %dma_start3A_608, %dma_start3A_609] : memref<2x8x128x16xf32, #tpu.memory_space<vmem>> -> memref<1x1x128x16xf32, #tpu.memory_space<vmem>>
      %dma_start3A_611 = tpu.memref_squeeze %dma_start3A_610 : memref<1x1x128x16xf32, #tpu.memory_space<vmem>> -> memref<128x16xf32, #tpu.memory_space<vmem>>
      %dma_start3A_612 = arith.constant 0 : i32
      %dma_start3A_613 = tpu.memref_slice %arg6[%dma_start3A_604, %dma_start3A_605, %dma_start3A_612] : memref<2x8x128xi32, #tpu.memory_space<vmem>> -> memref<1x1x128xi32, #tpu.memory_space<vmem>>
      %dma_start3A_614 = tpu.memref_squeeze %dma_start3A_613 : memref<1x1x128xi32, #tpu.memory_space<vmem>> -> memref<128xi32, #tpu.memory_space<vmem>>
      %dma_start3A_615 = arith.constant 0 : i32
      %dma_start3A_616 = arith.constant 0 : i32
      %dma_start3A_617 = tpu.memref_slice %arg9[%dma_start3A_615, %dma_start3A_616] : memref<10112x16xf32, #tpu.memory_space<vmem_shared>> -> memref<10112x16xf32, #tpu.memory_space<vmem_shared>>
      tpu.enqueue_indirect_dma source(%dma_start3A_617 : memref<10112x16xf32, #tpu.memory_space<vmem_shared>>) target(%dma_start3A_611 : memref<128x16xf32, #tpu.memory_space<vmem>>) offsets(%dma_start3A_614 : memref<128xi32, #tpu.memory_space<vmem>>) semaphore(%arg13 : memref<!tpu.dma_semaphore, #tpu.memory_space<semaphore_mem>>)
      %dma_start3A_618 = arith.constant 1 : i32
      %dma_start3A_619 = arith.constant 7 : i32
      %dma_start3A_620 = arith.constant 1 : i32
      %dma_start3A_621 = arith.constant 7 : i32
      %dma_start3A_622 = arith.constant 0 : i32
      %dma_start3A_623 = arith.constant 0 : i32
      %dma_start3A_624 = tpu.memref_slice %arg8[%dma_start3A_620, %dma_start3A_621, %dma_start3A_622, %dma_start3A_623] : memref<2x8x128x16xf32, #tpu.memory_space<vmem>> -> memref<1x1x128x16xf32, #tpu.memory_space<vmem>>
      %dma_start3A_625 = tpu.memref_squeeze %dma_start3A_624 : memref<1x1x128x16xf32, #tpu.memory_space<vmem>> -> memref<128x16xf32, #tpu.memory_space<vmem>>
      %dma_start3A_626 = arith.constant 0 : i32
      %dma_start3A_627 = tpu.memref_slice %arg6[%dma_start3A_618, %dma_start3A_619, %dma_start3A_626] : memref<2x8x128xi32, #tpu.memory_space<vmem>> -> memref<1x1x128xi32, #tpu.memory_space<vmem>>
      %dma_start3A_628 = tpu.memref_squeeze %dma_start3A_627 : memref<1x1x128xi32, #tpu.memory_space<vmem>> -> memref<128xi32, #tpu.memory_space<vmem>>
      %dma_start3A_629 = arith.constant 0 : i32
      %dma_start3A_630 = arith.constant 0 : i32
      %dma_start3A_631 = tpu.memref_slice %arg9[%dma_start3A_629, %dma_start3A_630] : memref<10112x16xf32, #tpu.memory_space<vmem_shared>> -> memref<10112x16xf32, #tpu.memory_space<vmem_shared>>
      tpu.enqueue_indirect_dma source(%dma_start3A_631 : memref<10112x16xf32, #tpu.memory_space<vmem_shared>>) target(%dma_start3A_625 : memref<128x16xf32, #tpu.memory_space<vmem>>) offsets(%dma_start3A_628 : memref<128xi32, #tpu.memory_space<vmem>>) semaphore(%arg13 : memref<!tpu.dma_semaphore, #tpu.memory_space<semaphore_mem>>)
      %dma_wait3A_632 = arith.constant 1 : i32
      %dma_wait3A_633 = arith.constant 0 : i32
      %dma_wait3A_634 = arith.constant 1 : i32
      %dma_wait3A_635 = arith.constant 0 : i32
      %dma_wait3A_636 = arith.constant 0 : i32
      %dma_wait3A_637 = arith.constant 0 : i32
      %dma_wait3A_638 = tpu.memref_slice %arg8[%dma_wait3A_634, %dma_wait3A_635, %dma_wait3A_636, %dma_wait3A_637] : memref<2x8x128x16xf32, #tpu.memory_space<vmem>> -> memref<1x1x128x16xf32, #tpu.memory_space<vmem>>
      %dma_wait3A_639 = tpu.memref_squeeze %dma_wait3A_638 : memref<1x1x128x16xf32, #tpu.memory_space<vmem>> -> memref<128x16xf32, #tpu.memory_space<vmem>>
      %dma_wait3A_640 = arith.constant 0 : i32
      %dma_wait3A_641 = tpu.memref_slice %arg6[%dma_wait3A_632, %dma_wait3A_633, %dma_wait3A_640] : memref<2x8x128xi32, #tpu.memory_space<vmem>> -> memref<1x1x128xi32, #tpu.memory_space<vmem>>
      %dma_wait3A_642 = tpu.memref_squeeze %dma_wait3A_641 : memref<1x1x128xi32, #tpu.memory_space<vmem>> -> memref<128xi32, #tpu.memory_space<vmem>>
      %dma_wait3A_643 = arith.constant 0 : i32
      %dma_wait3A_644 = arith.constant 0 : i32
      %dma_wait3A_645 = tpu.memref_slice %arg9[%dma_wait3A_643, %dma_wait3A_644] : memref<10112x16xf32, #tpu.memory_space<vmem_shared>> -> memref<10112x16xf32, #tpu.memory_space<vmem_shared>>
      tpu.wait_indirect_dma semaphore(%arg13 : memref<!tpu.dma_semaphore, #tpu.memory_space<semaphore_mem>>) src(%dma_wait3A_645 : memref<10112x16xf32, #tpu.memory_space<vmem_shared>>) dst(%dma_wait3A_639 : memref<128x16xf32, #tpu.memory_space<vmem>>)
      %dma_wait3A_646 = arith.constant 1 : i32
      %dma_wait3A_647 = arith.constant 1 : i32
      %dma_wait3A_648 = arith.constant 1 : i32
      %dma_wait3A_649 = arith.constant 1 : i32
      %dma_wait3A_650 = arith.constant 0 : i32
      %dma_wait3A_651 = arith.constant 0 : i32
      %dma_wait3A_652 = tpu.memref_slice %arg8[%dma_wait3A_648, %dma_wait3A_649, %dma_wait3A_650, %dma_wait3A_651] : memref<2x8x128x16xf32, #tpu.memory_space<vmem>> -> memref<1x1x128x16xf32, #tpu.memory_space<vmem>>
      %dma_wait3A_653 = tpu.memref_squeeze %dma_wait3A_652 : memref<1x1x128x16xf32, #tpu.memory_space<vmem>> -> memref<128x16xf32, #tpu.memory_space<vmem>>
      %dma_wait3A_654 = arith.constant 0 : i32
      %dma_wait3A_655 = tpu.memref_slice %arg6[%dma_wait3A_646, %dma_wait3A_647, %dma_wait3A_654] : memref<2x8x128xi32, #tpu.memory_space<vmem>> -> memref<1x1x128xi32, #tpu.memory_space<vmem>>
      %dma_wait3A_656 = tpu.memref_squeeze %dma_wait3A_655 : memref<1x1x128xi32, #tpu.memory_space<vmem>> -> memref<128xi32, #tpu.memory_space<vmem>>
      %dma_wait3A_657 = arith.constant 0 : i32
      %dma_wait3A_658 = arith.constant 0 : i32
      %dma_wait3A_659 = tpu.memref_slice %arg9[%dma_wait3A_657, %dma_wait3A_658] : memref<10112x16xf32, #tpu.memory_space<vmem_shared>> -> memref<10112x16xf32, #tpu.memory_space<vmem_shared>>
      tpu.wait_indirect_dma semaphore(%arg13 : memref<!tpu.dma_semaphore, #tpu.memory_space<semaphore_mem>>) src(%dma_wait3A_659 : memref<10112x16xf32, #tpu.memory_space<vmem_shared>>) dst(%dma_wait3A_653 : memref<128x16xf32, #tpu.memory_space<vmem>>)
      %dma_wait3A_660 = arith.constant 1 : i32
      %dma_wait3A_661 = arith.constant 2 : i32
      %dma_wait3A_662 = arith.constant 1 : i32
      %dma_wait3A_663 = arith.constant 2 : i32
      %dma_wait3A_664 = arith.constant 0 : i32
      %dma_wait3A_665 = arith.constant 0 : i32
      %dma_wait3A_666 = tpu.memref_slice %arg8[%dma_wait3A_662, %dma_wait3A_663, %dma_wait3A_664, %dma_wait3A_665] : memref<2x8x128x16xf32, #tpu.memory_space<vmem>> -> memref<1x1x128x16xf32, #tpu.memory_space<vmem>>
      %dma_wait3A_667 = tpu.memref_squeeze %dma_wait3A_666 : memref<1x1x128x16xf32, #tpu.memory_space<vmem>> -> memref<128x16xf32, #tpu.memory_space<vmem>>
      %dma_wait3A_668 = arith.constant 0 : i32
      %dma_wait3A_669 = tpu.memref_slice %arg6[%dma_wait3A_660, %dma_wait3A_661, %dma_wait3A_668] : memref<2x8x128xi32, #tpu.memory_space<vmem>> -> memref<1x1x128xi32, #tpu.memory_space<vmem>>
      %dma_wait3A_670 = tpu.memref_squeeze %dma_wait3A_669 : memref<1x1x128xi32, #tpu.memory_space<vmem>> -> memref<128xi32, #tpu.memory_space<vmem>>
      %dma_wait3A_671 = arith.constant 0 : i32
      %dma_wait3A_672 = arith.constant 0 : i32
      %dma_wait3A_673 = tpu.memref_slice %arg9[%dma_wait3A_671, %dma_wait3A_672] : memref<10112x16xf32, #tpu.memory_space<vmem_shared>> -> memref<10112x16xf32, #tpu.memory_space<vmem_shared>>
      tpu.wait_indirect_dma semaphore(%arg13 : memref<!tpu.dma_semaphore, #tpu.memory_space<semaphore_mem>>) src(%dma_wait3A_673 : memref<10112x16xf32, #tpu.memory_space<vmem_shared>>) dst(%dma_wait3A_667 : memref<128x16xf32, #tpu.memory_space<vmem>>)
      %dma_wait3A_674 = arith.constant 1 : i32
      %dma_wait3A_675 = arith.constant 3 : i32
      %dma_wait3A_676 = arith.constant 1 : i32
      %dma_wait3A_677 = arith.constant 3 : i32
      %dma_wait3A_678 = arith.constant 0 : i32
      %dma_wait3A_679 = arith.constant 0 : i32
      %dma_wait3A_680 = tpu.memref_slice %arg8[%dma_wait3A_676, %dma_wait3A_677, %dma_wait3A_678, %dma_wait3A_679] : memref<2x8x128x16xf32, #tpu.memory_space<vmem>> -> memref<1x1x128x16xf32, #tpu.memory_space<vmem>>
      %dma_wait3A_681 = tpu.memref_squeeze %dma_wait3A_680 : memref<1x1x128x16xf32, #tpu.memory_space<vmem>> -> memref<128x16xf32, #tpu.memory_space<vmem>>
      %dma_wait3A_682 = arith.constant 0 : i32
      %dma_wait3A_683 = tpu.memref_slice %arg6[%dma_wait3A_674, %dma_wait3A_675, %dma_wait3A_682] : memref<2x8x128xi32, #tpu.memory_space<vmem>> -> memref<1x1x128xi32, #tpu.memory_space<vmem>>
      %dma_wait3A_684 = tpu.memref_squeeze %dma_wait3A_683 : memref<1x1x128xi32, #tpu.memory_space<vmem>> -> memref<128xi32, #tpu.memory_space<vmem>>
      %dma_wait3A_685 = arith.constant 0 : i32
      %dma_wait3A_686 = arith.constant 0 : i32
      %dma_wait3A_687 = tpu.memref_slice %arg9[%dma_wait3A_685, %dma_wait3A_686] : memref<10112x16xf32, #tpu.memory_space<vmem_shared>> -> memref<10112x16xf32, #tpu.memory_space<vmem_shared>>
      tpu.wait_indirect_dma semaphore(%arg13 : memref<!tpu.dma_semaphore, #tpu.memory_space<semaphore_mem>>) src(%dma_wait3A_687 : memref<10112x16xf32, #tpu.memory_space<vmem_shared>>) dst(%dma_wait3A_681 : memref<128x16xf32, #tpu.memory_space<vmem>>)
      %dma_wait3A_688 = arith.constant 1 : i32
      %dma_wait3A_689 = arith.constant 4 : i32
      %dma_wait3A_690 = arith.constant 1 : i32
      %dma_wait3A_691 = arith.constant 4 : i32
      %dma_wait3A_692 = arith.constant 0 : i32
      %dma_wait3A_693 = arith.constant 0 : i32
      %dma_wait3A_694 = tpu.memref_slice %arg8[%dma_wait3A_690, %dma_wait3A_691, %dma_wait3A_692, %dma_wait3A_693] : memref<2x8x128x16xf32, #tpu.memory_space<vmem>> -> memref<1x1x128x16xf32, #tpu.memory_space<vmem>>
      %dma_wait3A_695 = tpu.memref_squeeze %dma_wait3A_694 : memref<1x1x128x16xf32, #tpu.memory_space<vmem>> -> memref<128x16xf32, #tpu.memory_space<vmem>>
      %dma_wait3A_696 = arith.constant 0 : i32
      %dma_wait3A_697 = tpu.memref_slice %arg6[%dma_wait3A_688, %dma_wait3A_689, %dma_wait3A_696] : memref<2x8x128xi32, #tpu.memory_space<vmem>> -> memref<1x1x128xi32, #tpu.memory_space<vmem>>
      %dma_wait3A_698 = tpu.memref_squeeze %dma_wait3A_697 : memref<1x1x128xi32, #tpu.memory_space<vmem>> -> memref<128xi32, #tpu.memory_space<vmem>>
      %dma_wait3A_699 = arith.constant 0 : i32
      %dma_wait3A_700 = arith.constant 0 : i32
      %dma_wait3A_701 = tpu.memref_slice %arg9[%dma_wait3A_699, %dma_wait3A_700] : memref<10112x16xf32, #tpu.memory_space<vmem_shared>> -> memref<10112x16xf32, #tpu.memory_space<vmem_shared>>
      tpu.wait_indirect_dma semaphore(%arg13 : memref<!tpu.dma_semaphore, #tpu.memory_space<semaphore_mem>>) src(%dma_wait3A_701 : memref<10112x16xf32, #tpu.memory_space<vmem_shared>>) dst(%dma_wait3A_695 : memref<128x16xf32, #tpu.memory_space<vmem>>)
      %dma_wait3A_702 = arith.constant 1 : i32
      %dma_wait3A_703 = arith.constant 5 : i32
      %dma_wait3A_704 = arith.constant 1 : i32
      %dma_wait3A_705 = arith.constant 5 : i32
      %dma_wait3A_706 = arith.constant 0 : i32
      %dma_wait3A_707 = arith.constant 0 : i32
      %dma_wait3A_708 = tpu.memref_slice %arg8[%dma_wait3A_704, %dma_wait3A_705, %dma_wait3A_706, %dma_wait3A_707] : memref<2x8x128x16xf32, #tpu.memory_space<vmem>> -> memref<1x1x128x16xf32, #tpu.memory_space<vmem>>
      %dma_wait3A_709 = tpu.memref_squeeze %dma_wait3A_708 : memref<1x1x128x16xf32, #tpu.memory_space<vmem>> -> memref<128x16xf32, #tpu.memory_space<vmem>>
      %dma_wait3A_710 = arith.constant 0 : i32
      %dma_wait3A_711 = tpu.memref_slice %arg6[%dma_wait3A_702, %dma_wait3A_703, %dma_wait3A_710] : memref<2x8x128xi32, #tpu.memory_space<vmem>> -> memref<1x1x128xi32, #tpu.memory_space<vmem>>
      %dma_wait3A_712 = tpu.memref_squeeze %dma_wait3A_711 : memref<1x1x128xi32, #tpu.memory_space<vmem>> -> memref<128xi32, #tpu.memory_space<vmem>>
      %dma_wait3A_713 = arith.constant 0 : i32
      %dma_wait3A_714 = arith.constant 0 : i32
      %dma_wait3A_715 = tpu.memref_slice %arg9[%dma_wait3A_713, %dma_wait3A_714] : memref<10112x16xf32, #tpu.memory_space<vmem_shared>> -> memref<10112x16xf32, #tpu.memory_space<vmem_shared>>
      tpu.wait_indirect_dma semaphore(%arg13 : memref<!tpu.dma_semaphore, #tpu.memory_space<semaphore_mem>>) src(%dma_wait3A_715 : memref<10112x16xf32, #tpu.memory_space<vmem_shared>>) dst(%dma_wait3A_709 : memref<128x16xf32, #tpu.memory_space<vmem>>)
      %dma_wait3A_716 = arith.constant 1 : i32
      %dma_wait3A_717 = arith.constant 6 : i32
      %dma_wait3A_718 = arith.constant 1 : i32
      %dma_wait3A_719 = arith.constant 6 : i32
      %dma_wait3A_720 = arith.constant 0 : i32
      %dma_wait3A_721 = arith.constant 0 : i32
      %dma_wait3A_722 = tpu.memref_slice %arg8[%dma_wait3A_718, %dma_wait3A_719, %dma_wait3A_720, %dma_wait3A_721] : memref<2x8x128x16xf32, #tpu.memory_space<vmem>> -> memref<1x1x128x16xf32, #tpu.memory_space<vmem>>
      %dma_wait3A_723 = tpu.memref_squeeze %dma_wait3A_722 : memref<1x1x128x16xf32, #tpu.memory_space<vmem>> -> memref<128x16xf32, #tpu.memory_space<vmem>>
      %dma_wait3A_724 = arith.constant 0 : i32
      %dma_wait3A_725 = tpu.memref_slice %arg6[%dma_wait3A_716, %dma_wait3A_717, %dma_wait3A_724] : memref<2x8x128xi32, #tpu.memory_space<vmem>> -> memref<1x1x128xi32, #tpu.memory_space<vmem>>
      %dma_wait3A_726 = tpu.memref_squeeze %dma_wait3A_725 : memref<1x1x128xi32, #tpu.memory_space<vmem>> -> memref<128xi32, #tpu.memory_space<vmem>>
      %dma_wait3A_727 = arith.constant 0 : i32
      %dma_wait3A_728 = arith.constant 0 : i32
      %dma_wait3A_729 = tpu.memref_slice %arg9[%dma_wait3A_727, %dma_wait3A_728] : memref<10112x16xf32, #tpu.memory_space<vmem_shared>> -> memref<10112x16xf32, #tpu.memory_space<vmem_shared>>
      tpu.wait_indirect_dma semaphore(%arg13 : memref<!tpu.dma_semaphore, #tpu.memory_space<semaphore_mem>>) src(%dma_wait3A_729 : memref<10112x16xf32, #tpu.memory_space<vmem_shared>>) dst(%dma_wait3A_723 : memref<128x16xf32, #tpu.memory_space<vmem>>)
      %dma_wait3A_730 = arith.constant 1 : i32
      %dma_wait3A_731 = arith.constant 7 : i32
      %dma_wait3A_732 = arith.constant 1 : i32
      %dma_wait3A_733 = arith.constant 7 : i32
      %dma_wait3A_734 = arith.constant 0 : i32
      %dma_wait3A_735 = arith.constant 0 : i32
      %dma_wait3A_736 = tpu.memref_slice %arg8[%dma_wait3A_732, %dma_wait3A_733, %dma_wait3A_734, %dma_wait3A_735] : memref<2x8x128x16xf32, #tpu.memory_space<vmem>> -> memref<1x1x128x16xf32, #tpu.memory_space<vmem>>
      %dma_wait3A_737 = tpu.memref_squeeze %dma_wait3A_736 : memref<1x1x128x16xf32, #tpu.memory_space<vmem>> -> memref<128x16xf32, #tpu.memory_space<vmem>>
      %dma_wait3A_738 = arith.constant 0 : i32
      %dma_wait3A_739 = tpu.memref_slice %arg6[%dma_wait3A_730, %dma_wait3A_731, %dma_wait3A_738] : memref<2x8x128xi32, #tpu.memory_space<vmem>> -> memref<1x1x128xi32, #tpu.memory_space<vmem>>
      %dma_wait3A_740 = tpu.memref_squeeze %dma_wait3A_739 : memref<1x1x128xi32, #tpu.memory_space<vmem>> -> memref<128xi32, #tpu.memory_space<vmem>>
      %dma_wait3A_741 = arith.constant 0 : i32
      %dma_wait3A_742 = arith.constant 0 : i32
      %dma_wait3A_743 = tpu.memref_slice %arg9[%dma_wait3A_741, %dma_wait3A_742] : memref<10112x16xf32, #tpu.memory_space<vmem_shared>> -> memref<10112x16xf32, #tpu.memory_space<vmem_shared>>
      tpu.wait_indirect_dma semaphore(%arg13 : memref<!tpu.dma_semaphore, #tpu.memory_space<semaphore_mem>>) src(%dma_wait3A_743 : memref<10112x16xf32, #tpu.memory_space<vmem_shared>>) dst(%dma_wait3A_737 : memref<128x16xf32, #tpu.memory_space<vmem>>)
      %dma_start3A_744 = arith.constant 1 : i32
      %dma_start3A_745 = arith.constant 0 : i32
      %dma_start3A_746 = arith.constant 1 : i32
      %dma_start3A_747 = arith.constant 0 : i32
      %dma_start3A_748 = arith.constant 0 : i32
      %dma_start3A_749 = arith.constant 0 : i32
      %dma_start3A_750 = tpu.memref_slice %arg8[%dma_start3A_744, %dma_start3A_745, %dma_start3A_748, %dma_start3A_749] : memref<2x8x128x16xf32, #tpu.memory_space<vmem>> -> memref<1x1x128x16xf32, #tpu.memory_space<vmem>>
      %dma_start3A_751 = tpu.memref_squeeze %dma_start3A_750 : memref<1x1x128x16xf32, #tpu.memory_space<vmem>> -> memref<128x16xf32, #tpu.memory_space<vmem>>
      %dma_start3A_752 = arith.constant 0 : i32
      %dma_start3A_753 = tpu.memref_slice %arg7[%dma_start3A_746, %dma_start3A_747, %dma_start3A_752] : memref<2x8x128xi32, #tpu.memory_space<vmem>> -> memref<1x1x128xi32, #tpu.memory_space<vmem>>
      %dma_start3A_754 = tpu.memref_squeeze %dma_start3A_753 : memref<1x1x128xi32, #tpu.memory_space<vmem>> -> memref<128xi32, #tpu.memory_space<vmem>>
      %dma_start3A_755 = arith.constant 0 : i32
      %dma_start3A_756 = arith.constant 0 : i32
      %dma_start3A_757 = tpu.memref_slice %arg10[%dma_start3A_755, %dma_start3A_756] : memref<10112x16xf32, #tpu.memory_space<vmem_shared>> -> memref<10112x16xf32, #tpu.memory_space<vmem_shared>>
      tpu.enqueue_indirect_dma source(%dma_start3A_751 : memref<128x16xf32, #tpu.memory_space<vmem>>) target(%dma_start3A_757 : memref<10112x16xf32, #tpu.memory_space<vmem_shared>>) offsets(%dma_start3A_754 : memref<128xi32, #tpu.memory_space<vmem>>) semaphore(%arg14 : memref<!tpu.dma_semaphore, #tpu.memory_space<semaphore_mem>>) {add = true}
      %dma_start3A_758 = arith.constant 1 : i32
      %dma_start3A_759 = arith.constant 1 : i32
      %dma_start3A_760 = arith.constant 1 : i32
      %dma_start3A_761 = arith.constant 1 : i32
      %dma_start3A_762 = arith.constant 0 : i32
      %dma_start3A_763 = arith.constant 0 : i32
      %dma_start3A_764 = tpu.memref_slice %arg8[%dma_start3A_758, %dma_start3A_759, %dma_start3A_762, %dma_start3A_763] : memref<2x8x128x16xf32, #tpu.memory_space<vmem>> -> memref<1x1x128x16xf32, #tpu.memory_space<vmem>>
      %dma_start3A_765 = tpu.memref_squeeze %dma_start3A_764 : memref<1x1x128x16xf32, #tpu.memory_space<vmem>> -> memref<128x16xf32, #tpu.memory_space<vmem>>
      %dma_start3A_766 = arith.constant 0 : i32
      %dma_start3A_767 = tpu.memref_slice %arg7[%dma_start3A_760, %dma_start3A_761, %dma_start3A_766] : memref<2x8x128xi32, #tpu.memory_space<vmem>> -> memref<1x1x128xi32, #tpu.memory_space<vmem>>
      %dma_start3A_768 = tpu.memref_squeeze %dma_start3A_767 : memref<1x1x128xi32, #tpu.memory_space<vmem>> -> memref<128xi32, #tpu.memory_space<vmem>>
      %dma_start3A_769 = arith.constant 0 : i32
      %dma_start3A_770 = arith.constant 0 : i32
      %dma_start3A_771 = tpu.memref_slice %arg10[%dma_start3A_769, %dma_start3A_770] : memref<10112x16xf32, #tpu.memory_space<vmem_shared>> -> memref<10112x16xf32, #tpu.memory_space<vmem_shared>>
      tpu.enqueue_indirect_dma source(%dma_start3A_765 : memref<128x16xf32, #tpu.memory_space<vmem>>) target(%dma_start3A_771 : memref<10112x16xf32, #tpu.memory_space<vmem_shared>>) offsets(%dma_start3A_768 : memref<128xi32, #tpu.memory_space<vmem>>) semaphore(%arg14 : memref<!tpu.dma_semaphore, #tpu.memory_space<semaphore_mem>>) {add = true}
      %dma_start3A_772 = arith.constant 1 : i32
      %dma_start3A_773 = arith.constant 2 : i32
      %dma_start3A_774 = arith.constant 1 : i32
      %dma_start3A_775 = arith.constant 2 : i32
      %dma_start3A_776 = arith.constant 0 : i32
      %dma_start3A_777 = arith.constant 0 : i32
      %dma_start3A_778 = tpu.memref_slice %arg8[%dma_start3A_772, %dma_start3A_773, %dma_start3A_776, %dma_start3A_777] : memref<2x8x128x16xf32, #tpu.memory_space<vmem>> -> memref<1x1x128x16xf32, #tpu.memory_space<vmem>>
      %dma_start3A_779 = tpu.memref_squeeze %dma_start3A_778 : memref<1x1x128x16xf32, #tpu.memory_space<vmem>> -> memref<128x16xf32, #tpu.memory_space<vmem>>
      %dma_start3A_780 = arith.constant 0 : i32
      %dma_start3A_781 = tpu.memref_slice %arg7[%dma_start3A_774, %dma_start3A_775, %dma_start3A_780] : memref<2x8x128xi32, #tpu.memory_space<vmem>> -> memref<1x1x128xi32, #tpu.memory_space<vmem>>
      %dma_start3A_782 = tpu.memref_squeeze %dma_start3A_781 : memref<1x1x128xi32, #tpu.memory_space<vmem>> -> memref<128xi32, #tpu.memory_space<vmem>>
      %dma_start3A_783 = arith.constant 0 : i32
      %dma_start3A_784 = arith.constant 0 : i32
      %dma_start3A_785 = tpu.memref_slice %arg10[%dma_start3A_783, %dma_start3A_784] : memref<10112x16xf32, #tpu.memory_space<vmem_shared>> -> memref<10112x16xf32, #tpu.memory_space<vmem_shared>>
      tpu.enqueue_indirect_dma source(%dma_start3A_779 : memref<128x16xf32, #tpu.memory_space<vmem>>) target(%dma_start3A_785 : memref<10112x16xf32, #tpu.memory_space<vmem_shared>>) offsets(%dma_start3A_782 : memref<128xi32, #tpu.memory_space<vmem>>) semaphore(%arg14 : memref<!tpu.dma_semaphore, #tpu.memory_space<semaphore_mem>>) {add = true}
      %dma_start3A_786 = arith.constant 1 : i32
      %dma_start3A_787 = arith.constant 3 : i32
      %dma_start3A_788 = arith.constant 1 : i32
      %dma_start3A_789 = arith.constant 3 : i32
      %dma_start3A_790 = arith.constant 0 : i32
      %dma_start3A_791 = arith.constant 0 : i32
      %dma_start3A_792 = tpu.memref_slice %arg8[%dma_start3A_786, %dma_start3A_787, %dma_start3A_790, %dma_start3A_791] : memref<2x8x128x16xf32, #tpu.memory_space<vmem>> -> memref<1x1x128x16xf32, #tpu.memory_space<vmem>>
      %dma_start3A_793 = tpu.memref_squeeze %dma_start3A_792 : memref<1x1x128x16xf32, #tpu.memory_space<vmem>> -> memref<128x16xf32, #tpu.memory_space<vmem>>
      %dma_start3A_794 = arith.constant 0 : i32
      %dma_start3A_795 = tpu.memref_slice %arg7[%dma_start3A_788, %dma_start3A_789, %dma_start3A_794] : memref<2x8x128xi32, #tpu.memory_space<vmem>> -> memref<1x1x128xi32, #tpu.memory_space<vmem>>
      %dma_start3A_796 = tpu.memref_squeeze %dma_start3A_795 : memref<1x1x128xi32, #tpu.memory_space<vmem>> -> memref<128xi32, #tpu.memory_space<vmem>>
      %dma_start3A_797 = arith.constant 0 : i32
      %dma_start3A_798 = arith.constant 0 : i32
      %dma_start3A_799 = tpu.memref_slice %arg10[%dma_start3A_797, %dma_start3A_798] : memref<10112x16xf32, #tpu.memory_space<vmem_shared>> -> memref<10112x16xf32, #tpu.memory_space<vmem_shared>>
      tpu.enqueue_indirect_dma source(%dma_start3A_793 : memref<128x16xf32, #tpu.memory_space<vmem>>) target(%dma_start3A_799 : memref<10112x16xf32, #tpu.memory_space<vmem_shared>>) offsets(%dma_start3A_796 : memref<128xi32, #tpu.memory_space<vmem>>) semaphore(%arg14 : memref<!tpu.dma_semaphore, #tpu.memory_space<semaphore_mem>>) {add = true}
      %dma_start3A_800 = arith.constant 1 : i32
      %dma_start3A_801 = arith.constant 4 : i32
      %dma_start3A_802 = arith.constant 1 : i32
      %dma_start3A_803 = arith.constant 4 : i32
      %dma_start3A_804 = arith.constant 0 : i32
      %dma_start3A_805 = arith.constant 0 : i32
      %dma_start3A_806 = tpu.memref_slice %arg8[%dma_start3A_800, %dma_start3A_801, %dma_start3A_804, %dma_start3A_805] : memref<2x8x128x16xf32, #tpu.memory_space<vmem>> -> memref<1x1x128x16xf32, #tpu.memory_space<vmem>>
      %dma_start3A_807 = tpu.memref_squeeze %dma_start3A_806 : memref<1x1x128x16xf32, #tpu.memory_space<vmem>> -> memref<128x16xf32, #tpu.memory_space<vmem>>
      %dma_start3A_808 = arith.constant 0 : i32
      %dma_start3A_809 = tpu.memref_slice %arg7[%dma_start3A_802, %dma_start3A_803, %dma_start3A_808] : memref<2x8x128xi32, #tpu.memory_space<vmem>> -> memref<1x1x128xi32, #tpu.memory_space<vmem>>
      %dma_start3A_810 = tpu.memref_squeeze %dma_start3A_809 : memref<1x1x128xi32, #tpu.memory_space<vmem>> -> memref<128xi32, #tpu.memory_space<vmem>>
      %dma_start3A_811 = arith.constant 0 : i32
      %dma_start3A_812 = arith.constant 0 : i32
      %dma_start3A_813 = tpu.memref_slice %arg10[%dma_start3A_811, %dma_start3A_812] : memref<10112x16xf32, #tpu.memory_space<vmem_shared>> -> memref<10112x16xf32, #tpu.memory_space<vmem_shared>>
      tpu.enqueue_indirect_dma source(%dma_start3A_807 : memref<128x16xf32, #tpu.memory_space<vmem>>) target(%dma_start3A_813 : memref<10112x16xf32, #tpu.memory_space<vmem_shared>>) offsets(%dma_start3A_810 : memref<128xi32, #tpu.memory_space<vmem>>) semaphore(%arg14 : memref<!tpu.dma_semaphore, #tpu.memory_space<semaphore_mem>>) {add = true}
      %dma_start3A_814 = arith.constant 1 : i32
      %dma_start3A_815 = arith.constant 5 : i32
      %dma_start3A_816 = arith.constant 1 : i32
      %dma_start3A_817 = arith.constant 5 : i32
      %dma_start3A_818 = arith.constant 0 : i32
      %dma_start3A_819 = arith.constant 0 : i32
      %dma_start3A_820 = tpu.memref_slice %arg8[%dma_start3A_814, %dma_start3A_815, %dma_start3A_818, %dma_start3A_819] : memref<2x8x128x16xf32, #tpu.memory_space<vmem>> -> memref<1x1x128x16xf32, #tpu.memory_space<vmem>>
      %dma_start3A_821 = tpu.memref_squeeze %dma_start3A_820 : memref<1x1x128x16xf32, #tpu.memory_space<vmem>> -> memref<128x16xf32, #tpu.memory_space<vmem>>
      %dma_start3A_822 = arith.constant 0 : i32
      %dma_start3A_823 = tpu.memref_slice %arg7[%dma_start3A_816, %dma_start3A_817, %dma_start3A_822] : memref<2x8x128xi32, #tpu.memory_space<vmem>> -> memref<1x1x128xi32, #tpu.memory_space<vmem>>
      %dma_start3A_824 = tpu.memref_squeeze %dma_start3A_823 : memref<1x1x128xi32, #tpu.memory_space<vmem>> -> memref<128xi32, #tpu.memory_space<vmem>>
      %dma_start3A_825 = arith.constant 0 : i32
      %dma_start3A_826 = arith.constant 0 : i32
      %dma_start3A_827 = tpu.memref_slice %arg10[%dma_start3A_825, %dma_start3A_826] : memref<10112x16xf32, #tpu.memory_space<vmem_shared>> -> memref<10112x16xf32, #tpu.memory_space<vmem_shared>>
      tpu.enqueue_indirect_dma source(%dma_start3A_821 : memref<128x16xf32, #tpu.memory_space<vmem>>) target(%dma_start3A_827 : memref<10112x16xf32, #tpu.memory_space<vmem_shared>>) offsets(%dma_start3A_824 : memref<128xi32, #tpu.memory_space<vmem>>) semaphore(%arg14 : memref<!tpu.dma_semaphore, #tpu.memory_space<semaphore_mem>>) {add = true}
      %dma_start3A_828 = arith.constant 1 : i32
      %dma_start3A_829 = arith.constant 6 : i32
      %dma_start3A_830 = arith.constant 1 : i32
      %dma_start3A_831 = arith.constant 6 : i32
      %dma_start3A_832 = arith.constant 0 : i32
      %dma_start3A_833 = arith.constant 0 : i32
      %dma_start3A_834 = tpu.memref_slice %arg8[%dma_start3A_828, %dma_start3A_829, %dma_start3A_832, %dma_start3A_833] : memref<2x8x128x16xf32, #tpu.memory_space<vmem>> -> memref<1x1x128x16xf32, #tpu.memory_space<vmem>>
      %dma_start3A_835 = tpu.memref_squeeze %dma_start3A_834 : memref<1x1x128x16xf32, #tpu.memory_space<vmem>> -> memref<128x16xf32, #tpu.memory_space<vmem>>
      %dma_start3A_836 = arith.constant 0 : i32
      %dma_start3A_837 = tpu.memref_slice %arg7[%dma_start3A_830, %dma_start3A_831, %dma_start3A_836] : memref<2x8x128xi32, #tpu.memory_space<vmem>> -> memref<1x1x128xi32, #tpu.memory_space<vmem>>
      %dma_start3A_838 = tpu.memref_squeeze %dma_start3A_837 : memref<1x1x128xi32, #tpu.memory_space<vmem>> -> memref<128xi32, #tpu.memory_space<vmem>>
      %dma_start3A_839 = arith.constant 0 : i32
      %dma_start3A_840 = arith.constant 0 : i32
      %dma_start3A_841 = tpu.memref_slice %arg10[%dma_start3A_839, %dma_start3A_840] : memref<10112x16xf32, #tpu.memory_space<vmem_shared>> -> memref<10112x16xf32, #tpu.memory_space<vmem_shared>>
      tpu.enqueue_indirect_dma source(%dma_start3A_835 : memref<128x16xf32, #tpu.memory_space<vmem>>) target(%dma_start3A_841 : memref<10112x16xf32, #tpu.memory_space<vmem_shared>>) offsets(%dma_start3A_838 : memref<128xi32, #tpu.memory_space<vmem>>) semaphore(%arg14 : memref<!tpu.dma_semaphore, #tpu.memory_space<semaphore_mem>>) {add = true}
      %dma_start3A_842 = arith.constant 1 : i32
      %dma_start3A_843 = arith.constant 7 : i32
      %dma_start3A_844 = arith.constant 1 : i32
      %dma_start3A_845 = arith.constant 7 : i32
      %dma_start3A_846 = arith.constant 0 : i32
      %dma_start3A_847 = arith.constant 0 : i32
      %dma_start3A_848 = tpu.memref_slice %arg8[%dma_start3A_842, %dma_start3A_843, %dma_start3A_846, %dma_start3A_847] : memref<2x8x128x16xf32, #tpu.memory_space<vmem>> -> memref<1x1x128x16xf32, #tpu.memory_space<vmem>>
      %dma_start3A_849 = tpu.memref_squeeze %dma_start3A_848 : memref<1x1x128x16xf32, #tpu.memory_space<vmem>> -> memref<128x16xf32, #tpu.memory_space<vmem>>
      %dma_start3A_850 = arith.constant 0 : i32
      %dma_start3A_851 = tpu.memref_slice %arg7[%dma_start3A_844, %dma_start3A_845, %dma_start3A_850] : memref<2x8x128xi32, #tpu.memory_space<vmem>> -> memref<1x1x128xi32, #tpu.memory_space<vmem>>
      %dma_start3A_852 = tpu.memref_squeeze %dma_start3A_851 : memref<1x1x128xi32, #tpu.memory_space<vmem>> -> memref<128xi32, #tpu.memory_space<vmem>>
      %dma_start3A_853 = arith.constant 0 : i32
      %dma_start3A_854 = arith.constant 0 : i32
      %dma_start3A_855 = tpu.memref_slice %arg10[%dma_start3A_853, %dma_start3A_854] : memref<10112x16xf32, #tpu.memory_space<vmem_shared>> -> memref<10112x16xf32, #tpu.memory_space<vmem_shared>>
      tpu.enqueue_indirect_dma source(%dma_start3A_849 : memref<128x16xf32, #tpu.memory_space<vmem>>) target(%dma_start3A_855 : memref<10112x16xf32, #tpu.memory_space<vmem_shared>>) offsets(%dma_start3A_852 : memref<128xi32, #tpu.memory_space<vmem>>) semaphore(%arg14 : memref<!tpu.dma_semaphore, #tpu.memory_space<semaphore_mem>>) {add = true}
      %dma_wait3A_856 = arith.constant 0 : i32
      %dma_wait3A_857 = arith.constant 0 : i32
      %dma_wait3A_858 = arith.constant 0 : i32
      %dma_wait3A_859 = arith.constant 0 : i32
      %dma_wait3A_860 = arith.constant 0 : i32
      %dma_wait3A_861 = arith.constant 0 : i32
      %dma_wait3A_862 = tpu.memref_slice %arg8[%dma_wait3A_856, %dma_wait3A_857, %dma_wait3A_860, %dma_wait3A_861] : memref<2x8x128x16xf32, #tpu.memory_space<vmem>> -> memref<1x1x128x16xf32, #tpu.memory_space<vmem>>
      %dma_wait3A_863 = tpu.memref_squeeze %dma_wait3A_862 : memref<1x1x128x16xf32, #tpu.memory_space<vmem>> -> memref<128x16xf32, #tpu.memory_space<vmem>>
      %dma_wait3A_864 = arith.constant 0 : i32
      %dma_wait3A_865 = tpu.memref_slice %arg7[%dma_wait3A_858, %dma_wait3A_859, %dma_wait3A_864] : memref<2x8x128xi32, #tpu.memory_space<vmem>> -> memref<1x1x128xi32, #tpu.memory_space<vmem>>
      %dma_wait3A_866 = tpu.memref_squeeze %dma_wait3A_865 : memref<1x1x128xi32, #tpu.memory_space<vmem>> -> memref<128xi32, #tpu.memory_space<vmem>>
      %dma_wait3A_867 = arith.constant 0 : i32
      %dma_wait3A_868 = arith.constant 0 : i32
      %dma_wait3A_869 = tpu.memref_slice %arg10[%dma_wait3A_867, %dma_wait3A_868] : memref<10112x16xf32, #tpu.memory_space<vmem_shared>> -> memref<10112x16xf32, #tpu.memory_space<vmem_shared>>
      tpu.wait_indirect_dma semaphore(%arg14 : memref<!tpu.dma_semaphore, #tpu.memory_space<semaphore_mem>>) src(%dma_wait3A_863 : memref<128x16xf32, #tpu.memory_space<vmem>>) dst(%dma_wait3A_869 : memref<10112x16xf32, #tpu.memory_space<vmem_shared>>)
      %dma_wait3A_870 = arith.constant 0 : i32
      %dma_wait3A_871 = arith.constant 1 : i32
      %dma_wait3A_872 = arith.constant 0 : i32
      %dma_wait3A_873 = arith.constant 1 : i32
      %dma_wait3A_874 = arith.constant 0 : i32
      %dma_wait3A_875 = arith.constant 0 : i32
      %dma_wait3A_876 = tpu.memref_slice %arg8[%dma_wait3A_870, %dma_wait3A_871, %dma_wait3A_874, %dma_wait3A_875] : memref<2x8x128x16xf32, #tpu.memory_space<vmem>> -> memref<1x1x128x16xf32, #tpu.memory_space<vmem>>
      %dma_wait3A_877 = tpu.memref_squeeze %dma_wait3A_876 : memref<1x1x128x16xf32, #tpu.memory_space<vmem>> -> memref<128x16xf32, #tpu.memory_space<vmem>>
      %dma_wait3A_878 = arith.constant 0 : i32
      %dma_wait3A_879 = tpu.memref_slice %arg7[%dma_wait3A_872, %dma_wait3A_873, %dma_wait3A_878] : memref<2x8x128xi32, #tpu.memory_space<vmem>> -> memref<1x1x128xi32, #tpu.memory_space<vmem>>
      %dma_wait3A_880 = tpu.memref_squeeze %dma_wait3A_879 : memref<1x1x128xi32, #tpu.memory_space<vmem>> -> memref<128xi32, #tpu.memory_space<vmem>>
      %dma_wait3A_881 = arith.constant 0 : i32
      %dma_wait3A_882 = arith.constant 0 : i32
      %dma_wait3A_883 = tpu.memref_slice %arg10[%dma_wait3A_881, %dma_wait3A_882] : memref<10112x16xf32, #tpu.memory_space<vmem_shared>> -> memref<10112x16xf32, #tpu.memory_space<vmem_shared>>
      tpu.wait_indirect_dma semaphore(%arg14 : memref<!tpu.dma_semaphore, #tpu.memory_space<semaphore_mem>>) src(%dma_wait3A_877 : memref<128x16xf32, #tpu.memory_space<vmem>>) dst(%dma_wait3A_883 : memref<10112x16xf32, #tpu.memory_space<vmem_shared>>)
      %dma_wait3A_884 = arith.constant 0 : i32
      %dma_wait3A_885 = arith.constant 2 : i32
      %dma_wait3A_886 = arith.constant 0 : i32
      %dma_wait3A_887 = arith.constant 2 : i32
      %dma_wait3A_888 = arith.constant 0 : i32
      %dma_wait3A_889 = arith.constant 0 : i32
      %dma_wait3A_890 = tpu.memref_slice %arg8[%dma_wait3A_884, %dma_wait3A_885, %dma_wait3A_888, %dma_wait3A_889] : memref<2x8x128x16xf32, #tpu.memory_space<vmem>> -> memref<1x1x128x16xf32, #tpu.memory_space<vmem>>
      %dma_wait3A_891 = tpu.memref_squeeze %dma_wait3A_890 : memref<1x1x128x16xf32, #tpu.memory_space<vmem>> -> memref<128x16xf32, #tpu.memory_space<vmem>>
      %dma_wait3A_892 = arith.constant 0 : i32
      %dma_wait3A_893 = tpu.memref_slice %arg7[%dma_wait3A_886, %dma_wait3A_887, %dma_wait3A_892] : memref<2x8x128xi32, #tpu.memory_space<vmem>> -> memref<1x1x128xi32, #tpu.memory_space<vmem>>
      %dma_wait3A_894 = tpu.memref_squeeze %dma_wait3A_893 : memref<1x1x128xi32, #tpu.memory_space<vmem>> -> memref<128xi32, #tpu.memory_space<vmem>>
      %dma_wait3A_895 = arith.constant 0 : i32
      %dma_wait3A_896 = arith.constant 0 : i32
      %dma_wait3A_897 = tpu.memref_slice %arg10[%dma_wait3A_895, %dma_wait3A_896] : memref<10112x16xf32, #tpu.memory_space<vmem_shared>> -> memref<10112x16xf32, #tpu.memory_space<vmem_shared>>
      tpu.wait_indirect_dma semaphore(%arg14 : memref<!tpu.dma_semaphore, #tpu.memory_space<semaphore_mem>>) src(%dma_wait3A_891 : memref<128x16xf32, #tpu.memory_space<vmem>>) dst(%dma_wait3A_897 : memref<10112x16xf32, #tpu.memory_space<vmem_shared>>)
      %dma_wait3A_898 = arith.constant 0 : i32
      %dma_wait3A_899 = arith.constant 3 : i32
      %dma_wait3A_900 = arith.constant 0 : i32
      %dma_wait3A_901 = arith.constant 3 : i32
      %dma_wait3A_902 = arith.constant 0 : i32
      %dma_wait3A_903 = arith.constant 0 : i32
      %dma_wait3A_904 = tpu.memref_slice %arg8[%dma_wait3A_898, %dma_wait3A_899, %dma_wait3A_902, %dma_wait3A_903] : memref<2x8x128x16xf32, #tpu.memory_space<vmem>> -> memref<1x1x128x16xf32, #tpu.memory_space<vmem>>
      %dma_wait3A_905 = tpu.memref_squeeze %dma_wait3A_904 : memref<1x1x128x16xf32, #tpu.memory_space<vmem>> -> memref<128x16xf32, #tpu.memory_space<vmem>>
      %dma_wait3A_906 = arith.constant 0 : i32
      %dma_wait3A_907 = tpu.memref_slice %arg7[%dma_wait3A_900, %dma_wait3A_901, %dma_wait3A_906] : memref<2x8x128xi32, #tpu.memory_space<vmem>> -> memref<1x1x128xi32, #tpu.memory_space<vmem>>
      %dma_wait3A_908 = tpu.memref_squeeze %dma_wait3A_907 : memref<1x1x128xi32, #tpu.memory_space<vmem>> -> memref<128xi32, #tpu.memory_space<vmem>>
      %dma_wait3A_909 = arith.constant 0 : i32
      %dma_wait3A_910 = arith.constant 0 : i32
      %dma_wait3A_911 = tpu.memref_slice %arg10[%dma_wait3A_909, %dma_wait3A_910] : memref<10112x16xf32, #tpu.memory_space<vmem_shared>> -> memref<10112x16xf32, #tpu.memory_space<vmem_shared>>
      tpu.wait_indirect_dma semaphore(%arg14 : memref<!tpu.dma_semaphore, #tpu.memory_space<semaphore_mem>>) src(%dma_wait3A_905 : memref<128x16xf32, #tpu.memory_space<vmem>>) dst(%dma_wait3A_911 : memref<10112x16xf32, #tpu.memory_space<vmem_shared>>)
      %dma_wait3A_912 = arith.constant 0 : i32
      %dma_wait3A_913 = arith.constant 4 : i32
      %dma_wait3A_914 = arith.constant 0 : i32
      %dma_wait3A_915 = arith.constant 4 : i32
      %dma_wait3A_916 = arith.constant 0 : i32
      %dma_wait3A_917 = arith.constant 0 : i32
      %dma_wait3A_918 = tpu.memref_slice %arg8[%dma_wait3A_912, %dma_wait3A_913, %dma_wait3A_916, %dma_wait3A_917] : memref<2x8x128x16xf32, #tpu.memory_space<vmem>> -> memref<1x1x128x16xf32, #tpu.memory_space<vmem>>
      %dma_wait3A_919 = tpu.memref_squeeze %dma_wait3A_918 : memref<1x1x128x16xf32, #tpu.memory_space<vmem>> -> memref<128x16xf32, #tpu.memory_space<vmem>>
      %dma_wait3A_920 = arith.constant 0 : i32
      %dma_wait3A_921 = tpu.memref_slice %arg7[%dma_wait3A_914, %dma_wait3A_915, %dma_wait3A_920] : memref<2x8x128xi32, #tpu.memory_space<vmem>> -> memref<1x1x128xi32, #tpu.memory_space<vmem>>
      %dma_wait3A_922 = tpu.memref_squeeze %dma_wait3A_921 : memref<1x1x128xi32, #tpu.memory_space<vmem>> -> memref<128xi32, #tpu.memory_space<vmem>>
      %dma_wait3A_923 = arith.constant 0 : i32
      %dma_wait3A_924 = arith.constant 0 : i32
      %dma_wait3A_925 = tpu.memref_slice %arg10[%dma_wait3A_923, %dma_wait3A_924] : memref<10112x16xf32, #tpu.memory_space<vmem_shared>> -> memref<10112x16xf32, #tpu.memory_space<vmem_shared>>
      tpu.wait_indirect_dma semaphore(%arg14 : memref<!tpu.dma_semaphore, #tpu.memory_space<semaphore_mem>>) src(%dma_wait3A_919 : memref<128x16xf32, #tpu.memory_space<vmem>>) dst(%dma_wait3A_925 : memref<10112x16xf32, #tpu.memory_space<vmem_shared>>)
      %dma_wait3A_926 = arith.constant 0 : i32
      %dma_wait3A_927 = arith.constant 5 : i32
      %dma_wait3A_928 = arith.constant 0 : i32
      %dma_wait3A_929 = arith.constant 5 : i32
      %dma_wait3A_930 = arith.constant 0 : i32
      %dma_wait3A_931 = arith.constant 0 : i32
      %dma_wait3A_932 = tpu.memref_slice %arg8[%dma_wait3A_926, %dma_wait3A_927, %dma_wait3A_930, %dma_wait3A_931] : memref<2x8x128x16xf32, #tpu.memory_space<vmem>> -> memref<1x1x128x16xf32, #tpu.memory_space<vmem>>
      %dma_wait3A_933 = tpu.memref_squeeze %dma_wait3A_932 : memref<1x1x128x16xf32, #tpu.memory_space<vmem>> -> memref<128x16xf32, #tpu.memory_space<vmem>>
      %dma_wait3A_934 = arith.constant 0 : i32
      %dma_wait3A_935 = tpu.memref_slice %arg7[%dma_wait3A_928, %dma_wait3A_929, %dma_wait3A_934] : memref<2x8x128xi32, #tpu.memory_space<vmem>> -> memref<1x1x128xi32, #tpu.memory_space<vmem>>
      %dma_wait3A_936 = tpu.memref_squeeze %dma_wait3A_935 : memref<1x1x128xi32, #tpu.memory_space<vmem>> -> memref<128xi32, #tpu.memory_space<vmem>>
      %dma_wait3A_937 = arith.constant 0 : i32
      %dma_wait3A_938 = arith.constant 0 : i32
      %dma_wait3A_939 = tpu.memref_slice %arg10[%dma_wait3A_937, %dma_wait3A_938] : memref<10112x16xf32, #tpu.memory_space<vmem_shared>> -> memref<10112x16xf32, #tpu.memory_space<vmem_shared>>
      tpu.wait_indirect_dma semaphore(%arg14 : memref<!tpu.dma_semaphore, #tpu.memory_space<semaphore_mem>>) src(%dma_wait3A_933 : memref<128x16xf32, #tpu.memory_space<vmem>>) dst(%dma_wait3A_939 : memref<10112x16xf32, #tpu.memory_space<vmem_shared>>)
      %dma_wait3A_940 = arith.constant 0 : i32
      %dma_wait3A_941 = arith.constant 6 : i32
      %dma_wait3A_942 = arith.constant 0 : i32
      %dma_wait3A_943 = arith.constant 6 : i32
      %dma_wait3A_944 = arith.constant 0 : i32
      %dma_wait3A_945 = arith.constant 0 : i32
      %dma_wait3A_946 = tpu.memref_slice %arg8[%dma_wait3A_940, %dma_wait3A_941, %dma_wait3A_944, %dma_wait3A_945] : memref<2x8x128x16xf32, #tpu.memory_space<vmem>> -> memref<1x1x128x16xf32, #tpu.memory_space<vmem>>
      %dma_wait3A_947 = tpu.memref_squeeze %dma_wait3A_946 : memref<1x1x128x16xf32, #tpu.memory_space<vmem>> -> memref<128x16xf32, #tpu.memory_space<vmem>>
      %dma_wait3A_948 = arith.constant 0 : i32
      %dma_wait3A_949 = tpu.memref_slice %arg7[%dma_wait3A_942, %dma_wait3A_943, %dma_wait3A_948] : memref<2x8x128xi32, #tpu.memory_space<vmem>> -> memref<1x1x128xi32, #tpu.memory_space<vmem>>
      %dma_wait3A_950 = tpu.memref_squeeze %dma_wait3A_949 : memref<1x1x128xi32, #tpu.memory_space<vmem>> -> memref<128xi32, #tpu.memory_space<vmem>>
      %dma_wait3A_951 = arith.constant 0 : i32
      %dma_wait3A_952 = arith.constant 0 : i32
      %dma_wait3A_953 = tpu.memref_slice %arg10[%dma_wait3A_951, %dma_wait3A_952] : memref<10112x16xf32, #tpu.memory_space<vmem_shared>> -> memref<10112x16xf32, #tpu.memory_space<vmem_shared>>
      tpu.wait_indirect_dma semaphore(%arg14 : memref<!tpu.dma_semaphore, #tpu.memory_space<semaphore_mem>>) src(%dma_wait3A_947 : memref<128x16xf32, #tpu.memory_space<vmem>>) dst(%dma_wait3A_953 : memref<10112x16xf32, #tpu.memory_space<vmem_shared>>)
      %dma_wait3A_954 = arith.constant 0 : i32
      %dma_wait3A_955 = arith.constant 7 : i32
      %dma_wait3A_956 = arith.constant 0 : i32
      %dma_wait3A_957 = arith.constant 7 : i32
      %dma_wait3A_958 = arith.constant 0 : i32
      %dma_wait3A_959 = arith.constant 0 : i32
      %dma_wait3A_960 = tpu.memref_slice %arg8[%dma_wait3A_954, %dma_wait3A_955, %dma_wait3A_958, %dma_wait3A_959] : memref<2x8x128x16xf32, #tpu.memory_space<vmem>> -> memref<1x1x128x16xf32, #tpu.memory_space<vmem>>
      %dma_wait3A_961 = tpu.memref_squeeze %dma_wait3A_960 : memref<1x1x128x16xf32, #tpu.memory_space<vmem>> -> memref<128x16xf32, #tpu.memory_space<vmem>>
      %dma_wait3A_962 = arith.constant 0 : i32
      %dma_wait3A_963 = tpu.memref_slice %arg7[%dma_wait3A_956, %dma_wait3A_957, %dma_wait3A_962] : memref<2x8x128xi32, #tpu.memory_space<vmem>> -> memref<1x1x128xi32, #tpu.memory_space<vmem>>
      %dma_wait3A_964 = tpu.memref_squeeze %dma_wait3A_963 : memref<1x1x128xi32, #tpu.memory_space<vmem>> -> memref<128xi32, #tpu.memory_space<vmem>>
      %dma_wait3A_965 = arith.constant 0 : i32
      %dma_wait3A_966 = arith.constant 0 : i32
      %dma_wait3A_967 = tpu.memref_slice %arg10[%dma_wait3A_965, %dma_wait3A_966] : memref<10112x16xf32, #tpu.memory_space<vmem_shared>> -> memref<10112x16xf32, #tpu.memory_space<vmem_shared>>
      tpu.wait_indirect_dma semaphore(%arg14 : memref<!tpu.dma_semaphore, #tpu.memory_space<semaphore_mem>>) src(%dma_wait3A_961 : memref<128x16xf32, #tpu.memory_space<vmem>>) dst(%dma_wait3A_967 : memref<10112x16xf32, #tpu.memory_space<vmem_shared>>)
      %add3A_968 = arith.constant 16 : i32
      %add3A_969 = arith.addi %add3A_85, %add3A_968 : i32
      %dma_start3A_970 = arith.constant 0 : i32
      %dma_start3A_971 = arith.constant 0 : i32
      %dma_start3A_972 = arith.constant 0 : i32
      %dma_start3A_973 = arith.constant 0 : i32
      %dma_start3A_974 = tpu.memref_slice %arg6[%dma_start3A_971, %dma_start3A_972, %dma_start3A_973] : memref<2x8x128xi32, #tpu.memory_space<vmem>> -> memref<1x8x128xi32, #tpu.memory_space<vmem>>
      %dma_start3A_975 = tpu.memref_squeeze %dma_start3A_974 : memref<1x8x128xi32, #tpu.memory_space<vmem>> -> memref<8x128xi32, #tpu.memory_space<vmem>>
      %dma_start3A_976 = arith.constant 0 : i32
      %dma_start3A_977 = tpu.memref_slice %arg2[%dma_start3A_970, %add3A_969, %dma_start3A_976] : memref<2x2568x128xi32, #tpu.memory_space<hbm>> -> memref<1x8x128xi32, #tpu.memory_space<hbm>>
      %dma_start3A_978 = tpu.memref_squeeze %dma_start3A_977 : memref<1x8x128xi32, #tpu.memory_space<hbm>> -> memref<8x128xi32, #tpu.memory_space<hbm>>
      %dma_start3A_979 = arith.constant 0 : i32
      %dma_start3A_980 = arith.constant 0 : i32
      %dma_start3A_981 = tpu.memref_slice %arg6[%dma_start3A_971, %dma_start3A_979, %dma_start3A_980] : memref<2x8x128xi32, #tpu.memory_space<vmem>> -> memref<1x8x128xi32, #tpu.memory_space<vmem>>
      %dma_start3A_982 = tpu.memref_squeeze %dma_start3A_981 : memref<1x8x128xi32, #tpu.memory_space<vmem>> -> memref<8x128xi32, #tpu.memory_space<vmem>>
      %dma_start3A_983 = arith.constant 0 : i32
      %dma_start3A_984 = tpu.memref_slice %arg2[%dma_start3A_970, %add3A_969, %dma_start3A_983] : memref<2x2568x128xi32, #tpu.memory_space<hbm>> -> memref<1x8x128xi32, #tpu.memory_space<hbm>>
      %dma_start3A_985 = tpu.memref_squeeze %dma_start3A_984 : memref<1x8x128xi32, #tpu.memory_space<hbm>> -> memref<8x128xi32, #tpu.memory_space<hbm>>
      tpu.enqueue_dma source(%dma_start3A_985 : memref<8x128xi32, #tpu.memory_space<hbm>>) target(%dma_start3A_982 : memref<8x128xi32, #tpu.memory_space<vmem>>) target_semaphore(%arg11 : memref<!tpu.dma_semaphore, #tpu.memory_space<semaphore_mem>>)
      %dma_start3A_986 = arith.constant 1 : i32
      %dma_start3A_987 = arith.constant 0 : i32
      %dma_start3A_988 = arith.constant 0 : i32
      %dma_start3A_989 = arith.constant 0 : i32
      %dma_start3A_990 = tpu.memref_slice %arg7[%dma_start3A_987, %dma_start3A_988, %dma_start3A_989] : memref<2x8x128xi32, #tpu.memory_space<vmem>> -> memref<1x8x128xi32, #tpu.memory_space<vmem>>
      %dma_start3A_991 = tpu.memref_squeeze %dma_start3A_990 : memref<1x8x128xi32, #tpu.memory_space<vmem>> -> memref<8x128xi32, #tpu.memory_space<vmem>>
      %dma_start3A_992 = arith.constant 0 : i32
      %dma_start3A_993 = tpu.memref_slice %arg2[%dma_start3A_986, %add3A_969, %dma_start3A_992] : memref<2x2568x128xi32, #tpu.memory_space<hbm>> -> memref<1x8x128xi32, #tpu.memory_space<hbm>>
      %dma_start3A_994 = tpu.memref_squeeze %dma_start3A_993 : memref<1x8x128xi32, #tpu.memory_space<hbm>> -> memref<8x128xi32, #tpu.memory_space<hbm>>
      %dma_start3A_995 = arith.constant 0 : i32
      %dma_start3A_996 = arith.constant 0 : i32
      %dma_start3A_997 = tpu.memref_slice %arg7[%dma_start3A_987, %dma_start3A_995, %dma_start3A_996] : memref<2x8x128xi32, #tpu.memory_space<vmem>> -> memref<1x8x128xi32, #tpu.memory_space<vmem>>
      %dma_start3A_998 = tpu.memref_squeeze %dma_start3A_997 : memref<1x8x128xi32, #tpu.memory_space<vmem>> -> memref<8x128xi32, #tpu.memory_space<vmem>>
      %dma_start3A_999 = arith.constant 0 : i32
      %dma_start3A_1000 = tpu.memref_slice %arg2[%dma_start3A_986, %add3A_969, %dma_start3A_999] : memref<2x2568x128xi32, #tpu.memory_space<hbm>> -> memref<1x8x128xi32, #tpu.memory_space<hbm>>
      %dma_start3A_1001 = tpu.memref_squeeze %dma_start3A_1000 : memref<1x8x128xi32, #tpu.memory_space<hbm>> -> memref<8x128xi32, #tpu.memory_space<hbm>>
      tpu.enqueue_dma source(%dma_start3A_1001 : memref<8x128xi32, #tpu.memory_space<hbm>>) target(%dma_start3A_998 : memref<8x128xi32, #tpu.memory_space<vmem>>) target_semaphore(%arg11 : memref<!tpu.dma_semaphore, #tpu.memory_space<semaphore_mem>>)
      %dma_wait3A_1002 = arith.constant 1 : i32
      %dma_wait3A_1003 = arith.constant 0 : i32
      %dma_wait3A_1004 = arith.constant 1 : i32
      %dma_wait3A_1005 = arith.constant 0 : i32
      %dma_wait3A_1006 = arith.constant 0 : i32
      %dma_wait3A_1007 = arith.constant 0 : i32
      %dma_wait3A_1008 = tpu.memref_slice %arg8[%dma_wait3A_1002, %dma_wait3A_1003, %dma_wait3A_1006, %dma_wait3A_1007] : memref<2x8x128x16xf32, #tpu.memory_space<vmem>> -> memref<1x1x128x16xf32, #tpu.memory_space<vmem>>
      %dma_wait3A_1009 = tpu.memref_squeeze %dma_wait3A_1008 : memref<1x1x128x16xf32, #tpu.memory_space<vmem>> -> memref<128x16xf32, #tpu.memory_space<vmem>>
      %dma_wait3A_1010 = arith.constant 0 : i32
      %dma_wait3A_1011 = tpu.memref_slice %arg7[%dma_wait3A_1004, %dma_wait3A_1005, %dma_wait3A_1010] : memref<2x8x128xi32, #tpu.memory_space<vmem>> -> memref<1x1x128xi32, #tpu.memory_space<vmem>>
      %dma_wait3A_1012 = tpu.memref_squeeze %dma_wait3A_1011 : memref<1x1x128xi32, #tpu.memory_space<vmem>> -> memref<128xi32, #tpu.memory_space<vmem>>
      %dma_wait3A_1013 = arith.constant 0 : i32
      %dma_wait3A_1014 = arith.constant 0 : i32
      %dma_wait3A_1015 = tpu.memref_slice %arg10[%dma_wait3A_1013, %dma_wait3A_1014] : memref<10112x16xf32, #tpu.memory_space<vmem_shared>> -> memref<10112x16xf32, #tpu.memory_space<vmem_shared>>
      tpu.wait_indirect_dma semaphore(%arg14 : memref<!tpu.dma_semaphore, #tpu.memory_space<semaphore_mem>>) src(%dma_wait3A_1009 : memref<128x16xf32, #tpu.memory_space<vmem>>) dst(%dma_wait3A_1015 : memref<10112x16xf32, #tpu.memory_space<vmem_shared>>)
      %dma_wait3A_1016 = arith.constant 1 : i32
      %dma_wait3A_1017 = arith.constant 1 : i32
      %dma_wait3A_1018 = arith.constant 1 : i32
      %dma_wait3A_1019 = arith.constant 1 : i32
      %dma_wait3A_1020 = arith.constant 0 : i32
      %dma_wait3A_1021 = arith.constant 0 : i32
      %dma_wait3A_1022 = tpu.memref_slice %arg8[%dma_wait3A_1016, %dma_wait3A_1017, %dma_wait3A_1020, %dma_wait3A_1021] : memref<2x8x128x16xf32, #tpu.memory_space<vmem>> -> memref<1x1x128x16xf32, #tpu.memory_space<vmem>>
      %dma_wait3A_1023 = tpu.memref_squeeze %dma_wait3A_1022 : memref<1x1x128x16xf32, #tpu.memory_space<vmem>> -> memref<128x16xf32, #tpu.memory_space<vmem>>
      %dma_wait3A_1024 = arith.constant 0 : i32
      %dma_wait3A_1025 = tpu.memref_slice %arg7[%dma_wait3A_1018, %dma_wait3A_1019, %dma_wait3A_1024] : memref<2x8x128xi32, #tpu.memory_space<vmem>> -> memref<1x1x128xi32, #tpu.memory_space<vmem>>
      %dma_wait3A_1026 = tpu.memref_squeeze %dma_wait3A_1025 : memref<1x1x128xi32, #tpu.memory_space<vmem>> -> memref<128xi32, #tpu.memory_space<vmem>>
      %dma_wait3A_1027 = arith.constant 0 : i32
      %dma_wait3A_1028 = arith.constant 0 : i32
      %dma_wait3A_1029 = tpu.memref_slice %arg10[%dma_wait3A_1027, %dma_wait3A_1028] : memref<10112x16xf32, #tpu.memory_space<vmem_shared>> -> memref<10112x16xf32, #tpu.memory_space<vmem_shared>>
      tpu.wait_indirect_dma semaphore(%arg14 : memref<!tpu.dma_semaphore, #tpu.memory_space<semaphore_mem>>) src(%dma_wait3A_1023 : memref<128x16xf32, #tpu.memory_space<vmem>>) dst(%dma_wait3A_1029 : memref<10112x16xf32, #tpu.memory_space<vmem_shared>>)
      %dma_wait3A_1030 = arith.constant 1 : i32
      %dma_wait3A_1031 = arith.constant 2 : i32
      %dma_wait3A_1032 = arith.constant 1 : i32
      %dma_wait3A_1033 = arith.constant 2 : i32
      %dma_wait3A_1034 = arith.constant 0 : i32
      %dma_wait3A_1035 = arith.constant 0 : i32
      %dma_wait3A_1036 = tpu.memref_slice %arg8[%dma_wait3A_1030, %dma_wait3A_1031, %dma_wait3A_1034, %dma_wait3A_1035] : memref<2x8x128x16xf32, #tpu.memory_space<vmem>> -> memref<1x1x128x16xf32, #tpu.memory_space<vmem>>
      %dma_wait3A_1037 = tpu.memref_squeeze %dma_wait3A_1036 : memref<1x1x128x16xf32, #tpu.memory_space<vmem>> -> memref<128x16xf32, #tpu.memory_space<vmem>>
      %dma_wait3A_1038 = arith.constant 0 : i32
      %dma_wait3A_1039 = tpu.memref_slice %arg7[%dma_wait3A_1032, %dma_wait3A_1033, %dma_wait3A_1038] : memref<2x8x128xi32, #tpu.memory_space<vmem>> -> memref<1x1x128xi32, #tpu.memory_space<vmem>>
      %dma_wait3A_1040 = tpu.memref_squeeze %dma_wait3A_1039 : memref<1x1x128xi32, #tpu.memory_space<vmem>> -> memref<128xi32, #tpu.memory_space<vmem>>
      %dma_wait3A_1041 = arith.constant 0 : i32
      %dma_wait3A_1042 = arith.constant 0 : i32
      %dma_wait3A_1043 = tpu.memref_slice %arg10[%dma_wait3A_1041, %dma_wait3A_1042] : memref<10112x16xf32, #tpu.memory_space<vmem_shared>> -> memref<10112x16xf32, #tpu.memory_space<vmem_shared>>
      tpu.wait_indirect_dma semaphore(%arg14 : memref<!tpu.dma_semaphore, #tpu.memory_space<semaphore_mem>>) src(%dma_wait3A_1037 : memref<128x16xf32, #tpu.memory_space<vmem>>) dst(%dma_wait3A_1043 : memref<10112x16xf32, #tpu.memory_space<vmem_shared>>)
      %dma_wait3A_1044 = arith.constant 1 : i32
      %dma_wait3A_1045 = arith.constant 3 : i32
      %dma_wait3A_1046 = arith.constant 1 : i32
      %dma_wait3A_1047 = arith.constant 3 : i32
      %dma_wait3A_1048 = arith.constant 0 : i32
      %dma_wait3A_1049 = arith.constant 0 : i32
      %dma_wait3A_1050 = tpu.memref_slice %arg8[%dma_wait3A_1044, %dma_wait3A_1045, %dma_wait3A_1048, %dma_wait3A_1049] : memref<2x8x128x16xf32, #tpu.memory_space<vmem>> -> memref<1x1x128x16xf32, #tpu.memory_space<vmem>>
      %dma_wait3A_1051 = tpu.memref_squeeze %dma_wait3A_1050 : memref<1x1x128x16xf32, #tpu.memory_space<vmem>> -> memref<128x16xf32, #tpu.memory_space<vmem>>
      %dma_wait3A_1052 = arith.constant 0 : i32
      %dma_wait3A_1053 = tpu.memref_slice %arg7[%dma_wait3A_1046, %dma_wait3A_1047, %dma_wait3A_1052] : memref<2x8x128xi32, #tpu.memory_space<vmem>> -> memref<1x1x128xi32, #tpu.memory_space<vmem>>
      %dma_wait3A_1054 = tpu.memref_squeeze %dma_wait3A_1053 : memref<1x1x128xi32, #tpu.memory_space<vmem>> -> memref<128xi32, #tpu.memory_space<vmem>>
      %dma_wait3A_1055 = arith.constant 0 : i32
      %dma_wait3A_1056 = arith.constant 0 : i32
      %dma_wait3A_1057 = tpu.memref_slice %arg10[%dma_wait3A_1055, %dma_wait3A_1056] : memref<10112x16xf32, #tpu.memory_space<vmem_shared>> -> memref<10112x16xf32, #tpu.memory_space<vmem_shared>>
      tpu.wait_indirect_dma semaphore(%arg14 : memref<!tpu.dma_semaphore, #tpu.memory_space<semaphore_mem>>) src(%dma_wait3A_1051 : memref<128x16xf32, #tpu.memory_space<vmem>>) dst(%dma_wait3A_1057 : memref<10112x16xf32, #tpu.memory_space<vmem_shared>>)
      %dma_wait3A_1058 = arith.constant 1 : i32
      %dma_wait3A_1059 = arith.constant 4 : i32
      %dma_wait3A_1060 = arith.constant 1 : i32
      %dma_wait3A_1061 = arith.constant 4 : i32
      %dma_wait3A_1062 = arith.constant 0 : i32
      %dma_wait3A_1063 = arith.constant 0 : i32
      %dma_wait3A_1064 = tpu.memref_slice %arg8[%dma_wait3A_1058, %dma_wait3A_1059, %dma_wait3A_1062, %dma_wait3A_1063] : memref<2x8x128x16xf32, #tpu.memory_space<vmem>> -> memref<1x1x128x16xf32, #tpu.memory_space<vmem>>
      %dma_wait3A_1065 = tpu.memref_squeeze %dma_wait3A_1064 : memref<1x1x128x16xf32, #tpu.memory_space<vmem>> -> memref<128x16xf32, #tpu.memory_space<vmem>>
      %dma_wait3A_1066 = arith.constant 0 : i32
      %dma_wait3A_1067 = tpu.memref_slice %arg7[%dma_wait3A_1060, %dma_wait3A_1061, %dma_wait3A_1066] : memref<2x8x128xi32, #tpu.memory_space<vmem>> -> memref<1x1x128xi32, #tpu.memory_space<vmem>>
      %dma_wait3A_1068 = tpu.memref_squeeze %dma_wait3A_1067 : memref<1x1x128xi32, #tpu.memory_space<vmem>> -> memref<128xi32, #tpu.memory_space<vmem>>
      %dma_wait3A_1069 = arith.constant 0 : i32
      %dma_wait3A_1070 = arith.constant 0 : i32
      %dma_wait3A_1071 = tpu.memref_slice %arg10[%dma_wait3A_1069, %dma_wait3A_1070] : memref<10112x16xf32, #tpu.memory_space<vmem_shared>> -> memref<10112x16xf32, #tpu.memory_space<vmem_shared>>
      tpu.wait_indirect_dma semaphore(%arg14 : memref<!tpu.dma_semaphore, #tpu.memory_space<semaphore_mem>>) src(%dma_wait3A_1065 : memref<128x16xf32, #tpu.memory_space<vmem>>) dst(%dma_wait3A_1071 : memref<10112x16xf32, #tpu.memory_space<vmem_shared>>)
      %dma_wait3A_1072 = arith.constant 1 : i32
      %dma_wait3A_1073 = arith.constant 5 : i32
      %dma_wait3A_1074 = arith.constant 1 : i32
      %dma_wait3A_1075 = arith.constant 5 : i32
      %dma_wait3A_1076 = arith.constant 0 : i32
      %dma_wait3A_1077 = arith.constant 0 : i32
      %dma_wait3A_1078 = tpu.memref_slice %arg8[%dma_wait3A_1072, %dma_wait3A_1073, %dma_wait3A_1076, %dma_wait3A_1077] : memref<2x8x128x16xf32, #tpu.memory_space<vmem>> -> memref<1x1x128x16xf32, #tpu.memory_space<vmem>>
      %dma_wait3A_1079 = tpu.memref_squeeze %dma_wait3A_1078 : memref<1x1x128x16xf32, #tpu.memory_space<vmem>> -> memref<128x16xf32, #tpu.memory_space<vmem>>
      %dma_wait3A_1080 = arith.constant 0 : i32
      %dma_wait3A_1081 = tpu.memref_slice %arg7[%dma_wait3A_1074, %dma_wait3A_1075, %dma_wait3A_1080] : memref<2x8x128xi32, #tpu.memory_space<vmem>> -> memref<1x1x128xi32, #tpu.memory_space<vmem>>
      %dma_wait3A_1082 = tpu.memref_squeeze %dma_wait3A_1081 : memref<1x1x128xi32, #tpu.memory_space<vmem>> -> memref<128xi32, #tpu.memory_space<vmem>>
      %dma_wait3A_1083 = arith.constant 0 : i32
      %dma_wait3A_1084 = arith.constant 0 : i32
      %dma_wait3A_1085 = tpu.memref_slice %arg10[%dma_wait3A_1083, %dma_wait3A_1084] : memref<10112x16xf32, #tpu.memory_space<vmem_shared>> -> memref<10112x16xf32, #tpu.memory_space<vmem_shared>>
      tpu.wait_indirect_dma semaphore(%arg14 : memref<!tpu.dma_semaphore, #tpu.memory_space<semaphore_mem>>) src(%dma_wait3A_1079 : memref<128x16xf32, #tpu.memory_space<vmem>>) dst(%dma_wait3A_1085 : memref<10112x16xf32, #tpu.memory_space<vmem_shared>>)
      %dma_wait3A_1086 = arith.constant 1 : i32
      %dma_wait3A_1087 = arith.constant 6 : i32
      %dma_wait3A_1088 = arith.constant 1 : i32
      %dma_wait3A_1089 = arith.constant 6 : i32
      %dma_wait3A_1090 = arith.constant 0 : i32
      %dma_wait3A_1091 = arith.constant 0 : i32
      %dma_wait3A_1092 = tpu.memref_slice %arg8[%dma_wait3A_1086, %dma_wait3A_1087, %dma_wait3A_1090, %dma_wait3A_1091] : memref<2x8x128x16xf32, #tpu.memory_space<vmem>> -> memref<1x1x128x16xf32, #tpu.memory_space<vmem>>
      %dma_wait3A_1093 = tpu.memref_squeeze %dma_wait3A_1092 : memref<1x1x128x16xf32, #tpu.memory_space<vmem>> -> memref<128x16xf32, #tpu.memory_space<vmem>>
      %dma_wait3A_1094 = arith.constant 0 : i32
      %dma_wait3A_1095 = tpu.memref_slice %arg7[%dma_wait3A_1088, %dma_wait3A_1089, %dma_wait3A_1094] : memref<2x8x128xi32, #tpu.memory_space<vmem>> -> memref<1x1x128xi32, #tpu.memory_space<vmem>>
      %dma_wait3A_1096 = tpu.memref_squeeze %dma_wait3A_1095 : memref<1x1x128xi32, #tpu.memory_space<vmem>> -> memref<128xi32, #tpu.memory_space<vmem>>
      %dma_wait3A_1097 = arith.constant 0 : i32
      %dma_wait3A_1098 = arith.constant 0 : i32
      %dma_wait3A_1099 = tpu.memref_slice %arg10[%dma_wait3A_1097, %dma_wait3A_1098] : memref<10112x16xf32, #tpu.memory_space<vmem_shared>> -> memref<10112x16xf32, #tpu.memory_space<vmem_shared>>
      tpu.wait_indirect_dma semaphore(%arg14 : memref<!tpu.dma_semaphore, #tpu.memory_space<semaphore_mem>>) src(%dma_wait3A_1093 : memref<128x16xf32, #tpu.memory_space<vmem>>) dst(%dma_wait3A_1099 : memref<10112x16xf32, #tpu.memory_space<vmem_shared>>)
      %dma_wait3A_1100 = arith.constant 1 : i32
      %dma_wait3A_1101 = arith.constant 7 : i32
      %dma_wait3A_1102 = arith.constant 1 : i32
      %dma_wait3A_1103 = arith.constant 7 : i32
      %dma_wait3A_1104 = arith.constant 0 : i32
      %dma_wait3A_1105 = arith.constant 0 : i32
      %dma_wait3A_1106 = tpu.memref_slice %arg8[%dma_wait3A_1100, %dma_wait3A_1101, %dma_wait3A_1104, %dma_wait3A_1105] : memref<2x8x128x16xf32, #tpu.memory_space<vmem>> -> memref<1x1x128x16xf32, #tpu.memory_space<vmem>>
      %dma_wait3A_1107 = tpu.memref_squeeze %dma_wait3A_1106 : memref<1x1x128x16xf32, #tpu.memory_space<vmem>> -> memref<128x16xf32, #tpu.memory_space<vmem>>
      %dma_wait3A_1108 = arith.constant 0 : i32
      %dma_wait3A_1109 = tpu.memref_slice %arg7[%dma_wait3A_1102, %dma_wait3A_1103, %dma_wait3A_1108] : memref<2x8x128xi32, #tpu.memory_space<vmem>> -> memref<1x1x128xi32, #tpu.memory_space<vmem>>
      %dma_wait3A_1110 = tpu.memref_squeeze %dma_wait3A_1109 : memref<1x1x128xi32, #tpu.memory_space<vmem>> -> memref<128xi32, #tpu.memory_space<vmem>>
      %dma_wait3A_1111 = arith.constant 0 : i32
      %dma_wait3A_1112 = arith.constant 0 : i32
      %dma_wait3A_1113 = tpu.memref_slice %arg10[%dma_wait3A_1111, %dma_wait3A_1112] : memref<10112x16xf32, #tpu.memory_space<vmem_shared>> -> memref<10112x16xf32, #tpu.memory_space<vmem_shared>>
      tpu.wait_indirect_dma semaphore(%arg14 : memref<!tpu.dma_semaphore, #tpu.memory_space<semaphore_mem>>) src(%dma_wait3A_1107 : memref<128x16xf32, #tpu.memory_space<vmem>>) dst(%dma_wait3A_1113 : memref<10112x16xf32, #tpu.memory_space<vmem_shared>>)
    }
    %scan3A_40 = arith.constant 5 : i32
    %add3A_41 = arith.constant 80 : i32
    %add3A_42 = arith.addi %mul3A_4, %add3A_41 : i32
    %dma_wait3A = arith.constant 0 : i32
    %dma_wait3A_43 = arith.constant 0 : i32
    %dma_wait3A_44 = arith.constant 0 : i32
    %dma_wait3A_45 = arith.constant 0 : i32
    %dma_wait3A_46 = tpu.memref_slice %arg6[%dma_wait3A_43, %dma_wait3A_44, %dma_wait3A_45] : memref<2x8x128xi32, #tpu.memory_space<vmem>> -> memref<1x8x128xi32, #tpu.memory_space<vmem>>
    %dma_wait3A_47 = tpu.memref_squeeze %dma_wait3A_46 : memref<1x8x128xi32, #tpu.memory_space<vmem>> -> memref<8x128xi32, #tpu.memory_space<vmem>>
    %dma_wait3A_48 = arith.constant 0 : i32
    %dma_wait3A_49 = tpu.memref_slice %arg2[%dma_wait3A, %add3A_42, %dma_wait3A_48] : memref<2x2568x128xi32, #tpu.memory_space<hbm>> -> memref<1x8x128xi32, #tpu.memory_space<hbm>>
    %dma_wait3A_50 = tpu.memref_squeeze %dma_wait3A_49 : memref<1x8x128xi32, #tpu.memory_space<hbm>> -> memref<8x128xi32, #tpu.memory_space<hbm>>
    %dma_wait3A_51 = arith.constant 0 : i32
    %dma_wait3A_52 = arith.constant 0 : i32
    %dma_wait3A_53 = tpu.memref_slice %arg6[%dma_wait3A_43, %dma_wait3A_51, %dma_wait3A_52] : memref<2x8x128xi32, #tpu.memory_space<vmem>> -> memref<1x8x128xi32, #tpu.memory_space<vmem>>
    %dma_wait3A_54 = tpu.memref_squeeze %dma_wait3A_53 : memref<1x8x128xi32, #tpu.memory_space<vmem>> -> memref<8x128xi32, #tpu.memory_space<vmem>>
    %dma_wait3A_55 = arith.constant 0 : i32
    %dma_wait3A_56 = tpu.memref_slice %arg2[%dma_wait3A, %add3A_42, %dma_wait3A_55] : memref<2x2568x128xi32, #tpu.memory_space<hbm>> -> memref<1x8x128xi32, #tpu.memory_space<hbm>>
    %dma_wait3A_57 = tpu.memref_squeeze %dma_wait3A_56 : memref<1x8x128xi32, #tpu.memory_space<hbm>> -> memref<8x128xi32, #tpu.memory_space<hbm>>
    tpu.wait_dma2 semaphore(%arg11 : memref<!tpu.dma_semaphore, #tpu.memory_space<semaphore_mem>>) src(%dma_wait3A_57 : memref<8x128xi32, #tpu.memory_space<hbm>>) dst(%dma_wait3A_54 : memref<8x128xi32, #tpu.memory_space<vmem>>)
    %add3A_58 = arith.constant 80 : i32
    %add3A_59 = arith.addi %mul3A_4, %add3A_58 : i32
    %dma_wait3A_60 = arith.constant 1 : i32
    %dma_wait3A_61 = arith.constant 0 : i32
    %dma_wait3A_62 = arith.constant 0 : i32
    %dma_wait3A_63 = arith.constant 0 : i32
    %dma_wait3A_64 = tpu.memref_slice %arg7[%dma_wait3A_61, %dma_wait3A_62, %dma_wait3A_63] : memref<2x8x128xi32, #tpu.memory_space<vmem>> -> memref<1x8x128xi32, #tpu.memory_space<vmem>>
    %dma_wait3A_65 = tpu.memref_squeeze %dma_wait3A_64 : memref<1x8x128xi32, #tpu.memory_space<vmem>> -> memref<8x128xi32, #tpu.memory_space<vmem>>
    %dma_wait3A_66 = arith.constant 0 : i32
    %dma_wait3A_67 = tpu.memref_slice %arg2[%dma_wait3A_60, %add3A_59, %dma_wait3A_66] : memref<2x2568x128xi32, #tpu.memory_space<hbm>> -> memref<1x8x128xi32, #tpu.memory_space<hbm>>
    %dma_wait3A_68 = tpu.memref_squeeze %dma_wait3A_67 : memref<1x8x128xi32, #tpu.memory_space<hbm>> -> memref<8x128xi32, #tpu.memory_space<hbm>>
    %dma_wait3A_69 = arith.constant 0 : i32
    %dma_wait3A_70 = arith.constant 0 : i32
    %dma_wait3A_71 = tpu.memref_slice %arg7[%dma_wait3A_61, %dma_wait3A_69, %dma_wait3A_70] : memref<2x8x128xi32, #tpu.memory_space<vmem>> -> memref<1x8x128xi32, #tpu.memory_space<vmem>>
    %dma_wait3A_72 = tpu.memref_squeeze %dma_wait3A_71 : memref<1x8x128xi32, #tpu.memory_space<vmem>> -> memref<8x128xi32, #tpu.memory_space<vmem>>
    %dma_wait3A_73 = arith.constant 0 : i32
    %dma_wait3A_74 = tpu.memref_slice %arg2[%dma_wait3A_60, %add3A_59, %dma_wait3A_73] : memref<2x2568x128xi32, #tpu.memory_space<hbm>> -> memref<1x8x128xi32, #tpu.memory_space<hbm>>
    %dma_wait3A_75 = tpu.memref_squeeze %dma_wait3A_74 : memref<1x8x128xi32, #tpu.memory_space<hbm>> -> memref<8x128xi32, #tpu.memory_space<hbm>>
    tpu.wait_dma2 semaphore(%arg11 : memref<!tpu.dma_semaphore, #tpu.memory_space<semaphore_mem>>) src(%dma_wait3A_75 : memref<8x128xi32, #tpu.memory_space<hbm>>) dst(%dma_wait3A_72 : memref<8x128xi32, #tpu.memory_space<vmem>>)
    %barrier3A_76 = arith.constant 0 : index
    tpu.barrier barrier_id(%barrier3A_76)
    %mul3A_77 = arith.constant 10112 : i32
    %mul3A_78 = arith.muli %arg0, %mul3A_77 : i32
    %add3A_79 = arith.addi %mul3A_78, %mul3A_2 : i32
    "tpu.region"() ({
      %run_scoped3A = tpu.sem_alloc : memref<!tpu.dma_semaphore, #tpu.memory_space<semaphore_mem>>
      %dma_start3A_80 = arith.constant 0 : i32
      %dma_start3A_81 = tpu.memref_slice %arg5[%add3A_79, %dma_start3A_80] : memref<20224x16xf32, #tpu.memory_space<hbm>> -> memref<632x16xf32, #tpu.memory_space<hbm>>
      %dma_start3A_82 = arith.constant 0 : i32
      %dma_start3A_83 = tpu.memref_slice %arg10[%mul3A_2, %dma_start3A_82] : memref<10112x16xf32, #tpu.memory_space<vmem_shared>> -> memref<632x16xf32, #tpu.memory_space<vmem_shared>>
      tpu.enqueue_dma source(%dma_start3A_83 : memref<632x16xf32, #tpu.memory_space<vmem_shared>>) target(%dma_start3A_81 : memref<632x16xf32, #tpu.memory_space<hbm>>) target_semaphore(%run_scoped3A : memref<!tpu.dma_semaphore, #tpu.memory_space<semaphore_mem>>)
      %dma_wait3A_84 = arith.constant 0 : i32
      %dma_wait3A_85 = tpu.memref_slice %arg5[%add3A_79, %dma_wait3A_84] : memref<20224x16xf32, #tpu.memory_space<hbm>> -> memref<632x16xf32, #tpu.memory_space<hbm>>
      %dma_wait3A_86 = arith.constant 0 : i32
      %dma_wait3A_87 = tpu.memref_slice %arg10[%mul3A_2, %dma_wait3A_86] : memref<10112x16xf32, #tpu.memory_space<vmem_shared>> -> memref<632x16xf32, #tpu.memory_space<vmem_shared>>
      tpu.wait_dma2 semaphore(%run_scoped3A : memref<!tpu.dma_semaphore, #tpu.memory_space<semaphore_mem>>) src(%dma_wait3A_87 : memref<632x16xf32, #tpu.memory_space<vmem_shared>>) dst(%dma_wait3A_85 : memref<632x16xf32, #tpu.memory_space<hbm>>)
      tpu.yield
    }) : () -> ()
    return
  }
}

#map = affine_map<(d0, d1) -> (0, 0, 0)>
#map1 = affine_map<(d0, d1) -> (0, 0)>
module attributes {stable_mosaic.version = 14 : i64} {
  func.func @_sc_aggregate(%arg0: i32, %arg1: i32, %arg2: memref<2x2568x128xi32, #tpu.memory_space<hbm>>, %arg3: memref<10112x16xf32, #tpu.memory_space<hbm>>, %arg4: memref<10112x16xf32, #tpu.memory_space<hbm>>, %arg5: memref<20224x16xf32, #tpu.memory_space<hbm>>, %arg6: memref<2x8x128xi32, #tpu.memory_space<vmem>>, %arg7: memref<2x8x128xi32, #tpu.memory_space<vmem>>, %arg8: memref<2x8x128x16xf32, #tpu.memory_space<vmem>>, %arg9: memref<10112x16xf32, #tpu.memory_space<vmem_shared>>, %arg10: memref<10112x16xf32, #tpu.memory_space<vmem_shared>>, %arg11: memref<!tpu.dma_semaphore, #tpu.memory_space<semaphore_mem>>, %arg12: memref<!tpu.dma_semaphore, #tpu.memory_space<semaphore_mem>>, %arg13: memref<!tpu.dma_semaphore, #tpu.memory_space<semaphore_mem>>, %arg14: memref<!tpu.dma_semaphore, #tpu.memory_space<semaphore_mem>>) attributes {dimension_semantics = [#tpu.dimension_semantics<core_parallel>, #tpu.dimension_semantics<subcore_parallel>], iteration_bounds = array<i64: 2, 16>, scalar_prefetch = 0 : i64, scratch_operands = 9 : i64, tpu.core_type = #tpu.core_type<sc_vector_subcore>, window_params = [{transform_indices = #map}, {transform_indices = #map1}, {transform_indices = #map1}, {transform_indices = #map1}]} {
    %mul3A = arith.constant 2 : i32
    %mul3A_0 = arith.muli %arg1, %mul3A : i32
    %add3A = arith.addi %mul3A_0, %arg0 : i32
    %mul3A_1 = arith.constant 632 : i32
    %mul3A_2 = arith.muli %arg1, %mul3A_1 : i32
    "tpu.region"() ({
      %run_scoped3A = tpu.sem_alloc : memref<!tpu.dma_semaphore, #tpu.memory_space<semaphore_mem>>
      %dma_start3A_80 = arith.constant 0 : i32
      %dma_start3A_81 = tpu.memref_slice %arg10[%mul3A_2, %dma_start3A_80] : memref<10112x16xf32, #tpu.memory_space<vmem_shared>> -> memref<632x16xf32, #tpu.memory_space<vmem_shared>>
      %dma_start3A_82 = arith.constant 0 : i32
      %dma_start3A_83 = tpu.memref_slice %arg4[%mul3A_2, %dma_start3A_82] : memref<10112x16xf32, #tpu.memory_space<hbm>> -> memref<632x16xf32, #tpu.memory_space<hbm>>
      tpu.enqueue_dma source(%dma_start3A_83 : memref<632x16xf32, #tpu.memory_space<hbm>>) target(%dma_start3A_81 : memref<632x16xf32, #tpu.memory_space<vmem_shared>>) target_semaphore(%run_scoped3A : memref<!tpu.dma_semaphore, #tpu.memory_space<semaphore_mem>>)
      %dma_wait3A_84 = arith.constant 0 : i32
      %dma_wait3A_85 = tpu.memref_slice %arg10[%mul3A_2, %dma_wait3A_84] : memref<10112x16xf32, #tpu.memory_space<vmem_shared>> -> memref<632x16xf32, #tpu.memory_space<vmem_shared>>
      %dma_wait3A_86 = arith.constant 0 : i32
      %dma_wait3A_87 = tpu.memref_slice %arg4[%mul3A_2, %dma_wait3A_86] : memref<10112x16xf32, #tpu.memory_space<hbm>> -> memref<632x16xf32, #tpu.memory_space<hbm>>
      tpu.wait_dma2 semaphore(%run_scoped3A : memref<!tpu.dma_semaphore, #tpu.memory_space<semaphore_mem>>) src(%dma_wait3A_87 : memref<632x16xf32, #tpu.memory_space<hbm>>) dst(%dma_wait3A_85 : memref<632x16xf32, #tpu.memory_space<vmem_shared>>)
      tpu.yield
    }) : () -> ()
    "tpu.region"() ({
      %run_scoped3A = tpu.sem_alloc : memref<!tpu.dma_semaphore, #tpu.memory_space<semaphore_mem>>
      %dma_start3A_80 = arith.constant 0 : i32
      %dma_start3A_81 = tpu.memref_slice %arg9[%mul3A_2, %dma_start3A_80] : memref<10112x16xf32, #tpu.memory_space<vmem_shared>> -> memref<632x16xf32, #tpu.memory_space<vmem_shared>>
      %dma_start3A_82 = arith.constant 0 : i32
      %dma_start3A_83 = tpu.memref_slice %arg3[%mul3A_2, %dma_start3A_82] : memref<10112x16xf32, #tpu.memory_space<hbm>> -> memref<632x16xf32, #tpu.memory_space<hbm>>
      tpu.enqueue_dma source(%dma_start3A_83 : memref<632x16xf32, #tpu.memory_space<hbm>>) target(%dma_start3A_81 : memref<632x16xf32, #tpu.memory_space<vmem_shared>>) target_semaphore(%run_scoped3A : memref<!tpu.dma_semaphore, #tpu.memory_space<semaphore_mem>>)
      %dma_wait3A_84 = arith.constant 0 : i32
      %dma_wait3A_85 = tpu.memref_slice %arg9[%mul3A_2, %dma_wait3A_84] : memref<10112x16xf32, #tpu.memory_space<vmem_shared>> -> memref<632x16xf32, #tpu.memory_space<vmem_shared>>
      %dma_wait3A_86 = arith.constant 0 : i32
      %dma_wait3A_87 = tpu.memref_slice %arg3[%mul3A_2, %dma_wait3A_86] : memref<10112x16xf32, #tpu.memory_space<hbm>> -> memref<632x16xf32, #tpu.memory_space<hbm>>
      tpu.wait_dma2 semaphore(%run_scoped3A : memref<!tpu.dma_semaphore, #tpu.memory_space<semaphore_mem>>) src(%dma_wait3A_87 : memref<632x16xf32, #tpu.memory_space<hbm>>) dst(%dma_wait3A_85 : memref<632x16xf32, #tpu.memory_space<vmem_shared>>)
      tpu.yield
    }) : () -> ()
    %barrier3A = arith.constant 0 : index
    tpu.barrier barrier_id(%barrier3A)
    %mul3A_3 = arith.constant 80 : i32
    %mul3A_4 = arith.muli %add3A, %mul3A_3 : i32
    %dma_start3A = arith.constant 0 : i32
    %dma_start3A_5 = arith.constant 0 : i32
    %dma_start3A_6 = arith.constant 0 : i32
    %dma_start3A_7 = arith.constant 0 : i32
    %dma_start3A_8 = tpu.memref_slice %arg6[%dma_start3A_5, %dma_start3A_6, %dma_start3A_7] : memref<2x8x128xi32, #tpu.memory_space<vmem>> -> memref<1x8x128xi32, #tpu.memory_space<vmem>>
    %dma_start3A_9 = tpu.memref_squeeze %dma_start3A_8 : memref<1x8x128xi32, #tpu.memory_space<vmem>> -> memref<8x128xi32, #tpu.memory_space<vmem>>
    %dma_start3A_10 = arith.constant 0 : i32
    %dma_start3A_11 = tpu.memref_slice %arg2[%dma_start3A, %mul3A_4, %dma_start3A_10] : memref<2x2568x128xi32, #tpu.memory_space<hbm>> -> memref<1x8x128xi32, #tpu.memory_space<hbm>>
    %dma_start3A_12 = tpu.memref_squeeze %dma_start3A_11 : memref<1x8x128xi32, #tpu.memory_space<hbm>> -> memref<8x128xi32, #tpu.memory_space<hbm>>
    %dma_start3A_13 = arith.constant 0 : i32
    %dma_start3A_14 = arith.constant 0 : i32
    %dma_start3A_15 = tpu.memref_slice %arg6[%dma_start3A_5, %dma_start3A_13, %dma_start3A_14] : memref<2x8x128xi32, #tpu.memory_space<vmem>> -> memref<1x8x128xi32, #tpu.memory_space<vmem>>
    %dma_start3A_16 = tpu.memref_squeeze %dma_start3A_15 : memref<1x8x128xi32, #tpu.memory_space<vmem>> -> memref<8x128xi32, #tpu.memory_space<vmem>>
    %dma_start3A_17 = arith.constant 0 : i32
    %dma_start3A_18 = tpu.memref_slice %arg2[%dma_start3A, %mul3A_4, %dma_start3A_17] : memref<2x2568x128xi32, #tpu.memory_space<hbm>> -> memref<1x8x128xi32, #tpu.memory_space<hbm>>
    %dma_start3A_19 = tpu.memref_squeeze %dma_start3A_18 : memref<1x8x128xi32, #tpu.memory_space<hbm>> -> memref<8x128xi32, #tpu.memory_space<hbm>>
    tpu.enqueue_dma source(%dma_start3A_19 : memref<8x128xi32, #tpu.memory_space<hbm>>) target(%dma_start3A_16 : memref<8x128xi32, #tpu.memory_space<vmem>>) target_semaphore(%arg11 : memref<!tpu.dma_semaphore, #tpu.memory_space<semaphore_mem>>)
    %dma_start3A_20 = arith.constant 1 : i32
    %dma_start3A_21 = arith.constant 0 : i32
    %dma_start3A_22 = arith.constant 0 : i32
    %dma_start3A_23 = arith.constant 0 : i32
    %dma_start3A_24 = tpu.memref_slice %arg7[%dma_start3A_21, %dma_start3A_22, %dma_start3A_23] : memref<2x8x128xi32, #tpu.memory_space<vmem>> -> memref<1x8x128xi32, #tpu.memory_space<vmem>>
    %dma_start3A_25 = tpu.memref_squeeze %dma_start3A_24 : memref<1x8x128xi32, #tpu.memory_space<vmem>> -> memref<8x128xi32, #tpu.memory_space<vmem>>
    %dma_start3A_26 = arith.constant 0 : i32
    %dma_start3A_27 = tpu.memref_slice %arg2[%dma_start3A_20, %mul3A_4, %dma_start3A_26] : memref<2x2568x128xi32, #tpu.memory_space<hbm>> -> memref<1x8x128xi32, #tpu.memory_space<hbm>>
    %dma_start3A_28 = tpu.memref_squeeze %dma_start3A_27 : memref<1x8x128xi32, #tpu.memory_space<hbm>> -> memref<8x128xi32, #tpu.memory_space<hbm>>
    %dma_start3A_29 = arith.constant 0 : i32
    %dma_start3A_30 = arith.constant 0 : i32
    %dma_start3A_31 = tpu.memref_slice %arg7[%dma_start3A_21, %dma_start3A_29, %dma_start3A_30] : memref<2x8x128xi32, #tpu.memory_space<vmem>> -> memref<1x8x128xi32, #tpu.memory_space<vmem>>
    %dma_start3A_32 = tpu.memref_squeeze %dma_start3A_31 : memref<1x8x128xi32, #tpu.memory_space<vmem>> -> memref<8x128xi32, #tpu.memory_space<vmem>>
    %dma_start3A_33 = arith.constant 0 : i32
    %dma_start3A_34 = tpu.memref_slice %arg2[%dma_start3A_20, %mul3A_4, %dma_start3A_33] : memref<2x2568x128xi32, #tpu.memory_space<hbm>> -> memref<1x8x128xi32, #tpu.memory_space<hbm>>
    %dma_start3A_35 = tpu.memref_squeeze %dma_start3A_34 : memref<1x8x128xi32, #tpu.memory_space<hbm>> -> memref<8x128xi32, #tpu.memory_space<hbm>>
    tpu.enqueue_dma source(%dma_start3A_35 : memref<8x128xi32, #tpu.memory_space<hbm>>) target(%dma_start3A_32 : memref<8x128xi32, #tpu.memory_space<vmem>>) target_semaphore(%arg11 : memref<!tpu.dma_semaphore, #tpu.memory_space<semaphore_mem>>)
    %scan3A = arith.constant 0 : i32
    %scan3A_36 = arith.constant 0 : i32
    %scan3A_37 = arith.constant 5 : i32
    %scan3A_38 = arith.addi %scan3A_36, %scan3A_37 : i32
    %scan3A_39 = arith.constant 1 : i32
    scf.for %scan3A_80 = %scan3A_36 to %scan3A_38 step %scan3A_39  : i32 {
      %mul3A_81 = arith.constant 2 : i32
      %mul3A_82 = arith.muli %mul3A_81, %scan3A_80 : i32
      %mul3A_83 = arith.constant 8 : i32
      %mul3A_84 = arith.muli %mul3A_82, %mul3A_83 : i32
      %add3A_85 = arith.addi %mul3A_4, %mul3A_84 : i32
      %add3A_86 = arith.constant 8 : i32
      %add3A_87 = arith.addi %add3A_85, %add3A_86 : i32
      %dma_start3A_88 = arith.constant 0 : i32
      %dma_start3A_89 = arith.constant 1 : i32
      %dma_start3A_90 = arith.constant 0 : i32
      %dma_start3A_91 = arith.constant 0 : i32
      %dma_start3A_92 = tpu.memref_slice %arg6[%dma_start3A_89, %dma_start3A_90, %dma_start3A_91] : memref<2x8x128xi32, #tpu.memory_space<vmem>> -> memref<1x8x128xi32, #tpu.memory_space<vmem>>
      %dma_start3A_93 = tpu.memref_squeeze %dma_start3A_92 : memref<1x8x128xi32, #tpu.memory_space<vmem>> -> memref<8x128xi32, #tpu.memory_space<vmem>>
      %dma_start3A_94 = arith.constant 0 : i32
      %dma_start3A_95 = tpu.memref_slice %arg2[%dma_start3A_88, %add3A_87, %dma_start3A_94] : memref<2x2568x128xi32, #tpu.memory_space<hbm>> -> memref<1x8x128xi32, #tpu.memory_space<hbm>>
      %dma_start3A_96 = tpu.memref_squeeze %dma_start3A_95 : memref<1x8x128xi32, #tpu.memory_space<hbm>> -> memref<8x128xi32, #tpu.memory_space<hbm>>
      %dma_start3A_97 = arith.constant 0 : i32
      %dma_start3A_98 = arith.constant 0 : i32
      %dma_start3A_99 = tpu.memref_slice %arg6[%dma_start3A_89, %dma_start3A_97, %dma_start3A_98] : memref<2x8x128xi32, #tpu.memory_space<vmem>> -> memref<1x8x128xi32, #tpu.memory_space<vmem>>
      %dma_start3A_100 = tpu.memref_squeeze %dma_start3A_99 : memref<1x8x128xi32, #tpu.memory_space<vmem>> -> memref<8x128xi32, #tpu.memory_space<vmem>>
      %dma_start3A_101 = arith.constant 0 : i32
      %dma_start3A_102 = tpu.memref_slice %arg2[%dma_start3A_88, %add3A_87, %dma_start3A_101] : memref<2x2568x128xi32, #tpu.memory_space<hbm>> -> memref<1x8x128xi32, #tpu.memory_space<hbm>>
      %dma_start3A_103 = tpu.memref_squeeze %dma_start3A_102 : memref<1x8x128xi32, #tpu.memory_space<hbm>> -> memref<8x128xi32, #tpu.memory_space<hbm>>
      tpu.enqueue_dma source(%dma_start3A_103 : memref<8x128xi32, #tpu.memory_space<hbm>>) target(%dma_start3A_100 : memref<8x128xi32, #tpu.memory_space<vmem>>) target_semaphore(%arg12 : memref<!tpu.dma_semaphore, #tpu.memory_space<semaphore_mem>>)
      %dma_start3A_104 = arith.constant 1 : i32
      %dma_start3A_105 = arith.constant 1 : i32
      %dma_start3A_106 = arith.constant 0 : i32
      %dma_start3A_107 = arith.constant 0 : i32
      %dma_start3A_108 = tpu.memref_slice %arg7[%dma_start3A_105, %dma_start3A_106, %dma_start3A_107] : memref<2x8x128xi32, #tpu.memory_space<vmem>> -> memref<1x8x128xi32, #tpu.memory_space<vmem>>
      %dma_start3A_109 = tpu.memref_squeeze %dma_start3A_108 : memref<1x8x128xi32, #tpu.memory_space<vmem>> -> memref<8x128xi32, #tpu.memory_space<vmem>>
      %dma_start3A_110 = arith.constant 0 : i32
      %dma_start3A_111 = tpu.memref_slice %arg2[%dma_start3A_104, %add3A_87, %dma_start3A_110] : memref<2x2568x128xi32, #tpu.memory_space<hbm>> -> memref<1x8x128xi32, #tpu.memory_space<hbm>>
      %dma_start3A_112 = tpu.memref_squeeze %dma_start3A_111 : memref<1x8x128xi32, #tpu.memory_space<hbm>> -> memref<8x128xi32, #tpu.memory_space<hbm>>
      %dma_start3A_113 = arith.constant 0 : i32
      %dma_start3A_114 = arith.constant 0 : i32
      %dma_start3A_115 = tpu.memref_slice %arg7[%dma_start3A_105, %dma_start3A_113, %dma_start3A_114] : memref<2x8x128xi32, #tpu.memory_space<vmem>> -> memref<1x8x128xi32, #tpu.memory_space<vmem>>
      %dma_start3A_116 = tpu.memref_squeeze %dma_start3A_115 : memref<1x8x128xi32, #tpu.memory_space<vmem>> -> memref<8x128xi32, #tpu.memory_space<vmem>>
      %dma_start3A_117 = arith.constant 0 : i32
      %dma_start3A_118 = tpu.memref_slice %arg2[%dma_start3A_104, %add3A_87, %dma_start3A_117] : memref<2x2568x128xi32, #tpu.memory_space<hbm>> -> memref<1x8x128xi32, #tpu.memory_space<hbm>>
      %dma_start3A_119 = tpu.memref_squeeze %dma_start3A_118 : memref<1x8x128xi32, #tpu.memory_space<hbm>> -> memref<8x128xi32, #tpu.memory_space<hbm>>
      tpu.enqueue_dma source(%dma_start3A_119 : memref<8x128xi32, #tpu.memory_space<hbm>>) target(%dma_start3A_116 : memref<8x128xi32, #tpu.memory_space<vmem>>) target_semaphore(%arg12 : memref<!tpu.dma_semaphore, #tpu.memory_space<semaphore_mem>>)
      %dma_wait3A_120 = arith.constant 0 : i32
      %dma_wait3A_121 = arith.constant 0 : i32
      %dma_wait3A_122 = arith.constant 0 : i32
      %dma_wait3A_123 = arith.constant 0 : i32
      %dma_wait3A_124 = tpu.memref_slice %arg6[%dma_wait3A_121, %dma_wait3A_122, %dma_wait3A_123] : memref<2x8x128xi32, #tpu.memory_space<vmem>> -> memref<1x8x128xi32, #tpu.memory_space<vmem>>
      %dma_wait3A_125 = tpu.memref_squeeze %dma_wait3A_124 : memref<1x8x128xi32, #tpu.memory_space<vmem>> -> memref<8x128xi32, #tpu.memory_space<vmem>>
      %dma_wait3A_126 = arith.constant 0 : i32
      %dma_wait3A_127 = tpu.memref_slice %arg2[%dma_wait3A_120, %add3A_85, %dma_wait3A_126] : memref<2x2568x128xi32, #tpu.memory_space<hbm>> -> memref<1x8x128xi32, #tpu.memory_space<hbm>>
      %dma_wait3A_128 = tpu.memref_squeeze %dma_wait3A_127 : memref<1x8x128xi32, #tpu.memory_space<hbm>> -> memref<8x128xi32, #tpu.memory_space<hbm>>
      %dma_wait3A_129 = arith.constant 0 : i32
      %dma_wait3A_130 = arith.constant 0 : i32
      %dma_wait3A_131 = tpu.memref_slice %arg6[%dma_wait3A_121, %dma_wait3A_129, %dma_wait3A_130] : memref<2x8x128xi32, #tpu.memory_space<vmem>> -> memref<1x8x128xi32, #tpu.memory_space<vmem>>
      %dma_wait3A_132 = tpu.memref_squeeze %dma_wait3A_131 : memref<1x8x128xi32, #tpu.memory_space<vmem>> -> memref<8x128xi32, #tpu.memory_space<vmem>>
      %dma_wait3A_133 = arith.constant 0 : i32
      %dma_wait3A_134 = tpu.memref_slice %arg2[%dma_wait3A_120, %add3A_85, %dma_wait3A_133] : memref<2x2568x128xi32, #tpu.memory_space<hbm>> -> memref<1x8x128xi32, #tpu.memory_space<hbm>>
      %dma_wait3A_135 = tpu.memref_squeeze %dma_wait3A_134 : memref<1x8x128xi32, #tpu.memory_space<hbm>> -> memref<8x128xi32, #tpu.memory_space<hbm>>
      tpu.wait_dma2 semaphore(%arg11 : memref<!tpu.dma_semaphore, #tpu.memory_space<semaphore_mem>>) src(%dma_wait3A_135 : memref<8x128xi32, #tpu.memory_space<hbm>>) dst(%dma_wait3A_132 : memref<8x128xi32, #tpu.memory_space<vmem>>)
      %dma_wait3A_136 = arith.constant 1 : i32
      %dma_wait3A_137 = arith.constant 0 : i32
      %dma_wait3A_138 = arith.constant 0 : i32
      %dma_wait3A_139 = arith.constant 0 : i32
      %dma_wait3A_140 = tpu.memref_slice %arg7[%dma_wait3A_137, %dma_wait3A_138, %dma_wait3A_139] : memref<2x8x128xi32, #tpu.memory_space<vmem>> -> memref<1x8x128xi32, #tpu.memory_space<vmem>>
      %dma_wait3A_141 = tpu.memref_squeeze %dma_wait3A_140 : memref<1x8x128xi32, #tpu.memory_space<vmem>> -> memref<8x128xi32, #tpu.memory_space<vmem>>
      %dma_wait3A_142 = arith.constant 0 : i32
      %dma_wait3A_143 = tpu.memref_slice %arg2[%dma_wait3A_136, %add3A_85, %dma_wait3A_142] : memref<2x2568x128xi32, #tpu.memory_space<hbm>> -> memref<1x8x128xi32, #tpu.memory_space<hbm>>
      %dma_wait3A_144 = tpu.memref_squeeze %dma_wait3A_143 : memref<1x8x128xi32, #tpu.memory_space<hbm>> -> memref<8x128xi32, #tpu.memory_space<hbm>>
      %dma_wait3A_145 = arith.constant 0 : i32
      %dma_wait3A_146 = arith.constant 0 : i32
      %dma_wait3A_147 = tpu.memref_slice %arg7[%dma_wait3A_137, %dma_wait3A_145, %dma_wait3A_146] : memref<2x8x128xi32, #tpu.memory_space<vmem>> -> memref<1x8x128xi32, #tpu.memory_space<vmem>>
      %dma_wait3A_148 = tpu.memref_squeeze %dma_wait3A_147 : memref<1x8x128xi32, #tpu.memory_space<vmem>> -> memref<8x128xi32, #tpu.memory_space<vmem>>
      %dma_wait3A_149 = arith.constant 0 : i32
      %dma_wait3A_150 = tpu.memref_slice %arg2[%dma_wait3A_136, %add3A_85, %dma_wait3A_149] : memref<2x2568x128xi32, #tpu.memory_space<hbm>> -> memref<1x8x128xi32, #tpu.memory_space<hbm>>
      %dma_wait3A_151 = tpu.memref_squeeze %dma_wait3A_150 : memref<1x8x128xi32, #tpu.memory_space<hbm>> -> memref<8x128xi32, #tpu.memory_space<hbm>>
      tpu.wait_dma2 semaphore(%arg11 : memref<!tpu.dma_semaphore, #tpu.memory_space<semaphore_mem>>) src(%dma_wait3A_151 : memref<8x128xi32, #tpu.memory_space<hbm>>) dst(%dma_wait3A_148 : memref<8x128xi32, #tpu.memory_space<vmem>>)
      %dma_start3A_152 = arith.constant 0 : i32
      %dma_start3A_153 = arith.constant 0 : i32
      %dma_start3A_154 = arith.constant 0 : i32
      %dma_start3A_155 = arith.constant 0 : i32
      %dma_start3A_156 = arith.constant 0 : i32
      %dma_start3A_157 = arith.constant 0 : i32
      %dma_start3A_158 = tpu.memref_slice %arg8[%dma_start3A_154, %dma_start3A_155, %dma_start3A_156, %dma_start3A_157] : memref<2x8x128x16xf32, #tpu.memory_space<vmem>> -> memref<1x1x128x16xf32, #tpu.memory_space<vmem>>
      %dma_start3A_159 = tpu.memref_squeeze %dma_start3A_158 : memref<1x1x128x16xf32, #tpu.memory_space<vmem>> -> memref<128x16xf32, #tpu.memory_space<vmem>>
      %dma_start3A_160 = arith.constant 0 : i32
      %dma_start3A_161 = tpu.memref_slice %arg6[%dma_start3A_152, %dma_start3A_153, %dma_start3A_160] : memref<2x8x128xi32, #tpu.memory_space<vmem>> -> memref<1x1x128xi32, #tpu.memory_space<vmem>>
      %dma_start3A_162 = tpu.memref_squeeze %dma_start3A_161 : memref<1x1x128xi32, #tpu.memory_space<vmem>> -> memref<128xi32, #tpu.memory_space<vmem>>
      %dma_start3A_163 = arith.constant 0 : i32
      %dma_start3A_164 = arith.constant 0 : i32
      %dma_start3A_165 = tpu.memref_slice %arg9[%dma_start3A_163, %dma_start3A_164] : memref<10112x16xf32, #tpu.memory_space<vmem_shared>> -> memref<10112x16xf32, #tpu.memory_space<vmem_shared>>
      tpu.enqueue_indirect_dma source(%dma_start3A_165 : memref<10112x16xf32, #tpu.memory_space<vmem_shared>>) target(%dma_start3A_159 : memref<128x16xf32, #tpu.memory_space<vmem>>) offsets(%dma_start3A_162 : memref<128xi32, #tpu.memory_space<vmem>>) semaphore(%arg13 : memref<!tpu.dma_semaphore, #tpu.memory_space<semaphore_mem>>)
      %dma_start3A_166 = arith.constant 0 : i32
      %dma_start3A_167 = arith.constant 1 : i32
      %dma_start3A_168 = arith.constant 0 : i32
      %dma_start3A_169 = arith.constant 1 : i32
      %dma_start3A_170 = arith.constant 0 : i32
      %dma_start3A_171 = arith.constant 0 : i32
      %dma_start3A_172 = tpu.memref_slice %arg8[%dma_start3A_168, %dma_start3A_169, %dma_start3A_170, %dma_start3A_171] : memref<2x8x128x16xf32, #tpu.memory_space<vmem>> -> memref<1x1x128x16xf32, #tpu.memory_space<vmem>>
      %dma_start3A_173 = tpu.memref_squeeze %dma_start3A_172 : memref<1x1x128x16xf32, #tpu.memory_space<vmem>> -> memref<128x16xf32, #tpu.memory_space<vmem>>
      %dma_start3A_174 = arith.constant 0 : i32
      %dma_start3A_175 = tpu.memref_slice %arg6[%dma_start3A_166, %dma_start3A_167, %dma_start3A_174] : memref<2x8x128xi32, #tpu.memory_space<vmem>> -> memref<1x1x128xi32, #tpu.memory_space<vmem>>
      %dma_start3A_176 = tpu.memref_squeeze %dma_start3A_175 : memref<1x1x128xi32, #tpu.memory_space<vmem>> -> memref<128xi32, #tpu.memory_space<vmem>>
      %dma_start3A_177 = arith.constant 0 : i32
      %dma_start3A_178 = arith.constant 0 : i32
      %dma_start3A_179 = tpu.memref_slice %arg9[%dma_start3A_177, %dma_start3A_178] : memref<10112x16xf32, #tpu.memory_space<vmem_shared>> -> memref<10112x16xf32, #tpu.memory_space<vmem_shared>>
      tpu.enqueue_indirect_dma source(%dma_start3A_179 : memref<10112x16xf32, #tpu.memory_space<vmem_shared>>) target(%dma_start3A_173 : memref<128x16xf32, #tpu.memory_space<vmem>>) offsets(%dma_start3A_176 : memref<128xi32, #tpu.memory_space<vmem>>) semaphore(%arg13 : memref<!tpu.dma_semaphore, #tpu.memory_space<semaphore_mem>>)
      %dma_start3A_180 = arith.constant 0 : i32
      %dma_start3A_181 = arith.constant 2 : i32
      %dma_start3A_182 = arith.constant 0 : i32
      %dma_start3A_183 = arith.constant 2 : i32
      %dma_start3A_184 = arith.constant 0 : i32
      %dma_start3A_185 = arith.constant 0 : i32
      %dma_start3A_186 = tpu.memref_slice %arg8[%dma_start3A_182, %dma_start3A_183, %dma_start3A_184, %dma_start3A_185] : memref<2x8x128x16xf32, #tpu.memory_space<vmem>> -> memref<1x1x128x16xf32, #tpu.memory_space<vmem>>
      %dma_start3A_187 = tpu.memref_squeeze %dma_start3A_186 : memref<1x1x128x16xf32, #tpu.memory_space<vmem>> -> memref<128x16xf32, #tpu.memory_space<vmem>>
      %dma_start3A_188 = arith.constant 0 : i32
      %dma_start3A_189 = tpu.memref_slice %arg6[%dma_start3A_180, %dma_start3A_181, %dma_start3A_188] : memref<2x8x128xi32, #tpu.memory_space<vmem>> -> memref<1x1x128xi32, #tpu.memory_space<vmem>>
      %dma_start3A_190 = tpu.memref_squeeze %dma_start3A_189 : memref<1x1x128xi32, #tpu.memory_space<vmem>> -> memref<128xi32, #tpu.memory_space<vmem>>
      %dma_start3A_191 = arith.constant 0 : i32
      %dma_start3A_192 = arith.constant 0 : i32
      %dma_start3A_193 = tpu.memref_slice %arg9[%dma_start3A_191, %dma_start3A_192] : memref<10112x16xf32, #tpu.memory_space<vmem_shared>> -> memref<10112x16xf32, #tpu.memory_space<vmem_shared>>
      tpu.enqueue_indirect_dma source(%dma_start3A_193 : memref<10112x16xf32, #tpu.memory_space<vmem_shared>>) target(%dma_start3A_187 : memref<128x16xf32, #tpu.memory_space<vmem>>) offsets(%dma_start3A_190 : memref<128xi32, #tpu.memory_space<vmem>>) semaphore(%arg13 : memref<!tpu.dma_semaphore, #tpu.memory_space<semaphore_mem>>)
      %dma_start3A_194 = arith.constant 0 : i32
      %dma_start3A_195 = arith.constant 3 : i32
      %dma_start3A_196 = arith.constant 0 : i32
      %dma_start3A_197 = arith.constant 3 : i32
      %dma_start3A_198 = arith.constant 0 : i32
      %dma_start3A_199 = arith.constant 0 : i32
      %dma_start3A_200 = tpu.memref_slice %arg8[%dma_start3A_196, %dma_start3A_197, %dma_start3A_198, %dma_start3A_199] : memref<2x8x128x16xf32, #tpu.memory_space<vmem>> -> memref<1x1x128x16xf32, #tpu.memory_space<vmem>>
      %dma_start3A_201 = tpu.memref_squeeze %dma_start3A_200 : memref<1x1x128x16xf32, #tpu.memory_space<vmem>> -> memref<128x16xf32, #tpu.memory_space<vmem>>
      %dma_start3A_202 = arith.constant 0 : i32
      %dma_start3A_203 = tpu.memref_slice %arg6[%dma_start3A_194, %dma_start3A_195, %dma_start3A_202] : memref<2x8x128xi32, #tpu.memory_space<vmem>> -> memref<1x1x128xi32, #tpu.memory_space<vmem>>
      %dma_start3A_204 = tpu.memref_squeeze %dma_start3A_203 : memref<1x1x128xi32, #tpu.memory_space<vmem>> -> memref<128xi32, #tpu.memory_space<vmem>>
      %dma_start3A_205 = arith.constant 0 : i32
      %dma_start3A_206 = arith.constant 0 : i32
      %dma_start3A_207 = tpu.memref_slice %arg9[%dma_start3A_205, %dma_start3A_206] : memref<10112x16xf32, #tpu.memory_space<vmem_shared>> -> memref<10112x16xf32, #tpu.memory_space<vmem_shared>>
      tpu.enqueue_indirect_dma source(%dma_start3A_207 : memref<10112x16xf32, #tpu.memory_space<vmem_shared>>) target(%dma_start3A_201 : memref<128x16xf32, #tpu.memory_space<vmem>>) offsets(%dma_start3A_204 : memref<128xi32, #tpu.memory_space<vmem>>) semaphore(%arg13 : memref<!tpu.dma_semaphore, #tpu.memory_space<semaphore_mem>>)
      %dma_start3A_208 = arith.constant 0 : i32
      %dma_start3A_209 = arith.constant 4 : i32
      %dma_start3A_210 = arith.constant 0 : i32
      %dma_start3A_211 = arith.constant 4 : i32
      %dma_start3A_212 = arith.constant 0 : i32
      %dma_start3A_213 = arith.constant 0 : i32
      %dma_start3A_214 = tpu.memref_slice %arg8[%dma_start3A_210, %dma_start3A_211, %dma_start3A_212, %dma_start3A_213] : memref<2x8x128x16xf32, #tpu.memory_space<vmem>> -> memref<1x1x128x16xf32, #tpu.memory_space<vmem>>
      %dma_start3A_215 = tpu.memref_squeeze %dma_start3A_214 : memref<1x1x128x16xf32, #tpu.memory_space<vmem>> -> memref<128x16xf32, #tpu.memory_space<vmem>>
      %dma_start3A_216 = arith.constant 0 : i32
      %dma_start3A_217 = tpu.memref_slice %arg6[%dma_start3A_208, %dma_start3A_209, %dma_start3A_216] : memref<2x8x128xi32, #tpu.memory_space<vmem>> -> memref<1x1x128xi32, #tpu.memory_space<vmem>>
      %dma_start3A_218 = tpu.memref_squeeze %dma_start3A_217 : memref<1x1x128xi32, #tpu.memory_space<vmem>> -> memref<128xi32, #tpu.memory_space<vmem>>
      %dma_start3A_219 = arith.constant 0 : i32
      %dma_start3A_220 = arith.constant 0 : i32
      %dma_start3A_221 = tpu.memref_slice %arg9[%dma_start3A_219, %dma_start3A_220] : memref<10112x16xf32, #tpu.memory_space<vmem_shared>> -> memref<10112x16xf32, #tpu.memory_space<vmem_shared>>
      tpu.enqueue_indirect_dma source(%dma_start3A_221 : memref<10112x16xf32, #tpu.memory_space<vmem_shared>>) target(%dma_start3A_215 : memref<128x16xf32, #tpu.memory_space<vmem>>) offsets(%dma_start3A_218 : memref<128xi32, #tpu.memory_space<vmem>>) semaphore(%arg13 : memref<!tpu.dma_semaphore, #tpu.memory_space<semaphore_mem>>)
      %dma_start3A_222 = arith.constant 0 : i32
      %dma_start3A_223 = arith.constant 5 : i32
      %dma_start3A_224 = arith.constant 0 : i32
      %dma_start3A_225 = arith.constant 5 : i32
      %dma_start3A_226 = arith.constant 0 : i32
      %dma_start3A_227 = arith.constant 0 : i32
      %dma_start3A_228 = tpu.memref_slice %arg8[%dma_start3A_224, %dma_start3A_225, %dma_start3A_226, %dma_start3A_227] : memref<2x8x128x16xf32, #tpu.memory_space<vmem>> -> memref<1x1x128x16xf32, #tpu.memory_space<vmem>>
      %dma_start3A_229 = tpu.memref_squeeze %dma_start3A_228 : memref<1x1x128x16xf32, #tpu.memory_space<vmem>> -> memref<128x16xf32, #tpu.memory_space<vmem>>
      %dma_start3A_230 = arith.constant 0 : i32
      %dma_start3A_231 = tpu.memref_slice %arg6[%dma_start3A_222, %dma_start3A_223, %dma_start3A_230] : memref<2x8x128xi32, #tpu.memory_space<vmem>> -> memref<1x1x128xi32, #tpu.memory_space<vmem>>
      %dma_start3A_232 = tpu.memref_squeeze %dma_start3A_231 : memref<1x1x128xi32, #tpu.memory_space<vmem>> -> memref<128xi32, #tpu.memory_space<vmem>>
      %dma_start3A_233 = arith.constant 0 : i32
      %dma_start3A_234 = arith.constant 0 : i32
      %dma_start3A_235 = tpu.memref_slice %arg9[%dma_start3A_233, %dma_start3A_234] : memref<10112x16xf32, #tpu.memory_space<vmem_shared>> -> memref<10112x16xf32, #tpu.memory_space<vmem_shared>>
      tpu.enqueue_indirect_dma source(%dma_start3A_235 : memref<10112x16xf32, #tpu.memory_space<vmem_shared>>) target(%dma_start3A_229 : memref<128x16xf32, #tpu.memory_space<vmem>>) offsets(%dma_start3A_232 : memref<128xi32, #tpu.memory_space<vmem>>) semaphore(%arg13 : memref<!tpu.dma_semaphore, #tpu.memory_space<semaphore_mem>>)
      %dma_start3A_236 = arith.constant 0 : i32
      %dma_start3A_237 = arith.constant 6 : i32
      %dma_start3A_238 = arith.constant 0 : i32
      %dma_start3A_239 = arith.constant 6 : i32
      %dma_start3A_240 = arith.constant 0 : i32
      %dma_start3A_241 = arith.constant 0 : i32
      %dma_start3A_242 = tpu.memref_slice %arg8[%dma_start3A_238, %dma_start3A_239, %dma_start3A_240, %dma_start3A_241] : memref<2x8x128x16xf32, #tpu.memory_space<vmem>> -> memref<1x1x128x16xf32, #tpu.memory_space<vmem>>
      %dma_start3A_243 = tpu.memref_squeeze %dma_start3A_242 : memref<1x1x128x16xf32, #tpu.memory_space<vmem>> -> memref<128x16xf32, #tpu.memory_space<vmem>>
      %dma_start3A_244 = arith.constant 0 : i32
      %dma_start3A_245 = tpu.memref_slice %arg6[%dma_start3A_236, %dma_start3A_237, %dma_start3A_244] : memref<2x8x128xi32, #tpu.memory_space<vmem>> -> memref<1x1x128xi32, #tpu.memory_space<vmem>>
      %dma_start3A_246 = tpu.memref_squeeze %dma_start3A_245 : memref<1x1x128xi32, #tpu.memory_space<vmem>> -> memref<128xi32, #tpu.memory_space<vmem>>
      %dma_start3A_247 = arith.constant 0 : i32
      %dma_start3A_248 = arith.constant 0 : i32
      %dma_start3A_249 = tpu.memref_slice %arg9[%dma_start3A_247, %dma_start3A_248] : memref<10112x16xf32, #tpu.memory_space<vmem_shared>> -> memref<10112x16xf32, #tpu.memory_space<vmem_shared>>
      tpu.enqueue_indirect_dma source(%dma_start3A_249 : memref<10112x16xf32, #tpu.memory_space<vmem_shared>>) target(%dma_start3A_243 : memref<128x16xf32, #tpu.memory_space<vmem>>) offsets(%dma_start3A_246 : memref<128xi32, #tpu.memory_space<vmem>>) semaphore(%arg13 : memref<!tpu.dma_semaphore, #tpu.memory_space<semaphore_mem>>)
      %dma_start3A_250 = arith.constant 0 : i32
      %dma_start3A_251 = arith.constant 7 : i32
      %dma_start3A_252 = arith.constant 0 : i32
      %dma_start3A_253 = arith.constant 7 : i32
      %dma_start3A_254 = arith.constant 0 : i32
      %dma_start3A_255 = arith.constant 0 : i32
      %dma_start3A_256 = tpu.memref_slice %arg8[%dma_start3A_252, %dma_start3A_253, %dma_start3A_254, %dma_start3A_255] : memref<2x8x128x16xf32, #tpu.memory_space<vmem>> -> memref<1x1x128x16xf32, #tpu.memory_space<vmem>>
      %dma_start3A_257 = tpu.memref_squeeze %dma_start3A_256 : memref<1x1x128x16xf32, #tpu.memory_space<vmem>> -> memref<128x16xf32, #tpu.memory_space<vmem>>
      %dma_start3A_258 = arith.constant 0 : i32
      %dma_start3A_259 = tpu.memref_slice %arg6[%dma_start3A_250, %dma_start3A_251, %dma_start3A_258] : memref<2x8x128xi32, #tpu.memory_space<vmem>> -> memref<1x1x128xi32, #tpu.memory_space<vmem>>
      %dma_start3A_260 = tpu.memref_squeeze %dma_start3A_259 : memref<1x1x128xi32, #tpu.memory_space<vmem>> -> memref<128xi32, #tpu.memory_space<vmem>>
      %dma_start3A_261 = arith.constant 0 : i32
      %dma_start3A_262 = arith.constant 0 : i32
      %dma_start3A_263 = tpu.memref_slice %arg9[%dma_start3A_261, %dma_start3A_262] : memref<10112x16xf32, #tpu.memory_space<vmem_shared>> -> memref<10112x16xf32, #tpu.memory_space<vmem_shared>>
      tpu.enqueue_indirect_dma source(%dma_start3A_263 : memref<10112x16xf32, #tpu.memory_space<vmem_shared>>) target(%dma_start3A_257 : memref<128x16xf32, #tpu.memory_space<vmem>>) offsets(%dma_start3A_260 : memref<128xi32, #tpu.memory_space<vmem>>) semaphore(%arg13 : memref<!tpu.dma_semaphore, #tpu.memory_space<semaphore_mem>>)
      %dma_wait3A_264 = arith.constant 0 : i32
      %dma_wait3A_265 = arith.constant 0 : i32
      %dma_wait3A_266 = arith.constant 0 : i32
      %dma_wait3A_267 = arith.constant 0 : i32
      %dma_wait3A_268 = arith.constant 0 : i32
      %dma_wait3A_269 = arith.constant 0 : i32
      %dma_wait3A_270 = tpu.memref_slice %arg8[%dma_wait3A_266, %dma_wait3A_267, %dma_wait3A_268, %dma_wait3A_269] : memref<2x8x128x16xf32, #tpu.memory_space<vmem>> -> memref<1x1x128x16xf32, #tpu.memory_space<vmem>>
      %dma_wait3A_271 = tpu.memref_squeeze %dma_wait3A_270 : memref<1x1x128x16xf32, #tpu.memory_space<vmem>> -> memref<128x16xf32, #tpu.memory_space<vmem>>
      %dma_wait3A_272 = arith.constant 0 : i32
      %dma_wait3A_273 = tpu.memref_slice %arg6[%dma_wait3A_264, %dma_wait3A_265, %dma_wait3A_272] : memref<2x8x128xi32, #tpu.memory_space<vmem>> -> memref<1x1x128xi32, #tpu.memory_space<vmem>>
      %dma_wait3A_274 = tpu.memref_squeeze %dma_wait3A_273 : memref<1x1x128xi32, #tpu.memory_space<vmem>> -> memref<128xi32, #tpu.memory_space<vmem>>
      %dma_wait3A_275 = arith.constant 0 : i32
      %dma_wait3A_276 = arith.constant 0 : i32
      %dma_wait3A_277 = tpu.memref_slice %arg9[%dma_wait3A_275, %dma_wait3A_276] : memref<10112x16xf32, #tpu.memory_space<vmem_shared>> -> memref<10112x16xf32, #tpu.memory_space<vmem_shared>>
      tpu.wait_indirect_dma semaphore(%arg13 : memref<!tpu.dma_semaphore, #tpu.memory_space<semaphore_mem>>) src(%dma_wait3A_277 : memref<10112x16xf32, #tpu.memory_space<vmem_shared>>) dst(%dma_wait3A_271 : memref<128x16xf32, #tpu.memory_space<vmem>>)
      %dma_wait3A_278 = arith.constant 0 : i32
      %dma_wait3A_279 = arith.constant 1 : i32
      %dma_wait3A_280 = arith.constant 0 : i32
      %dma_wait3A_281 = arith.constant 1 : i32
      %dma_wait3A_282 = arith.constant 0 : i32
      %dma_wait3A_283 = arith.constant 0 : i32
      %dma_wait3A_284 = tpu.memref_slice %arg8[%dma_wait3A_280, %dma_wait3A_281, %dma_wait3A_282, %dma_wait3A_283] : memref<2x8x128x16xf32, #tpu.memory_space<vmem>> -> memref<1x1x128x16xf32, #tpu.memory_space<vmem>>
      %dma_wait3A_285 = tpu.memref_squeeze %dma_wait3A_284 : memref<1x1x128x16xf32, #tpu.memory_space<vmem>> -> memref<128x16xf32, #tpu.memory_space<vmem>>
      %dma_wait3A_286 = arith.constant 0 : i32
      %dma_wait3A_287 = tpu.memref_slice %arg6[%dma_wait3A_278, %dma_wait3A_279, %dma_wait3A_286] : memref<2x8x128xi32, #tpu.memory_space<vmem>> -> memref<1x1x128xi32, #tpu.memory_space<vmem>>
      %dma_wait3A_288 = tpu.memref_squeeze %dma_wait3A_287 : memref<1x1x128xi32, #tpu.memory_space<vmem>> -> memref<128xi32, #tpu.memory_space<vmem>>
      %dma_wait3A_289 = arith.constant 0 : i32
      %dma_wait3A_290 = arith.constant 0 : i32
      %dma_wait3A_291 = tpu.memref_slice %arg9[%dma_wait3A_289, %dma_wait3A_290] : memref<10112x16xf32, #tpu.memory_space<vmem_shared>> -> memref<10112x16xf32, #tpu.memory_space<vmem_shared>>
      tpu.wait_indirect_dma semaphore(%arg13 : memref<!tpu.dma_semaphore, #tpu.memory_space<semaphore_mem>>) src(%dma_wait3A_291 : memref<10112x16xf32, #tpu.memory_space<vmem_shared>>) dst(%dma_wait3A_285 : memref<128x16xf32, #tpu.memory_space<vmem>>)
      %dma_wait3A_292 = arith.constant 0 : i32
      %dma_wait3A_293 = arith.constant 2 : i32
      %dma_wait3A_294 = arith.constant 0 : i32
      %dma_wait3A_295 = arith.constant 2 : i32
      %dma_wait3A_296 = arith.constant 0 : i32
      %dma_wait3A_297 = arith.constant 0 : i32
      %dma_wait3A_298 = tpu.memref_slice %arg8[%dma_wait3A_294, %dma_wait3A_295, %dma_wait3A_296, %dma_wait3A_297] : memref<2x8x128x16xf32, #tpu.memory_space<vmem>> -> memref<1x1x128x16xf32, #tpu.memory_space<vmem>>
      %dma_wait3A_299 = tpu.memref_squeeze %dma_wait3A_298 : memref<1x1x128x16xf32, #tpu.memory_space<vmem>> -> memref<128x16xf32, #tpu.memory_space<vmem>>
      %dma_wait3A_300 = arith.constant 0 : i32
      %dma_wait3A_301 = tpu.memref_slice %arg6[%dma_wait3A_292, %dma_wait3A_293, %dma_wait3A_300] : memref<2x8x128xi32, #tpu.memory_space<vmem>> -> memref<1x1x128xi32, #tpu.memory_space<vmem>>
      %dma_wait3A_302 = tpu.memref_squeeze %dma_wait3A_301 : memref<1x1x128xi32, #tpu.memory_space<vmem>> -> memref<128xi32, #tpu.memory_space<vmem>>
      %dma_wait3A_303 = arith.constant 0 : i32
      %dma_wait3A_304 = arith.constant 0 : i32
      %dma_wait3A_305 = tpu.memref_slice %arg9[%dma_wait3A_303, %dma_wait3A_304] : memref<10112x16xf32, #tpu.memory_space<vmem_shared>> -> memref<10112x16xf32, #tpu.memory_space<vmem_shared>>
      tpu.wait_indirect_dma semaphore(%arg13 : memref<!tpu.dma_semaphore, #tpu.memory_space<semaphore_mem>>) src(%dma_wait3A_305 : memref<10112x16xf32, #tpu.memory_space<vmem_shared>>) dst(%dma_wait3A_299 : memref<128x16xf32, #tpu.memory_space<vmem>>)
      %dma_wait3A_306 = arith.constant 0 : i32
      %dma_wait3A_307 = arith.constant 3 : i32
      %dma_wait3A_308 = arith.constant 0 : i32
      %dma_wait3A_309 = arith.constant 3 : i32
      %dma_wait3A_310 = arith.constant 0 : i32
      %dma_wait3A_311 = arith.constant 0 : i32
      %dma_wait3A_312 = tpu.memref_slice %arg8[%dma_wait3A_308, %dma_wait3A_309, %dma_wait3A_310, %dma_wait3A_311] : memref<2x8x128x16xf32, #tpu.memory_space<vmem>> -> memref<1x1x128x16xf32, #tpu.memory_space<vmem>>
      %dma_wait3A_313 = tpu.memref_squeeze %dma_wait3A_312 : memref<1x1x128x16xf32, #tpu.memory_space<vmem>> -> memref<128x16xf32, #tpu.memory_space<vmem>>
      %dma_wait3A_314 = arith.constant 0 : i32
      %dma_wait3A_315 = tpu.memref_slice %arg6[%dma_wait3A_306, %dma_wait3A_307, %dma_wait3A_314] : memref<2x8x128xi32, #tpu.memory_space<vmem>> -> memref<1x1x128xi32, #tpu.memory_space<vmem>>
      %dma_wait3A_316 = tpu.memref_squeeze %dma_wait3A_315 : memref<1x1x128xi32, #tpu.memory_space<vmem>> -> memref<128xi32, #tpu.memory_space<vmem>>
      %dma_wait3A_317 = arith.constant 0 : i32
      %dma_wait3A_318 = arith.constant 0 : i32
      %dma_wait3A_319 = tpu.memref_slice %arg9[%dma_wait3A_317, %dma_wait3A_318] : memref<10112x16xf32, #tpu.memory_space<vmem_shared>> -> memref<10112x16xf32, #tpu.memory_space<vmem_shared>>
      tpu.wait_indirect_dma semaphore(%arg13 : memref<!tpu.dma_semaphore, #tpu.memory_space<semaphore_mem>>) src(%dma_wait3A_319 : memref<10112x16xf32, #tpu.memory_space<vmem_shared>>) dst(%dma_wait3A_313 : memref<128x16xf32, #tpu.memory_space<vmem>>)
      %dma_wait3A_320 = arith.constant 0 : i32
      %dma_wait3A_321 = arith.constant 4 : i32
      %dma_wait3A_322 = arith.constant 0 : i32
      %dma_wait3A_323 = arith.constant 4 : i32
      %dma_wait3A_324 = arith.constant 0 : i32
      %dma_wait3A_325 = arith.constant 0 : i32
      %dma_wait3A_326 = tpu.memref_slice %arg8[%dma_wait3A_322, %dma_wait3A_323, %dma_wait3A_324, %dma_wait3A_325] : memref<2x8x128x16xf32, #tpu.memory_space<vmem>> -> memref<1x1x128x16xf32, #tpu.memory_space<vmem>>
      %dma_wait3A_327 = tpu.memref_squeeze %dma_wait3A_326 : memref<1x1x128x16xf32, #tpu.memory_space<vmem>> -> memref<128x16xf32, #tpu.memory_space<vmem>>
      %dma_wait3A_328 = arith.constant 0 : i32
      %dma_wait3A_329 = tpu.memref_slice %arg6[%dma_wait3A_320, %dma_wait3A_321, %dma_wait3A_328] : memref<2x8x128xi32, #tpu.memory_space<vmem>> -> memref<1x1x128xi32, #tpu.memory_space<vmem>>
      %dma_wait3A_330 = tpu.memref_squeeze %dma_wait3A_329 : memref<1x1x128xi32, #tpu.memory_space<vmem>> -> memref<128xi32, #tpu.memory_space<vmem>>
      %dma_wait3A_331 = arith.constant 0 : i32
      %dma_wait3A_332 = arith.constant 0 : i32
      %dma_wait3A_333 = tpu.memref_slice %arg9[%dma_wait3A_331, %dma_wait3A_332] : memref<10112x16xf32, #tpu.memory_space<vmem_shared>> -> memref<10112x16xf32, #tpu.memory_space<vmem_shared>>
      tpu.wait_indirect_dma semaphore(%arg13 : memref<!tpu.dma_semaphore, #tpu.memory_space<semaphore_mem>>) src(%dma_wait3A_333 : memref<10112x16xf32, #tpu.memory_space<vmem_shared>>) dst(%dma_wait3A_327 : memref<128x16xf32, #tpu.memory_space<vmem>>)
      %dma_wait3A_334 = arith.constant 0 : i32
      %dma_wait3A_335 = arith.constant 5 : i32
      %dma_wait3A_336 = arith.constant 0 : i32
      %dma_wait3A_337 = arith.constant 5 : i32
      %dma_wait3A_338 = arith.constant 0 : i32
      %dma_wait3A_339 = arith.constant 0 : i32
      %dma_wait3A_340 = tpu.memref_slice %arg8[%dma_wait3A_336, %dma_wait3A_337, %dma_wait3A_338, %dma_wait3A_339] : memref<2x8x128x16xf32, #tpu.memory_space<vmem>> -> memref<1x1x128x16xf32, #tpu.memory_space<vmem>>
      %dma_wait3A_341 = tpu.memref_squeeze %dma_wait3A_340 : memref<1x1x128x16xf32, #tpu.memory_space<vmem>> -> memref<128x16xf32, #tpu.memory_space<vmem>>
      %dma_wait3A_342 = arith.constant 0 : i32
      %dma_wait3A_343 = tpu.memref_slice %arg6[%dma_wait3A_334, %dma_wait3A_335, %dma_wait3A_342] : memref<2x8x128xi32, #tpu.memory_space<vmem>> -> memref<1x1x128xi32, #tpu.memory_space<vmem>>
      %dma_wait3A_344 = tpu.memref_squeeze %dma_wait3A_343 : memref<1x1x128xi32, #tpu.memory_space<vmem>> -> memref<128xi32, #tpu.memory_space<vmem>>
      %dma_wait3A_345 = arith.constant 0 : i32
      %dma_wait3A_346 = arith.constant 0 : i32
      %dma_wait3A_347 = tpu.memref_slice %arg9[%dma_wait3A_345, %dma_wait3A_346] : memref<10112x16xf32, #tpu.memory_space<vmem_shared>> -> memref<10112x16xf32, #tpu.memory_space<vmem_shared>>
      tpu.wait_indirect_dma semaphore(%arg13 : memref<!tpu.dma_semaphore, #tpu.memory_space<semaphore_mem>>) src(%dma_wait3A_347 : memref<10112x16xf32, #tpu.memory_space<vmem_shared>>) dst(%dma_wait3A_341 : memref<128x16xf32, #tpu.memory_space<vmem>>)
      %dma_wait3A_348 = arith.constant 0 : i32
      %dma_wait3A_349 = arith.constant 6 : i32
      %dma_wait3A_350 = arith.constant 0 : i32
      %dma_wait3A_351 = arith.constant 6 : i32
      %dma_wait3A_352 = arith.constant 0 : i32
      %dma_wait3A_353 = arith.constant 0 : i32
      %dma_wait3A_354 = tpu.memref_slice %arg8[%dma_wait3A_350, %dma_wait3A_351, %dma_wait3A_352, %dma_wait3A_353] : memref<2x8x128x16xf32, #tpu.memory_space<vmem>> -> memref<1x1x128x16xf32, #tpu.memory_space<vmem>>
      %dma_wait3A_355 = tpu.memref_squeeze %dma_wait3A_354 : memref<1x1x128x16xf32, #tpu.memory_space<vmem>> -> memref<128x16xf32, #tpu.memory_space<vmem>>
      %dma_wait3A_356 = arith.constant 0 : i32
      %dma_wait3A_357 = tpu.memref_slice %arg6[%dma_wait3A_348, %dma_wait3A_349, %dma_wait3A_356] : memref<2x8x128xi32, #tpu.memory_space<vmem>> -> memref<1x1x128xi32, #tpu.memory_space<vmem>>
      %dma_wait3A_358 = tpu.memref_squeeze %dma_wait3A_357 : memref<1x1x128xi32, #tpu.memory_space<vmem>> -> memref<128xi32, #tpu.memory_space<vmem>>
      %dma_wait3A_359 = arith.constant 0 : i32
      %dma_wait3A_360 = arith.constant 0 : i32
      %dma_wait3A_361 = tpu.memref_slice %arg9[%dma_wait3A_359, %dma_wait3A_360] : memref<10112x16xf32, #tpu.memory_space<vmem_shared>> -> memref<10112x16xf32, #tpu.memory_space<vmem_shared>>
      tpu.wait_indirect_dma semaphore(%arg13 : memref<!tpu.dma_semaphore, #tpu.memory_space<semaphore_mem>>) src(%dma_wait3A_361 : memref<10112x16xf32, #tpu.memory_space<vmem_shared>>) dst(%dma_wait3A_355 : memref<128x16xf32, #tpu.memory_space<vmem>>)
      %dma_wait3A_362 = arith.constant 0 : i32
      %dma_wait3A_363 = arith.constant 7 : i32
      %dma_wait3A_364 = arith.constant 0 : i32
      %dma_wait3A_365 = arith.constant 7 : i32
      %dma_wait3A_366 = arith.constant 0 : i32
      %dma_wait3A_367 = arith.constant 0 : i32
      %dma_wait3A_368 = tpu.memref_slice %arg8[%dma_wait3A_364, %dma_wait3A_365, %dma_wait3A_366, %dma_wait3A_367] : memref<2x8x128x16xf32, #tpu.memory_space<vmem>> -> memref<1x1x128x16xf32, #tpu.memory_space<vmem>>
      %dma_wait3A_369 = tpu.memref_squeeze %dma_wait3A_368 : memref<1x1x128x16xf32, #tpu.memory_space<vmem>> -> memref<128x16xf32, #tpu.memory_space<vmem>>
      %dma_wait3A_370 = arith.constant 0 : i32
      %dma_wait3A_371 = tpu.memref_slice %arg6[%dma_wait3A_362, %dma_wait3A_363, %dma_wait3A_370] : memref<2x8x128xi32, #tpu.memory_space<vmem>> -> memref<1x1x128xi32, #tpu.memory_space<vmem>>
      %dma_wait3A_372 = tpu.memref_squeeze %dma_wait3A_371 : memref<1x1x128xi32, #tpu.memory_space<vmem>> -> memref<128xi32, #tpu.memory_space<vmem>>
      %dma_wait3A_373 = arith.constant 0 : i32
      %dma_wait3A_374 = arith.constant 0 : i32
      %dma_wait3A_375 = tpu.memref_slice %arg9[%dma_wait3A_373, %dma_wait3A_374] : memref<10112x16xf32, #tpu.memory_space<vmem_shared>> -> memref<10112x16xf32, #tpu.memory_space<vmem_shared>>
      tpu.wait_indirect_dma semaphore(%arg13 : memref<!tpu.dma_semaphore, #tpu.memory_space<semaphore_mem>>) src(%dma_wait3A_375 : memref<10112x16xf32, #tpu.memory_space<vmem_shared>>) dst(%dma_wait3A_369 : memref<128x16xf32, #tpu.memory_space<vmem>>)
      %dma_start3A_376 = arith.constant 0 : i32
      %dma_start3A_377 = arith.constant 0 : i32
      %dma_start3A_378 = arith.constant 0 : i32
      %dma_start3A_379 = arith.constant 0 : i32
      %dma_start3A_380 = arith.constant 0 : i32
      %dma_start3A_381 = arith.constant 0 : i32
      %dma_start3A_382 = tpu.memref_slice %arg8[%dma_start3A_376, %dma_start3A_377, %dma_start3A_380, %dma_start3A_381] : memref<2x8x128x16xf32, #tpu.memory_space<vmem>> -> memref<1x1x128x16xf32, #tpu.memory_space<vmem>>
      %dma_start3A_383 = tpu.memref_squeeze %dma_start3A_382 : memref<1x1x128x16xf32, #tpu.memory_space<vmem>> -> memref<128x16xf32, #tpu.memory_space<vmem>>
      %dma_start3A_384 = arith.constant 0 : i32
      %dma_start3A_385 = tpu.memref_slice %arg7[%dma_start3A_378, %dma_start3A_379, %dma_start3A_384] : memref<2x8x128xi32, #tpu.memory_space<vmem>> -> memref<1x1x128xi32, #tpu.memory_space<vmem>>
      %dma_start3A_386 = tpu.memref_squeeze %dma_start3A_385 : memref<1x1x128xi32, #tpu.memory_space<vmem>> -> memref<128xi32, #tpu.memory_space<vmem>>
      %dma_start3A_387 = arith.constant 0 : i32
      %dma_start3A_388 = arith.constant 0 : i32
      %dma_start3A_389 = tpu.memref_slice %arg10[%dma_start3A_387, %dma_start3A_388] : memref<10112x16xf32, #tpu.memory_space<vmem_shared>> -> memref<10112x16xf32, #tpu.memory_space<vmem_shared>>
      tpu.enqueue_indirect_dma source(%dma_start3A_383 : memref<128x16xf32, #tpu.memory_space<vmem>>) target(%dma_start3A_389 : memref<10112x16xf32, #tpu.memory_space<vmem_shared>>) offsets(%dma_start3A_386 : memref<128xi32, #tpu.memory_space<vmem>>) semaphore(%arg14 : memref<!tpu.dma_semaphore, #tpu.memory_space<semaphore_mem>>) {add = true}
      %dma_start3A_390 = arith.constant 0 : i32
      %dma_start3A_391 = arith.constant 1 : i32
      %dma_start3A_392 = arith.constant 0 : i32
      %dma_start3A_393 = arith.constant 1 : i32
      %dma_start3A_394 = arith.constant 0 : i32
      %dma_start3A_395 = arith.constant 0 : i32
      %dma_start3A_396 = tpu.memref_slice %arg8[%dma_start3A_390, %dma_start3A_391, %dma_start3A_394, %dma_start3A_395] : memref<2x8x128x16xf32, #tpu.memory_space<vmem>> -> memref<1x1x128x16xf32, #tpu.memory_space<vmem>>
      %dma_start3A_397 = tpu.memref_squeeze %dma_start3A_396 : memref<1x1x128x16xf32, #tpu.memory_space<vmem>> -> memref<128x16xf32, #tpu.memory_space<vmem>>
      %dma_start3A_398 = arith.constant 0 : i32
      %dma_start3A_399 = tpu.memref_slice %arg7[%dma_start3A_392, %dma_start3A_393, %dma_start3A_398] : memref<2x8x128xi32, #tpu.memory_space<vmem>> -> memref<1x1x128xi32, #tpu.memory_space<vmem>>
      %dma_start3A_400 = tpu.memref_squeeze %dma_start3A_399 : memref<1x1x128xi32, #tpu.memory_space<vmem>> -> memref<128xi32, #tpu.memory_space<vmem>>
      %dma_start3A_401 = arith.constant 0 : i32
      %dma_start3A_402 = arith.constant 0 : i32
      %dma_start3A_403 = tpu.memref_slice %arg10[%dma_start3A_401, %dma_start3A_402] : memref<10112x16xf32, #tpu.memory_space<vmem_shared>> -> memref<10112x16xf32, #tpu.memory_space<vmem_shared>>
      tpu.enqueue_indirect_dma source(%dma_start3A_397 : memref<128x16xf32, #tpu.memory_space<vmem>>) target(%dma_start3A_403 : memref<10112x16xf32, #tpu.memory_space<vmem_shared>>) offsets(%dma_start3A_400 : memref<128xi32, #tpu.memory_space<vmem>>) semaphore(%arg14 : memref<!tpu.dma_semaphore, #tpu.memory_space<semaphore_mem>>) {add = true}
      %dma_start3A_404 = arith.constant 0 : i32
      %dma_start3A_405 = arith.constant 2 : i32
      %dma_start3A_406 = arith.constant 0 : i32
      %dma_start3A_407 = arith.constant 2 : i32
      %dma_start3A_408 = arith.constant 0 : i32
      %dma_start3A_409 = arith.constant 0 : i32
      %dma_start3A_410 = tpu.memref_slice %arg8[%dma_start3A_404, %dma_start3A_405, %dma_start3A_408, %dma_start3A_409] : memref<2x8x128x16xf32, #tpu.memory_space<vmem>> -> memref<1x1x128x16xf32, #tpu.memory_space<vmem>>
      %dma_start3A_411 = tpu.memref_squeeze %dma_start3A_410 : memref<1x1x128x16xf32, #tpu.memory_space<vmem>> -> memref<128x16xf32, #tpu.memory_space<vmem>>
      %dma_start3A_412 = arith.constant 0 : i32
      %dma_start3A_413 = tpu.memref_slice %arg7[%dma_start3A_406, %dma_start3A_407, %dma_start3A_412] : memref<2x8x128xi32, #tpu.memory_space<vmem>> -> memref<1x1x128xi32, #tpu.memory_space<vmem>>
      %dma_start3A_414 = tpu.memref_squeeze %dma_start3A_413 : memref<1x1x128xi32, #tpu.memory_space<vmem>> -> memref<128xi32, #tpu.memory_space<vmem>>
      %dma_start3A_415 = arith.constant 0 : i32
      %dma_start3A_416 = arith.constant 0 : i32
      %dma_start3A_417 = tpu.memref_slice %arg10[%dma_start3A_415, %dma_start3A_416] : memref<10112x16xf32, #tpu.memory_space<vmem_shared>> -> memref<10112x16xf32, #tpu.memory_space<vmem_shared>>
      tpu.enqueue_indirect_dma source(%dma_start3A_411 : memref<128x16xf32, #tpu.memory_space<vmem>>) target(%dma_start3A_417 : memref<10112x16xf32, #tpu.memory_space<vmem_shared>>) offsets(%dma_start3A_414 : memref<128xi32, #tpu.memory_space<vmem>>) semaphore(%arg14 : memref<!tpu.dma_semaphore, #tpu.memory_space<semaphore_mem>>) {add = true}
      %dma_start3A_418 = arith.constant 0 : i32
      %dma_start3A_419 = arith.constant 3 : i32
      %dma_start3A_420 = arith.constant 0 : i32
      %dma_start3A_421 = arith.constant 3 : i32
      %dma_start3A_422 = arith.constant 0 : i32
      %dma_start3A_423 = arith.constant 0 : i32
      %dma_start3A_424 = tpu.memref_slice %arg8[%dma_start3A_418, %dma_start3A_419, %dma_start3A_422, %dma_start3A_423] : memref<2x8x128x16xf32, #tpu.memory_space<vmem>> -> memref<1x1x128x16xf32, #tpu.memory_space<vmem>>
      %dma_start3A_425 = tpu.memref_squeeze %dma_start3A_424 : memref<1x1x128x16xf32, #tpu.memory_space<vmem>> -> memref<128x16xf32, #tpu.memory_space<vmem>>
      %dma_start3A_426 = arith.constant 0 : i32
      %dma_start3A_427 = tpu.memref_slice %arg7[%dma_start3A_420, %dma_start3A_421, %dma_start3A_426] : memref<2x8x128xi32, #tpu.memory_space<vmem>> -> memref<1x1x128xi32, #tpu.memory_space<vmem>>
      %dma_start3A_428 = tpu.memref_squeeze %dma_start3A_427 : memref<1x1x128xi32, #tpu.memory_space<vmem>> -> memref<128xi32, #tpu.memory_space<vmem>>
      %dma_start3A_429 = arith.constant 0 : i32
      %dma_start3A_430 = arith.constant 0 : i32
      %dma_start3A_431 = tpu.memref_slice %arg10[%dma_start3A_429, %dma_start3A_430] : memref<10112x16xf32, #tpu.memory_space<vmem_shared>> -> memref<10112x16xf32, #tpu.memory_space<vmem_shared>>
      tpu.enqueue_indirect_dma source(%dma_start3A_425 : memref<128x16xf32, #tpu.memory_space<vmem>>) target(%dma_start3A_431 : memref<10112x16xf32, #tpu.memory_space<vmem_shared>>) offsets(%dma_start3A_428 : memref<128xi32, #tpu.memory_space<vmem>>) semaphore(%arg14 : memref<!tpu.dma_semaphore, #tpu.memory_space<semaphore_mem>>) {add = true}
      %dma_start3A_432 = arith.constant 0 : i32
      %dma_start3A_433 = arith.constant 4 : i32
      %dma_start3A_434 = arith.constant 0 : i32
      %dma_start3A_435 = arith.constant 4 : i32
      %dma_start3A_436 = arith.constant 0 : i32
      %dma_start3A_437 = arith.constant 0 : i32
      %dma_start3A_438 = tpu.memref_slice %arg8[%dma_start3A_432, %dma_start3A_433, %dma_start3A_436, %dma_start3A_437] : memref<2x8x128x16xf32, #tpu.memory_space<vmem>> -> memref<1x1x128x16xf32, #tpu.memory_space<vmem>>
      %dma_start3A_439 = tpu.memref_squeeze %dma_start3A_438 : memref<1x1x128x16xf32, #tpu.memory_space<vmem>> -> memref<128x16xf32, #tpu.memory_space<vmem>>
      %dma_start3A_440 = arith.constant 0 : i32
      %dma_start3A_441 = tpu.memref_slice %arg7[%dma_start3A_434, %dma_start3A_435, %dma_start3A_440] : memref<2x8x128xi32, #tpu.memory_space<vmem>> -> memref<1x1x128xi32, #tpu.memory_space<vmem>>
      %dma_start3A_442 = tpu.memref_squeeze %dma_start3A_441 : memref<1x1x128xi32, #tpu.memory_space<vmem>> -> memref<128xi32, #tpu.memory_space<vmem>>
      %dma_start3A_443 = arith.constant 0 : i32
      %dma_start3A_444 = arith.constant 0 : i32
      %dma_start3A_445 = tpu.memref_slice %arg10[%dma_start3A_443, %dma_start3A_444] : memref<10112x16xf32, #tpu.memory_space<vmem_shared>> -> memref<10112x16xf32, #tpu.memory_space<vmem_shared>>
      tpu.enqueue_indirect_dma source(%dma_start3A_439 : memref<128x16xf32, #tpu.memory_space<vmem>>) target(%dma_start3A_445 : memref<10112x16xf32, #tpu.memory_space<vmem_shared>>) offsets(%dma_start3A_442 : memref<128xi32, #tpu.memory_space<vmem>>) semaphore(%arg14 : memref<!tpu.dma_semaphore, #tpu.memory_space<semaphore_mem>>) {add = true}
      %dma_start3A_446 = arith.constant 0 : i32
      %dma_start3A_447 = arith.constant 5 : i32
      %dma_start3A_448 = arith.constant 0 : i32
      %dma_start3A_449 = arith.constant 5 : i32
      %dma_start3A_450 = arith.constant 0 : i32
      %dma_start3A_451 = arith.constant 0 : i32
      %dma_start3A_452 = tpu.memref_slice %arg8[%dma_start3A_446, %dma_start3A_447, %dma_start3A_450, %dma_start3A_451] : memref<2x8x128x16xf32, #tpu.memory_space<vmem>> -> memref<1x1x128x16xf32, #tpu.memory_space<vmem>>
      %dma_start3A_453 = tpu.memref_squeeze %dma_start3A_452 : memref<1x1x128x16xf32, #tpu.memory_space<vmem>> -> memref<128x16xf32, #tpu.memory_space<vmem>>
      %dma_start3A_454 = arith.constant 0 : i32
      %dma_start3A_455 = tpu.memref_slice %arg7[%dma_start3A_448, %dma_start3A_449, %dma_start3A_454] : memref<2x8x128xi32, #tpu.memory_space<vmem>> -> memref<1x1x128xi32, #tpu.memory_space<vmem>>
      %dma_start3A_456 = tpu.memref_squeeze %dma_start3A_455 : memref<1x1x128xi32, #tpu.memory_space<vmem>> -> memref<128xi32, #tpu.memory_space<vmem>>
      %dma_start3A_457 = arith.constant 0 : i32
      %dma_start3A_458 = arith.constant 0 : i32
      %dma_start3A_459 = tpu.memref_slice %arg10[%dma_start3A_457, %dma_start3A_458] : memref<10112x16xf32, #tpu.memory_space<vmem_shared>> -> memref<10112x16xf32, #tpu.memory_space<vmem_shared>>
      tpu.enqueue_indirect_dma source(%dma_start3A_453 : memref<128x16xf32, #tpu.memory_space<vmem>>) target(%dma_start3A_459 : memref<10112x16xf32, #tpu.memory_space<vmem_shared>>) offsets(%dma_start3A_456 : memref<128xi32, #tpu.memory_space<vmem>>) semaphore(%arg14 : memref<!tpu.dma_semaphore, #tpu.memory_space<semaphore_mem>>) {add = true}
      %dma_start3A_460 = arith.constant 0 : i32
      %dma_start3A_461 = arith.constant 6 : i32
      %dma_start3A_462 = arith.constant 0 : i32
      %dma_start3A_463 = arith.constant 6 : i32
      %dma_start3A_464 = arith.constant 0 : i32
      %dma_start3A_465 = arith.constant 0 : i32
      %dma_start3A_466 = tpu.memref_slice %arg8[%dma_start3A_460, %dma_start3A_461, %dma_start3A_464, %dma_start3A_465] : memref<2x8x128x16xf32, #tpu.memory_space<vmem>> -> memref<1x1x128x16xf32, #tpu.memory_space<vmem>>
      %dma_start3A_467 = tpu.memref_squeeze %dma_start3A_466 : memref<1x1x128x16xf32, #tpu.memory_space<vmem>> -> memref<128x16xf32, #tpu.memory_space<vmem>>
      %dma_start3A_468 = arith.constant 0 : i32
      %dma_start3A_469 = tpu.memref_slice %arg7[%dma_start3A_462, %dma_start3A_463, %dma_start3A_468] : memref<2x8x128xi32, #tpu.memory_space<vmem>> -> memref<1x1x128xi32, #tpu.memory_space<vmem>>
      %dma_start3A_470 = tpu.memref_squeeze %dma_start3A_469 : memref<1x1x128xi32, #tpu.memory_space<vmem>> -> memref<128xi32, #tpu.memory_space<vmem>>
      %dma_start3A_471 = arith.constant 0 : i32
      %dma_start3A_472 = arith.constant 0 : i32
      %dma_start3A_473 = tpu.memref_slice %arg10[%dma_start3A_471, %dma_start3A_472] : memref<10112x16xf32, #tpu.memory_space<vmem_shared>> -> memref<10112x16xf32, #tpu.memory_space<vmem_shared>>
      tpu.enqueue_indirect_dma source(%dma_start3A_467 : memref<128x16xf32, #tpu.memory_space<vmem>>) target(%dma_start3A_473 : memref<10112x16xf32, #tpu.memory_space<vmem_shared>>) offsets(%dma_start3A_470 : memref<128xi32, #tpu.memory_space<vmem>>) semaphore(%arg14 : memref<!tpu.dma_semaphore, #tpu.memory_space<semaphore_mem>>) {add = true}
      %dma_start3A_474 = arith.constant 0 : i32
      %dma_start3A_475 = arith.constant 7 : i32
      %dma_start3A_476 = arith.constant 0 : i32
      %dma_start3A_477 = arith.constant 7 : i32
      %dma_start3A_478 = arith.constant 0 : i32
      %dma_start3A_479 = arith.constant 0 : i32
      %dma_start3A_480 = tpu.memref_slice %arg8[%dma_start3A_474, %dma_start3A_475, %dma_start3A_478, %dma_start3A_479] : memref<2x8x128x16xf32, #tpu.memory_space<vmem>> -> memref<1x1x128x16xf32, #tpu.memory_space<vmem>>
      %dma_start3A_481 = tpu.memref_squeeze %dma_start3A_480 : memref<1x1x128x16xf32, #tpu.memory_space<vmem>> -> memref<128x16xf32, #tpu.memory_space<vmem>>
      %dma_start3A_482 = arith.constant 0 : i32
      %dma_start3A_483 = tpu.memref_slice %arg7[%dma_start3A_476, %dma_start3A_477, %dma_start3A_482] : memref<2x8x128xi32, #tpu.memory_space<vmem>> -> memref<1x1x128xi32, #tpu.memory_space<vmem>>
      %dma_start3A_484 = tpu.memref_squeeze %dma_start3A_483 : memref<1x1x128xi32, #tpu.memory_space<vmem>> -> memref<128xi32, #tpu.memory_space<vmem>>
      %dma_start3A_485 = arith.constant 0 : i32
      %dma_start3A_486 = arith.constant 0 : i32
      %dma_start3A_487 = tpu.memref_slice %arg10[%dma_start3A_485, %dma_start3A_486] : memref<10112x16xf32, #tpu.memory_space<vmem_shared>> -> memref<10112x16xf32, #tpu.memory_space<vmem_shared>>
      tpu.enqueue_indirect_dma source(%dma_start3A_481 : memref<128x16xf32, #tpu.memory_space<vmem>>) target(%dma_start3A_487 : memref<10112x16xf32, #tpu.memory_space<vmem_shared>>) offsets(%dma_start3A_484 : memref<128xi32, #tpu.memory_space<vmem>>) semaphore(%arg14 : memref<!tpu.dma_semaphore, #tpu.memory_space<semaphore_mem>>) {add = true}
      %dma_wait3A_488 = arith.constant 0 : i32
      %dma_wait3A_489 = arith.constant 1 : i32
      %dma_wait3A_490 = arith.constant 0 : i32
      %dma_wait3A_491 = arith.constant 0 : i32
      %dma_wait3A_492 = tpu.memref_slice %arg6[%dma_wait3A_489, %dma_wait3A_490, %dma_wait3A_491] : memref<2x8x128xi32, #tpu.memory_space<vmem>> -> memref<1x8x128xi32, #tpu.memory_space<vmem>>
      %dma_wait3A_493 = tpu.memref_squeeze %dma_wait3A_492 : memref<1x8x128xi32, #tpu.memory_space<vmem>> -> memref<8x128xi32, #tpu.memory_space<vmem>>
      %dma_wait3A_494 = arith.constant 0 : i32
      %dma_wait3A_495 = tpu.memref_slice %arg2[%dma_wait3A_488, %add3A_87, %dma_wait3A_494] : memref<2x2568x128xi32, #tpu.memory_space<hbm>> -> memref<1x8x128xi32, #tpu.memory_space<hbm>>
      %dma_wait3A_496 = tpu.memref_squeeze %dma_wait3A_495 : memref<1x8x128xi32, #tpu.memory_space<hbm>> -> memref<8x128xi32, #tpu.memory_space<hbm>>
      %dma_wait3A_497 = arith.constant 0 : i32
      %dma_wait3A_498 = arith.constant 0 : i32
      %dma_wait3A_499 = tpu.memref_slice %arg6[%dma_wait3A_489, %dma_wait3A_497, %dma_wait3A_498] : memref<2x8x128xi32, #tpu.memory_space<vmem>> -> memref<1x8x128xi32, #tpu.memory_space<vmem>>
      %dma_wait3A_500 = tpu.memref_squeeze %dma_wait3A_499 : memref<1x8x128xi32, #tpu.memory_space<vmem>> -> memref<8x128xi32, #tpu.memory_space<vmem>>
      %dma_wait3A_501 = arith.constant 0 : i32
      %dma_wait3A_502 = tpu.memref_slice %arg2[%dma_wait3A_488, %add3A_87, %dma_wait3A_501] : memref<2x2568x128xi32, #tpu.memory_space<hbm>> -> memref<1x8x128xi32, #tpu.memory_space<hbm>>
      %dma_wait3A_503 = tpu.memref_squeeze %dma_wait3A_502 : memref<1x8x128xi32, #tpu.memory_space<hbm>> -> memref<8x128xi32, #tpu.memory_space<hbm>>
      tpu.wait_dma2 semaphore(%arg12 : memref<!tpu.dma_semaphore, #tpu.memory_space<semaphore_mem>>) src(%dma_wait3A_503 : memref<8x128xi32, #tpu.memory_space<hbm>>) dst(%dma_wait3A_500 : memref<8x128xi32, #tpu.memory_space<vmem>>)
      %dma_wait3A_504 = arith.constant 1 : i32
      %dma_wait3A_505 = arith.constant 1 : i32
      %dma_wait3A_506 = arith.constant 0 : i32
      %dma_wait3A_507 = arith.constant 0 : i32
      %dma_wait3A_508 = tpu.memref_slice %arg7[%dma_wait3A_505, %dma_wait3A_506, %dma_wait3A_507] : memref<2x8x128xi32, #tpu.memory_space<vmem>> -> memref<1x8x128xi32, #tpu.memory_space<vmem>>
      %dma_wait3A_509 = tpu.memref_squeeze %dma_wait3A_508 : memref<1x8x128xi32, #tpu.memory_space<vmem>> -> memref<8x128xi32, #tpu.memory_space<vmem>>
      %dma_wait3A_510 = arith.constant 0 : i32
      %dma_wait3A_511 = tpu.memref_slice %arg2[%dma_wait3A_504, %add3A_87, %dma_wait3A_510] : memref<2x2568x128xi32, #tpu.memory_space<hbm>> -> memref<1x8x128xi32, #tpu.memory_space<hbm>>
      %dma_wait3A_512 = tpu.memref_squeeze %dma_wait3A_511 : memref<1x8x128xi32, #tpu.memory_space<hbm>> -> memref<8x128xi32, #tpu.memory_space<hbm>>
      %dma_wait3A_513 = arith.constant 0 : i32
      %dma_wait3A_514 = arith.constant 0 : i32
      %dma_wait3A_515 = tpu.memref_slice %arg7[%dma_wait3A_505, %dma_wait3A_513, %dma_wait3A_514] : memref<2x8x128xi32, #tpu.memory_space<vmem>> -> memref<1x8x128xi32, #tpu.memory_space<vmem>>
      %dma_wait3A_516 = tpu.memref_squeeze %dma_wait3A_515 : memref<1x8x128xi32, #tpu.memory_space<vmem>> -> memref<8x128xi32, #tpu.memory_space<vmem>>
      %dma_wait3A_517 = arith.constant 0 : i32
      %dma_wait3A_518 = tpu.memref_slice %arg2[%dma_wait3A_504, %add3A_87, %dma_wait3A_517] : memref<2x2568x128xi32, #tpu.memory_space<hbm>> -> memref<1x8x128xi32, #tpu.memory_space<hbm>>
      %dma_wait3A_519 = tpu.memref_squeeze %dma_wait3A_518 : memref<1x8x128xi32, #tpu.memory_space<hbm>> -> memref<8x128xi32, #tpu.memory_space<hbm>>
      tpu.wait_dma2 semaphore(%arg12 : memref<!tpu.dma_semaphore, #tpu.memory_space<semaphore_mem>>) src(%dma_wait3A_519 : memref<8x128xi32, #tpu.memory_space<hbm>>) dst(%dma_wait3A_516 : memref<8x128xi32, #tpu.memory_space<vmem>>)
      %dma_start3A_520 = arith.constant 1 : i32
      %dma_start3A_521 = arith.constant 0 : i32
      %dma_start3A_522 = arith.constant 1 : i32
      %dma_start3A_523 = arith.constant 0 : i32
      %dma_start3A_524 = arith.constant 0 : i32
      %dma_start3A_525 = arith.constant 0 : i32
      %dma_start3A_526 = tpu.memref_slice %arg8[%dma_start3A_522, %dma_start3A_523, %dma_start3A_524, %dma_start3A_525] : memref<2x8x128x16xf32, #tpu.memory_space<vmem>> -> memref<1x1x128x16xf32, #tpu.memory_space<vmem>>
      %dma_start3A_527 = tpu.memref_squeeze %dma_start3A_526 : memref<1x1x128x16xf32, #tpu.memory_space<vmem>> -> memref<128x16xf32, #tpu.memory_space<vmem>>
      %dma_start3A_528 = arith.constant 0 : i32
      %dma_start3A_529 = tpu.memref_slice %arg6[%dma_start3A_520, %dma_start3A_521, %dma_start3A_528] : memref<2x8x128xi32, #tpu.memory_space<vmem>> -> memref<1x1x128xi32, #tpu.memory_space<vmem>>
      %dma_start3A_530 = tpu.memref_squeeze %dma_start3A_529 : memref<1x1x128xi32, #tpu.memory_space<vmem>> -> memref<128xi32, #tpu.memory_space<vmem>>
      %dma_start3A_531 = arith.constant 0 : i32
      %dma_start3A_532 = arith.constant 0 : i32
      %dma_start3A_533 = tpu.memref_slice %arg9[%dma_start3A_531, %dma_start3A_532] : memref<10112x16xf32, #tpu.memory_space<vmem_shared>> -> memref<10112x16xf32, #tpu.memory_space<vmem_shared>>
      tpu.enqueue_indirect_dma source(%dma_start3A_533 : memref<10112x16xf32, #tpu.memory_space<vmem_shared>>) target(%dma_start3A_527 : memref<128x16xf32, #tpu.memory_space<vmem>>) offsets(%dma_start3A_530 : memref<128xi32, #tpu.memory_space<vmem>>) semaphore(%arg13 : memref<!tpu.dma_semaphore, #tpu.memory_space<semaphore_mem>>)
      %dma_start3A_534 = arith.constant 1 : i32
      %dma_start3A_535 = arith.constant 1 : i32
      %dma_start3A_536 = arith.constant 1 : i32
      %dma_start3A_537 = arith.constant 1 : i32
      %dma_start3A_538 = arith.constant 0 : i32
      %dma_start3A_539 = arith.constant 0 : i32
      %dma_start3A_540 = tpu.memref_slice %arg8[%dma_start3A_536, %dma_start3A_537, %dma_start3A_538, %dma_start3A_539] : memref<2x8x128x16xf32, #tpu.memory_space<vmem>> -> memref<1x1x128x16xf32, #tpu.memory_space<vmem>>
      %dma_start3A_541 = tpu.memref_squeeze %dma_start3A_540 : memref<1x1x128x16xf32, #tpu.memory_space<vmem>> -> memref<128x16xf32, #tpu.memory_space<vmem>>
      %dma_start3A_542 = arith.constant 0 : i32
      %dma_start3A_543 = tpu.memref_slice %arg6[%dma_start3A_534, %dma_start3A_535, %dma_start3A_542] : memref<2x8x128xi32, #tpu.memory_space<vmem>> -> memref<1x1x128xi32, #tpu.memory_space<vmem>>
      %dma_start3A_544 = tpu.memref_squeeze %dma_start3A_543 : memref<1x1x128xi32, #tpu.memory_space<vmem>> -> memref<128xi32, #tpu.memory_space<vmem>>
      %dma_start3A_545 = arith.constant 0 : i32
      %dma_start3A_546 = arith.constant 0 : i32
      %dma_start3A_547 = tpu.memref_slice %arg9[%dma_start3A_545, %dma_start3A_546] : memref<10112x16xf32, #tpu.memory_space<vmem_shared>> -> memref<10112x16xf32, #tpu.memory_space<vmem_shared>>
      tpu.enqueue_indirect_dma source(%dma_start3A_547 : memref<10112x16xf32, #tpu.memory_space<vmem_shared>>) target(%dma_start3A_541 : memref<128x16xf32, #tpu.memory_space<vmem>>) offsets(%dma_start3A_544 : memref<128xi32, #tpu.memory_space<vmem>>) semaphore(%arg13 : memref<!tpu.dma_semaphore, #tpu.memory_space<semaphore_mem>>)
      %dma_start3A_548 = arith.constant 1 : i32
      %dma_start3A_549 = arith.constant 2 : i32
      %dma_start3A_550 = arith.constant 1 : i32
      %dma_start3A_551 = arith.constant 2 : i32
      %dma_start3A_552 = arith.constant 0 : i32
      %dma_start3A_553 = arith.constant 0 : i32
      %dma_start3A_554 = tpu.memref_slice %arg8[%dma_start3A_550, %dma_start3A_551, %dma_start3A_552, %dma_start3A_553] : memref<2x8x128x16xf32, #tpu.memory_space<vmem>> -> memref<1x1x128x16xf32, #tpu.memory_space<vmem>>
      %dma_start3A_555 = tpu.memref_squeeze %dma_start3A_554 : memref<1x1x128x16xf32, #tpu.memory_space<vmem>> -> memref<128x16xf32, #tpu.memory_space<vmem>>
      %dma_start3A_556 = arith.constant 0 : i32
      %dma_start3A_557 = tpu.memref_slice %arg6[%dma_start3A_548, %dma_start3A_549, %dma_start3A_556] : memref<2x8x128xi32, #tpu.memory_space<vmem>> -> memref<1x1x128xi32, #tpu.memory_space<vmem>>
      %dma_start3A_558 = tpu.memref_squeeze %dma_start3A_557 : memref<1x1x128xi32, #tpu.memory_space<vmem>> -> memref<128xi32, #tpu.memory_space<vmem>>
      %dma_start3A_559 = arith.constant 0 : i32
      %dma_start3A_560 = arith.constant 0 : i32
      %dma_start3A_561 = tpu.memref_slice %arg9[%dma_start3A_559, %dma_start3A_560] : memref<10112x16xf32, #tpu.memory_space<vmem_shared>> -> memref<10112x16xf32, #tpu.memory_space<vmem_shared>>
      tpu.enqueue_indirect_dma source(%dma_start3A_561 : memref<10112x16xf32, #tpu.memory_space<vmem_shared>>) target(%dma_start3A_555 : memref<128x16xf32, #tpu.memory_space<vmem>>) offsets(%dma_start3A_558 : memref<128xi32, #tpu.memory_space<vmem>>) semaphore(%arg13 : memref<!tpu.dma_semaphore, #tpu.memory_space<semaphore_mem>>)
      %dma_start3A_562 = arith.constant 1 : i32
      %dma_start3A_563 = arith.constant 3 : i32
      %dma_start3A_564 = arith.constant 1 : i32
      %dma_start3A_565 = arith.constant 3 : i32
      %dma_start3A_566 = arith.constant 0 : i32
      %dma_start3A_567 = arith.constant 0 : i32
      %dma_start3A_568 = tpu.memref_slice %arg8[%dma_start3A_564, %dma_start3A_565, %dma_start3A_566, %dma_start3A_567] : memref<2x8x128x16xf32, #tpu.memory_space<vmem>> -> memref<1x1x128x16xf32, #tpu.memory_space<vmem>>
      %dma_start3A_569 = tpu.memref_squeeze %dma_start3A_568 : memref<1x1x128x16xf32, #tpu.memory_space<vmem>> -> memref<128x16xf32, #tpu.memory_space<vmem>>
      %dma_start3A_570 = arith.constant 0 : i32
      %dma_start3A_571 = tpu.memref_slice %arg6[%dma_start3A_562, %dma_start3A_563, %dma_start3A_570] : memref<2x8x128xi32, #tpu.memory_space<vmem>> -> memref<1x1x128xi32, #tpu.memory_space<vmem>>
      %dma_start3A_572 = tpu.memref_squeeze %dma_start3A_571 : memref<1x1x128xi32, #tpu.memory_space<vmem>> -> memref<128xi32, #tpu.memory_space<vmem>>
      %dma_start3A_573 = arith.constant 0 : i32
      %dma_start3A_574 = arith.constant 0 : i32
      %dma_start3A_575 = tpu.memref_slice %arg9[%dma_start3A_573, %dma_start3A_574] : memref<10112x16xf32, #tpu.memory_space<vmem_shared>> -> memref<10112x16xf32, #tpu.memory_space<vmem_shared>>
      tpu.enqueue_indirect_dma source(%dma_start3A_575 : memref<10112x16xf32, #tpu.memory_space<vmem_shared>>) target(%dma_start3A_569 : memref<128x16xf32, #tpu.memory_space<vmem>>) offsets(%dma_start3A_572 : memref<128xi32, #tpu.memory_space<vmem>>) semaphore(%arg13 : memref<!tpu.dma_semaphore, #tpu.memory_space<semaphore_mem>>)
      %dma_start3A_576 = arith.constant 1 : i32
      %dma_start3A_577 = arith.constant 4 : i32
      %dma_start3A_578 = arith.constant 1 : i32
      %dma_start3A_579 = arith.constant 4 : i32
      %dma_start3A_580 = arith.constant 0 : i32
      %dma_start3A_581 = arith.constant 0 : i32
      %dma_start3A_582 = tpu.memref_slice %arg8[%dma_start3A_578, %dma_start3A_579, %dma_start3A_580, %dma_start3A_581] : memref<2x8x128x16xf32, #tpu.memory_space<vmem>> -> memref<1x1x128x16xf32, #tpu.memory_space<vmem>>
      %dma_start3A_583 = tpu.memref_squeeze %dma_start3A_582 : memref<1x1x128x16xf32, #tpu.memory_space<vmem>> -> memref<128x16xf32, #tpu.memory_space<vmem>>
      %dma_start3A_584 = arith.constant 0 : i32
      %dma_start3A_585 = tpu.memref_slice %arg6[%dma_start3A_576, %dma_start3A_577, %dma_start3A_584] : memref<2x8x128xi32, #tpu.memory_space<vmem>> -> memref<1x1x128xi32, #tpu.memory_space<vmem>>
      %dma_start3A_586 = tpu.memref_squeeze %dma_start3A_585 : memref<1x1x128xi32, #tpu.memory_space<vmem>> -> memref<128xi32, #tpu.memory_space<vmem>>
      %dma_start3A_587 = arith.constant 0 : i32
      %dma_start3A_588 = arith.constant 0 : i32
      %dma_start3A_589 = tpu.memref_slice %arg9[%dma_start3A_587, %dma_start3A_588] : memref<10112x16xf32, #tpu.memory_space<vmem_shared>> -> memref<10112x16xf32, #tpu.memory_space<vmem_shared>>
      tpu.enqueue_indirect_dma source(%dma_start3A_589 : memref<10112x16xf32, #tpu.memory_space<vmem_shared>>) target(%dma_start3A_583 : memref<128x16xf32, #tpu.memory_space<vmem>>) offsets(%dma_start3A_586 : memref<128xi32, #tpu.memory_space<vmem>>) semaphore(%arg13 : memref<!tpu.dma_semaphore, #tpu.memory_space<semaphore_mem>>)
      %dma_start3A_590 = arith.constant 1 : i32
      %dma_start3A_591 = arith.constant 5 : i32
      %dma_start3A_592 = arith.constant 1 : i32
      %dma_start3A_593 = arith.constant 5 : i32
      %dma_start3A_594 = arith.constant 0 : i32
      %dma_start3A_595 = arith.constant 0 : i32
      %dma_start3A_596 = tpu.memref_slice %arg8[%dma_start3A_592, %dma_start3A_593, %dma_start3A_594, %dma_start3A_595] : memref<2x8x128x16xf32, #tpu.memory_space<vmem>> -> memref<1x1x128x16xf32, #tpu.memory_space<vmem>>
      %dma_start3A_597 = tpu.memref_squeeze %dma_start3A_596 : memref<1x1x128x16xf32, #tpu.memory_space<vmem>> -> memref<128x16xf32, #tpu.memory_space<vmem>>
      %dma_start3A_598 = arith.constant 0 : i32
      %dma_start3A_599 = tpu.memref_slice %arg6[%dma_start3A_590, %dma_start3A_591, %dma_start3A_598] : memref<2x8x128xi32, #tpu.memory_space<vmem>> -> memref<1x1x128xi32, #tpu.memory_space<vmem>>
      %dma_start3A_600 = tpu.memref_squeeze %dma_start3A_599 : memref<1x1x128xi32, #tpu.memory_space<vmem>> -> memref<128xi32, #tpu.memory_space<vmem>>
      %dma_start3A_601 = arith.constant 0 : i32
      %dma_start3A_602 = arith.constant 0 : i32
      %dma_start3A_603 = tpu.memref_slice %arg9[%dma_start3A_601, %dma_start3A_602] : memref<10112x16xf32, #tpu.memory_space<vmem_shared>> -> memref<10112x16xf32, #tpu.memory_space<vmem_shared>>
      tpu.enqueue_indirect_dma source(%dma_start3A_603 : memref<10112x16xf32, #tpu.memory_space<vmem_shared>>) target(%dma_start3A_597 : memref<128x16xf32, #tpu.memory_space<vmem>>) offsets(%dma_start3A_600 : memref<128xi32, #tpu.memory_space<vmem>>) semaphore(%arg13 : memref<!tpu.dma_semaphore, #tpu.memory_space<semaphore_mem>>)
      %dma_start3A_604 = arith.constant 1 : i32
      %dma_start3A_605 = arith.constant 6 : i32
      %dma_start3A_606 = arith.constant 1 : i32
      %dma_start3A_607 = arith.constant 6 : i32
      %dma_start3A_608 = arith.constant 0 : i32
      %dma_start3A_609 = arith.constant 0 : i32
      %dma_start3A_610 = tpu.memref_slice %arg8[%dma_start3A_606, %dma_start3A_607, %dma_start3A_608, %dma_start3A_609] : memref<2x8x128x16xf32, #tpu.memory_space<vmem>> -> memref<1x1x128x16xf32, #tpu.memory_space<vmem>>
      %dma_start3A_611 = tpu.memref_squeeze %dma_start3A_610 : memref<1x1x128x16xf32, #tpu.memory_space<vmem>> -> memref<128x16xf32, #tpu.memory_space<vmem>>
      %dma_start3A_612 = arith.constant 0 : i32
      %dma_start3A_613 = tpu.memref_slice %arg6[%dma_start3A_604, %dma_start3A_605, %dma_start3A_612] : memref<2x8x128xi32, #tpu.memory_space<vmem>> -> memref<1x1x128xi32, #tpu.memory_space<vmem>>
      %dma_start3A_614 = tpu.memref_squeeze %dma_start3A_613 : memref<1x1x128xi32, #tpu.memory_space<vmem>> -> memref<128xi32, #tpu.memory_space<vmem>>
      %dma_start3A_615 = arith.constant 0 : i32
      %dma_start3A_616 = arith.constant 0 : i32
      %dma_start3A_617 = tpu.memref_slice %arg9[%dma_start3A_615, %dma_start3A_616] : memref<10112x16xf32, #tpu.memory_space<vmem_shared>> -> memref<10112x16xf32, #tpu.memory_space<vmem_shared>>
      tpu.enqueue_indirect_dma source(%dma_start3A_617 : memref<10112x16xf32, #tpu.memory_space<vmem_shared>>) target(%dma_start3A_611 : memref<128x16xf32, #tpu.memory_space<vmem>>) offsets(%dma_start3A_614 : memref<128xi32, #tpu.memory_space<vmem>>) semaphore(%arg13 : memref<!tpu.dma_semaphore, #tpu.memory_space<semaphore_mem>>)
      %dma_start3A_618 = arith.constant 1 : i32
      %dma_start3A_619 = arith.constant 7 : i32
      %dma_start3A_620 = arith.constant 1 : i32
      %dma_start3A_621 = arith.constant 7 : i32
      %dma_start3A_622 = arith.constant 0 : i32
      %dma_start3A_623 = arith.constant 0 : i32
      %dma_start3A_624 = tpu.memref_slice %arg8[%dma_start3A_620, %dma_start3A_621, %dma_start3A_622, %dma_start3A_623] : memref<2x8x128x16xf32, #tpu.memory_space<vmem>> -> memref<1x1x128x16xf32, #tpu.memory_space<vmem>>
      %dma_start3A_625 = tpu.memref_squeeze %dma_start3A_624 : memref<1x1x128x16xf32, #tpu.memory_space<vmem>> -> memref<128x16xf32, #tpu.memory_space<vmem>>
      %dma_start3A_626 = arith.constant 0 : i32
      %dma_start3A_627 = tpu.memref_slice %arg6[%dma_start3A_618, %dma_start3A_619, %dma_start3A_626] : memref<2x8x128xi32, #tpu.memory_space<vmem>> -> memref<1x1x128xi32, #tpu.memory_space<vmem>>
      %dma_start3A_628 = tpu.memref_squeeze %dma_start3A_627 : memref<1x1x128xi32, #tpu.memory_space<vmem>> -> memref<128xi32, #tpu.memory_space<vmem>>
      %dma_start3A_629 = arith.constant 0 : i32
      %dma_start3A_630 = arith.constant 0 : i32
      %dma_start3A_631 = tpu.memref_slice %arg9[%dma_start3A_629, %dma_start3A_630] : memref<10112x16xf32, #tpu.memory_space<vmem_shared>> -> memref<10112x16xf32, #tpu.memory_space<vmem_shared>>
      tpu.enqueue_indirect_dma source(%dma_start3A_631 : memref<10112x16xf32, #tpu.memory_space<vmem_shared>>) target(%dma_start3A_625 : memref<128x16xf32, #tpu.memory_space<vmem>>) offsets(%dma_start3A_628 : memref<128xi32, #tpu.memory_space<vmem>>) semaphore(%arg13 : memref<!tpu.dma_semaphore, #tpu.memory_space<semaphore_mem>>)
      %dma_wait3A_632 = arith.constant 1 : i32
      %dma_wait3A_633 = arith.constant 0 : i32
      %dma_wait3A_634 = arith.constant 1 : i32
      %dma_wait3A_635 = arith.constant 0 : i32
      %dma_wait3A_636 = arith.constant 0 : i32
      %dma_wait3A_637 = arith.constant 0 : i32
      %dma_wait3A_638 = tpu.memref_slice %arg8[%dma_wait3A_634, %dma_wait3A_635, %dma_wait3A_636, %dma_wait3A_637] : memref<2x8x128x16xf32, #tpu.memory_space<vmem>> -> memref<1x1x128x16xf32, #tpu.memory_space<vmem>>
      %dma_wait3A_639 = tpu.memref_squeeze %dma_wait3A_638 : memref<1x1x128x16xf32, #tpu.memory_space<vmem>> -> memref<128x16xf32, #tpu.memory_space<vmem>>
      %dma_wait3A_640 = arith.constant 0 : i32
      %dma_wait3A_641 = tpu.memref_slice %arg6[%dma_wait3A_632, %dma_wait3A_633, %dma_wait3A_640] : memref<2x8x128xi32, #tpu.memory_space<vmem>> -> memref<1x1x128xi32, #tpu.memory_space<vmem>>
      %dma_wait3A_642 = tpu.memref_squeeze %dma_wait3A_641 : memref<1x1x128xi32, #tpu.memory_space<vmem>> -> memref<128xi32, #tpu.memory_space<vmem>>
      %dma_wait3A_643 = arith.constant 0 : i32
      %dma_wait3A_644 = arith.constant 0 : i32
      %dma_wait3A_645 = tpu.memref_slice %arg9[%dma_wait3A_643, %dma_wait3A_644] : memref<10112x16xf32, #tpu.memory_space<vmem_shared>> -> memref<10112x16xf32, #tpu.memory_space<vmem_shared>>
      tpu.wait_indirect_dma semaphore(%arg13 : memref<!tpu.dma_semaphore, #tpu.memory_space<semaphore_mem>>) src(%dma_wait3A_645 : memref<10112x16xf32, #tpu.memory_space<vmem_shared>>) dst(%dma_wait3A_639 : memref<128x16xf32, #tpu.memory_space<vmem>>)
      %dma_wait3A_646 = arith.constant 1 : i32
      %dma_wait3A_647 = arith.constant 1 : i32
      %dma_wait3A_648 = arith.constant 1 : i32
      %dma_wait3A_649 = arith.constant 1 : i32
      %dma_wait3A_650 = arith.constant 0 : i32
      %dma_wait3A_651 = arith.constant 0 : i32
      %dma_wait3A_652 = tpu.memref_slice %arg8[%dma_wait3A_648, %dma_wait3A_649, %dma_wait3A_650, %dma_wait3A_651] : memref<2x8x128x16xf32, #tpu.memory_space<vmem>> -> memref<1x1x128x16xf32, #tpu.memory_space<vmem>>
      %dma_wait3A_653 = tpu.memref_squeeze %dma_wait3A_652 : memref<1x1x128x16xf32, #tpu.memory_space<vmem>> -> memref<128x16xf32, #tpu.memory_space<vmem>>
      %dma_wait3A_654 = arith.constant 0 : i32
      %dma_wait3A_655 = tpu.memref_slice %arg6[%dma_wait3A_646, %dma_wait3A_647, %dma_wait3A_654] : memref<2x8x128xi32, #tpu.memory_space<vmem>> -> memref<1x1x128xi32, #tpu.memory_space<vmem>>
      %dma_wait3A_656 = tpu.memref_squeeze %dma_wait3A_655 : memref<1x1x128xi32, #tpu.memory_space<vmem>> -> memref<128xi32, #tpu.memory_space<vmem>>
      %dma_wait3A_657 = arith.constant 0 : i32
      %dma_wait3A_658 = arith.constant 0 : i32
      %dma_wait3A_659 = tpu.memref_slice %arg9[%dma_wait3A_657, %dma_wait3A_658] : memref<10112x16xf32, #tpu.memory_space<vmem_shared>> -> memref<10112x16xf32, #tpu.memory_space<vmem_shared>>
      tpu.wait_indirect_dma semaphore(%arg13 : memref<!tpu.dma_semaphore, #tpu.memory_space<semaphore_mem>>) src(%dma_wait3A_659 : memref<10112x16xf32, #tpu.memory_space<vmem_shared>>) dst(%dma_wait3A_653 : memref<128x16xf32, #tpu.memory_space<vmem>>)
      %dma_wait3A_660 = arith.constant 1 : i32
      %dma_wait3A_661 = arith.constant 2 : i32
      %dma_wait3A_662 = arith.constant 1 : i32
      %dma_wait3A_663 = arith.constant 2 : i32
      %dma_wait3A_664 = arith.constant 0 : i32
      %dma_wait3A_665 = arith.constant 0 : i32
      %dma_wait3A_666 = tpu.memref_slice %arg8[%dma_wait3A_662, %dma_wait3A_663, %dma_wait3A_664, %dma_wait3A_665] : memref<2x8x128x16xf32, #tpu.memory_space<vmem>> -> memref<1x1x128x16xf32, #tpu.memory_space<vmem>>
      %dma_wait3A_667 = tpu.memref_squeeze %dma_wait3A_666 : memref<1x1x128x16xf32, #tpu.memory_space<vmem>> -> memref<128x16xf32, #tpu.memory_space<vmem>>
      %dma_wait3A_668 = arith.constant 0 : i32
      %dma_wait3A_669 = tpu.memref_slice %arg6[%dma_wait3A_660, %dma_wait3A_661, %dma_wait3A_668] : memref<2x8x128xi32, #tpu.memory_space<vmem>> -> memref<1x1x128xi32, #tpu.memory_space<vmem>>
      %dma_wait3A_670 = tpu.memref_squeeze %dma_wait3A_669 : memref<1x1x128xi32, #tpu.memory_space<vmem>> -> memref<128xi32, #tpu.memory_space<vmem>>
      %dma_wait3A_671 = arith.constant 0 : i32
      %dma_wait3A_672 = arith.constant 0 : i32
      %dma_wait3A_673 = tpu.memref_slice %arg9[%dma_wait3A_671, %dma_wait3A_672] : memref<10112x16xf32, #tpu.memory_space<vmem_shared>> -> memref<10112x16xf32, #tpu.memory_space<vmem_shared>>
      tpu.wait_indirect_dma semaphore(%arg13 : memref<!tpu.dma_semaphore, #tpu.memory_space<semaphore_mem>>) src(%dma_wait3A_673 : memref<10112x16xf32, #tpu.memory_space<vmem_shared>>) dst(%dma_wait3A_667 : memref<128x16xf32, #tpu.memory_space<vmem>>)
      %dma_wait3A_674 = arith.constant 1 : i32
      %dma_wait3A_675 = arith.constant 3 : i32
      %dma_wait3A_676 = arith.constant 1 : i32
      %dma_wait3A_677 = arith.constant 3 : i32
      %dma_wait3A_678 = arith.constant 0 : i32
      %dma_wait3A_679 = arith.constant 0 : i32
      %dma_wait3A_680 = tpu.memref_slice %arg8[%dma_wait3A_676, %dma_wait3A_677, %dma_wait3A_678, %dma_wait3A_679] : memref<2x8x128x16xf32, #tpu.memory_space<vmem>> -> memref<1x1x128x16xf32, #tpu.memory_space<vmem>>
      %dma_wait3A_681 = tpu.memref_squeeze %dma_wait3A_680 : memref<1x1x128x16xf32, #tpu.memory_space<vmem>> -> memref<128x16xf32, #tpu.memory_space<vmem>>
      %dma_wait3A_682 = arith.constant 0 : i32
      %dma_wait3A_683 = tpu.memref_slice %arg6[%dma_wait3A_674, %dma_wait3A_675, %dma_wait3A_682] : memref<2x8x128xi32, #tpu.memory_space<vmem>> -> memref<1x1x128xi32, #tpu.memory_space<vmem>>
      %dma_wait3A_684 = tpu.memref_squeeze %dma_wait3A_683 : memref<1x1x128xi32, #tpu.memory_space<vmem>> -> memref<128xi32, #tpu.memory_space<vmem>>
      %dma_wait3A_685 = arith.constant 0 : i32
      %dma_wait3A_686 = arith.constant 0 : i32
      %dma_wait3A_687 = tpu.memref_slice %arg9[%dma_wait3A_685, %dma_wait3A_686] : memref<10112x16xf32, #tpu.memory_space<vmem_shared>> -> memref<10112x16xf32, #tpu.memory_space<vmem_shared>>
      tpu.wait_indirect_dma semaphore(%arg13 : memref<!tpu.dma_semaphore, #tpu.memory_space<semaphore_mem>>) src(%dma_wait3A_687 : memref<10112x16xf32, #tpu.memory_space<vmem_shared>>) dst(%dma_wait3A_681 : memref<128x16xf32, #tpu.memory_space<vmem>>)
      %dma_wait3A_688 = arith.constant 1 : i32
      %dma_wait3A_689 = arith.constant 4 : i32
      %dma_wait3A_690 = arith.constant 1 : i32
      %dma_wait3A_691 = arith.constant 4 : i32
      %dma_wait3A_692 = arith.constant 0 : i32
      %dma_wait3A_693 = arith.constant 0 : i32
      %dma_wait3A_694 = tpu.memref_slice %arg8[%dma_wait3A_690, %dma_wait3A_691, %dma_wait3A_692, %dma_wait3A_693] : memref<2x8x128x16xf32, #tpu.memory_space<vmem>> -> memref<1x1x128x16xf32, #tpu.memory_space<vmem>>
      %dma_wait3A_695 = tpu.memref_squeeze %dma_wait3A_694 : memref<1x1x128x16xf32, #tpu.memory_space<vmem>> -> memref<128x16xf32, #tpu.memory_space<vmem>>
      %dma_wait3A_696 = arith.constant 0 : i32
      %dma_wait3A_697 = tpu.memref_slice %arg6[%dma_wait3A_688, %dma_wait3A_689, %dma_wait3A_696] : memref<2x8x128xi32, #tpu.memory_space<vmem>> -> memref<1x1x128xi32, #tpu.memory_space<vmem>>
      %dma_wait3A_698 = tpu.memref_squeeze %dma_wait3A_697 : memref<1x1x128xi32, #tpu.memory_space<vmem>> -> memref<128xi32, #tpu.memory_space<vmem>>
      %dma_wait3A_699 = arith.constant 0 : i32
      %dma_wait3A_700 = arith.constant 0 : i32
      %dma_wait3A_701 = tpu.memref_slice %arg9[%dma_wait3A_699, %dma_wait3A_700] : memref<10112x16xf32, #tpu.memory_space<vmem_shared>> -> memref<10112x16xf32, #tpu.memory_space<vmem_shared>>
      tpu.wait_indirect_dma semaphore(%arg13 : memref<!tpu.dma_semaphore, #tpu.memory_space<semaphore_mem>>) src(%dma_wait3A_701 : memref<10112x16xf32, #tpu.memory_space<vmem_shared>>) dst(%dma_wait3A_695 : memref<128x16xf32, #tpu.memory_space<vmem>>)
      %dma_wait3A_702 = arith.constant 1 : i32
      %dma_wait3A_703 = arith.constant 5 : i32
      %dma_wait3A_704 = arith.constant 1 : i32
      %dma_wait3A_705 = arith.constant 5 : i32
      %dma_wait3A_706 = arith.constant 0 : i32
      %dma_wait3A_707 = arith.constant 0 : i32
      %dma_wait3A_708 = tpu.memref_slice %arg8[%dma_wait3A_704, %dma_wait3A_705, %dma_wait3A_706, %dma_wait3A_707] : memref<2x8x128x16xf32, #tpu.memory_space<vmem>> -> memref<1x1x128x16xf32, #tpu.memory_space<vmem>>
      %dma_wait3A_709 = tpu.memref_squeeze %dma_wait3A_708 : memref<1x1x128x16xf32, #tpu.memory_space<vmem>> -> memref<128x16xf32, #tpu.memory_space<vmem>>
      %dma_wait3A_710 = arith.constant 0 : i32
      %dma_wait3A_711 = tpu.memref_slice %arg6[%dma_wait3A_702, %dma_wait3A_703, %dma_wait3A_710] : memref<2x8x128xi32, #tpu.memory_space<vmem>> -> memref<1x1x128xi32, #tpu.memory_space<vmem>>
      %dma_wait3A_712 = tpu.memref_squeeze %dma_wait3A_711 : memref<1x1x128xi32, #tpu.memory_space<vmem>> -> memref<128xi32, #tpu.memory_space<vmem>>
      %dma_wait3A_713 = arith.constant 0 : i32
      %dma_wait3A_714 = arith.constant 0 : i32
      %dma_wait3A_715 = tpu.memref_slice %arg9[%dma_wait3A_713, %dma_wait3A_714] : memref<10112x16xf32, #tpu.memory_space<vmem_shared>> -> memref<10112x16xf32, #tpu.memory_space<vmem_shared>>
      tpu.wait_indirect_dma semaphore(%arg13 : memref<!tpu.dma_semaphore, #tpu.memory_space<semaphore_mem>>) src(%dma_wait3A_715 : memref<10112x16xf32, #tpu.memory_space<vmem_shared>>) dst(%dma_wait3A_709 : memref<128x16xf32, #tpu.memory_space<vmem>>)
      %dma_wait3A_716 = arith.constant 1 : i32
      %dma_wait3A_717 = arith.constant 6 : i32
      %dma_wait3A_718 = arith.constant 1 : i32
      %dma_wait3A_719 = arith.constant 6 : i32
      %dma_wait3A_720 = arith.constant 0 : i32
      %dma_wait3A_721 = arith.constant 0 : i32
      %dma_wait3A_722 = tpu.memref_slice %arg8[%dma_wait3A_718, %dma_wait3A_719, %dma_wait3A_720, %dma_wait3A_721] : memref<2x8x128x16xf32, #tpu.memory_space<vmem>> -> memref<1x1x128x16xf32, #tpu.memory_space<vmem>>
      %dma_wait3A_723 = tpu.memref_squeeze %dma_wait3A_722 : memref<1x1x128x16xf32, #tpu.memory_space<vmem>> -> memref<128x16xf32, #tpu.memory_space<vmem>>
      %dma_wait3A_724 = arith.constant 0 : i32
      %dma_wait3A_725 = tpu.memref_slice %arg6[%dma_wait3A_716, %dma_wait3A_717, %dma_wait3A_724] : memref<2x8x128xi32, #tpu.memory_space<vmem>> -> memref<1x1x128xi32, #tpu.memory_space<vmem>>
      %dma_wait3A_726 = tpu.memref_squeeze %dma_wait3A_725 : memref<1x1x128xi32, #tpu.memory_space<vmem>> -> memref<128xi32, #tpu.memory_space<vmem>>
      %dma_wait3A_727 = arith.constant 0 : i32
      %dma_wait3A_728 = arith.constant 0 : i32
      %dma_wait3A_729 = tpu.memref_slice %arg9[%dma_wait3A_727, %dma_wait3A_728] : memref<10112x16xf32, #tpu.memory_space<vmem_shared>> -> memref<10112x16xf32, #tpu.memory_space<vmem_shared>>
      tpu.wait_indirect_dma semaphore(%arg13 : memref<!tpu.dma_semaphore, #tpu.memory_space<semaphore_mem>>) src(%dma_wait3A_729 : memref<10112x16xf32, #tpu.memory_space<vmem_shared>>) dst(%dma_wait3A_723 : memref<128x16xf32, #tpu.memory_space<vmem>>)
      %dma_wait3A_730 = arith.constant 1 : i32
      %dma_wait3A_731 = arith.constant 7 : i32
      %dma_wait3A_732 = arith.constant 1 : i32
      %dma_wait3A_733 = arith.constant 7 : i32
      %dma_wait3A_734 = arith.constant 0 : i32
      %dma_wait3A_735 = arith.constant 0 : i32
      %dma_wait3A_736 = tpu.memref_slice %arg8[%dma_wait3A_732, %dma_wait3A_733, %dma_wait3A_734, %dma_wait3A_735] : memref<2x8x128x16xf32, #tpu.memory_space<vmem>> -> memref<1x1x128x16xf32, #tpu.memory_space<vmem>>
      %dma_wait3A_737 = tpu.memref_squeeze %dma_wait3A_736 : memref<1x1x128x16xf32, #tpu.memory_space<vmem>> -> memref<128x16xf32, #tpu.memory_space<vmem>>
      %dma_wait3A_738 = arith.constant 0 : i32
      %dma_wait3A_739 = tpu.memref_slice %arg6[%dma_wait3A_730, %dma_wait3A_731, %dma_wait3A_738] : memref<2x8x128xi32, #tpu.memory_space<vmem>> -> memref<1x1x128xi32, #tpu.memory_space<vmem>>
      %dma_wait3A_740 = tpu.memref_squeeze %dma_wait3A_739 : memref<1x1x128xi32, #tpu.memory_space<vmem>> -> memref<128xi32, #tpu.memory_space<vmem>>
      %dma_wait3A_741 = arith.constant 0 : i32
      %dma_wait3A_742 = arith.constant 0 : i32
      %dma_wait3A_743 = tpu.memref_slice %arg9[%dma_wait3A_741, %dma_wait3A_742] : memref<10112x16xf32, #tpu.memory_space<vmem_shared>> -> memref<10112x16xf32, #tpu.memory_space<vmem_shared>>
      tpu.wait_indirect_dma semaphore(%arg13 : memref<!tpu.dma_semaphore, #tpu.memory_space<semaphore_mem>>) src(%dma_wait3A_743 : memref<10112x16xf32, #tpu.memory_space<vmem_shared>>) dst(%dma_wait3A_737 : memref<128x16xf32, #tpu.memory_space<vmem>>)
      %dma_start3A_744 = arith.constant 1 : i32
      %dma_start3A_745 = arith.constant 0 : i32
      %dma_start3A_746 = arith.constant 1 : i32
      %dma_start3A_747 = arith.constant 0 : i32
      %dma_start3A_748 = arith.constant 0 : i32
      %dma_start3A_749 = arith.constant 0 : i32
      %dma_start3A_750 = tpu.memref_slice %arg8[%dma_start3A_744, %dma_start3A_745, %dma_start3A_748, %dma_start3A_749] : memref<2x8x128x16xf32, #tpu.memory_space<vmem>> -> memref<1x1x128x16xf32, #tpu.memory_space<vmem>>
      %dma_start3A_751 = tpu.memref_squeeze %dma_start3A_750 : memref<1x1x128x16xf32, #tpu.memory_space<vmem>> -> memref<128x16xf32, #tpu.memory_space<vmem>>
      %dma_start3A_752 = arith.constant 0 : i32
      %dma_start3A_753 = tpu.memref_slice %arg7[%dma_start3A_746, %dma_start3A_747, %dma_start3A_752] : memref<2x8x128xi32, #tpu.memory_space<vmem>> -> memref<1x1x128xi32, #tpu.memory_space<vmem>>
      %dma_start3A_754 = tpu.memref_squeeze %dma_start3A_753 : memref<1x1x128xi32, #tpu.memory_space<vmem>> -> memref<128xi32, #tpu.memory_space<vmem>>
      %dma_start3A_755 = arith.constant 0 : i32
      %dma_start3A_756 = arith.constant 0 : i32
      %dma_start3A_757 = tpu.memref_slice %arg10[%dma_start3A_755, %dma_start3A_756] : memref<10112x16xf32, #tpu.memory_space<vmem_shared>> -> memref<10112x16xf32, #tpu.memory_space<vmem_shared>>
      tpu.enqueue_indirect_dma source(%dma_start3A_751 : memref<128x16xf32, #tpu.memory_space<vmem>>) target(%dma_start3A_757 : memref<10112x16xf32, #tpu.memory_space<vmem_shared>>) offsets(%dma_start3A_754 : memref<128xi32, #tpu.memory_space<vmem>>) semaphore(%arg14 : memref<!tpu.dma_semaphore, #tpu.memory_space<semaphore_mem>>) {add = true}
      %dma_start3A_758 = arith.constant 1 : i32
      %dma_start3A_759 = arith.constant 1 : i32
      %dma_start3A_760 = arith.constant 1 : i32
      %dma_start3A_761 = arith.constant 1 : i32
      %dma_start3A_762 = arith.constant 0 : i32
      %dma_start3A_763 = arith.constant 0 : i32
      %dma_start3A_764 = tpu.memref_slice %arg8[%dma_start3A_758, %dma_start3A_759, %dma_start3A_762, %dma_start3A_763] : memref<2x8x128x16xf32, #tpu.memory_space<vmem>> -> memref<1x1x128x16xf32, #tpu.memory_space<vmem>>
      %dma_start3A_765 = tpu.memref_squeeze %dma_start3A_764 : memref<1x1x128x16xf32, #tpu.memory_space<vmem>> -> memref<128x16xf32, #tpu.memory_space<vmem>>
      %dma_start3A_766 = arith.constant 0 : i32
      %dma_start3A_767 = tpu.memref_slice %arg7[%dma_start3A_760, %dma_start3A_761, %dma_start3A_766] : memref<2x8x128xi32, #tpu.memory_space<vmem>> -> memref<1x1x128xi32, #tpu.memory_space<vmem>>
      %dma_start3A_768 = tpu.memref_squeeze %dma_start3A_767 : memref<1x1x128xi32, #tpu.memory_space<vmem>> -> memref<128xi32, #tpu.memory_space<vmem>>
      %dma_start3A_769 = arith.constant 0 : i32
      %dma_start3A_770 = arith.constant 0 : i32
      %dma_start3A_771 = tpu.memref_slice %arg10[%dma_start3A_769, %dma_start3A_770] : memref<10112x16xf32, #tpu.memory_space<vmem_shared>> -> memref<10112x16xf32, #tpu.memory_space<vmem_shared>>
      tpu.enqueue_indirect_dma source(%dma_start3A_765 : memref<128x16xf32, #tpu.memory_space<vmem>>) target(%dma_start3A_771 : memref<10112x16xf32, #tpu.memory_space<vmem_shared>>) offsets(%dma_start3A_768 : memref<128xi32, #tpu.memory_space<vmem>>) semaphore(%arg14 : memref<!tpu.dma_semaphore, #tpu.memory_space<semaphore_mem>>) {add = true}
      %dma_start3A_772 = arith.constant 1 : i32
      %dma_start3A_773 = arith.constant 2 : i32
      %dma_start3A_774 = arith.constant 1 : i32
      %dma_start3A_775 = arith.constant 2 : i32
      %dma_start3A_776 = arith.constant 0 : i32
      %dma_start3A_777 = arith.constant 0 : i32
      %dma_start3A_778 = tpu.memref_slice %arg8[%dma_start3A_772, %dma_start3A_773, %dma_start3A_776, %dma_start3A_777] : memref<2x8x128x16xf32, #tpu.memory_space<vmem>> -> memref<1x1x128x16xf32, #tpu.memory_space<vmem>>
      %dma_start3A_779 = tpu.memref_squeeze %dma_start3A_778 : memref<1x1x128x16xf32, #tpu.memory_space<vmem>> -> memref<128x16xf32, #tpu.memory_space<vmem>>
      %dma_start3A_780 = arith.constant 0 : i32
      %dma_start3A_781 = tpu.memref_slice %arg7[%dma_start3A_774, %dma_start3A_775, %dma_start3A_780] : memref<2x8x128xi32, #tpu.memory_space<vmem>> -> memref<1x1x128xi32, #tpu.memory_space<vmem>>
      %dma_start3A_782 = tpu.memref_squeeze %dma_start3A_781 : memref<1x1x128xi32, #tpu.memory_space<vmem>> -> memref<128xi32, #tpu.memory_space<vmem>>
      %dma_start3A_783 = arith.constant 0 : i32
      %dma_start3A_784 = arith.constant 0 : i32
      %dma_start3A_785 = tpu.memref_slice %arg10[%dma_start3A_783, %dma_start3A_784] : memref<10112x16xf32, #tpu.memory_space<vmem_shared>> -> memref<10112x16xf32, #tpu.memory_space<vmem_shared>>
      tpu.enqueue_indirect_dma source(%dma_start3A_779 : memref<128x16xf32, #tpu.memory_space<vmem>>) target(%dma_start3A_785 : memref<10112x16xf32, #tpu.memory_space<vmem_shared>>) offsets(%dma_start3A_782 : memref<128xi32, #tpu.memory_space<vmem>>) semaphore(%arg14 : memref<!tpu.dma_semaphore, #tpu.memory_space<semaphore_mem>>) {add = true}
      %dma_start3A_786 = arith.constant 1 : i32
      %dma_start3A_787 = arith.constant 3 : i32
      %dma_start3A_788 = arith.constant 1 : i32
      %dma_start3A_789 = arith.constant 3 : i32
      %dma_start3A_790 = arith.constant 0 : i32
      %dma_start3A_791 = arith.constant 0 : i32
      %dma_start3A_792 = tpu.memref_slice %arg8[%dma_start3A_786, %dma_start3A_787, %dma_start3A_790, %dma_start3A_791] : memref<2x8x128x16xf32, #tpu.memory_space<vmem>> -> memref<1x1x128x16xf32, #tpu.memory_space<vmem>>
      %dma_start3A_793 = tpu.memref_squeeze %dma_start3A_792 : memref<1x1x128x16xf32, #tpu.memory_space<vmem>> -> memref<128x16xf32, #tpu.memory_space<vmem>>
      %dma_start3A_794 = arith.constant 0 : i32
      %dma_start3A_795 = tpu.memref_slice %arg7[%dma_start3A_788, %dma_start3A_789, %dma_start3A_794] : memref<2x8x128xi32, #tpu.memory_space<vmem>> -> memref<1x1x128xi32, #tpu.memory_space<vmem>>
      %dma_start3A_796 = tpu.memref_squeeze %dma_start3A_795 : memref<1x1x128xi32, #tpu.memory_space<vmem>> -> memref<128xi32, #tpu.memory_space<vmem>>
      %dma_start3A_797 = arith.constant 0 : i32
      %dma_start3A_798 = arith.constant 0 : i32
      %dma_start3A_799 = tpu.memref_slice %arg10[%dma_start3A_797, %dma_start3A_798] : memref<10112x16xf32, #tpu.memory_space<vmem_shared>> -> memref<10112x16xf32, #tpu.memory_space<vmem_shared>>
      tpu.enqueue_indirect_dma source(%dma_start3A_793 : memref<128x16xf32, #tpu.memory_space<vmem>>) target(%dma_start3A_799 : memref<10112x16xf32, #tpu.memory_space<vmem_shared>>) offsets(%dma_start3A_796 : memref<128xi32, #tpu.memory_space<vmem>>) semaphore(%arg14 : memref<!tpu.dma_semaphore, #tpu.memory_space<semaphore_mem>>) {add = true}
      %dma_start3A_800 = arith.constant 1 : i32
      %dma_start3A_801 = arith.constant 4 : i32
      %dma_start3A_802 = arith.constant 1 : i32
      %dma_start3A_803 = arith.constant 4 : i32
      %dma_start3A_804 = arith.constant 0 : i32
      %dma_start3A_805 = arith.constant 0 : i32
      %dma_start3A_806 = tpu.memref_slice %arg8[%dma_start3A_800, %dma_start3A_801, %dma_start3A_804, %dma_start3A_805] : memref<2x8x128x16xf32, #tpu.memory_space<vmem>> -> memref<1x1x128x16xf32, #tpu.memory_space<vmem>>
      %dma_start3A_807 = tpu.memref_squeeze %dma_start3A_806 : memref<1x1x128x16xf32, #tpu.memory_space<vmem>> -> memref<128x16xf32, #tpu.memory_space<vmem>>
      %dma_start3A_808 = arith.constant 0 : i32
      %dma_start3A_809 = tpu.memref_slice %arg7[%dma_start3A_802, %dma_start3A_803, %dma_start3A_808] : memref<2x8x128xi32, #tpu.memory_space<vmem>> -> memref<1x1x128xi32, #tpu.memory_space<vmem>>
      %dma_start3A_810 = tpu.memref_squeeze %dma_start3A_809 : memref<1x1x128xi32, #tpu.memory_space<vmem>> -> memref<128xi32, #tpu.memory_space<vmem>>
      %dma_start3A_811 = arith.constant 0 : i32
      %dma_start3A_812 = arith.constant 0 : i32
      %dma_start3A_813 = tpu.memref_slice %arg10[%dma_start3A_811, %dma_start3A_812] : memref<10112x16xf32, #tpu.memory_space<vmem_shared>> -> memref<10112x16xf32, #tpu.memory_space<vmem_shared>>
      tpu.enqueue_indirect_dma source(%dma_start3A_807 : memref<128x16xf32, #tpu.memory_space<vmem>>) target(%dma_start3A_813 : memref<10112x16xf32, #tpu.memory_space<vmem_shared>>) offsets(%dma_start3A_810 : memref<128xi32, #tpu.memory_space<vmem>>) semaphore(%arg14 : memref<!tpu.dma_semaphore, #tpu.memory_space<semaphore_mem>>) {add = true}
      %dma_start3A_814 = arith.constant 1 : i32
      %dma_start3A_815 = arith.constant 5 : i32
      %dma_start3A_816 = arith.constant 1 : i32
      %dma_start3A_817 = arith.constant 5 : i32
      %dma_start3A_818 = arith.constant 0 : i32
      %dma_start3A_819 = arith.constant 0 : i32
      %dma_start3A_820 = tpu.memref_slice %arg8[%dma_start3A_814, %dma_start3A_815, %dma_start3A_818, %dma_start3A_819] : memref<2x8x128x16xf32, #tpu.memory_space<vmem>> -> memref<1x1x128x16xf32, #tpu.memory_space<vmem>>
      %dma_start3A_821 = tpu.memref_squeeze %dma_start3A_820 : memref<1x1x128x16xf32, #tpu.memory_space<vmem>> -> memref<128x16xf32, #tpu.memory_space<vmem>>
      %dma_start3A_822 = arith.constant 0 : i32
      %dma_start3A_823 = tpu.memref_slice %arg7[%dma_start3A_816, %dma_start3A_817, %dma_start3A_822] : memref<2x8x128xi32, #tpu.memory_space<vmem>> -> memref<1x1x128xi32, #tpu.memory_space<vmem>>
      %dma_start3A_824 = tpu.memref_squeeze %dma_start3A_823 : memref<1x1x128xi32, #tpu.memory_space<vmem>> -> memref<128xi32, #tpu.memory_space<vmem>>
      %dma_start3A_825 = arith.constant 0 : i32
      %dma_start3A_826 = arith.constant 0 : i32
      %dma_start3A_827 = tpu.memref_slice %arg10[%dma_start3A_825, %dma_start3A_826] : memref<10112x16xf32, #tpu.memory_space<vmem_shared>> -> memref<10112x16xf32, #tpu.memory_space<vmem_shared>>
      tpu.enqueue_indirect_dma source(%dma_start3A_821 : memref<128x16xf32, #tpu.memory_space<vmem>>) target(%dma_start3A_827 : memref<10112x16xf32, #tpu.memory_space<vmem_shared>>) offsets(%dma_start3A_824 : memref<128xi32, #tpu.memory_space<vmem>>) semaphore(%arg14 : memref<!tpu.dma_semaphore, #tpu.memory_space<semaphore_mem>>) {add = true}
      %dma_start3A_828 = arith.constant 1 : i32
      %dma_start3A_829 = arith.constant 6 : i32
      %dma_start3A_830 = arith.constant 1 : i32
      %dma_start3A_831 = arith.constant 6 : i32
      %dma_start3A_832 = arith.constant 0 : i32
      %dma_start3A_833 = arith.constant 0 : i32
      %dma_start3A_834 = tpu.memref_slice %arg8[%dma_start3A_828, %dma_start3A_829, %dma_start3A_832, %dma_start3A_833] : memref<2x8x128x16xf32, #tpu.memory_space<vmem>> -> memref<1x1x128x16xf32, #tpu.memory_space<vmem>>
      %dma_start3A_835 = tpu.memref_squeeze %dma_start3A_834 : memref<1x1x128x16xf32, #tpu.memory_space<vmem>> -> memref<128x16xf32, #tpu.memory_space<vmem>>
      %dma_start3A_836 = arith.constant 0 : i32
      %dma_start3A_837 = tpu.memref_slice %arg7[%dma_start3A_830, %dma_start3A_831, %dma_start3A_836] : memref<2x8x128xi32, #tpu.memory_space<vmem>> -> memref<1x1x128xi32, #tpu.memory_space<vmem>>
      %dma_start3A_838 = tpu.memref_squeeze %dma_start3A_837 : memref<1x1x128xi32, #tpu.memory_space<vmem>> -> memref<128xi32, #tpu.memory_space<vmem>>
      %dma_start3A_839 = arith.constant 0 : i32
      %dma_start3A_840 = arith.constant 0 : i32
      %dma_start3A_841 = tpu.memref_slice %arg10[%dma_start3A_839, %dma_start3A_840] : memref<10112x16xf32, #tpu.memory_space<vmem_shared>> -> memref<10112x16xf32, #tpu.memory_space<vmem_shared>>
      tpu.enqueue_indirect_dma source(%dma_start3A_835 : memref<128x16xf32, #tpu.memory_space<vmem>>) target(%dma_start3A_841 : memref<10112x16xf32, #tpu.memory_space<vmem_shared>>) offsets(%dma_start3A_838 : memref<128xi32, #tpu.memory_space<vmem>>) semaphore(%arg14 : memref<!tpu.dma_semaphore, #tpu.memory_space<semaphore_mem>>) {add = true}
      %dma_start3A_842 = arith.constant 1 : i32
      %dma_start3A_843 = arith.constant 7 : i32
      %dma_start3A_844 = arith.constant 1 : i32
      %dma_start3A_845 = arith.constant 7 : i32
      %dma_start3A_846 = arith.constant 0 : i32
      %dma_start3A_847 = arith.constant 0 : i32
      %dma_start3A_848 = tpu.memref_slice %arg8[%dma_start3A_842, %dma_start3A_843, %dma_start3A_846, %dma_start3A_847] : memref<2x8x128x16xf32, #tpu.memory_space<vmem>> -> memref<1x1x128x16xf32, #tpu.memory_space<vmem>>
      %dma_start3A_849 = tpu.memref_squeeze %dma_start3A_848 : memref<1x1x128x16xf32, #tpu.memory_space<vmem>> -> memref<128x16xf32, #tpu.memory_space<vmem>>
      %dma_start3A_850 = arith.constant 0 : i32
      %dma_start3A_851 = tpu.memref_slice %arg7[%dma_start3A_844, %dma_start3A_845, %dma_start3A_850] : memref<2x8x128xi32, #tpu.memory_space<vmem>> -> memref<1x1x128xi32, #tpu.memory_space<vmem>>
      %dma_start3A_852 = tpu.memref_squeeze %dma_start3A_851 : memref<1x1x128xi32, #tpu.memory_space<vmem>> -> memref<128xi32, #tpu.memory_space<vmem>>
      %dma_start3A_853 = arith.constant 0 : i32
      %dma_start3A_854 = arith.constant 0 : i32
      %dma_start3A_855 = tpu.memref_slice %arg10[%dma_start3A_853, %dma_start3A_854] : memref<10112x16xf32, #tpu.memory_space<vmem_shared>> -> memref<10112x16xf32, #tpu.memory_space<vmem_shared>>
      tpu.enqueue_indirect_dma source(%dma_start3A_849 : memref<128x16xf32, #tpu.memory_space<vmem>>) target(%dma_start3A_855 : memref<10112x16xf32, #tpu.memory_space<vmem_shared>>) offsets(%dma_start3A_852 : memref<128xi32, #tpu.memory_space<vmem>>) semaphore(%arg14 : memref<!tpu.dma_semaphore, #tpu.memory_space<semaphore_mem>>) {add = true}
      %dma_wait3A_856 = arith.constant 0 : i32
      %dma_wait3A_857 = arith.constant 0 : i32
      %dma_wait3A_858 = arith.constant 0 : i32
      %dma_wait3A_859 = arith.constant 0 : i32
      %dma_wait3A_860 = arith.constant 0 : i32
      %dma_wait3A_861 = arith.constant 0 : i32
      %dma_wait3A_862 = tpu.memref_slice %arg8[%dma_wait3A_856, %dma_wait3A_857, %dma_wait3A_860, %dma_wait3A_861] : memref<2x8x128x16xf32, #tpu.memory_space<vmem>> -> memref<1x1x128x16xf32, #tpu.memory_space<vmem>>
      %dma_wait3A_863 = tpu.memref_squeeze %dma_wait3A_862 : memref<1x1x128x16xf32, #tpu.memory_space<vmem>> -> memref<128x16xf32, #tpu.memory_space<vmem>>
      %dma_wait3A_864 = arith.constant 0 : i32
      %dma_wait3A_865 = tpu.memref_slice %arg7[%dma_wait3A_858, %dma_wait3A_859, %dma_wait3A_864] : memref<2x8x128xi32, #tpu.memory_space<vmem>> -> memref<1x1x128xi32, #tpu.memory_space<vmem>>
      %dma_wait3A_866 = tpu.memref_squeeze %dma_wait3A_865 : memref<1x1x128xi32, #tpu.memory_space<vmem>> -> memref<128xi32, #tpu.memory_space<vmem>>
      %dma_wait3A_867 = arith.constant 0 : i32
      %dma_wait3A_868 = arith.constant 0 : i32
      %dma_wait3A_869 = tpu.memref_slice %arg10[%dma_wait3A_867, %dma_wait3A_868] : memref<10112x16xf32, #tpu.memory_space<vmem_shared>> -> memref<10112x16xf32, #tpu.memory_space<vmem_shared>>
      tpu.wait_indirect_dma semaphore(%arg14 : memref<!tpu.dma_semaphore, #tpu.memory_space<semaphore_mem>>) src(%dma_wait3A_863 : memref<128x16xf32, #tpu.memory_space<vmem>>) dst(%dma_wait3A_869 : memref<10112x16xf32, #tpu.memory_space<vmem_shared>>)
      %dma_wait3A_870 = arith.constant 0 : i32
      %dma_wait3A_871 = arith.constant 1 : i32
      %dma_wait3A_872 = arith.constant 0 : i32
      %dma_wait3A_873 = arith.constant 1 : i32
      %dma_wait3A_874 = arith.constant 0 : i32
      %dma_wait3A_875 = arith.constant 0 : i32
      %dma_wait3A_876 = tpu.memref_slice %arg8[%dma_wait3A_870, %dma_wait3A_871, %dma_wait3A_874, %dma_wait3A_875] : memref<2x8x128x16xf32, #tpu.memory_space<vmem>> -> memref<1x1x128x16xf32, #tpu.memory_space<vmem>>
      %dma_wait3A_877 = tpu.memref_squeeze %dma_wait3A_876 : memref<1x1x128x16xf32, #tpu.memory_space<vmem>> -> memref<128x16xf32, #tpu.memory_space<vmem>>
      %dma_wait3A_878 = arith.constant 0 : i32
      %dma_wait3A_879 = tpu.memref_slice %arg7[%dma_wait3A_872, %dma_wait3A_873, %dma_wait3A_878] : memref<2x8x128xi32, #tpu.memory_space<vmem>> -> memref<1x1x128xi32, #tpu.memory_space<vmem>>
      %dma_wait3A_880 = tpu.memref_squeeze %dma_wait3A_879 : memref<1x1x128xi32, #tpu.memory_space<vmem>> -> memref<128xi32, #tpu.memory_space<vmem>>
      %dma_wait3A_881 = arith.constant 0 : i32
      %dma_wait3A_882 = arith.constant 0 : i32
      %dma_wait3A_883 = tpu.memref_slice %arg10[%dma_wait3A_881, %dma_wait3A_882] : memref<10112x16xf32, #tpu.memory_space<vmem_shared>> -> memref<10112x16xf32, #tpu.memory_space<vmem_shared>>
      tpu.wait_indirect_dma semaphore(%arg14 : memref<!tpu.dma_semaphore, #tpu.memory_space<semaphore_mem>>) src(%dma_wait3A_877 : memref<128x16xf32, #tpu.memory_space<vmem>>) dst(%dma_wait3A_883 : memref<10112x16xf32, #tpu.memory_space<vmem_shared>>)
      %dma_wait3A_884 = arith.constant 0 : i32
      %dma_wait3A_885 = arith.constant 2 : i32
      %dma_wait3A_886 = arith.constant 0 : i32
      %dma_wait3A_887 = arith.constant 2 : i32
      %dma_wait3A_888 = arith.constant 0 : i32
      %dma_wait3A_889 = arith.constant 0 : i32
      %dma_wait3A_890 = tpu.memref_slice %arg8[%dma_wait3A_884, %dma_wait3A_885, %dma_wait3A_888, %dma_wait3A_889] : memref<2x8x128x16xf32, #tpu.memory_space<vmem>> -> memref<1x1x128x16xf32, #tpu.memory_space<vmem>>
      %dma_wait3A_891 = tpu.memref_squeeze %dma_wait3A_890 : memref<1x1x128x16xf32, #tpu.memory_space<vmem>> -> memref<128x16xf32, #tpu.memory_space<vmem>>
      %dma_wait3A_892 = arith.constant 0 : i32
      %dma_wait3A_893 = tpu.memref_slice %arg7[%dma_wait3A_886, %dma_wait3A_887, %dma_wait3A_892] : memref<2x8x128xi32, #tpu.memory_space<vmem>> -> memref<1x1x128xi32, #tpu.memory_space<vmem>>
      %dma_wait3A_894 = tpu.memref_squeeze %dma_wait3A_893 : memref<1x1x128xi32, #tpu.memory_space<vmem>> -> memref<128xi32, #tpu.memory_space<vmem>>
      %dma_wait3A_895 = arith.constant 0 : i32
      %dma_wait3A_896 = arith.constant 0 : i32
      %dma_wait3A_897 = tpu.memref_slice %arg10[%dma_wait3A_895, %dma_wait3A_896] : memref<10112x16xf32, #tpu.memory_space<vmem_shared>> -> memref<10112x16xf32, #tpu.memory_space<vmem_shared>>
      tpu.wait_indirect_dma semaphore(%arg14 : memref<!tpu.dma_semaphore, #tpu.memory_space<semaphore_mem>>) src(%dma_wait3A_891 : memref<128x16xf32, #tpu.memory_space<vmem>>) dst(%dma_wait3A_897 : memref<10112x16xf32, #tpu.memory_space<vmem_shared>>)
      %dma_wait3A_898 = arith.constant 0 : i32
      %dma_wait3A_899 = arith.constant 3 : i32
      %dma_wait3A_900 = arith.constant 0 : i32
      %dma_wait3A_901 = arith.constant 3 : i32
      %dma_wait3A_902 = arith.constant 0 : i32
      %dma_wait3A_903 = arith.constant 0 : i32
      %dma_wait3A_904 = tpu.memref_slice %arg8[%dma_wait3A_898, %dma_wait3A_899, %dma_wait3A_902, %dma_wait3A_903] : memref<2x8x128x16xf32, #tpu.memory_space<vmem>> -> memref<1x1x128x16xf32, #tpu.memory_space<vmem>>
      %dma_wait3A_905 = tpu.memref_squeeze %dma_wait3A_904 : memref<1x1x128x16xf32, #tpu.memory_space<vmem>> -> memref<128x16xf32, #tpu.memory_space<vmem>>
      %dma_wait3A_906 = arith.constant 0 : i32
      %dma_wait3A_907 = tpu.memref_slice %arg7[%dma_wait3A_900, %dma_wait3A_901, %dma_wait3A_906] : memref<2x8x128xi32, #tpu.memory_space<vmem>> -> memref<1x1x128xi32, #tpu.memory_space<vmem>>
      %dma_wait3A_908 = tpu.memref_squeeze %dma_wait3A_907 : memref<1x1x128xi32, #tpu.memory_space<vmem>> -> memref<128xi32, #tpu.memory_space<vmem>>
      %dma_wait3A_909 = arith.constant 0 : i32
      %dma_wait3A_910 = arith.constant 0 : i32
      %dma_wait3A_911 = tpu.memref_slice %arg10[%dma_wait3A_909, %dma_wait3A_910] : memref<10112x16xf32, #tpu.memory_space<vmem_shared>> -> memref<10112x16xf32, #tpu.memory_space<vmem_shared>>
      tpu.wait_indirect_dma semaphore(%arg14 : memref<!tpu.dma_semaphore, #tpu.memory_space<semaphore_mem>>) src(%dma_wait3A_905 : memref<128x16xf32, #tpu.memory_space<vmem>>) dst(%dma_wait3A_911 : memref<10112x16xf32, #tpu.memory_space<vmem_shared>>)
      %dma_wait3A_912 = arith.constant 0 : i32
      %dma_wait3A_913 = arith.constant 4 : i32
      %dma_wait3A_914 = arith.constant 0 : i32
      %dma_wait3A_915 = arith.constant 4 : i32
      %dma_wait3A_916 = arith.constant 0 : i32
      %dma_wait3A_917 = arith.constant 0 : i32
      %dma_wait3A_918 = tpu.memref_slice %arg8[%dma_wait3A_912, %dma_wait3A_913, %dma_wait3A_916, %dma_wait3A_917] : memref<2x8x128x16xf32, #tpu.memory_space<vmem>> -> memref<1x1x128x16xf32, #tpu.memory_space<vmem>>
      %dma_wait3A_919 = tpu.memref_squeeze %dma_wait3A_918 : memref<1x1x128x16xf32, #tpu.memory_space<vmem>> -> memref<128x16xf32, #tpu.memory_space<vmem>>
      %dma_wait3A_920 = arith.constant 0 : i32
      %dma_wait3A_921 = tpu.memref_slice %arg7[%dma_wait3A_914, %dma_wait3A_915, %dma_wait3A_920] : memref<2x8x128xi32, #tpu.memory_space<vmem>> -> memref<1x1x128xi32, #tpu.memory_space<vmem>>
      %dma_wait3A_922 = tpu.memref_squeeze %dma_wait3A_921 : memref<1x1x128xi32, #tpu.memory_space<vmem>> -> memref<128xi32, #tpu.memory_space<vmem>>
      %dma_wait3A_923 = arith.constant 0 : i32
      %dma_wait3A_924 = arith.constant 0 : i32
      %dma_wait3A_925 = tpu.memref_slice %arg10[%dma_wait3A_923, %dma_wait3A_924] : memref<10112x16xf32, #tpu.memory_space<vmem_shared>> -> memref<10112x16xf32, #tpu.memory_space<vmem_shared>>
      tpu.wait_indirect_dma semaphore(%arg14 : memref<!tpu.dma_semaphore, #tpu.memory_space<semaphore_mem>>) src(%dma_wait3A_919 : memref<128x16xf32, #tpu.memory_space<vmem>>) dst(%dma_wait3A_925 : memref<10112x16xf32, #tpu.memory_space<vmem_shared>>)
      %dma_wait3A_926 = arith.constant 0 : i32
      %dma_wait3A_927 = arith.constant 5 : i32
      %dma_wait3A_928 = arith.constant 0 : i32
      %dma_wait3A_929 = arith.constant 5 : i32
      %dma_wait3A_930 = arith.constant 0 : i32
      %dma_wait3A_931 = arith.constant 0 : i32
      %dma_wait3A_932 = tpu.memref_slice %arg8[%dma_wait3A_926, %dma_wait3A_927, %dma_wait3A_930, %dma_wait3A_931] : memref<2x8x128x16xf32, #tpu.memory_space<vmem>> -> memref<1x1x128x16xf32, #tpu.memory_space<vmem>>
      %dma_wait3A_933 = tpu.memref_squeeze %dma_wait3A_932 : memref<1x1x128x16xf32, #tpu.memory_space<vmem>> -> memref<128x16xf32, #tpu.memory_space<vmem>>
      %dma_wait3A_934 = arith.constant 0 : i32
      %dma_wait3A_935 = tpu.memref_slice %arg7[%dma_wait3A_928, %dma_wait3A_929, %dma_wait3A_934] : memref<2x8x128xi32, #tpu.memory_space<vmem>> -> memref<1x1x128xi32, #tpu.memory_space<vmem>>
      %dma_wait3A_936 = tpu.memref_squeeze %dma_wait3A_935 : memref<1x1x128xi32, #tpu.memory_space<vmem>> -> memref<128xi32, #tpu.memory_space<vmem>>
      %dma_wait3A_937 = arith.constant 0 : i32
      %dma_wait3A_938 = arith.constant 0 : i32
      %dma_wait3A_939 = tpu.memref_slice %arg10[%dma_wait3A_937, %dma_wait3A_938] : memref<10112x16xf32, #tpu.memory_space<vmem_shared>> -> memref<10112x16xf32, #tpu.memory_space<vmem_shared>>
      tpu.wait_indirect_dma semaphore(%arg14 : memref<!tpu.dma_semaphore, #tpu.memory_space<semaphore_mem>>) src(%dma_wait3A_933 : memref<128x16xf32, #tpu.memory_space<vmem>>) dst(%dma_wait3A_939 : memref<10112x16xf32, #tpu.memory_space<vmem_shared>>)
      %dma_wait3A_940 = arith.constant 0 : i32
      %dma_wait3A_941 = arith.constant 6 : i32
      %dma_wait3A_942 = arith.constant 0 : i32
      %dma_wait3A_943 = arith.constant 6 : i32
      %dma_wait3A_944 = arith.constant 0 : i32
      %dma_wait3A_945 = arith.constant 0 : i32
      %dma_wait3A_946 = tpu.memref_slice %arg8[%dma_wait3A_940, %dma_wait3A_941, %dma_wait3A_944, %dma_wait3A_945] : memref<2x8x128x16xf32, #tpu.memory_space<vmem>> -> memref<1x1x128x16xf32, #tpu.memory_space<vmem>>
      %dma_wait3A_947 = tpu.memref_squeeze %dma_wait3A_946 : memref<1x1x128x16xf32, #tpu.memory_space<vmem>> -> memref<128x16xf32, #tpu.memory_space<vmem>>
      %dma_wait3A_948 = arith.constant 0 : i32
      %dma_wait3A_949 = tpu.memref_slice %arg7[%dma_wait3A_942, %dma_wait3A_943, %dma_wait3A_948] : memref<2x8x128xi32, #tpu.memory_space<vmem>> -> memref<1x1x128xi32, #tpu.memory_space<vmem>>
      %dma_wait3A_950 = tpu.memref_squeeze %dma_wait3A_949 : memref<1x1x128xi32, #tpu.memory_space<vmem>> -> memref<128xi32, #tpu.memory_space<vmem>>
      %dma_wait3A_951 = arith.constant 0 : i32
      %dma_wait3A_952 = arith.constant 0 : i32
      %dma_wait3A_953 = tpu.memref_slice %arg10[%dma_wait3A_951, %dma_wait3A_952] : memref<10112x16xf32, #tpu.memory_space<vmem_shared>> -> memref<10112x16xf32, #tpu.memory_space<vmem_shared>>
      tpu.wait_indirect_dma semaphore(%arg14 : memref<!tpu.dma_semaphore, #tpu.memory_space<semaphore_mem>>) src(%dma_wait3A_947 : memref<128x16xf32, #tpu.memory_space<vmem>>) dst(%dma_wait3A_953 : memref<10112x16xf32, #tpu.memory_space<vmem_shared>>)
      %dma_wait3A_954 = arith.constant 0 : i32
      %dma_wait3A_955 = arith.constant 7 : i32
      %dma_wait3A_956 = arith.constant 0 : i32
      %dma_wait3A_957 = arith.constant 7 : i32
      %dma_wait3A_958 = arith.constant 0 : i32
      %dma_wait3A_959 = arith.constant 0 : i32
      %dma_wait3A_960 = tpu.memref_slice %arg8[%dma_wait3A_954, %dma_wait3A_955, %dma_wait3A_958, %dma_wait3A_959] : memref<2x8x128x16xf32, #tpu.memory_space<vmem>> -> memref<1x1x128x16xf32, #tpu.memory_space<vmem>>
      %dma_wait3A_961 = tpu.memref_squeeze %dma_wait3A_960 : memref<1x1x128x16xf32, #tpu.memory_space<vmem>> -> memref<128x16xf32, #tpu.memory_space<vmem>>
      %dma_wait3A_962 = arith.constant 0 : i32
      %dma_wait3A_963 = tpu.memref_slice %arg7[%dma_wait3A_956, %dma_wait3A_957, %dma_wait3A_962] : memref<2x8x128xi32, #tpu.memory_space<vmem>> -> memref<1x1x128xi32, #tpu.memory_space<vmem>>
      %dma_wait3A_964 = tpu.memref_squeeze %dma_wait3A_963 : memref<1x1x128xi32, #tpu.memory_space<vmem>> -> memref<128xi32, #tpu.memory_space<vmem>>
      %dma_wait3A_965 = arith.constant 0 : i32
      %dma_wait3A_966 = arith.constant 0 : i32
      %dma_wait3A_967 = tpu.memref_slice %arg10[%dma_wait3A_965, %dma_wait3A_966] : memref<10112x16xf32, #tpu.memory_space<vmem_shared>> -> memref<10112x16xf32, #tpu.memory_space<vmem_shared>>
      tpu.wait_indirect_dma semaphore(%arg14 : memref<!tpu.dma_semaphore, #tpu.memory_space<semaphore_mem>>) src(%dma_wait3A_961 : memref<128x16xf32, #tpu.memory_space<vmem>>) dst(%dma_wait3A_967 : memref<10112x16xf32, #tpu.memory_space<vmem_shared>>)
      %add3A_968 = arith.constant 16 : i32
      %add3A_969 = arith.addi %add3A_85, %add3A_968 : i32
      %dma_start3A_970 = arith.constant 0 : i32
      %dma_start3A_971 = arith.constant 0 : i32
      %dma_start3A_972 = arith.constant 0 : i32
      %dma_start3A_973 = arith.constant 0 : i32
      %dma_start3A_974 = tpu.memref_slice %arg6[%dma_start3A_971, %dma_start3A_972, %dma_start3A_973] : memref<2x8x128xi32, #tpu.memory_space<vmem>> -> memref<1x8x128xi32, #tpu.memory_space<vmem>>
      %dma_start3A_975 = tpu.memref_squeeze %dma_start3A_974 : memref<1x8x128xi32, #tpu.memory_space<vmem>> -> memref<8x128xi32, #tpu.memory_space<vmem>>
      %dma_start3A_976 = arith.constant 0 : i32
      %dma_start3A_977 = tpu.memref_slice %arg2[%dma_start3A_970, %add3A_969, %dma_start3A_976] : memref<2x2568x128xi32, #tpu.memory_space<hbm>> -> memref<1x8x128xi32, #tpu.memory_space<hbm>>
      %dma_start3A_978 = tpu.memref_squeeze %dma_start3A_977 : memref<1x8x128xi32, #tpu.memory_space<hbm>> -> memref<8x128xi32, #tpu.memory_space<hbm>>
      %dma_start3A_979 = arith.constant 0 : i32
      %dma_start3A_980 = arith.constant 0 : i32
      %dma_start3A_981 = tpu.memref_slice %arg6[%dma_start3A_971, %dma_start3A_979, %dma_start3A_980] : memref<2x8x128xi32, #tpu.memory_space<vmem>> -> memref<1x8x128xi32, #tpu.memory_space<vmem>>
      %dma_start3A_982 = tpu.memref_squeeze %dma_start3A_981 : memref<1x8x128xi32, #tpu.memory_space<vmem>> -> memref<8x128xi32, #tpu.memory_space<vmem>>
      %dma_start3A_983 = arith.constant 0 : i32
      %dma_start3A_984 = tpu.memref_slice %arg2[%dma_start3A_970, %add3A_969, %dma_start3A_983] : memref<2x2568x128xi32, #tpu.memory_space<hbm>> -> memref<1x8x128xi32, #tpu.memory_space<hbm>>
      %dma_start3A_985 = tpu.memref_squeeze %dma_start3A_984 : memref<1x8x128xi32, #tpu.memory_space<hbm>> -> memref<8x128xi32, #tpu.memory_space<hbm>>
      tpu.enqueue_dma source(%dma_start3A_985 : memref<8x128xi32, #tpu.memory_space<hbm>>) target(%dma_start3A_982 : memref<8x128xi32, #tpu.memory_space<vmem>>) target_semaphore(%arg11 : memref<!tpu.dma_semaphore, #tpu.memory_space<semaphore_mem>>)
      %dma_start3A_986 = arith.constant 1 : i32
      %dma_start3A_987 = arith.constant 0 : i32
      %dma_start3A_988 = arith.constant 0 : i32
      %dma_start3A_989 = arith.constant 0 : i32
      %dma_start3A_990 = tpu.memref_slice %arg7[%dma_start3A_987, %dma_start3A_988, %dma_start3A_989] : memref<2x8x128xi32, #tpu.memory_space<vmem>> -> memref<1x8x128xi32, #tpu.memory_space<vmem>>
      %dma_start3A_991 = tpu.memref_squeeze %dma_start3A_990 : memref<1x8x128xi32, #tpu.memory_space<vmem>> -> memref<8x128xi32, #tpu.memory_space<vmem>>
      %dma_start3A_992 = arith.constant 0 : i32
      %dma_start3A_993 = tpu.memref_slice %arg2[%dma_start3A_986, %add3A_969, %dma_start3A_992] : memref<2x2568x128xi32, #tpu.memory_space<hbm>> -> memref<1x8x128xi32, #tpu.memory_space<hbm>>
      %dma_start3A_994 = tpu.memref_squeeze %dma_start3A_993 : memref<1x8x128xi32, #tpu.memory_space<hbm>> -> memref<8x128xi32, #tpu.memory_space<hbm>>
      %dma_start3A_995 = arith.constant 0 : i32
      %dma_start3A_996 = arith.constant 0 : i32
      %dma_start3A_997 = tpu.memref_slice %arg7[%dma_start3A_987, %dma_start3A_995, %dma_start3A_996] : memref<2x8x128xi32, #tpu.memory_space<vmem>> -> memref<1x8x128xi32, #tpu.memory_space<vmem>>
      %dma_start3A_998 = tpu.memref_squeeze %dma_start3A_997 : memref<1x8x128xi32, #tpu.memory_space<vmem>> -> memref<8x128xi32, #tpu.memory_space<vmem>>
      %dma_start3A_999 = arith.constant 0 : i32
      %dma_start3A_1000 = tpu.memref_slice %arg2[%dma_start3A_986, %add3A_969, %dma_start3A_999] : memref<2x2568x128xi32, #tpu.memory_space<hbm>> -> memref<1x8x128xi32, #tpu.memory_space<hbm>>
      %dma_start3A_1001 = tpu.memref_squeeze %dma_start3A_1000 : memref<1x8x128xi32, #tpu.memory_space<hbm>> -> memref<8x128xi32, #tpu.memory_space<hbm>>
      tpu.enqueue_dma source(%dma_start3A_1001 : memref<8x128xi32, #tpu.memory_space<hbm>>) target(%dma_start3A_998 : memref<8x128xi32, #tpu.memory_space<vmem>>) target_semaphore(%arg11 : memref<!tpu.dma_semaphore, #tpu.memory_space<semaphore_mem>>)
      %dma_wait3A_1002 = arith.constant 1 : i32
      %dma_wait3A_1003 = arith.constant 0 : i32
      %dma_wait3A_1004 = arith.constant 1 : i32
      %dma_wait3A_1005 = arith.constant 0 : i32
      %dma_wait3A_1006 = arith.constant 0 : i32
      %dma_wait3A_1007 = arith.constant 0 : i32
      %dma_wait3A_1008 = tpu.memref_slice %arg8[%dma_wait3A_1002, %dma_wait3A_1003, %dma_wait3A_1006, %dma_wait3A_1007] : memref<2x8x128x16xf32, #tpu.memory_space<vmem>> -> memref<1x1x128x16xf32, #tpu.memory_space<vmem>>
      %dma_wait3A_1009 = tpu.memref_squeeze %dma_wait3A_1008 : memref<1x1x128x16xf32, #tpu.memory_space<vmem>> -> memref<128x16xf32, #tpu.memory_space<vmem>>
      %dma_wait3A_1010 = arith.constant 0 : i32
      %dma_wait3A_1011 = tpu.memref_slice %arg7[%dma_wait3A_1004, %dma_wait3A_1005, %dma_wait3A_1010] : memref<2x8x128xi32, #tpu.memory_space<vmem>> -> memref<1x1x128xi32, #tpu.memory_space<vmem>>
      %dma_wait3A_1012 = tpu.memref_squeeze %dma_wait3A_1011 : memref<1x1x128xi32, #tpu.memory_space<vmem>> -> memref<128xi32, #tpu.memory_space<vmem>>
      %dma_wait3A_1013 = arith.constant 0 : i32
      %dma_wait3A_1014 = arith.constant 0 : i32
      %dma_wait3A_1015 = tpu.memref_slice %arg10[%dma_wait3A_1013, %dma_wait3A_1014] : memref<10112x16xf32, #tpu.memory_space<vmem_shared>> -> memref<10112x16xf32, #tpu.memory_space<vmem_shared>>
      tpu.wait_indirect_dma semaphore(%arg14 : memref<!tpu.dma_semaphore, #tpu.memory_space<semaphore_mem>>) src(%dma_wait3A_1009 : memref<128x16xf32, #tpu.memory_space<vmem>>) dst(%dma_wait3A_1015 : memref<10112x16xf32, #tpu.memory_space<vmem_shared>>)
      %dma_wait3A_1016 = arith.constant 1 : i32
      %dma_wait3A_1017 = arith.constant 1 : i32
      %dma_wait3A_1018 = arith.constant 1 : i32
      %dma_wait3A_1019 = arith.constant 1 : i32
      %dma_wait3A_1020 = arith.constant 0 : i32
      %dma_wait3A_1021 = arith.constant 0 : i32
      %dma_wait3A_1022 = tpu.memref_slice %arg8[%dma_wait3A_1016, %dma_wait3A_1017, %dma_wait3A_1020, %dma_wait3A_1021] : memref<2x8x128x16xf32, #tpu.memory_space<vmem>> -> memref<1x1x128x16xf32, #tpu.memory_space<vmem>>
      %dma_wait3A_1023 = tpu.memref_squeeze %dma_wait3A_1022 : memref<1x1x128x16xf32, #tpu.memory_space<vmem>> -> memref<128x16xf32, #tpu.memory_space<vmem>>
      %dma_wait3A_1024 = arith.constant 0 : i32
      %dma_wait3A_1025 = tpu.memref_slice %arg7[%dma_wait3A_1018, %dma_wait3A_1019, %dma_wait3A_1024] : memref<2x8x128xi32, #tpu.memory_space<vmem>> -> memref<1x1x128xi32, #tpu.memory_space<vmem>>
      %dma_wait3A_1026 = tpu.memref_squeeze %dma_wait3A_1025 : memref<1x1x128xi32, #tpu.memory_space<vmem>> -> memref<128xi32, #tpu.memory_space<vmem>>
      %dma_wait3A_1027 = arith.constant 0 : i32
      %dma_wait3A_1028 = arith.constant 0 : i32
      %dma_wait3A_1029 = tpu.memref_slice %arg10[%dma_wait3A_1027, %dma_wait3A_1028] : memref<10112x16xf32, #tpu.memory_space<vmem_shared>> -> memref<10112x16xf32, #tpu.memory_space<vmem_shared>>
      tpu.wait_indirect_dma semaphore(%arg14 : memref<!tpu.dma_semaphore, #tpu.memory_space<semaphore_mem>>) src(%dma_wait3A_1023 : memref<128x16xf32, #tpu.memory_space<vmem>>) dst(%dma_wait3A_1029 : memref<10112x16xf32, #tpu.memory_space<vmem_shared>>)
      %dma_wait3A_1030 = arith.constant 1 : i32
      %dma_wait3A_1031 = arith.constant 2 : i32
      %dma_wait3A_1032 = arith.constant 1 : i32
      %dma_wait3A_1033 = arith.constant 2 : i32
      %dma_wait3A_1034 = arith.constant 0 : i32
      %dma_wait3A_1035 = arith.constant 0 : i32
      %dma_wait3A_1036 = tpu.memref_slice %arg8[%dma_wait3A_1030, %dma_wait3A_1031, %dma_wait3A_1034, %dma_wait3A_1035] : memref<2x8x128x16xf32, #tpu.memory_space<vmem>> -> memref<1x1x128x16xf32, #tpu.memory_space<vmem>>
      %dma_wait3A_1037 = tpu.memref_squeeze %dma_wait3A_1036 : memref<1x1x128x16xf32, #tpu.memory_space<vmem>> -> memref<128x16xf32, #tpu.memory_space<vmem>>
      %dma_wait3A_1038 = arith.constant 0 : i32
      %dma_wait3A_1039 = tpu.memref_slice %arg7[%dma_wait3A_1032, %dma_wait3A_1033, %dma_wait3A_1038] : memref<2x8x128xi32, #tpu.memory_space<vmem>> -> memref<1x1x128xi32, #tpu.memory_space<vmem>>
      %dma_wait3A_1040 = tpu.memref_squeeze %dma_wait3A_1039 : memref<1x1x128xi32, #tpu.memory_space<vmem>> -> memref<128xi32, #tpu.memory_space<vmem>>
      %dma_wait3A_1041 = arith.constant 0 : i32
      %dma_wait3A_1042 = arith.constant 0 : i32
      %dma_wait3A_1043 = tpu.memref_slice %arg10[%dma_wait3A_1041, %dma_wait3A_1042] : memref<10112x16xf32, #tpu.memory_space<vmem_shared>> -> memref<10112x16xf32, #tpu.memory_space<vmem_shared>>
      tpu.wait_indirect_dma semaphore(%arg14 : memref<!tpu.dma_semaphore, #tpu.memory_space<semaphore_mem>>) src(%dma_wait3A_1037 : memref<128x16xf32, #tpu.memory_space<vmem>>) dst(%dma_wait3A_1043 : memref<10112x16xf32, #tpu.memory_space<vmem_shared>>)
      %dma_wait3A_1044 = arith.constant 1 : i32
      %dma_wait3A_1045 = arith.constant 3 : i32
      %dma_wait3A_1046 = arith.constant 1 : i32
      %dma_wait3A_1047 = arith.constant 3 : i32
      %dma_wait3A_1048 = arith.constant 0 : i32
      %dma_wait3A_1049 = arith.constant 0 : i32
      %dma_wait3A_1050 = tpu.memref_slice %arg8[%dma_wait3A_1044, %dma_wait3A_1045, %dma_wait3A_1048, %dma_wait3A_1049] : memref<2x8x128x16xf32, #tpu.memory_space<vmem>> -> memref<1x1x128x16xf32, #tpu.memory_space<vmem>>
      %dma_wait3A_1051 = tpu.memref_squeeze %dma_wait3A_1050 : memref<1x1x128x16xf32, #tpu.memory_space<vmem>> -> memref<128x16xf32, #tpu.memory_space<vmem>>
      %dma_wait3A_1052 = arith.constant 0 : i32
      %dma_wait3A_1053 = tpu.memref_slice %arg7[%dma_wait3A_1046, %dma_wait3A_1047, %dma_wait3A_1052] : memref<2x8x128xi32, #tpu.memory_space<vmem>> -> memref<1x1x128xi32, #tpu.memory_space<vmem>>
      %dma_wait3A_1054 = tpu.memref_squeeze %dma_wait3A_1053 : memref<1x1x128xi32, #tpu.memory_space<vmem>> -> memref<128xi32, #tpu.memory_space<vmem>>
      %dma_wait3A_1055 = arith.constant 0 : i32
      %dma_wait3A_1056 = arith.constant 0 : i32
      %dma_wait3A_1057 = tpu.memref_slice %arg10[%dma_wait3A_1055, %dma_wait3A_1056] : memref<10112x16xf32, #tpu.memory_space<vmem_shared>> -> memref<10112x16xf32, #tpu.memory_space<vmem_shared>>
      tpu.wait_indirect_dma semaphore(%arg14 : memref<!tpu.dma_semaphore, #tpu.memory_space<semaphore_mem>>) src(%dma_wait3A_1051 : memref<128x16xf32, #tpu.memory_space<vmem>>) dst(%dma_wait3A_1057 : memref<10112x16xf32, #tpu.memory_space<vmem_shared>>)
      %dma_wait3A_1058 = arith.constant 1 : i32
      %dma_wait3A_1059 = arith.constant 4 : i32
      %dma_wait3A_1060 = arith.constant 1 : i32
      %dma_wait3A_1061 = arith.constant 4 : i32
      %dma_wait3A_1062 = arith.constant 0 : i32
      %dma_wait3A_1063 = arith.constant 0 : i32
      %dma_wait3A_1064 = tpu.memref_slice %arg8[%dma_wait3A_1058, %dma_wait3A_1059, %dma_wait3A_1062, %dma_wait3A_1063] : memref<2x8x128x16xf32, #tpu.memory_space<vmem>> -> memref<1x1x128x16xf32, #tpu.memory_space<vmem>>
      %dma_wait3A_1065 = tpu.memref_squeeze %dma_wait3A_1064 : memref<1x1x128x16xf32, #tpu.memory_space<vmem>> -> memref<128x16xf32, #tpu.memory_space<vmem>>
      %dma_wait3A_1066 = arith.constant 0 : i32
      %dma_wait3A_1067 = tpu.memref_slice %arg7[%dma_wait3A_1060, %dma_wait3A_1061, %dma_wait3A_1066] : memref<2x8x128xi32, #tpu.memory_space<vmem>> -> memref<1x1x128xi32, #tpu.memory_space<vmem>>
      %dma_wait3A_1068 = tpu.memref_squeeze %dma_wait3A_1067 : memref<1x1x128xi32, #tpu.memory_space<vmem>> -> memref<128xi32, #tpu.memory_space<vmem>>
      %dma_wait3A_1069 = arith.constant 0 : i32
      %dma_wait3A_1070 = arith.constant 0 : i32
      %dma_wait3A_1071 = tpu.memref_slice %arg10[%dma_wait3A_1069, %dma_wait3A_1070] : memref<10112x16xf32, #tpu.memory_space<vmem_shared>> -> memref<10112x16xf32, #tpu.memory_space<vmem_shared>>
      tpu.wait_indirect_dma semaphore(%arg14 : memref<!tpu.dma_semaphore, #tpu.memory_space<semaphore_mem>>) src(%dma_wait3A_1065 : memref<128x16xf32, #tpu.memory_space<vmem>>) dst(%dma_wait3A_1071 : memref<10112x16xf32, #tpu.memory_space<vmem_shared>>)
      %dma_wait3A_1072 = arith.constant 1 : i32
      %dma_wait3A_1073 = arith.constant 5 : i32
      %dma_wait3A_1074 = arith.constant 1 : i32
      %dma_wait3A_1075 = arith.constant 5 : i32
      %dma_wait3A_1076 = arith.constant 0 : i32
      %dma_wait3A_1077 = arith.constant 0 : i32
      %dma_wait3A_1078 = tpu.memref_slice %arg8[%dma_wait3A_1072, %dma_wait3A_1073, %dma_wait3A_1076, %dma_wait3A_1077] : memref<2x8x128x16xf32, #tpu.memory_space<vmem>> -> memref<1x1x128x16xf32, #tpu.memory_space<vmem>>
      %dma_wait3A_1079 = tpu.memref_squeeze %dma_wait3A_1078 : memref<1x1x128x16xf32, #tpu.memory_space<vmem>> -> memref<128x16xf32, #tpu.memory_space<vmem>>
      %dma_wait3A_1080 = arith.constant 0 : i32
      %dma_wait3A_1081 = tpu.memref_slice %arg7[%dma_wait3A_1074, %dma_wait3A_1075, %dma_wait3A_1080] : memref<2x8x128xi32, #tpu.memory_space<vmem>> -> memref<1x1x128xi32, #tpu.memory_space<vmem>>
      %dma_wait3A_1082 = tpu.memref_squeeze %dma_wait3A_1081 : memref<1x1x128xi32, #tpu.memory_space<vmem>> -> memref<128xi32, #tpu.memory_space<vmem>>
      %dma_wait3A_1083 = arith.constant 0 : i32
      %dma_wait3A_1084 = arith.constant 0 : i32
      %dma_wait3A_1085 = tpu.memref_slice %arg10[%dma_wait3A_1083, %dma_wait3A_1084] : memref<10112x16xf32, #tpu.memory_space<vmem_shared>> -> memref<10112x16xf32, #tpu.memory_space<vmem_shared>>
      tpu.wait_indirect_dma semaphore(%arg14 : memref<!tpu.dma_semaphore, #tpu.memory_space<semaphore_mem>>) src(%dma_wait3A_1079 : memref<128x16xf32, #tpu.memory_space<vmem>>) dst(%dma_wait3A_1085 : memref<10112x16xf32, #tpu.memory_space<vmem_shared>>)
      %dma_wait3A_1086 = arith.constant 1 : i32
      %dma_wait3A_1087 = arith.constant 6 : i32
      %dma_wait3A_1088 = arith.constant 1 : i32
      %dma_wait3A_1089 = arith.constant 6 : i32
      %dma_wait3A_1090 = arith.constant 0 : i32
      %dma_wait3A_1091 = arith.constant 0 : i32
      %dma_wait3A_1092 = tpu.memref_slice %arg8[%dma_wait3A_1086, %dma_wait3A_1087, %dma_wait3A_1090, %dma_wait3A_1091] : memref<2x8x128x16xf32, #tpu.memory_space<vmem>> -> memref<1x1x128x16xf32, #tpu.memory_space<vmem>>
      %dma_wait3A_1093 = tpu.memref_squeeze %dma_wait3A_1092 : memref<1x1x128x16xf32, #tpu.memory_space<vmem>> -> memref<128x16xf32, #tpu.memory_space<vmem>>
      %dma_wait3A_1094 = arith.constant 0 : i32
      %dma_wait3A_1095 = tpu.memref_slice %arg7[%dma_wait3A_1088, %dma_wait3A_1089, %dma_wait3A_1094] : memref<2x8x128xi32, #tpu.memory_space<vmem>> -> memref<1x1x128xi32, #tpu.memory_space<vmem>>
      %dma_wait3A_1096 = tpu.memref_squeeze %dma_wait3A_1095 : memref<1x1x128xi32, #tpu.memory_space<vmem>> -> memref<128xi32, #tpu.memory_space<vmem>>
      %dma_wait3A_1097 = arith.constant 0 : i32
      %dma_wait3A_1098 = arith.constant 0 : i32
      %dma_wait3A_1099 = tpu.memref_slice %arg10[%dma_wait3A_1097, %dma_wait3A_1098] : memref<10112x16xf32, #tpu.memory_space<vmem_shared>> -> memref<10112x16xf32, #tpu.memory_space<vmem_shared>>
      tpu.wait_indirect_dma semaphore(%arg14 : memref<!tpu.dma_semaphore, #tpu.memory_space<semaphore_mem>>) src(%dma_wait3A_1093 : memref<128x16xf32, #tpu.memory_space<vmem>>) dst(%dma_wait3A_1099 : memref<10112x16xf32, #tpu.memory_space<vmem_shared>>)
      %dma_wait3A_1100 = arith.constant 1 : i32
      %dma_wait3A_1101 = arith.constant 7 : i32
      %dma_wait3A_1102 = arith.constant 1 : i32
      %dma_wait3A_1103 = arith.constant 7 : i32
      %dma_wait3A_1104 = arith.constant 0 : i32
      %dma_wait3A_1105 = arith.constant 0 : i32
      %dma_wait3A_1106 = tpu.memref_slice %arg8[%dma_wait3A_1100, %dma_wait3A_1101, %dma_wait3A_1104, %dma_wait3A_1105] : memref<2x8x128x16xf32, #tpu.memory_space<vmem>> -> memref<1x1x128x16xf32, #tpu.memory_space<vmem>>
      %dma_wait3A_1107 = tpu.memref_squeeze %dma_wait3A_1106 : memref<1x1x128x16xf32, #tpu.memory_space<vmem>> -> memref<128x16xf32, #tpu.memory_space<vmem>>
      %dma_wait3A_1108 = arith.constant 0 : i32
      %dma_wait3A_1109 = tpu.memref_slice %arg7[%dma_wait3A_1102, %dma_wait3A_1103, %dma_wait3A_1108] : memref<2x8x128xi32, #tpu.memory_space<vmem>> -> memref<1x1x128xi32, #tpu.memory_space<vmem>>
      %dma_wait3A_1110 = tpu.memref_squeeze %dma_wait3A_1109 : memref<1x1x128xi32, #tpu.memory_space<vmem>> -> memref<128xi32, #tpu.memory_space<vmem>>
      %dma_wait3A_1111 = arith.constant 0 : i32
      %dma_wait3A_1112 = arith.constant 0 : i32
      %dma_wait3A_1113 = tpu.memref_slice %arg10[%dma_wait3A_1111, %dma_wait3A_1112] : memref<10112x16xf32, #tpu.memory_space<vmem_shared>> -> memref<10112x16xf32, #tpu.memory_space<vmem_shared>>
      tpu.wait_indirect_dma semaphore(%arg14 : memref<!tpu.dma_semaphore, #tpu.memory_space<semaphore_mem>>) src(%dma_wait3A_1107 : memref<128x16xf32, #tpu.memory_space<vmem>>) dst(%dma_wait3A_1113 : memref<10112x16xf32, #tpu.memory_space<vmem_shared>>)
    }
    %scan3A_40 = arith.constant 5 : i32
    %add3A_41 = arith.constant 80 : i32
    %add3A_42 = arith.addi %mul3A_4, %add3A_41 : i32
    %dma_wait3A = arith.constant 0 : i32
    %dma_wait3A_43 = arith.constant 0 : i32
    %dma_wait3A_44 = arith.constant 0 : i32
    %dma_wait3A_45 = arith.constant 0 : i32
    %dma_wait3A_46 = tpu.memref_slice %arg6[%dma_wait3A_43, %dma_wait3A_44, %dma_wait3A_45] : memref<2x8x128xi32, #tpu.memory_space<vmem>> -> memref<1x8x128xi32, #tpu.memory_space<vmem>>
    %dma_wait3A_47 = tpu.memref_squeeze %dma_wait3A_46 : memref<1x8x128xi32, #tpu.memory_space<vmem>> -> memref<8x128xi32, #tpu.memory_space<vmem>>
    %dma_wait3A_48 = arith.constant 0 : i32
    %dma_wait3A_49 = tpu.memref_slice %arg2[%dma_wait3A, %add3A_42, %dma_wait3A_48] : memref<2x2568x128xi32, #tpu.memory_space<hbm>> -> memref<1x8x128xi32, #tpu.memory_space<hbm>>
    %dma_wait3A_50 = tpu.memref_squeeze %dma_wait3A_49 : memref<1x8x128xi32, #tpu.memory_space<hbm>> -> memref<8x128xi32, #tpu.memory_space<hbm>>
    %dma_wait3A_51 = arith.constant 0 : i32
    %dma_wait3A_52 = arith.constant 0 : i32
    %dma_wait3A_53 = tpu.memref_slice %arg6[%dma_wait3A_43, %dma_wait3A_51, %dma_wait3A_52] : memref<2x8x128xi32, #tpu.memory_space<vmem>> -> memref<1x8x128xi32, #tpu.memory_space<vmem>>
    %dma_wait3A_54 = tpu.memref_squeeze %dma_wait3A_53 : memref<1x8x128xi32, #tpu.memory_space<vmem>> -> memref<8x128xi32, #tpu.memory_space<vmem>>
    %dma_wait3A_55 = arith.constant 0 : i32
    %dma_wait3A_56 = tpu.memref_slice %arg2[%dma_wait3A, %add3A_42, %dma_wait3A_55] : memref<2x2568x128xi32, #tpu.memory_space<hbm>> -> memref<1x8x128xi32, #tpu.memory_space<hbm>>
    %dma_wait3A_57 = tpu.memref_squeeze %dma_wait3A_56 : memref<1x8x128xi32, #tpu.memory_space<hbm>> -> memref<8x128xi32, #tpu.memory_space<hbm>>
    tpu.wait_dma2 semaphore(%arg11 : memref<!tpu.dma_semaphore, #tpu.memory_space<semaphore_mem>>) src(%dma_wait3A_57 : memref<8x128xi32, #tpu.memory_space<hbm>>) dst(%dma_wait3A_54 : memref<8x128xi32, #tpu.memory_space<vmem>>)
    %add3A_58 = arith.constant 80 : i32
    %add3A_59 = arith.addi %mul3A_4, %add3A_58 : i32
    %dma_wait3A_60 = arith.constant 1 : i32
    %dma_wait3A_61 = arith.constant 0 : i32
    %dma_wait3A_62 = arith.constant 0 : i32
    %dma_wait3A_63 = arith.constant 0 : i32
    %dma_wait3A_64 = tpu.memref_slice %arg7[%dma_wait3A_61, %dma_wait3A_62, %dma_wait3A_63] : memref<2x8x128xi32, #tpu.memory_space<vmem>> -> memref<1x8x128xi32, #tpu.memory_space<vmem>>
    %dma_wait3A_65 = tpu.memref_squeeze %dma_wait3A_64 : memref<1x8x128xi32, #tpu.memory_space<vmem>> -> memref<8x128xi32, #tpu.memory_space<vmem>>
    %dma_wait3A_66 = arith.constant 0 : i32
    %dma_wait3A_67 = tpu.memref_slice %arg2[%dma_wait3A_60, %add3A_59, %dma_wait3A_66] : memref<2x2568x128xi32, #tpu.memory_space<hbm>> -> memref<1x8x128xi32, #tpu.memory_space<hbm>>
    %dma_wait3A_68 = tpu.memref_squeeze %dma_wait3A_67 : memref<1x8x128xi32, #tpu.memory_space<hbm>> -> memref<8x128xi32, #tpu.memory_space<hbm>>
    %dma_wait3A_69 = arith.constant 0 : i32
    %dma_wait3A_70 = arith.constant 0 : i32
    %dma_wait3A_71 = tpu.memref_slice %arg7[%dma_wait3A_61, %dma_wait3A_69, %dma_wait3A_70] : memref<2x8x128xi32, #tpu.memory_space<vmem>> -> memref<1x8x128xi32, #tpu.memory_space<vmem>>
    %dma_wait3A_72 = tpu.memref_squeeze %dma_wait3A_71 : memref<1x8x128xi32, #tpu.memory_space<vmem>> -> memref<8x128xi32, #tpu.memory_space<vmem>>
    %dma_wait3A_73 = arith.constant 0 : i32
    %dma_wait3A_74 = tpu.memref_slice %arg2[%dma_wait3A_60, %add3A_59, %dma_wait3A_73] : memref<2x2568x128xi32, #tpu.memory_space<hbm>> -> memref<1x8x128xi32, #tpu.memory_space<hbm>>
    %dma_wait3A_75 = tpu.memref_squeeze %dma_wait3A_74 : memref<1x8x128xi32, #tpu.memory_space<hbm>> -> memref<8x128xi32, #tpu.memory_space<hbm>>
    tpu.wait_dma2 semaphore(%arg11 : memref<!tpu.dma_semaphore, #tpu.memory_space<semaphore_mem>>) src(%dma_wait3A_75 : memref<8x128xi32, #tpu.memory_space<hbm>>) dst(%dma_wait3A_72 : memref<8x128xi32, #tpu.memory_space<vmem>>)
    %barrier3A_76 = arith.constant 0 : index
    tpu.barrier barrier_id(%barrier3A_76)
    %mul3A_77 = arith.constant 10112 : i32
    %mul3A_78 = arith.muli %arg0, %mul3A_77 : i32
    %add3A_79 = arith.addi %mul3A_78, %mul3A_2 : i32
    "tpu.region"() ({
      %run_scoped3A = tpu.sem_alloc : memref<!tpu.dma_semaphore, #tpu.memory_space<semaphore_mem>>
      %dma_start3A_80 = arith.constant 0 : i32
      %dma_start3A_81 = tpu.memref_slice %arg5[%add3A_79, %dma_start3A_80] : memref<20224x16xf32, #tpu.memory_space<hbm>> -> memref<632x16xf32, #tpu.memory_space<hbm>>
      %dma_start3A_82 = arith.constant 0 : i32
      %dma_start3A_83 = tpu.memref_slice %arg10[%mul3A_2, %dma_start3A_82] : memref<10112x16xf32, #tpu.memory_space<vmem_shared>> -> memref<632x16xf32, #tpu.memory_space<vmem_shared>>
      tpu.enqueue_dma source(%dma_start3A_83 : memref<632x16xf32, #tpu.memory_space<vmem_shared>>) target(%dma_start3A_81 : memref<632x16xf32, #tpu.memory_space<hbm>>) target_semaphore(%run_scoped3A : memref<!tpu.dma_semaphore, #tpu.memory_space<semaphore_mem>>)
      %dma_wait3A_84 = arith.constant 0 : i32
      %dma_wait3A_85 = tpu.memref_slice %arg5[%add3A_79, %dma_wait3A_84] : memref<20224x16xf32, #tpu.memory_space<hbm>> -> memref<632x16xf32, #tpu.memory_space<hbm>>
      %dma_wait3A_86 = arith.constant 0 : i32
      %dma_wait3A_87 = tpu.memref_slice %arg10[%mul3A_2, %dma_wait3A_86] : memref<10112x16xf32, #tpu.memory_space<vmem_shared>> -> memref<632x16xf32, #tpu.memory_space<vmem_shared>>
      tpu.wait_dma2 semaphore(%run_scoped3A : memref<!tpu.dma_semaphore, #tpu.memory_space<semaphore_mem>>) src(%dma_wait3A_87 : memref<632x16xf32, #tpu.memory_space<vmem_shared>>) dst(%dma_wait3A_85 : memref<632x16xf32, #tpu.memory_space<hbm>>)
      tpu.yield
    }) : () -> ()
    return
  }
}

module attributes {stable_mosaic.version = 14 : i64} {
  func.func @_tc_matmul1(%arg0: memref<1250x1024xf32, #tpu.memory_space<vmem>>, %arg1: memref<1024x128xf32, #tpu.memory_space<vmem>>, %arg2: memref<1250x128xf32, #tpu.memory_space<vmem>>) attributes {dimension_semantics = [], scalar_prefetch = 0 : i64, scratch_operands = 0 : i64, tpu.core_type = #tpu.core_type<tc>} {
    %get3A = arith.constant 0 : index
    %get3A_0 = arith.constant 0 : index
    %get3A_1 = vector.load %arg0[%get3A, %get3A_0] : memref<1250x1024xf32, #tpu.memory_space<vmem>>, vector<1250x1024xf32>
    %get3A_2 = arith.constant 0 : index
    %get3A_3 = arith.constant 0 : index
    %get3A_4 = vector.load %arg1[%get3A_2, %get3A_3] : memref<1024x128xf32, #tpu.memory_space<vmem>>, vector<1024x128xf32>
    %dot_general3A = arith.constant dense<0.000000e+00> : vector<1250x128xf32>
    %dot_general3A_5 = tpu.matmul %get3A_1, %get3A_4, %dot_general3A {dimension_numbers = #tpu.dot_dimension_numbers<[1], [0], [0], [1], [0, 0, 1, 1], [], []>, transpose_lhs_hint = false} : vector<1250x1024xf32>, vector<1024x128xf32>, vector<1250x128xf32> -> vector<1250x128xf32>
    %swap3A = arith.constant 0 : index
    %swap3A_6 = arith.constant 0 : index
    %swap3A_7 = vector.load %arg2[%swap3A, %swap3A_6] : memref<1250x128xf32, #tpu.memory_space<vmem>>, vector<1250x128xf32>
    tpu.vector_store %arg2[%swap3A, %swap3A_6], %dot_general3A_5 {strides = array<i32>} : memref<1250x128xf32, #tpu.memory_space<vmem>>, vector<1250x128xf32>,
    return
  }
}

module attributes {stable_mosaic.version = 14 : i64} {
  func.func @_tc_first(%arg0: memref<1250x128xf32, #tpu.memory_space<vmem>>, %arg1: memref<2528x128xf32, #tpu.memory_space<vmem>>, %arg2: memref<1264x128xf32, #tpu.memory_space<vmem>>, %arg3: memref<1264x128xf32, #tpu.memory_space<vmem>>) attributes {dimension_semantics = [], scalar_prefetch = 0 : i64, scratch_operands = 0 : i64, tpu.core_type = #tpu.core_type<tc>} {
    %get3A = arith.constant 0 : index
    %get3A_0 = arith.constant 0 : index
    %get3A_1 = vector.load %arg1[%get3A, %get3A_0] : memref<2528x128xf32, #tpu.memory_space<vmem>>, vector<1264x128xf32>
    %get3A_2 = arith.constant 1264 : index
    %get3A_3 = arith.constant 0 : index
    %get3A_4 = vector.load %arg1[%get3A_2, %get3A_3] : memref<2528x128xf32, #tpu.memory_space<vmem>>, vector<1264x128xf32>
    %add3A = arith.addf %get3A_1, %get3A_4 : vector<1264x128xf32>
    %add3A_5 = arith.constant 1.000000e+00 : f32
    %add3A_6 = vector.broadcast %add3A_5 : f32 to vector<1264x128xf32>
    %add3A_7 = arith.addf %add3A, %add3A_6 : vector<1264x128xf32>
    %rsqrt3A = math.rsqrt %add3A_7 : vector<1264x128xf32>
    %swap3A = arith.constant 0 : index
    %swap3A_8 = arith.constant 0 : index
    %swap3A_9 = vector.load %arg3[%swap3A, %swap3A_8] : memref<1264x128xf32, #tpu.memory_space<vmem>>, vector<1264x128xf32>
    tpu.vector_store %arg3[%swap3A, %swap3A_8], %rsqrt3A {strides = array<i32>} : memref<1264x128xf32, #tpu.memory_space<vmem>>, vector<1264x128xf32>,
    %get3A_10 = arith.constant 0 : index
    %get3A_11 = arith.constant 0 : index
    %get3A_12 = vector.load %arg0[%get3A_10, %get3A_11] : memref<1250x128xf32, #tpu.memory_space<vmem>>, vector<1250x128xf32>
    %slice3A = vector.extract_strided_slice %rsqrt3A {offsets = [0, 0], sizes = [1250, 128], strides = [1, 1]} : vector<1264x128xf32> to vector<1250x128xf32>
    %mul3A = arith.mulf %get3A_12, %slice3A : vector<1250x128xf32>
    %swap3A_13 = arith.constant 0 : index
    %swap3A_14 = arith.constant 0 : index
    %swap3A_15 = vector.load %arg2[%swap3A_13, %swap3A_14] : memref<1264x128xf32, #tpu.memory_space<vmem>>, vector<1250x128xf32>
    tpu.vector_store %arg2[%swap3A_13, %swap3A_14], %mul3A {strides = array<i32>} : memref<1264x128xf32, #tpu.memory_space<vmem>>, vector<1250x128xf32>,
    %broadcast_in_dim3A = arith.constant 0.000000e+00 : f32
    %broadcast_in_dim3A_16 = vector.broadcast %broadcast_in_dim3A : f32 to vector<14x128xf32>
    %swap3A_17 = arith.constant 1250 : index
    %swap3A_18 = arith.constant 0 : index
    %swap3A_19 = vector.load %arg2[%swap3A_17, %swap3A_18] : memref<1264x128xf32, #tpu.memory_space<vmem>>, vector<14x128xf32>
    tpu.vector_store %arg2[%swap3A_17, %swap3A_18], %broadcast_in_dim3A_16 {strides = array<i32>} : memref<1264x128xf32, #tpu.memory_space<vmem>>, vector<14x128xf32>,
    return
  }
}

module attributes {stable_mosaic.version = 14 : i64} {
  func.func @_tc_mid(%arg0: memref<2528x128xf32, #tpu.memory_space<vmem>>, %arg1: memref<1264x128xf32, #tpu.memory_space<vmem>>, %arg2: memref<1264x128xf32, #tpu.memory_space<vmem>>, %arg3: memref<1x128xf32, #tpu.memory_space<vmem>>, %arg4: memref<128x128xf32, #tpu.memory_space<vmem>>, %arg5: memref<1264x128xf32, #tpu.memory_space<vmem>>) attributes {dimension_semantics = [], scalar_prefetch = 0 : i64, scratch_operands = 0 : i64, tpu.core_type = #tpu.core_type<tc>} {
    %get3A = arith.constant 0 : index
    %get3A_0 = arith.constant 0 : index
    %get3A_1 = vector.load %arg0[%get3A, %get3A_0] : memref<2528x128xf32, #tpu.memory_space<vmem>>, vector<1264x128xf32>
    %get3A_2 = arith.constant 1264 : index
    %get3A_3 = arith.constant 0 : index
    %get3A_4 = vector.load %arg0[%get3A_2, %get3A_3] : memref<2528x128xf32, #tpu.memory_space<vmem>>, vector<1264x128xf32>
    %add3A = arith.addf %get3A_1, %get3A_4 : vector<1264x128xf32>
    %get3A_5 = arith.constant 0 : index
    %get3A_6 = arith.constant 0 : index
    %get3A_7 = vector.load %arg1[%get3A_5, %get3A_6] : memref<1264x128xf32, #tpu.memory_space<vmem>>, vector<1264x128xf32>
    %add3A_8 = arith.addf %add3A, %get3A_7 : vector<1264x128xf32>
    %get3A_9 = arith.constant 0 : index
    %get3A_10 = arith.constant 0 : index
    %get3A_11 = vector.load %arg2[%get3A_9, %get3A_10] : memref<1264x128xf32, #tpu.memory_space<vmem>>, vector<1264x128xf32>
    %mul3A = arith.mulf %add3A_8, %get3A_11 : vector<1264x128xf32>
    %get3A_12 = arith.constant 0 : index
    %get3A_13 = arith.constant 0 : index
    %get3A_14 = vector.load %arg3[%get3A_12, %get3A_13] : memref<1x128xf32, #tpu.memory_space<vmem>>, vector<1x128xf32>
    %add3A_15 = vector.broadcast %get3A_14 : vector<1x128xf32> to vector<1264x128xf32>
    %add3A_16 = arith.addf %mul3A, %add3A_15 : vector<1264x128xf32>
    %max3A = arith.constant 0.000000e+00 : f32
    %max3A_17 = vector.broadcast %max3A : f32 to vector<1264x128xf32>
    %max3A_18 = arith.maximumf %add3A_16, %max3A_17 : vector<1264x128xf32>
    %get3A_19 = arith.constant 0 : index
    %get3A_20 = arith.constant 0 : index
    %get3A_21 = vector.load %arg4[%get3A_19, %get3A_20] : memref<128x128xf32, #tpu.memory_space<vmem>>, vector<128x128xf32>
    %dot_general3A = arith.constant dense<0.000000e+00> : vector<1264x128xf32>
    %dot_general3A_22 = tpu.matmul %max3A_18, %get3A_21, %dot_general3A {dimension_numbers = #tpu.dot_dimension_numbers<[1], [0], [0], [1], [0, 0, 1, 1], [], []>, transpose_lhs_hint = false} : vector<1264x128xf32>, vector<128x128xf32>, vector<1264x128xf32> -> vector<1264x128xf32>
    %get3A_23 = arith.constant 0 : index
    %get3A_24 = arith.constant 0 : index
    %get3A_25 = vector.load %arg2[%get3A_23, %get3A_24] : memref<1264x128xf32, #tpu.memory_space<vmem>>, vector<1264x128xf32>
    %mul3A_26 = arith.mulf %dot_general3A_22, %get3A_25 : vector<1264x128xf32>
    %swap3A = arith.constant 0 : index
    %swap3A_27 = arith.constant 0 : index
    %swap3A_28 = vector.load %arg5[%swap3A, %swap3A_27] : memref<1264x128xf32, #tpu.memory_space<vmem>>, vector<1264x128xf32>
    tpu.vector_store %arg5[%swap3A, %swap3A_27], %mul3A_26 {strides = array<i32>} : memref<1264x128xf32, #tpu.memory_space<vmem>>, vector<1264x128xf32>,
    return
  }
}

module attributes {stable_mosaic.version = 14 : i64} {
  func.func @_tc_last(%arg0: memref<2528x128xf32, #tpu.memory_space<vmem>>, %arg1: memref<1264x128xf32, #tpu.memory_space<vmem>>, %arg2: memref<1264x128xf32, #tpu.memory_space<vmem>>, %arg3: memref<1x128xf32, #tpu.memory_space<vmem>>, %arg4: memref<1264x128xf32, #tpu.memory_space<vmem>>) attributes {dimension_semantics = [], scalar_prefetch = 0 : i64, scratch_operands = 0 : i64, tpu.core_type = #tpu.core_type<tc>} {
    %get3A = arith.constant 0 : index
    %get3A_0 = arith.constant 0 : index
    %get3A_1 = vector.load %arg0[%get3A, %get3A_0] : memref<2528x128xf32, #tpu.memory_space<vmem>>, vector<1264x128xf32>
    %get3A_2 = arith.constant 1264 : index
    %get3A_3 = arith.constant 0 : index
    %get3A_4 = vector.load %arg0[%get3A_2, %get3A_3] : memref<2528x128xf32, #tpu.memory_space<vmem>>, vector<1264x128xf32>
    %add3A = arith.addf %get3A_1, %get3A_4 : vector<1264x128xf32>
    %get3A_5 = arith.constant 0 : index
    %get3A_6 = arith.constant 0 : index
    %get3A_7 = vector.load %arg1[%get3A_5, %get3A_6] : memref<1264x128xf32, #tpu.memory_space<vmem>>, vector<1264x128xf32>
    %add3A_8 = arith.addf %add3A, %get3A_7 : vector<1264x128xf32>
    %get3A_9 = arith.constant 0 : index
    %get3A_10 = arith.constant 0 : index
    %get3A_11 = vector.load %arg2[%get3A_9, %get3A_10] : memref<1264x128xf32, #tpu.memory_space<vmem>>, vector<1264x128xf32>
    %mul3A = arith.mulf %add3A_8, %get3A_11 : vector<1264x128xf32>
    %get3A_12 = arith.constant 0 : index
    %get3A_13 = arith.constant 0 : index
    %get3A_14 = vector.load %arg3[%get3A_12, %get3A_13] : memref<1x128xf32, #tpu.memory_space<vmem>>, vector<1x128xf32>
    %add3A_15 = vector.broadcast %get3A_14 : vector<1x128xf32> to vector<1264x128xf32>
    %add3A_16 = arith.addf %mul3A, %add3A_15 : vector<1264x128xf32>
    %swap3A = arith.constant 0 : index
    %swap3A_17 = arith.constant 0 : index
    %swap3A_18 = vector.load %arg4[%swap3A, %swap3A_17] : memref<1264x128xf32, #tpu.memory_space<vmem>>, vector<1264x128xf32>
    tpu.vector_store %arg4[%swap3A, %swap3A_17], %add3A_16 {strides = array<i32>} : memref<1264x128xf32, #tpu.memory_space<vmem>>, vector<1264x128xf32>,
    return
  }
}

</mosaic_0001>

<sc_bundles>
// kernel: kernel.12.cloned.1.call-start
scs
__scs_entry_jumppad:
0x0: {  	(pc) =	sbr.rel $0x88, $3  }
0x1: {  	(tag) =	ssettag $0x0;
	lr =	simm.s32 $0x1  }
0x2: {  	[smem:$0x3F9B] =	sst lr;
	_ =	strace $0xD0000000  }
0x3: {  	_ = 	snop  }
0x4: {  	_ = 	snop  }
0x5: {  	_ = 	snop  }
0x6: {  	_ = 	snop  }
0x7: {  	_ = 	snop  }
__scs_overlays_trampoline_lowered:
0x8: {  	[smem:$0x3FAA] =	sst s0  }
0x9: {  	[smem:$0x3FAB] =	sst s1  }
0xa: {  	[smem:$0x3FAC] =	sst s2  }
0xb: {  	[smem:$0x3FAD] =	sst s3  }
0xc: {  	[smem:$0x3FAE] =	sst s4  }
0xd: {  	[smem:$0x3FAF] =	sst s5  }
0xe: {  	[smem:$0x3FB0] =	sst s6  }
0xf: {  	[smem:$0x3FB1] =	sst s7  }
0x10: {  	[smem:$0x3FB2] =	sst s8  }
0x11: {  	[smem:$0x3FB3] =	sst s9;
	s0 =	simm.s32 @!p0 $0x0  }
0x12: {  	s1 =	sld [smem:$0x3F99];
	s0 =	simm.s32 @p0 $0x1  }
0x13: {  	[smem:$0x3FB4] =	sst s0;
	s0 =	simm.s32 @!p1 $0x0  }
0x14: {  	s2 =	sld [smem:$0x3F98];
	s0 =	simm.s32 @p1 $0x1  }
0x15: {  	[smem:$0x3FB5] =	sst s0;
	s0 =	simm.s32 @!p2 $0x0  }
0x16: {  	s3 =	sld [smem:$0x3FDB];
	s0 =	simm.s32 @p2 $0x1  }
0x17: {  	s4 =	simm.s32 $0x1BF5;
	[smem:$0x3FB7] =	sst s0  }
0x18: {  	s0 =	sld [smem:$0x3F9A];
	_ =	swait.ge [sflag:s4], $0x0  }
0x19: {  	s7 =	sld [smem:$0x3F9B]  }
0x1a: {  	s8 =	sadd.s32 $0xFFFFE003, lr  }
0x1b: {  	s9 =	sadd.s32 $0xFFFFFEF7, lr;
	s5 =	simm.s32 $0xFFFFFFFF;
	p2 =	slt.u32 s8, $0xFFFFF086  }
0x1c: {  	p1 =	slt.u32 s9, $0xF7A;
	s5 =	simm.s32 @!p2 $0x0  }
0x1d: {  	s5 =	simm.s32 @p1 $0x1;
	p0 =	seq.s32 s7, s2  }
0x1e: {  	s7 =	smul.u32 @!p0 $0xF7A, s2;
	p2 =	seq.s32 @!p0 s5, $0x0  }
0x1f: {  	s9 =	smul.u32 $0xF7A, s1;
	s8 =	simm.s32 @!p0 $0x1BF5;
	p2 =	por !p2, p0  }
0x20: {  	[sflag:s8] =	ssyncset.s32 @!p0 $0xFFFFF086;
	s6 =	sadd.s32 @!p0 s3, s7;
	s7 =	simm.s32 @!p0 $0x108  }
0x21: {  	s3 =	sadd.s32 s3, s9;
	s6 =	sadd.s32 @!p0 $0x88, s6;
	s7 =	simm.s32 @p2 $0x1082  }
0x22: {  	[simem:s7], [sflag:s8] =	dma.local @!p0 [hbm:s6], $0xF7A  }
0x23: {  	s9 =	sor.u32 $0xD0000000, s2;
	s6 =	simm.s32 $0x108;
	_ =	swait.ge @!p0 [sflag:s8], $0x0  }
0x24: {  	s3 =	sadd.s32 $0x88, s3;
	s6 =	simm.s32 @!p1 $0x1082;
	[sflag:s4] =	ssyncset.s32 $0xFFFFF086  }
0x25: {  	[simem:s6], [sflag:s4] =	dma.local [hbm:s3], $0xF7A  }
0x26: {  	[smem:$0x3F9B] =	sst s1;
	(tag) =	ssettag s2;
	_ =	strace s9  }
0x27: {  	s1 =	sld [smem:$0x3FAB]  }
0x28: {  	s2 =	sld [smem:$0x3FAC]  }
0x29: {  	s4 =	sld [smem:$0x3FAE]  }
0x2a: {  	p0 =	seq.s32 s5, $0x0;
	s5 =	sld [smem:$0x3FAF]  }
0x2b: {  	s6 =	sld [smem:$0x3FB0]  }
0x2c: {  	s7 =	sld [smem:$0x3FB1]  }
0x2d: {  	s3 =	simm.s32 $0x108;
	s8 =	sld [smem:$0x3FB2]  }
0x2e: {  	s3 =	simm.s32 @!p0 $0x1082;
	s9 =	sld [smem:$0x3FB3]  }
0x2f: {  	lr =	sadd.s32 s0, s3;
	s0 =	sld [smem:$0x3FAA]  }
0x30: {  	s3 =	sld [smem:$0x3FAD]  }
0x31: {  	[smem:$0x3FB6] =	sst s10  }
0x32: {  	s10 =	sld [smem:$0x3FB4];
	_ =	sdelay $0x3  }
0x33: {  	p0 =	seq.s32 s10, $0x1;
	s10 =	sld [smem:$0x3FB6];
	_ =	sdelay $0x3  }
0x34: {  	[smem:$0x3FB6] =	sst s10  }
0x35: {  	s10 =	sld [smem:$0x3FB5];
	_ =	sdelay $0x3  }
0x36: {  	p1 =	seq.s32 s10, $0x1;
	s10 =	sld [smem:$0x3FB6];
	_ =	sdelay $0x3  }
0x37: {  	[smem:$0x3FB6] =	sst s10  }
0x38: {  	s10 =	sld [smem:$0x3FB7]  }
0x39: {  	_ = 	snop;
	(pc) =	sbr.ind lr, $3  }
0x3a: {  	_ = 	snop  }
0x3b: {  	_ = 	snop  }
0x3c: {  	p2 =	seq.s32 s10, $0x1;
	s10 =	sld [smem:$0x3FB6]  }
0x3d: {  	_ =	shalt  }
0x3e: {  	_ =	shalt  }
0x3f: {  	_ =	shalt  }
0x40: {  	_ =	shalt  }
0x41: {  	_ =	shalt  }
0x42: {  	_ =	shalt  }
0x43: {  	_ =	shalt  }
0x44: {  	_ =	shalt  }
0x45: {  	_ =	shalt  }
0x46: {  	_ =	shalt  }
0x47: {  	_ =	shalt  }
0x48: {  	_ =	shalt  }
0x49: {  	_ =	shalt  }
0x4a: {  	_ =	shalt  }
0x4b: {  	_ =	shalt  }
0x4c: {  	_ =	shalt  }
0x4d: {  	_ =	shalt  }
0x4e: {  	_ =	shalt  }
0x4f: {  	_ =	shalt  }
0x50: {  	_ =	shalt  }
0x51: {  	_ =	shalt  }
0x52: {  	_ =	shalt  }
0x53: {  	_ =	shalt  }
0x54: {  	_ =	shalt  }
0x55: {  	_ =	shalt  }
0x56: {  	_ =	shalt  }
0x57: {  	_ =	shalt  }
0x58: {  	_ =	shalt  }
0x59: {  	_ =	shalt  }
0x5a: {  	_ =	shalt  }
0x5b: {  	_ =	shalt  }
0x5c: {  	_ =	shalt  }
0x5d: {  	_ =	shalt  }
0x5e: {  	_ =	shalt  }
0x5f: {  	_ =	shalt  }
0x60: {  	_ =	shalt  }
0x61: {  	_ =	shalt  }
0x62: {  	_ =	shalt  }
0x63: {  	_ =	shalt  }
0x64: {  	_ =	shalt  }
0x65: {  	_ =	shalt  }
0x66: {  	_ =	shalt  }
0x67: {  	_ =	shalt  }
0x68: {  	_ =	shalt  }
0x69: {  	_ =	shalt  }
0x6a: {  	_ =	shalt  }
0x6b: {  	_ =	shalt  }
0x6c: {  	_ =	shalt  }
0x6d: {  	_ =	shalt  }
0x6e: {  	_ =	shalt  }
0x6f: {  	_ =	shalt  }
0x70: {  	_ =	shalt  }
0x71: {  	_ =	shalt  }
0x72: {  	_ =	shalt  }
0x73: {  	_ =	shalt  }
0x74: {  	_ =	shalt  }
0x75: {  	_ =	shalt  }
0x76: {  	_ =	shalt  }
0x77: {  	_ =	shalt  }
0x78: {  	_ =	shalt  }
0x79: {  	_ =	shalt  }
0x7a: {  	_ =	shalt  }
0x7b: {  	_ =	shalt  }
0x7c: {  	_ =	shalt  }
0x7d: {  	_ =	shalt  }
0x7e: {  	_ =	shalt  }
0x7f: {  	_ =	shalt  }
0x80: {  	_ =	shalt  }
0x81: {  	_ =	shalt  }
0x82: {  	_ =	shalt  }
0x83: {  	_ =	shalt  }
0x84: {  	_ =	shalt  }
0x85: {  	_ =	shalt  }
0x86: {  	_ =	shalt  }
0x87: {  	_ =	shalt  }
.Lfunc_end0:
.L_simem_size_0:
called_computation.1_lowered:
.L_overlay_start_0:
0x88: {  	s2 =	sld [smem:$0x3FD9]  }
0x89: {  	s3 =	sld [smem:$0x3FFE];
	_ =	sdelay $0x1  }
0x8a: {  	s1 =	srdreg.scid  }
0x8b: {  	s0 =	sand.u32 $0x1, s1  }
0x8c: {  	s16 =	sshll.u32 s0, $0xA;
	s2 =	sadd.s32 s3, s2  }
0x8d: {  	s2 =	sadd.s32 s2, s16  }
0x8e: {  	[smem:$0x3FC2] =	sst s2  }
0x8f: {  	_ = 	snop  }
0x90: {  	(tm) =	ssettm $0x1  }
0x91: {  	s17 =	sld [smem:$0x3FFB];
	_ =	sdelay $0x3  }
0x92: {  	_ =	strace s17  }
0x93: {  	s2 =	sld [smem:$0x3FFC];
	_ =	sdelay $0x3  }
0x94: {  	_ =	strace s2  }
0x95: {  	s2 =	sld [smem:$0x3FFD];
	_ =	sdelay $0x3  }
0x96: {  	_ =	strace s2  }
0x97: {  	_ =	strace $0x8FFFFFFF  }
0x98: {  	s18 =	sld [smem:$0x3FDB];
	_ =	sdelay $0x1  }
0x99: {  	s19 =	simm.s32 $_scs_section_size  }
0x9a: {  	s4 =	simm.s32 $_size__tile_overlayer_lowered;
	s5 =	simm.s32 $_tile_overlayer_lowered  }
0x9b: {  	s22 =	simm.s32 $0x1BFF;
	s21 =	sshll.u32 s5, $0x1;
	s2 =	sadd.s32 s19, s18  }
0x9c: {  	s6 =	simm.s32 $0x0;
	s20 =	sshll.u32 s4, $0x1;
	s4 =	sadd.s32 s21, s2  }
0x9d: {  	[timem:s6], [sflag:s22] =	dma.local [hbm:s4], s20  }
0x9e: {  	_ =	swait.ge [sflag:s22], s20  }
0x9f: {  	s3 =	ssub.s32 $0x0, s20;
	[sflag:s22] =	ssyncset.done $0x0  }
0xa0: {  	[sflag:s22] =	ssyncadd.s32 s3;
	_ =	sdelay $0x1  }
0xa1: {  	s23 =	simm.s32 $0x1B8B  }
0xa2: {  	_ =	swait.ge [sflag:s23], $0x1  }
0xa3: {  	[sflag:s23] =	ssyncset.done $0x0  }
0xa4: {  	s25 =	simm.s32 $0x1B8E;
	s24 =	sld [smem:$0x3FFE];
	[sflag:s23] =	ssyncadd.s32 $0xFFFFFFFF  }
0xa5: {  	s26 =	simm.s32 $execute0_lowered;
	[smem:$0x3FD2] =	sst s25  }
0xa6: {  	s4 =	sshll.u32 s26, $0x1;
	_ =	strace $0x80000049;
	[dreg:$0x1] =	wrdreg $0xFFFFFFFF  }
0xa7: {  	s28 =	simm.s32 $_size_execute0_lowered;
	s2 =	sadd.s32 s2, s4;
	[dreg:$0x0] =	wrdreg $0x0  }
0xa8: {  	s4 =	sshll.u32 s28, $0x1;
	[dreg:$0x2] =	wrdreg s2  }
0xa9: {  	[dreg:$0x3] =	wrdreg s4  }
0xaa: {  	[dreg:$0x4] =	wrdreg $0xC0  }
0xab: {  	_ =	task [dreg:s6], $0x5FFFF  }
0xac: {  	[dreg:$0x1] =	wrdreg $0xFFFFFFFF  }
0xad: {  	[dreg:$0x0] =	wrdreg $0x60  }
0xae: {  	[dreg:$0x2] =	wrdreg s24  }
0xaf: {  	[dreg:$0x3] =	wrdreg $0xB7800  }
0xb0: {  	[dreg:$0x4] =	wrdreg $0x90000  }
0xb1: {  	[dreg:$0x5] =	wrdreg $0x9  }
0xb2: {  	_ =	task.clear_ibuf [dreg:s6], $0x6FFFF;
	_ =	strace $0x90000049  }
0xb3: {  	s29 =	simm.s32 $0x9;
	_ =	strace $0x8000004B  }
0xb4: {  	_ =	swait.ge [sflag:s29], $0x1  }
0xb5: {  	[sflag:s29] =	ssyncadd.s32 $0xFFFFFFFF  }
0xb6: {  	_ =	strace $0x9000004B  }
0xb7: {  	_ =	sfence  }
0xb8: {  	s30 =	sld [smem:$0x0];
	_ =	sdelay $0x2  }
0xb9: {  	s31 =	sshll.u32 s1, $0xD;
	s1 =	sshrl.u32 s1, $0x2  }
0xba: {  	s3 =	sand.u32 $0x4000, s31;
	s1 =	sadd.s32 s1, s30  }
0xbb: {  	s0 =	sor.u32 s3, s0;
	s1 =	sshll.u32 s1, $0x11  }
0xbc: {  	s0 =	sor.u32 s1, s0  }
0xbd: {  	s0 =	sadd.s32 $0x8F2B, s0  }
0xbe: {  	[sflag:s0] =	ssyncadd.remote.s32 $0x1  }
0xbf: {  	_ =	sfence.sel $0xFFFF  }
0xc0: {  	[dreg:$0x0] =	wrdreg $0xFFFFFFFF;
	(pc) =	sbr.abs _section_cstart, $3  }
0xc1: {  	[dreg:$0x1] =	wrdreg $0xFFFFFFFF  }
0xc2: {  	_ =	task.clear_ibuf [dreg:s6], $0x2FFFF;
	_ =	strace $0x9FFFFFFF  }
0xc3: {  	(tm) =	ssettm $0x7FFFFFFF  }
tec
execute0_lowered:
.L_overlay_start_1:
0x0: {  	(tag) =	ssettag $0x1  }
0x1: {  	s0 =	rddreg [dreg:$0x0]  }
0x2: {  	s1 =	rddreg [dreg:$0x1];
	s4 =	srdreg.scid  }
0x3: {  	s3 =	rddreg [dreg:$0x2];
	s5 =	sand.u32 $0x1, s4;
	s4 =	simm.s32 $0x0  }
0x4: {  	s12 =	stileid.u32;
	s26 =	simm.s32 $0x100;
	[smem:$0x7FF] =	sst s4  }
0x5: {  	s14 =	simm.s32 $0x200;
	_ =	strace $0x8000004A;
	[dreg:$0x6] =	wrdreg s26  }
0x6: {  	s15 =	simm.s32 $0x280;
	s17 =	simm.s32 $0x300;
	[dreg:$0x8] =	wrdreg s14  }
0x7: {  	s19 =	simm.s32 $0x380;
	s2 =	smul.u32 $0x2780, s12;
	[dreg:$0x9] =	wrdreg s15  }
0x8: {  	s31 =	simm.s32 $0x3;
	s11 =	smul.u32 $0xA00, s12;
	[dreg:$0xa] =	wrdreg s17  }
0x9: {  	s6 =	smul.u32 $0x4F0, s12;
	s13 =	sadd.s32 $0x2C00, s0;
	[dreg:$0xb] =	wrdreg s19  }
0xa: {  	s21 =	sadd.s32 s11, s13;
	s11 =	simm.s32 $0x180;
	[smem:$0x7F4] =	sst s13  }
0xb: {  	s18 =	sshll.u32 s12, $0x6;
	s26 =	simm.s32 $0xB00;
	[dreg:$0x7] =	wrdreg s11  }
0xc: {  	s7 =	smul.u32 $0x4F00, s5;
	s17 =	simm.s32 $0x600;
	[dreg:$0x11] =	wrdreg s26  }
0xd: {  	s15 =	sor.u32 $0x1C05, s18;
	s18 =	simm.s32 $0x680;
	[dreg:$0x16] =	wrdreg s17  }
0xe: {  	s22 =	ssub.s32 $0x2, s5;
	s19 =	simm.s32 $0x700;
	[dreg:$0x17] =	wrdreg s18  }
0xf: {  	s24 =	sshrl.u32 s22, $0x1;
	s6 =	sadd.s32 s6, s7;
	[dreg:$0x18] =	wrdreg s19  }
0x10: {  	s7 =	ssub.s32 s22, s24;
	s22 =	simm.s32 $0x980;
	[smem:$0x7FC] =	sst s15  }
0x11: {  	s20 =	smul.u32 $0x500, s5;
	s24 =	simm.s32 $0xA80;
	[dreg:$0xe] =	wrdreg s22  }
0x12: {  	s9 =	sshrl.u32 s2, $0x3;
	s11 =	simm.s32 $0x480;
	[dreg:$0x10] =	wrdreg s24  }
0x13: {  	s9 =	sadd.s32 s9, s0;
	s26 =	simm.s32 $0xF00;
	[dreg:$0x13] =	wrdreg s11  }
0x14: {  	s0 =	sadd.s32 s6, s0;
	s6 =	sadd.s32 s20, s21;
	[dreg:$0x1f] =	wrdreg s26  }
0x15: {  	s29 =	simm.s32 $0x3000;
	s16 =	sadd.s32 $0x16E00, s9;
	[dreg:$0x4] =	wrdreg s6  }
0x16: {  	s8 =	smul.u32 $0x5000, s12;
	s20 =	simm.s32 $0x880;
	[smem:$0x7F2] =	sst s16  }
0x17: {  	s10 =	smul.u32 $0x2800, s5;
	s21 =	simm.s32 $0x900;
	[dreg:$0xc] =	wrdreg s20  }
0x18: {  	s28 =	sshll.u32 s12, $0x1;
	s9 =	sadd.s32 $0x1BE00, s9;
	[dreg:$0xd] =	wrdreg s21  }
0x19: {  	s8 =	sadd.s32 s10, s8;
	s12 =	smax.u32 s7, $0x1;
	[smem:$0x7F3] =	sst s9  }
0x1a: {  	s30 =	simm.s32 $0x3800;
	s14 =	sadd.s32 $0x800, s8;
	[smem:$0x7F8] =	sst s12  }
0x1b: {  	s5 =	sor.u32 s5, s28;
	s22 =	simm.s32 $0xD00;
	[smem:$0x7F9] =	sst s14  }
0x1c: {  	s5 =	smul.u32 $0x2800, s5;
	s24 =	simm.s32 $0xE00;
	[dreg:$0x1b] =	wrdreg s22  }
0x1d: {  	s10 =	sadd.s32 $0x50C00, s8;
	s0 =	sadd.s32 $0x20E00, s0;
	[dreg:$0x1d] =	wrdreg s24  }
0x1e: {  	s5 =	sshrl.u32 s5, $0x3;
	s9 =	simm.s32 $0xB80;
	[smem:$0x7F7] =	sst s0  }
0x1f: {  	s8 =	simm.s32 $0x6000;
	s16 =	simm.s32 $0x580;
	[dreg:$0x12] =	wrdreg s9  }
0x20: {  	s11 =	simm.s32 $0x7000;
	s20 =	simm.s32 $0x780;
	[dreg:$0x15] =	wrdreg s16  }
0x21: {  	s23 =	sshrl.u32 s10, $0x3;
	s21 =	simm.s32 $0xC80;
	[dreg:$0x19] =	wrdreg s20  }
0x22: {  	s10 =	sadd.s32 s2, s1;
	s25 =	sadd.s32 s23, s13;
	[dreg:$0x1a] =	wrdreg s21  }
0x23: {  	s2 =	sadd.s32 s2, s3;
	s23 =	simm.s32 $0xA00;
	[dreg:$0x5] =	wrdreg s25  }
0x24: {  	s12 =	simm.s32 $0x7800;
	s2 =	sshrl.u32 s2, $0x3;
	[dreg:$0xf] =	wrdreg s23  }
0x25: {  	s14 =	simm.s32 $0x4;
	s7 =	sshrl.u32 s10, $0x3;
	[smem:$0x7FA] =	sst s2  }
0x26: {  	s20 =	simm.s32 $0x1;
	s25 =	sadd.s32 s13, s5;
	[smem:$0x7FD] =	sst s7  }
0x27: {  	s21 =	simm.s32 $0x80;
	s13 =	simm.s32 $0x500;
	[smem:$0x7F5] =	sst s25  }
0x28: {  	s10 =	simm.s32 $0x6800;
	s23 =	simm.s32 $0xD80;
	[dreg:$0x14] =	wrdreg s13  }
0x29: {  	s16 =	simm.s32 $0x8000;
	s28 =	sadd.s32 $0xA080, s25;
	[dreg:$0x1c] =	wrdreg s23  }
0x2a: {  	s9 =	simm.s32 $0x8800;
	s25 =	simm.s32 $0xE80;
	[smem:$0x7F6] =	sst s28  }
0x2b: {  	s0 =	simm.s32 $0x0;
	[dreg:$0x1e] =	wrdreg s25;
	s28 =	simm.s32 $0xF80  }
0x2c: {  	s2 =	simm.s32 $0x2;
	s13 =	simm.s32 $0x5;
	[smem:$0x7FB] =	sst s28  }
.LBB2_1:
0x2d: {  	s5 =	sld [smem:$0x7F2];
	_ =	sdelay $0x1  }
0x2e: {  	[smem:$0x7F1] =	sst s0  }
0x2f: {  	[spmem:s7], [sflag:s15] =	dma.local [hbm:s5], $0x4F0  }
0x30: {  	_ =	swait.ge [sflag:s13], $0x4F0  }
0x31: {  	s18 =	sld [smem:$0x7F3]  }
0x32: {  	s19 =	sld [smem:$0x7FA]  }
0x33: {  	[sflag:s13] =	ssyncset.done $0x0  }
0x34: {  	[sflag:s13] =	ssyncadd.s32 $0xFFFFFB10  }
0x35: {  	[spmem:s19], [sflag:s15] =	dma.local [hbm:s18], $0x4F0  }
0x36: {  	_ =	swait.ge [sflag:s13], $0x4F0  }
0x37: {  	[sflag:s13] =	ssyncset.done $0x0  }
0x38: {  	[sflag:s13] =	ssyncadd.s32 $0xFFFFFB10  }
0x39: {  	[bflag:$0x0] =	sbarrier.arrive $0xFFFF  }
0x3a: {  	s22 =	sld [smem:$0x7F5]  }
0x3b: {  	s23 =	rddreg [dreg:$0x4]  }
0x3c: {  	s24 =	sld [smem:$0x7F6]  }
0x3d: {  	[tilespmem:s4], [sflag:$0x1] =	stream.linear.gather [hbm4b:s22+s4], $0x400, $0x38;
	[tilespmem:$0xDF00] =	vst v63  }
0x3e: {  	s17 =	simm.s32 $0x800;
	s5 =	sadd.s32 $0x0, s23  }
0x3f: {  	[tilespmem:s17], [sflag:$0x1] =	stream.linear.gather [hbm4b:s24+s4], $0x400, $0x38;
	[tilespmem:$0xDF00] =	vst v63  }
0x40: {  	s13 =	simm.s32 $0x400;
	s25 =	sadd.s32 $0x80, s5  }
0x41: {  	[tilespmem:s13], [sflag:$0x2] =	stream.linear.gather [hbm4b:s25+s4], $0x400, $0x38;
	[tilespmem:$0xDF00] =	vst v63  }
0x42: {  	s15 =	simm.s32 $0xC00;
	s5 =	sadd.s32 $0xA100, s5  }
0x43: {  	[tilespmem:s15], [sflag:$0x2] =	stream.linear.gather [hbm4b:s5+s4], $0x400, $0x38;
	[tilespmem:$0xDF00] =	vst v63  }
0x44: {  	_ =	swait.ge [sflag:s20], $0x400  }
0x45: {  	[sflag:s20] =	ssyncset.done $0x0  }
0x46: {  	[sflag:s20] =	ssyncadd.s32 $0xFFFFFC00  }
0x47: {  	_ =	swait.ge [sflag:s20], $0x400  }
0x48: {  	[sflag:s20] =	ssyncset.done $0x0  }
0x49: {  	s18 =	simm.s32 $0x1000;
	[sflag:s20] =	ssyncadd.s32 $0xFFFFFC00  }
0x4a: {  	[tilespmem:s18], [sflag:$0x3] =	stream.indirect.gather [spmem:s3], $0x10, s4, s21, $0xb8;
	[tilespmem:$0xDF00] =	vst v63  }
0x4b: {  	s19 =	simm.s32 $0x1800  }
0x4c: {  	[tilespmem:s19], [sflag:$0x3] =	stream.indirect.gather [spmem:s3], $0x10, s21, s21, $0xb8;
	[tilespmem:$0xDF00] =	vst v63  }
0x4d: {  	s22 =	simm.s32 $0x2000;
	s26 =	rddreg [dreg:$0x6]  }
0x4e: {  	[tilespmem:s22], [sflag:$0x3] =	stream.indirect.gather [spmem:s3], $0x10, s26, s21, $0xb8;
	[tilespmem:$0xDF00] =	vst v63  }
0x4f: {  	s23 =	simm.s32 $0x2800;
	s28 =	rddreg [dreg:$0x7]  }
0x50: {  	[tilespmem:s23], [sflag:$0x3] =	stream.indirect.gather [spmem:s3], $0x10, s28, s21, $0xb8;
	[tilespmem:$0xDF00] =	vst v63  }
0x51: {  	s24 =	simm.s32 $0x3000;
	s0 =	rddreg [dreg:$0x8]  }
0x52: {  	[tilespmem:s24], [sflag:$0x3] =	stream.indirect.gather [spmem:s3], $0x10, s0, s21, $0xb8;
	[tilespmem:$0xDF00] =	vst v63  }
0x53: {  	s25 =	simm.s32 $0x3800;
	s6 =	rddreg [dreg:$0x9]  }
0x54: {  	[tilespmem:s25], [sflag:$0x3] =	stream.indirect.gather [spmem:s3], $0x10, s6, s21, $0xb8;
	[tilespmem:$0xDF00] =	vst v63  }
0x55: {  	s26 =	rddreg [dreg:$0xa];
	s0 =	simm.s32 $0x4000  }
0x56: {  	[tilespmem:s0], [sflag:$0x3] =	stream.indirect.gather [spmem:s3], $0x10, s26, s21, $0xb8;
	[tilespmem:$0xDF00] =	vst v63  }
0x57: {  	s28 =	rddreg [dreg:$0xb];
	s6 =	simm.s32 $0x4800  }
0x58: {  	[tilespmem:s6], [sflag:$0x3] =	stream.indirect.gather [spmem:s3], $0x10, s28, s21, $0xb8;
	[tilespmem:$0xDF00] =	vst v63  }
0x59: {  	_ =	swait.ge [sflag:s31], $0x800  }
0x5a: {  	[sflag:s31] =	ssyncset.done $0x0  }
0x5b: {  	[sflag:s31] =	ssyncadd.s32 $0xFFFFF800  }
0x5c: {  	_ =	swait.ge [sflag:s31], $0x800  }
0x5d: {  	[sflag:s31] =	ssyncset.done $0x0  }
0x5e: {  	[sflag:s31] =	ssyncadd.s32 $0xFFFFF800  }
0x5f: {  	_ =	swait.ge [sflag:s31], $0x800  }
0x60: {  	[sflag:s31] =	ssyncset.done $0x0  }
0x61: {  	[sflag:s31] =	ssyncadd.s32 $0xFFFFF800  }
0x62: {  	_ =	swait.ge [sflag:s31], $0x800  }
0x63: {  	[sflag:s31] =	ssyncset.done $0x0  }
0x64: {  	[sflag:s31] =	ssyncadd.s32 $0xFFFFF800  }
0x65: {  	_ =	swait.ge [sflag:s31], $0x800  }
0x66: {  	[sflag:s31] =	ssyncset.done $0x0  }
0x67: {  	[sflag:s31] =	ssyncadd.s32 $0xFFFFF800  }
0x68: {  	_ =	swait.ge [sflag:s31], $0x800  }
0x69: {  	[sflag:s31] =	ssyncset.done $0x0  }
0x6a: {  	[sflag:s31] =	ssyncadd.s32 $0xFFFFF800  }
0x6b: {  	_ =	swait.ge [sflag:s31], $0x800  }
0x6c: {  	[sflag:s31] =	ssyncset.done $0x0  }
0x6d: {  	[sflag:s31] =	ssyncadd.s32 $0xFFFFF800  }
0x6e: {  	_ =	swait.ge [sflag:s31], $0x800  }
0x6f: {  	[sflag:s31] =	ssyncset.done $0x0  }
0x70: {  	[sflag:s31] =	ssyncadd.s32 $0xFFFFF800  }
0x71: {  	[spmem:s1] =	stream.indirect.scatter.add.f32 [tilespmem:s18], [sflag:$0x4], $0x10, s17, s21, $0xb8;
	[tilespmem:$0xDF00] =	vst v63  }
0x72: {  	s7 =	rddreg [dreg:$0xc]  }
0x73: {  	[spmem:s1] =	stream.indirect.scatter.add.f32 [tilespmem:s19], [sflag:$0x4], $0x10, s7, s21, $0xb8;
	[tilespmem:$0xDF00] =	vst v63  }
0x74: {  	s18 =	rddreg [dreg:$0xd]  }
0x75: {  	[spmem:s1] =	stream.indirect.scatter.add.f32 [tilespmem:s22], [sflag:$0x4], $0x10, s18, s21, $0xb8;
	[tilespmem:$0xDF00] =	vst v63  }
0x76: {  	s19 =	rddreg [dreg:$0xe]  }
0x77: {  	[spmem:s1] =	stream.indirect.scatter.add.f32 [tilespmem:s23], [sflag:$0x4], $0x10, s19, s21, $0xb8;
	[tilespmem:$0xDF00] =	vst v63  }
0x78: {  	s22 =	rddreg [dreg:$0xf]  }
0x79: {  	[spmem:s1] =	stream.indirect.scatter.add.f32 [tilespmem:s24], [sflag:$0x4], $0x10, s22, s21, $0xb8;
	[tilespmem:$0xDF00] =	vst v63  }
0x7a: {  	s23 =	rddreg [dreg:$0x10]  }
0x7b: {  	[spmem:s1] =	stream.indirect.scatter.add.f32 [tilespmem:s25], [sflag:$0x4], $0x10, s23, s21, $0xb8;
	[tilespmem:$0xDF00] =	vst v63  }
0x7c: {  	s26 =	rddreg [dreg:$0x11]  }
0x7d: {  	[spmem:s1] =	stream.indirect.scatter.add.f32 [tilespmem:s0], [sflag:$0x4], $0x10, s26, s21, $0xb8;
	[tilespmem:$0xDF00] =	vst v63  }
0x7e: {  	s28 =	rddreg [dreg:$0x12]  }
0x7f: {  	[spmem:s1] =	stream.indirect.scatter.add.f32 [tilespmem:s6], [sflag:$0x4], $0x10, s28, s21, $0xb8;
	[tilespmem:$0xDF00] =	vst v63  }
0x80: {  	_ =	swait.ge [sflag:s2], $0x400  }
0x81: {  	[sflag:s2] =	ssyncset.done $0x0  }
0x82: {  	[sflag:s2] =	ssyncadd.s32 $0xFFFFFC00  }
0x83: {  	_ =	swait.ge [sflag:s2], $0x400  }
0x84: {  	[sflag:s2] =	ssyncset.done $0x0  }
0x85: {  	s18 =	simm.s32 $0x5000;
	[sflag:s2] =	ssyncadd.s32 $0xFFFFFC00  }
0x86: {  	[tilespmem:s18], [sflag:$0x3] =	stream.indirect.gather [spmem:s3], $0x10, s13, s21, $0xb8;
	[tilespmem:$0xDF00] =	vst v63  }
0x87: {  	s22 =	simm.s32 $0x5800;
	s7 =	rddreg [dreg:$0x13]  }
0x88: {  	[tilespmem:s22], [sflag:$0x3] =	stream.indirect.gather [spmem:s3], $0x10, s7, s21, $0xb8;
	[tilespmem:$0xDF00] =	vst v63  }
0x89: {  	s19 =	rddreg [dreg:$0x14]  }
0x8a: {  	[tilespmem:s8], [sflag:$0x3] =	stream.indirect.gather [spmem:s3], $0x10, s19, s21, $0xb8;
	[tilespmem:$0xDF00] =	vst v63  }
0x8b: {  	s23 =	rddreg [dreg:$0x15]  }
0x8c: {  	[tilespmem:s10], [sflag:$0x3] =	stream.indirect.gather [spmem:s3], $0x10, s23, s21, $0xb8;
	[tilespmem:$0xDF00] =	vst v63  }
0x8d: {  	s24 =	rddreg [dreg:$0x16]  }
0x8e: {  	[tilespmem:s11], [sflag:$0x3] =	stream.indirect.gather [spmem:s3], $0x10, s24, s21, $0xb8;
	[tilespmem:$0xDF00] =	vst v63  }
0x8f: {  	s25 =	rddreg [dreg:$0x17]  }
0x90: {  	[tilespmem:s12], [sflag:$0x3] =	stream.indirect.gather [spmem:s3], $0x10, s25, s21, $0xb8;
	[tilespmem:$0xDF00] =	vst v63  }
0x91: {  	s26 =	rddreg [dreg:$0x18]  }
0x92: {  	[tilespmem:s16], [sflag:$0x3] =	stream.indirect.gather [spmem:s3], $0x10, s26, s21, $0xb8;
	[tilespmem:$0xDF00] =	vst v63  }
0x93: {  	s28 =	rddreg [dreg:$0x19]  }
0x94: {  	[tilespmem:s9], [sflag:$0x3] =	stream.indirect.gather [spmem:s3], $0x10, s28, s21, $0xb8;
	[tilespmem:$0xDF00] =	vst v63  }
0x95: {  	_ =	swait.ge [sflag:s31], $0x800  }
0x96: {  	[sflag:s31] =	ssyncset.done $0x0  }
0x97: {  	[sflag:s31] =	ssyncadd.s32 $0xFFFFF800  }
0x98: {  	_ =	swait.ge [sflag:s31], $0x800  }
0x99: {  	[sflag:s31] =	ssyncset.done $0x0  }
0x9a: {  	[sflag:s31] =	ssyncadd.s32 $0xFFFFF800  }
0x9b: {  	_ =	swait.ge [sflag:s31], $0x800  }
0x9c: {  	[sflag:s31] =	ssyncset.done $0x0  }
0x9d: {  	[sflag:s31] =	ssyncadd.s32 $0xFFFFF800  }
0x9e: {  	_ =	swait.ge [sflag:s31], $0x800  }
0x9f: {  	[sflag:s31] =	ssyncset.done $0x0  }
0xa0: {  	[sflag:s31] =	ssyncadd.s32 $0xFFFFF800  }
0xa1: {  	_ =	swait.ge [sflag:s31], $0x800  }
0xa2: {  	[sflag:s31] =	ssyncset.done $0x0  }
0xa3: {  	[sflag:s31] =	ssyncadd.s32 $0xFFFFF800  }
0xa4: {  	_ =	swait.ge [sflag:s31], $0x800  }
0xa5: {  	[sflag:s31] =	ssyncset.done $0x0  }
0xa6: {  	[sflag:s31] =	ssyncadd.s32 $0xFFFFF800  }
0xa7: {  	_ =	swait.ge [sflag:s31], $0x800  }
0xa8: {  	[sflag:s31] =	ssyncset.done $0x0  }
0xa9: {  	[sflag:s31] =	ssyncadd.s32 $0xFFFFF800  }
0xaa: {  	_ =	swait.ge [sflag:s31], $0x800  }
0xab: {  	[sflag:s31] =	ssyncset.done $0x0  }
0xac: {  	s7 =	rddreg [dreg:$0x1a];
	[sflag:s31] =	ssyncadd.s32 $0xFFFFF800  }
0xad: {  	[spmem:s1] =	stream.indirect.scatter.add.f32 [tilespmem:s18], [sflag:$0x4], $0x10, s15, s21, $0xb8;
	[tilespmem:$0xDF00] =	vst v63  }
0xae: {  	s13 =	rddreg [dreg:$0x1b]  }
0xaf: {  	[spmem:s1] =	stream.indirect.scatter.add.f32 [tilespmem:s22], [sflag:$0x4], $0x10, s7, s21, $0xb8;
	[tilespmem:$0xDF00] =	vst v63  }
0xb0: {  	s19 =	rddreg [dreg:$0x1e]  }
0xb1: {  	[spmem:s1] =	stream.indirect.scatter.add.f32 [tilespmem:s8], [sflag:$0x4], $0x10, s13, s21, $0xb8;
	[tilespmem:$0xDF00] =	vst v63  }
0xb2: {  	s15 =	rddreg [dreg:$0x1c]  }
0xb3: {  	[spmem:s1] =	stream.indirect.scatter.add.f32 [tilespmem:s10], [sflag:$0x4], $0x10, s15, s21, $0xb8;
	[tilespmem:$0xDF00] =	vst v63  }
0xb4: {  	s18 =	rddreg [dreg:$0x1d]  }
0xb5: {  	[spmem:s1] =	stream.indirect.scatter.add.f32 [tilespmem:s11], [sflag:$0x4], $0x10, s18, s21, $0xb8;
	[tilespmem:$0xDF00] =	vst v63  }
0xb6: {  	s23 =	sld [smem:$0x7FB]  }
0xb7: {  	[spmem:s1] =	stream.indirect.scatter.add.f32 [tilespmem:s12], [sflag:$0x4], $0x10, s19, s21, $0xb8;
	[tilespmem:$0xDF00] =	vst v63  }
0xb8: {  	s22 =	rddreg [dreg:$0x1f]  }
0xb9: {  	[spmem:s1] =	stream.indirect.scatter.add.f32 [tilespmem:s16], [sflag:$0x4], $0x10, s22, s21, $0xb8;
	[tilespmem:$0xDF00] =	vst v63  }
0xba: {  	_ = 	snop  }
0xbb: {  	[spmem:s1] =	stream.indirect.scatter.add.f32 [tilespmem:s9], [sflag:$0x4], $0x10, s23, s21, $0xb8;
	[tilespmem:$0xDF00] =	vst v63  }
0xbc: {  	_ =	swait.ge [sflag:s14], $0x800  }
0xbd: {  	[sflag:s14] =	ssyncset.done $0x0  }
0xbe: {  	[sflag:s14] =	ssyncadd.s32 $0xFFFFF800  }
0xbf: {  	_ =	swait.ge [sflag:s14], $0x800  }
0xc0: {  	[sflag:s14] =	ssyncset.done $0x0  }
0xc1: {  	[sflag:s14] =	ssyncadd.s32 $0xFFFFF800  }
0xc2: {  	_ =	swait.ge [sflag:s14], $0x800  }
0xc3: {  	[sflag:s14] =	ssyncset.done $0x0  }
0xc4: {  	[sflag:s14] =	ssyncadd.s32 $0xFFFFF800  }
0xc5: {  	_ =	swait.ge [sflag:s14], $0x800  }
0xc6: {  	[sflag:s14] =	ssyncset.done $0x0  }
0xc7: {  	[sflag:s14] =	ssyncadd.s32 $0xFFFFF800  }
0xc8: {  	_ =	swait.ge [sflag:s14], $0x800  }
0xc9: {  	[sflag:s14] =	ssyncset.done $0x0  }
0xca: {  	[sflag:s14] =	ssyncadd.s32 $0xFFFFF800  }
0xcb: {  	_ =	swait.ge [sflag:s14], $0x800  }
0xcc: {  	[sflag:s14] =	ssyncset.done $0x0  }
0xcd: {  	[sflag:s14] =	ssyncadd.s32 $0xFFFFF800  }
0xce: {  	_ =	swait.ge [sflag:s14], $0x800  }
0xcf: {  	[sflag:s14] =	ssyncset.done $0x0  }
0xd0: {  	[sflag:s14] =	ssyncadd.s32 $0xFFFFF800  }
0xd1: {  	_ =	swait.ge [sflag:s14], $0x800  }
0xd2: {  	s15 =	sld [smem:$0x7F9]  }
0xd3: {  	s26 =	sld [smem:$0x7F4];
	_ =	sdelay $0x1  }
0xd4: {  	[sflag:s14] =	ssyncset.done $0x0;
	s24 =	sshrl.u32 s15, $0x3  }
0xd5: {  	s25 =	rddreg [dreg:$0x5];
	[sflag:s14] =	ssyncadd.s32 $0xFFFFF800;
	s5 =	sadd.s32 s26, s24  }
0xd6: {  	[tilespmem:s4], [sflag:$0x1] =	stream.linear.gather [hbm4b:s5+s4], $0x400, $0x38;
	[tilespmem:$0xDF00] =	vst v63  }
0xd7: {  	s28 =	sadd.s32 $0x0, s25  }
0xd8: {  	[tilespmem:s17], [sflag:$0x1] =	stream.linear.gather [hbm4b:s28+s4], $0x400, $0x38;
	[tilespmem:$0xDF00] =	vst v63  }
0xd9: {  	_ =	swait.ge [sflag:s14], $0x800  }
0xda: {  	[sflag:s14] =	ssyncset.done $0x0  }
0xdb: {  	[sflag:s14] =	ssyncadd.s32 $0xFFFFF800  }
0xdc: {  	_ =	swait.ge [sflag:s14], $0x800  }
0xdd: {  	[sflag:s14] =	ssyncset.done $0x0  }
0xde: {  	[sflag:s14] =	ssyncadd.s32 $0xFFFFF800  }
0xdf: {  	_ =	swait.ge [sflag:s14], $0x800  }
0xe0: {  	[sflag:s14] =	ssyncset.done $0x0  }
0xe1: {  	[sflag:s14] =	ssyncadd.s32 $0xFFFFF800  }
0xe2: {  	_ =	swait.ge [sflag:s14], $0x800  }
0xe3: {  	[sflag:s14] =	ssyncset.done $0x0  }
0xe4: {  	[sflag:s14] =	ssyncadd.s32 $0xFFFFF800  }
0xe5: {  	_ =	swait.ge [sflag:s14], $0x800  }
0xe6: {  	[sflag:s14] =	ssyncset.done $0x0  }
0xe7: {  	[sflag:s14] =	ssyncadd.s32 $0xFFFFF800  }
0xe8: {  	_ =	swait.ge [sflag:s14], $0x800  }
0xe9: {  	[sflag:s14] =	ssyncset.done $0x0  }
0xea: {  	[sflag:s14] =	ssyncadd.s32 $0xFFFFF800  }
0xeb: {  	_ =	swait.ge [sflag:s14], $0x800  }
0xec: {  	[sflag:s14] =	ssyncset.done $0x0  }
0xed: {  	[sflag:s14] =	ssyncadd.s32 $0xFFFFF800  }
0xee: {  	s7 =	simm.s32 $0x100;
	_ =	swait.ge [sflag:s14], $0x800  }
0xef: {  	s13 =	simm.s32 $0x200;
	s17 =	rddreg [dreg:$0x4];
	[sflag:s14] =	ssyncset.done $0x0  }
.LBB2_2:
0xf0: {  	s17 =	sadd.s32 s7, s17  }
0xf1: {  	[sflag:s14] =	ssyncadd.s32 $0xFFFFF800;
	s19 =	simm.s32 $0x400;
	s18 =	sadd.s32 $0x80, s17  }
0xf2: {  	[tilespmem:s19], [sflag:$0x2] =	stream.linear.gather [hbm4b:s18+s4], $0x400, $0x38;
	[tilespmem:$0xDF00] =	vst v63  }
0xf3: {  	s23 =	simm.s32 $0xC00;
	s17 =	sadd.s32 $0xA100, s17  }
0xf4: {  	[tilespmem:s23], [sflag:$0x2] =	stream.linear.gather [hbm4b:s17+s4], $0x400, $0x38;
	[tilespmem:$0xDF00] =	vst v63  }
0xf5: {  	_ =	swait.ge [sflag:s20], $0x400  }
0xf6: {  	[sflag:s20] =	ssyncset.done $0x0  }
0xf7: {  	[sflag:s20] =	ssyncadd.s32 $0xFFFFFC00  }
0xf8: {  	_ =	swait.ge [sflag:s20], $0x400  }
0xf9: {  	[sflag:s20] =	ssyncset.done $0x0  }
0xfa: {  	s24 =	simm.s32 $0x1000;
	[sflag:s20] =	ssyncadd.s32 $0xFFFFFC00  }
0xfb: {  	[tilespmem:s24], [sflag:$0x3] =	stream.indirect.gather [spmem:s3], $0x10, s4, s21, $0xb8;
	[tilespmem:$0xDF00] =	vst v63  }
0xfc: {  	s25 =	simm.s32 $0x1800  }
0xfd: {  	[tilespmem:s25], [sflag:$0x3] =	stream.indirect.gather [spmem:s3], $0x10, s21, s21, $0xb8;
	[tilespmem:$0xDF00] =	vst v63  }
0xfe: {  	s26 =	simm.s32 $0x2000;
	s0 =	rddreg [dreg:$0x6]  }
0xff: {  	[tilespmem:s26], [sflag:$0x3] =	stream.indirect.gather [spmem:s3], $0x10, s0, s21, $0xb8;
	[tilespmem:$0xDF00] =	vst v63  }
0x100: {  	s28 =	simm.s32 $0x2800;
	s6 =	rddreg [dreg:$0x7]  }
0x101: {  	[tilespmem:s28], [sflag:$0x3] =	stream.indirect.gather [spmem:s3], $0x10, s6, s21, $0xb8;
	[tilespmem:$0xDF00] =	vst v63  }
0x102: {  	s22 =	rddreg [dreg:$0x8]  }
0x103: {  	[tilespmem:s29], [sflag:$0x3] =	stream.indirect.gather [spmem:s3], $0x10, s22, s21, $0xb8;
	[tilespmem:$0xDF00] =	vst v63  }
0x104: {  	s0 =	rddreg [dreg:$0x9]  }
0x105: {  	[tilespmem:s30], [sflag:$0x3] =	stream.indirect.gather [spmem:s3], $0x10, s0, s21, $0xb8;
	[tilespmem:$0xDF00] =	vst v63  }
0x106: {  	s6 =	rddreg [dreg:$0xa];
	s0 =	simm.s32 $0x4000  }
0x107: {  	[tilespmem:s0], [sflag:$0x3] =	stream.indirect.gather [spmem:s3], $0x10, s6, s21, $0xb8;
	[tilespmem:$0xDF00] =	vst v63  }
0x108: {  	s22 =	rddreg [dreg:$0xb];
	s6 =	simm.s32 $0x4800  }
0x109: {  	[tilespmem:s6], [sflag:$0x3] =	stream.indirect.gather [spmem:s3], $0x10, s22, s21, $0xb8;
	[tilespmem:$0xDF00] =	vst v63  }
0x10a: {  	_ =	swait.ge [sflag:s31], $0x800  }
0x10b: {  	[sflag:s31] =	ssyncset.done $0x0  }
0x10c: {  	[sflag:s31] =	ssyncadd.s32 $0xFFFFF800  }
0x10d: {  	_ =	swait.ge [sflag:s31], $0x800  }
0x10e: {  	[sflag:s31] =	ssyncset.done $0x0  }
0x10f: {  	[sflag:s31] =	ssyncadd.s32 $0xFFFFF800  }
0x110: {  	_ =	swait.ge [sflag:s31], $0x800  }
0x111: {  	[sflag:s31] =	ssyncset.done $0x0  }
0x112: {  	[sflag:s31] =	ssyncadd.s32 $0xFFFFF800  }
0x113: {  	_ =	swait.ge [sflag:s31], $0x800  }
0x114: {  	[sflag:s31] =	ssyncset.done $0x0  }
0x115: {  	[sflag:s31] =	ssyncadd.s32 $0xFFFFF800  }
0x116: {  	_ =	swait.ge [sflag:s31], $0x800  }
0x117: {  	[sflag:s31] =	ssyncset.done $0x0  }
0x118: {  	[sflag:s31] =	ssyncadd.s32 $0xFFFFF800  }
0x119: {  	_ =	swait.ge [sflag:s31], $0x800  }
0x11a: {  	[sflag:s31] =	ssyncset.done $0x0  }
0x11b: {  	[sflag:s31] =	ssyncadd.s32 $0xFFFFF800  }
0x11c: {  	_ =	swait.ge [sflag:s31], $0x800  }
0x11d: {  	[sflag:s31] =	ssyncset.done $0x0  }
0x11e: {  	[sflag:s31] =	ssyncadd.s32 $0xFFFFF800  }
0x11f: {  	_ =	swait.ge [sflag:s31], $0x800  }
0x120: {  	[sflag:s31] =	ssyncset.done $0x0  }
0x121: {  	s22 =	simm.s32 $0x800;
	[sflag:s31] =	ssyncadd.s32 $0xFFFFF800  }
0x122: {  	[spmem:s1] =	stream.indirect.scatter.add.f32 [tilespmem:s24], [sflag:$0x4], $0x10, s22, s21, $0xb8;
	[tilespmem:$0xDF00] =	vst v63  }
0x123: {  	s18 =	rddreg [dreg:$0xc]  }
0x124: {  	[spmem:s1] =	stream.indirect.scatter.add.f32 [tilespmem:s25], [sflag:$0x4], $0x10, s18, s21, $0xb8;
	[tilespmem:$0xDF00] =	vst v63  }
0x125: {  	s24 =	rddreg [dreg:$0xd]  }
0x126: {  	[spmem:s1] =	stream.indirect.scatter.add.f32 [tilespmem:s26], [sflag:$0x4], $0x10, s24, s21, $0xb8;
	[tilespmem:$0xDF00] =	vst v63  }
0x127: {  	s25 =	rddreg [dreg:$0xe]  }
0x128: {  	[spmem:s1] =	stream.indirect.scatter.add.f32 [tilespmem:s28], [sflag:$0x4], $0x10, s25, s21, $0xb8;
	[tilespmem:$0xDF00] =	vst v63  }
0x129: {  	s24 =	rddreg [dreg:$0xf]  }
0x12a: {  	[spmem:s1] =	stream.indirect.scatter.add.f32 [tilespmem:s29], [sflag:$0x4], $0x10, s24, s21, $0xb8;
	[tilespmem:$0xDF00] =	vst v63  }
0x12b: {  	s25 =	rddreg [dreg:$0x10]  }
0x12c: {  	[spmem:s1] =	stream.indirect.scatter.add.f32 [tilespmem:s30], [sflag:$0x4], $0x10, s25, s21, $0xb8;
	[tilespmem:$0xDF00] =	vst v63  }
0x12d: {  	s26 =	rddreg [dreg:$0x11]  }
0x12e: {  	[spmem:s1] =	stream.indirect.scatter.add.f32 [tilespmem:s0], [sflag:$0x4], $0x10, s26, s21, $0xb8;
	[tilespmem:$0xDF00] =	vst v63  }
0x12f: {  	s28 =	rddreg [dreg:$0x12]  }
0x130: {  	[spmem:s1] =	stream.indirect.scatter.add.f32 [tilespmem:s6], [sflag:$0x4], $0x10, s28, s21, $0xb8;
	[tilespmem:$0xDF00] =	vst v63  }
0x131: {  	_ =	swait.ge [sflag:s2], $0x400  }
0x132: {  	[sflag:s2] =	ssyncset.done $0x0  }
0x133: {  	[sflag:s2] =	ssyncadd.s32 $0xFFFFFC00  }
0x134: {  	_ =	swait.ge [sflag:s2], $0x400  }
0x135: {  	[sflag:s2] =	ssyncset.done $0x0  }
0x136: {  	s0 =	simm.s32 $0x5000;
	[sflag:s2] =	ssyncadd.s32 $0xFFFFFC00  }
0x137: {  	[tilespmem:s0], [sflag:$0x3] =	stream.indirect.gather [spmem:s3], $0x10, s19, s21, $0xb8;
	[tilespmem:$0xDF00] =	vst v63  }
0x138: {  	s6 =	simm.s32 $0x5800;
	s18 =	rddreg [dreg:$0x13]  }
0x139: {  	[tilespmem:s6], [sflag:$0x3] =	stream.indirect.gather [spmem:s3], $0x10, s18, s21, $0xb8;
	[tilespmem:$0xDF00] =	vst v63  }
0x13a: {  	s24 =	rddreg [dreg:$0x14]  }
0x13b: {  	[tilespmem:s8], [sflag:$0x3] =	stream.indirect.gather [spmem:s3], $0x10, s24, s21, $0xb8;
	[tilespmem:$0xDF00] =	vst v63  }
0x13c: {  	s25 =	rddreg [dreg:$0x15]  }
0x13d: {  	[tilespmem:s10], [sflag:$0x3] =	stream.indirect.gather [spmem:s3], $0x10, s25, s21, $0xb8;
	[tilespmem:$0xDF00] =	vst v63  }
0x13e: {  	s26 =	rddreg [dreg:$0x16]  }
0x13f: {  	[tilespmem:s11], [sflag:$0x3] =	stream.indirect.gather [spmem:s3], $0x10, s26, s21, $0xb8;
	[tilespmem:$0xDF00] =	vst v63  }
0x140: {  	s28 =	rddreg [dreg:$0x17]  }
0x141: {  	[tilespmem:s12], [sflag:$0x3] =	stream.indirect.gather [spmem:s3], $0x10, s28, s21, $0xb8;
	[tilespmem:$0xDF00] =	vst v63  }
0x142: {  	s19 =	rddreg [dreg:$0x18]  }
0x143: {  	[tilespmem:s16], [sflag:$0x3] =	stream.indirect.gather [spmem:s3], $0x10, s19, s21, $0xb8;
	[tilespmem:$0xDF00] =	vst v63  }
0x144: {  	s24 =	rddreg [dreg:$0x19]  }
0x145: {  	[tilespmem:s9], [sflag:$0x3] =	stream.indirect.gather [spmem:s3], $0x10, s24, s21, $0xb8;
	[tilespmem:$0xDF00] =	vst v63  }
0x146: {  	_ =	swait.ge [sflag:s31], $0x800  }
0x147: {  	[sflag:s31] =	ssyncset.done $0x0  }
0x148: {  	[sflag:s31] =	ssyncadd.s32 $0xFFFFF800  }
0x149: {  	_ =	swait.ge [sflag:s31], $0x800  }
0x14a: {  	[sflag:s31] =	ssyncset.done $0x0  }
0x14b: {  	[sflag:s31] =	ssyncadd.s32 $0xFFFFF800  }
0x14c: {  	_ =	swait.ge [sflag:s31], $0x800  }
0x14d: {  	[sflag:s31] =	ssyncset.done $0x0  }
0x14e: {  	[sflag:s31] =	ssyncadd.s32 $0xFFFFF800  }
0x14f: {  	_ =	swait.ge [sflag:s31], $0x800  }
0x150: {  	[sflag:s31] =	ssyncset.done $0x0  }
0x151: {  	[sflag:s31] =	ssyncadd.s32 $0xFFFFF800  }
0x152: {  	_ =	swait.ge [sflag:s31], $0x800  }
0x153: {  	[sflag:s31] =	ssyncset.done $0x0  }
0x154: {  	[sflag:s31] =	ssyncadd.s32 $0xFFFFF800  }
0x155: {  	_ =	swait.ge [sflag:s31], $0x800  }
0x156: {  	[sflag:s31] =	ssyncset.done $0x0  }
0x157: {  	[sflag:s31] =	ssyncadd.s32 $0xFFFFF800  }
0x158: {  	_ =	swait.ge [sflag:s31], $0x800  }
0x159: {  	[sflag:s31] =	ssyncset.done $0x0  }
0x15a: {  	[sflag:s31] =	ssyncadd.s32 $0xFFFFF800  }
0x15b: {  	_ =	swait.ge [sflag:s31], $0x800  }
0x15c: {  	[sflag:s31] =	ssyncset.done $0x0  }
0x15d: {  	s25 =	rddreg [dreg:$0x1a];
	[sflag:s31] =	ssyncadd.s32 $0xFFFFF800  }
0x15e: {  	[spmem:s1] =	stream.indirect.scatter.add.f32 [tilespmem:s0], [sflag:$0x4], $0x10, s23, s21, $0xb8;
	[tilespmem:$0xDF00] =	vst v63  }
0x15f: {  	s26 =	rddreg [dreg:$0x1b]  }
0x160: {  	[spmem:s1] =	stream.indirect.scatter.add.f32 [tilespmem:s6], [sflag:$0x4], $0x10, s25, s21, $0xb8;
	[tilespmem:$0xDF00] =	vst v63  }
0x161: {  	s28 =	rddreg [dreg:$0x1c]  }
0x162: {  	[spmem:s1] =	stream.indirect.scatter.add.f32 [tilespmem:s8], [sflag:$0x4], $0x10, s26, s21, $0xb8;
	[tilespmem:$0xDF00] =	vst v63  }
0x163: {  	s19 =	rddreg [dreg:$0x1f]  }
0x164: {  	[spmem:s1] =	stream.indirect.scatter.add.f32 [tilespmem:s10], [sflag:$0x4], $0x10, s28, s21, $0xb8;
	[tilespmem:$0xDF00] =	vst v63  }
0x165: {  	s0 =	rddreg [dreg:$0x1d]  }
0x166: {  	[spmem:s1] =	stream.indirect.scatter.add.f32 [tilespmem:s11], [sflag:$0x4], $0x10, s0, s21, $0xb8;
	[tilespmem:$0xDF00] =	vst v63  }
0x167: {  	s6 =	rddreg [dreg:$0x1e]  }
0x168: {  	[spmem:s1] =	stream.indirect.scatter.add.f32 [tilespmem:s12], [sflag:$0x4], $0x10, s6, s21, $0xb8;
	[tilespmem:$0xDF00] =	vst v63  }
0x169: {  	s23 =	sld [smem:$0x7FB]  }
0x16a: {  	[spmem:s1] =	stream.indirect.scatter.add.f32 [tilespmem:s16], [sflag:$0x4], $0x10, s19, s21, $0xb8;
	[tilespmem:$0xDF00] =	vst v63  }
0x16b: {  	_ = 	snop  }
0x16c: {  	[spmem:s1] =	stream.indirect.scatter.add.f32 [tilespmem:s9], [sflag:$0x4], $0x10, s23, s21, $0xb8;
	[tilespmem:$0xDF00] =	vst v63  }
0x16d: {  	_ =	swait.ge [sflag:s14], $0x800  }
0x16e: {  	[sflag:s14] =	ssyncset.done $0x0  }
0x16f: {  	[sflag:s14] =	ssyncadd.s32 $0xFFFFF800  }
0x170: {  	_ =	swait.ge [sflag:s14], $0x800  }
0x171: {  	[sflag:s14] =	ssyncset.done $0x0  }
0x172: {  	[sflag:s14] =	ssyncadd.s32 $0xFFFFF800  }
0x173: {  	_ =	swait.ge [sflag:s14], $0x800  }
0x174: {  	[sflag:s14] =	ssyncset.done $0x0  }
0x175: {  	[sflag:s14] =	ssyncadd.s32 $0xFFFFF800  }
0x176: {  	_ =	swait.ge [sflag:s14], $0x800  }
0x177: {  	[sflag:s14] =	ssyncset.done $0x0  }
0x178: {  	[sflag:s14] =	ssyncadd.s32 $0xFFFFF800  }
0x179: {  	_ =	swait.ge [sflag:s14], $0x800  }
0x17a: {  	[sflag:s14] =	ssyncset.done $0x0  }
0x17b: {  	[sflag:s14] =	ssyncadd.s32 $0xFFFFF800  }
0x17c: {  	_ =	swait.ge [sflag:s14], $0x800  }
0x17d: {  	[sflag:s14] =	ssyncset.done $0x0  }
0x17e: {  	[sflag:s14] =	ssyncadd.s32 $0xFFFFF800  }
0x17f: {  	_ =	swait.ge [sflag:s14], $0x800  }
0x180: {  	[sflag:s14] =	ssyncset.done $0x0  }
0x181: {  	[sflag:s14] =	ssyncadd.s32 $0xFFFFF800  }
0x182: {  	_ =	swait.ge [sflag:s14], $0x800  }
0x183: {  	s26 =	sld [smem:$0x7F4]  }
0x184: {  	s15 =	sadd.s32 $0x800, s15  }
0x185: {  	s24 =	sshrl.u32 s15, $0x3;
	[sflag:s14] =	ssyncset.done $0x0  }
0x186: {  	s25 =	rddreg [dreg:$0x5];
	[sflag:s14] =	ssyncadd.s32 $0xFFFFF800;
	s17 =	sadd.s32 s26, s24  }
0x187: {  	[tilespmem:s4], [sflag:$0x1] =	stream.linear.gather [hbm4b:s17+s4], $0x400, $0x38;
	[tilespmem:$0xDF00] =	vst v63  }
0x188: {  	s28 =	sadd.s32 s7, s25  }
0x189: {  	[tilespmem:s22], [sflag:$0x1] =	stream.linear.gather [hbm4b:s28+s4], $0x400, $0x38;
	[tilespmem:$0xDF00] =	vst v63  }
0x18a: {  	_ =	swait.ge [sflag:s14], $0x800  }
0x18b: {  	[sflag:s14] =	ssyncset.done $0x0  }
0x18c: {  	[sflag:s14] =	ssyncadd.s32 $0xFFFFF800  }
0x18d: {  	_ =	swait.ge [sflag:s14], $0x800  }
0x18e: {  	[sflag:s14] =	ssyncset.done $0x0  }
0x18f: {  	[sflag:s14] =	ssyncadd.s32 $0xFFFFF800  }
0x190: {  	_ =	swait.ge [sflag:s14], $0x800  }
0x191: {  	[sflag:s14] =	ssyncset.done $0x0  }
0x192: {  	[sflag:s14] =	ssyncadd.s32 $0xFFFFF800  }
0x193: {  	_ =	swait.ge [sflag:s14], $0x800  }
0x194: {  	[sflag:s14] =	ssyncset.done $0x0  }
0x195: {  	[sflag:s14] =	ssyncadd.s32 $0xFFFFF800  }
0x196: {  	_ =	swait.ge [sflag:s14], $0x800  }
0x197: {  	[sflag:s14] =	ssyncset.done $0x0  }
0x198: {  	[sflag:s14] =	ssyncadd.s32 $0xFFFFF800  }
0x199: {  	_ =	swait.ge [sflag:s14], $0x800  }
0x19a: {  	[sflag:s14] =	ssyncset.done $0x0  }
0x19b: {  	p0 =	sne.s32 s13, $0x400;
	[sflag:s14] =	ssyncadd.s32 $0xFFFFF800  }
.Ltmp0:
0x19c: {  	_ =	swait.ge [sflag:s14], $0x800;
	(pc) =	sbr.rel @p0 .LBB2_2-.Ltmp0, $4  }
0x19d: {  	[sflag:s14] =	ssyncset.done $0x0  }
0x19e: {  	[sflag:s14] =	ssyncadd.s32 $0xFFFFF800  }
0x19f: {  	s5 =	smov.u32 s13;
	s13 =	sadd.s32 $0x100, s13;
	_ =	swait.ge [sflag:s14], $0x800  }
0x1a0: {  	s7 =	smov.u32 s5;
	s17 =	rddreg [dreg:$0x4];
	[sflag:s14] =	ssyncset.done $0x0  }
0x1a1: {  	s5 =	sadd.s32 s7, s17  }
0x1a2: {  	[sflag:s14] =	ssyncadd.s32 $0xFFFFF800;
	s18 =	simm.s32 $0x400;
	s13 =	sadd.s32 $0x80, s5  }
0x1a3: {  	[tilespmem:s18], [sflag:$0x2] =	stream.linear.gather [hbm4b:s13+s4], $0x400, $0x38;
	[tilespmem:$0xDF00] =	vst v63  }
0x1a4: {  	s19 =	simm.s32 $0xC00;
	s5 =	sadd.s32 $0xA100, s5  }
0x1a5: {  	[tilespmem:s19], [sflag:$0x2] =	stream.linear.gather [hbm4b:s5+s4], $0x400, $0x38;
	[tilespmem:$0xDF00] =	vst v63  }
0x1a6: {  	_ =	swait.ge [sflag:s20], $0x400  }
0x1a7: {  	[sflag:s20] =	ssyncset.done $0x0  }
0x1a8: {  	[sflag:s20] =	ssyncadd.s32 $0xFFFFFC00  }
0x1a9: {  	_ =	swait.ge [sflag:s20], $0x400  }
0x1aa: {  	[sflag:s20] =	ssyncset.done $0x0  }
0x1ab: {  	s22 =	simm.s32 $0x1000;
	[sflag:s20] =	ssyncadd.s32 $0xFFFFFC00  }
0x1ac: {  	[tilespmem:s22], [sflag:$0x3] =	stream.indirect.gather [spmem:s3], $0x10, s4, s21, $0xb8;
	[tilespmem:$0xDF00] =	vst v63  }
0x1ad: {  	s23 =	simm.s32 $0x1800  }
0x1ae: {  	[tilespmem:s23], [sflag:$0x3] =	stream.indirect.gather [spmem:s3], $0x10, s21, s21, $0xb8;
	[tilespmem:$0xDF00] =	vst v63  }
0x1af: {  	s24 =	simm.s32 $0x2000;
	s25 =	rddreg [dreg:$0x6]  }
0x1b0: {  	[tilespmem:s24], [sflag:$0x3] =	stream.indirect.gather [spmem:s3], $0x10, s25, s21, $0xb8;
	[tilespmem:$0xDF00] =	vst v63  }
0x1b1: {  	s26 =	rddreg [dreg:$0x7];
	s25 =	simm.s32 $0x2800  }
0x1b2: {  	[tilespmem:s25], [sflag:$0x3] =	stream.indirect.gather [spmem:s3], $0x10, s26, s21, $0xb8;
	[tilespmem:$0xDF00] =	vst v63  }
0x1b3: {  	s28 =	rddreg [dreg:$0x8];
	s26 =	simm.s32 $0x3000  }
0x1b4: {  	[tilespmem:s26], [sflag:$0x3] =	stream.indirect.gather [spmem:s3], $0x10, s28, s21, $0xb8;
	[tilespmem:$0xDF00] =	vst v63  }
0x1b5: {  	s0 =	rddreg [dreg:$0x9];
	s28 =	simm.s32 $0x3800  }
0x1b6: {  	[tilespmem:s28], [sflag:$0x3] =	stream.indirect.gather [spmem:s3], $0x10, s0, s21, $0xb8;
	[tilespmem:$0xDF00] =	vst v63  }
0x1b7: {  	s6 =	rddreg [dreg:$0xa];
	s0 =	simm.s32 $0x4000  }
0x1b8: {  	[tilespmem:s0], [sflag:$0x3] =	stream.indirect.gather [spmem:s3], $0x10, s6, s21, $0xb8;
	[tilespmem:$0xDF00] =	vst v63  }
0x1b9: {  	s17 =	rddreg [dreg:$0xb];
	s6 =	simm.s32 $0x4800  }
0x1ba: {  	[tilespmem:s6], [sflag:$0x3] =	stream.indirect.gather [spmem:s3], $0x10, s17, s21, $0xb8;
	[tilespmem:$0xDF00] =	vst v63  }
0x1bb: {  	_ =	swait.ge [sflag:s31], $0x800  }
0x1bc: {  	[sflag:s31] =	ssyncset.done $0x0  }
0x1bd: {  	[sflag:s31] =	ssyncadd.s32 $0xFFFFF800  }
0x1be: {  	_ =	swait.ge [sflag:s31], $0x800  }
0x1bf: {  	[sflag:s31] =	ssyncset.done $0x0  }
0x1c0: {  	[sflag:s31] =	ssyncadd.s32 $0xFFFFF800  }
0x1c1: {  	_ =	swait.ge [sflag:s31], $0x800  }
0x1c2: {  	[sflag:s31] =	ssyncset.done $0x0  }
0x1c3: {  	[sflag:s31] =	ssyncadd.s32 $0xFFFFF800  }
0x1c4: {  	_ =	swait.ge [sflag:s31], $0x800  }
0x1c5: {  	[sflag:s31] =	ssyncset.done $0x0  }
0x1c6: {  	[sflag:s31] =	ssyncadd.s32 $0xFFFFF800  }
0x1c7: {  	_ =	swait.ge [sflag:s31], $0x800  }
0x1c8: {  	[sflag:s31] =	ssyncset.done $0x0  }
0x1c9: {  	[sflag:s31] =	ssyncadd.s32 $0xFFFFF800  }
0x1ca: {  	_ =	swait.ge [sflag:s31], $0x800  }
0x1cb: {  	[sflag:s31] =	ssyncset.done $0x0  }
0x1cc: {  	[sflag:s31] =	ssyncadd.s32 $0xFFFFF800  }
0x1cd: {  	_ =	swait.ge [sflag:s31], $0x800  }
0x1ce: {  	[sflag:s31] =	ssyncset.done $0x0  }
0x1cf: {  	[sflag:s31] =	ssyncadd.s32 $0xFFFFF800  }
0x1d0: {  	_ =	swait.ge [sflag:s31], $0x800  }
0x1d1: {  	[sflag:s31] =	ssyncset.done $0x0  }
0x1d2: {  	s17 =	simm.s32 $0x800;
	[sflag:s31] =	ssyncadd.s32 $0xFFFFF800  }
0x1d3: {  	[spmem:s1] =	stream.indirect.scatter.add.f32 [tilespmem:s22], [sflag:$0x4], $0x10, s17, s21, $0xb8;
	[tilespmem:$0xDF00] =	vst v63  }
0x1d4: {  	s13 =	rddreg [dreg:$0xc]  }
0x1d5: {  	[spmem:s1] =	stream.indirect.scatter.add.f32 [tilespmem:s23], [sflag:$0x4], $0x10, s13, s21, $0xb8;
	[tilespmem:$0xDF00] =	vst v63  }
0x1d6: {  	s22 =	rddreg [dreg:$0xd]  }
0x1d7: {  	[spmem:s1] =	stream.indirect.scatter.add.f32 [tilespmem:s24], [sflag:$0x4], $0x10, s22, s21, $0xb8;
	[tilespmem:$0xDF00] =	vst v63  }
0x1d8: {  	s23 =	rddreg [dreg:$0xe]  }
0x1d9: {  	[spmem:s1] =	stream.indirect.scatter.add.f32 [tilespmem:s25], [sflag:$0x4], $0x10, s23, s21, $0xb8;
	[tilespmem:$0xDF00] =	vst v63  }
0x1da: {  	s24 =	rddreg [dreg:$0xf]  }
0x1db: {  	[spmem:s1] =	stream.indirect.scatter.add.f32 [tilespmem:s26], [sflag:$0x4], $0x10, s24, s21, $0xb8;
	[tilespmem:$0xDF00] =	vst v63  }
0x1dc: {  	s25 =	rddreg [dreg:$0x10]  }
0x1dd: {  	[spmem:s1] =	stream.indirect.scatter.add.f32 [tilespmem:s28], [sflag:$0x4], $0x10, s25, s21, $0xb8;
	[tilespmem:$0xDF00] =	vst v63  }
0x1de: {  	s22 =	rddreg [dreg:$0x11]  }
0x1df: {  	[spmem:s1] =	stream.indirect.scatter.add.f32 [tilespmem:s0], [sflag:$0x4], $0x10, s22, s21, $0xb8;
	[tilespmem:$0xDF00] =	vst v63  }
0x1e0: {  	s23 =	rddreg [dreg:$0x12]  }
0x1e1: {  	[spmem:s1] =	stream.indirect.scatter.add.f32 [tilespmem:s6], [sflag:$0x4], $0x10, s23, s21, $0xb8;
	[tilespmem:$0xDF00] =	vst v63  }
0x1e2: {  	_ =	swait.ge [sflag:s2], $0x400  }
0x1e3: {  	[sflag:s2] =	ssyncset.done $0x0  }
0x1e4: {  	[sflag:s2] =	ssyncadd.s32 $0xFFFFFC00  }
0x1e5: {  	_ =	swait.ge [sflag:s2], $0x400  }
0x1e6: {  	[sflag:s2] =	ssyncset.done $0x0  }
0x1e7: {  	s0 =	simm.s32 $0x5000;
	[sflag:s2] =	ssyncadd.s32 $0xFFFFFC00  }
0x1e8: {  	[tilespmem:s0], [sflag:$0x3] =	stream.indirect.gather [spmem:s3], $0x10, s18, s21, $0xb8;
	[tilespmem:$0xDF00] =	vst v63  }
0x1e9: {  	s6 =	simm.s32 $0x5800;
	s24 =	rddreg [dreg:$0x13]  }
0x1ea: {  	[tilespmem:s6], [sflag:$0x3] =	stream.indirect.gather [spmem:s3], $0x10, s24, s21, $0xb8;
	[tilespmem:$0xDF00] =	vst v63  }
0x1eb: {  	s25 =	rddreg [dreg:$0x14]  }
0x1ec: {  	[tilespmem:s8], [sflag:$0x3] =	stream.indirect.gather [spmem:s3], $0x10, s25, s21, $0xb8;
	[tilespmem:$0xDF00] =	vst v63  }
0x1ed: {  	s26 =	rddreg [dreg:$0x15]  }
0x1ee: {  	[tilespmem:s10], [sflag:$0x3] =	stream.indirect.gather [spmem:s3], $0x10, s26, s21, $0xb8;
	[tilespmem:$0xDF00] =	vst v63  }
0x1ef: {  	s28 =	rddreg [dreg:$0x16]  }
0x1f0: {  	[tilespmem:s11], [sflag:$0x3] =	stream.indirect.gather [spmem:s3], $0x10, s28, s21, $0xb8;
	[tilespmem:$0xDF00] =	vst v63  }
0x1f1: {  	s18 =	rddreg [dreg:$0x17]  }
0x1f2: {  	[tilespmem:s12], [sflag:$0x3] =	stream.indirect.gather [spmem:s3], $0x10, s18, s21, $0xb8;
	[tilespmem:$0xDF00] =	vst v63  }
0x1f3: {  	s22 =	rddreg [dreg:$0x18]  }
0x1f4: {  	[tilespmem:s16], [sflag:$0x3] =	stream.indirect.gather [spmem:s3], $0x10, s22, s21, $0xb8;
	[tilespmem:$0xDF00] =	vst v63  }
0x1f5: {  	s23 =	rddreg [dreg:$0x19]  }
0x1f6: {  	[tilespmem:s9], [sflag:$0x3] =	stream.indirect.gather [spmem:s3], $0x10, s23, s21, $0xb8;
	[tilespmem:$0xDF00] =	vst v63  }
0x1f7: {  	_ =	swait.ge [sflag:s31], $0x800  }
0x1f8: {  	[sflag:s31] =	ssyncset.done $0x0  }
0x1f9: {  	[sflag:s31] =	ssyncadd.s32 $0xFFFFF800  }
0x1fa: {  	_ =	swait.ge [sflag:s31], $0x800  }
0x1fb: {  	[sflag:s31] =	ssyncset.done $0x0  }
0x1fc: {  	[sflag:s31] =	ssyncadd.s32 $0xFFFFF800  }
0x1fd: {  	_ =	swait.ge [sflag:s31], $0x800  }
0x1fe: {  	[sflag:s31] =	ssyncset.done $0x0  }
0x1ff: {  	[sflag:s31] =	ssyncadd.s32 $0xFFFFF800  }
0x200: {  	_ =	swait.ge [sflag:s31], $0x800  }
0x201: {  	[sflag:s31] =	ssyncset.done $0x0  }
0x202: {  	[sflag:s31] =	ssyncadd.s32 $0xFFFFF800  }
0x203: {  	_ =	swait.ge [sflag:s31], $0x800  }
0x204: {  	[sflag:s31] =	ssyncset.done $0x0  }
0x205: {  	[sflag:s31] =	ssyncadd.s32 $0xFFFFF800  }
0x206: {  	_ =	swait.ge [sflag:s31], $0x800  }
0x207: {  	[sflag:s31] =	ssyncset.done $0x0  }
0x208: {  	[sflag:s31] =	ssyncadd.s32 $0xFFFFF800  }
0x209: {  	_ =	swait.ge [sflag:s31], $0x800  }
0x20a: {  	[sflag:s31] =	ssyncset.done $0x0  }
0x20b: {  	[sflag:s31] =	ssyncadd.s32 $0xFFFFF800  }
0x20c: {  	_ =	swait.ge [sflag:s31], $0x800  }
0x20d: {  	[sflag:s31] =	ssyncset.done $0x0  }
0x20e: {  	s24 =	rddreg [dreg:$0x1a];
	[sflag:s31] =	ssyncadd.s32 $0xFFFFF800  }
0x20f: {  	[spmem:s1] =	stream.indirect.scatter.add.f32 [tilespmem:s0], [sflag:$0x4], $0x10, s19, s21, $0xb8;
	[tilespmem:$0xDF00] =	vst v63  }
0x210: {  	s25 =	rddreg [dreg:$0x1b]  }
0x211: {  	[spmem:s1] =	stream.indirect.scatter.add.f32 [tilespmem:s6], [sflag:$0x4], $0x10, s24, s21, $0xb8;
	[tilespmem:$0xDF00] =	vst v63  }
0x212: {  	s26 =	rddreg [dreg:$0x1c]  }
0x213: {  	[spmem:s1] =	stream.indirect.scatter.add.f32 [tilespmem:s8], [sflag:$0x4], $0x10, s25, s21, $0xb8;
	[tilespmem:$0xDF00] =	vst v63  }
0x214: {  	s28 =	rddreg [dreg:$0x1d]  }
0x215: {  	[spmem:s1] =	stream.indirect.scatter.add.f32 [tilespmem:s10], [sflag:$0x4], $0x10, s26, s21, $0xb8;
	[tilespmem:$0xDF00] =	vst v63  }
0x216: {  	s18 =	sld [smem:$0x7FB]  }
0x217: {  	[spmem:s1] =	stream.indirect.scatter.add.f32 [tilespmem:s11], [sflag:$0x4], $0x10, s28, s21, $0xb8;
	[tilespmem:$0xDF00] =	vst v63  }
0x218: {  	s0 =	rddreg [dreg:$0x1e]  }
0x219: {  	[spmem:s1] =	stream.indirect.scatter.add.f32 [tilespmem:s12], [sflag:$0x4], $0x10, s0, s21, $0xb8;
	[tilespmem:$0xDF00] =	vst v63  }
0x21a: {  	s6 =	rddreg [dreg:$0x1f]  }
0x21b: {  	[spmem:s1] =	stream.indirect.scatter.add.f32 [tilespmem:s16], [sflag:$0x4], $0x10, s6, s21, $0xb8;
	[tilespmem:$0xDF00] =	vst v63  }
0x21c: {  	_ = 	snop  }
0x21d: {  	[spmem:s1] =	stream.indirect.scatter.add.f32 [tilespmem:s9], [sflag:$0x4], $0x10, s18, s21, $0xb8;
	[tilespmem:$0xDF00] =	vst v63  }
0x21e: {  	_ =	swait.ge [sflag:s14], $0x800  }
0x21f: {  	[sflag:s14] =	ssyncset.done $0x0  }
0x220: {  	[sflag:s14] =	ssyncadd.s32 $0xFFFFF800  }
0x221: {  	_ =	swait.ge [sflag:s14], $0x800  }
0x222: {  	[sflag:s14] =	ssyncset.done $0x0  }
0x223: {  	[sflag:s14] =	ssyncadd.s32 $0xFFFFF800  }
0x224: {  	_ =	swait.ge [sflag:s14], $0x800  }
0x225: {  	[sflag:s14] =	ssyncset.done $0x0  }
0x226: {  	[sflag:s14] =	ssyncadd.s32 $0xFFFFF800  }
0x227: {  	_ =	swait.ge [sflag:s14], $0x800  }
0x228: {  	[sflag:s14] =	ssyncset.done $0x0  }
0x229: {  	[sflag:s14] =	ssyncadd.s32 $0xFFFFF800  }
0x22a: {  	_ =	swait.ge [sflag:s14], $0x800  }
0x22b: {  	[sflag:s14] =	ssyncset.done $0x0  }
0x22c: {  	[sflag:s14] =	ssyncadd.s32 $0xFFFFF800  }
0x22d: {  	_ =	swait.ge [sflag:s14], $0x800  }
0x22e: {  	[sflag:s14] =	ssyncset.done $0x0  }
0x22f: {  	[sflag:s14] =	ssyncadd.s32 $0xFFFFF800  }
0x230: {  	_ =	swait.ge [sflag:s14], $0x800  }
0x231: {  	[sflag:s14] =	ssyncset.done $0x0  }
0x232: {  	[sflag:s14] =	ssyncadd.s32 $0xFFFFF800  }
0x233: {  	_ =	swait.ge [sflag:s14], $0x800  }
0x234: {  	s23 =	sld [smem:$0x7F4]  }
0x235: {  	s19 =	sadd.s32 $0x800, s15  }
0x236: {  	s5 =	sshrl.u32 s19, $0x3;
	[sflag:s14] =	ssyncset.done $0x0  }
0x237: {  	s22 =	rddreg [dreg:$0x5];
	[sflag:s14] =	ssyncadd.s32 $0xFFFFF800;
	s5 =	sadd.s32 s23, s5  }
0x238: {  	[tilespmem:s4], [sflag:$0x1] =	stream.linear.gather [hbm4b:s5+s4], $0x400, $0x38;
	[tilespmem:$0xDF00] =	vst v63  }
0x239: {  	s24 =	sadd.s32 s7, s22  }
0x23a: {  	[tilespmem:s17], [sflag:$0x1] =	stream.linear.gather [hbm4b:s24+s4], $0x400, $0x38;
	[tilespmem:$0xDF00] =	vst v63  }
0x23b: {  	_ =	swait.ge [sflag:s14], $0x800  }
0x23c: {  	[sflag:s14] =	ssyncset.done $0x0  }
0x23d: {  	[sflag:s14] =	ssyncadd.s32 $0xFFFFF800  }
0x23e: {  	_ =	swait.ge [sflag:s14], $0x800  }
0x23f: {  	[sflag:s14] =	ssyncset.done $0x0  }
0x240: {  	[sflag:s14] =	ssyncadd.s32 $0xFFFFF800  }
0x241: {  	_ =	swait.ge [sflag:s14], $0x800  }
0x242: {  	[sflag:s14] =	ssyncset.done $0x0  }
0x243: {  	[sflag:s14] =	ssyncadd.s32 $0xFFFFF800  }
0x244: {  	_ =	swait.ge [sflag:s14], $0x800  }
0x245: {  	[sflag:s14] =	ssyncset.done $0x0  }
0x246: {  	[sflag:s14] =	ssyncadd.s32 $0xFFFFF800  }
0x247: {  	_ =	swait.ge [sflag:s14], $0x800  }
0x248: {  	[sflag:s14] =	ssyncset.done $0x0  }
0x249: {  	[sflag:s14] =	ssyncadd.s32 $0xFFFFF800  }
0x24a: {  	_ =	swait.ge [sflag:s14], $0x800  }
0x24b: {  	[sflag:s14] =	ssyncset.done $0x0  }
0x24c: {  	[sflag:s14] =	ssyncadd.s32 $0xFFFFF800  }
0x24d: {  	_ =	swait.ge [sflag:s14], $0x800  }
0x24e: {  	[sflag:s14] =	ssyncset.done $0x0  }
0x24f: {  	[sflag:s14] =	ssyncadd.s32 $0xFFFFF800  }
0x250: {  	_ =	swait.ge [sflag:s14], $0x800  }
0x251: {  	[sflag:s14] =	ssyncset.done $0x0  }
0x252: {  	[sflag:s14] =	ssyncadd.s32 $0xFFFFF800  }
0x253: {  	_ =	swait.ge [sflag:s20], $0x400  }
0x254: {  	[sflag:s20] =	ssyncset.done $0x0  }
0x255: {  	[sflag:s20] =	ssyncadd.s32 $0xFFFFFC00  }
0x256: {  	_ =	swait.ge [sflag:s20], $0x400  }
0x257: {  	[sflag:s20] =	ssyncset.done $0x0  }
0x258: {  	[sflag:s20] =	ssyncadd.s32 $0xFFFFFC00  }
0x259: {  	[bflag:$0x0] =	sbarrier.arrive $0xFFFF  }
0x25a: {  	s15 =	sld [smem:$0x7FC]  }
0x25b: {  	s25 =	sld [smem:$0x7F7]  }
0x25c: {  	s7 =	sld [smem:$0x7FD];
	_ =	sdelay $0x1  }
0x25d: {  	s13 =	simm.s32 $0x5  }
0x25e: {  	[hbm:s25], [sflag:s15] =	dma.local [spmem:s7], $0x4F0  }
0x25f: {  	_ =	swait.ge [sflag:s13], $0x4F0  }
0x260: {  	s26 =	sld [smem:$0x7F1]  }
0x261: {  	s28 =	sld [smem:$0x7F8];
	_ =	sdelay $0x1  }
0x262: {  	s0 =	sadd.s32 $0x1, s26  }
0x263: {  	p0 =	sne.s32 s0, s28  }
.Ltmp1:
0x264: {  	_ = 	snop;
	(pc) =	sbr.rel @p0 .LBB2_1-.Ltmp1, $3  }
0x265: {  	_ =	sdelay $0x1  }
0x266: {  	[sflag:s13] =	ssyncset.done $0x0  }
0x267: {  	[sflag:s13] =	ssyncadd.s32 $0xFFFFFB10  }
0x268: {  	_ =	sfence.sel $0x180000  }
0x269: {  	[bflag:$0x0] =	sbarrier.arrive $0xFFFF  }
0x26a: {  	_ =	strace $0x9000004A  }
0x26b: {  	s0 =	stileid.u32;
	[bflag:$0x2] =	sbarrier.arrive $0xFFFF  }
0x26c: {  	p0 =	sne.s32 s0, $0x0;
	s0 =	rddreg [dreg:$0x3]  }
0x26d: {  	s0 =	sadd.s32 @!p0 $0x100000, s0  }
0x26e: {  	[sflag:s0] =	ssyncadd.tile.s32 @!p0 $0x1;
	_ =	shalt  }
.Lfunc_end2:
_tile_overlayer_lowered:
.L_overlay_start_2:
0x26f: {  	(tag) =	ssettag $0x2  }
0x270: {  	s0 =	rddreg [dreg:$0x0];
	s2 =	stileid.u32  }
0x271: {  	s1 =	rddreg [dreg:$0x1];
	p0 =	sne.s32 s2, $0x0  }
0x272: {  	s3 =	rddreg [dreg:$0x2];
	[bflag:$0x3] =	sbarrier.arrive $0xFFFF;
	s2 =	simm.s32 @!p0 $0x1C05  }
0x273: {  	[timem:s3], [sflag:s2] =	dma.local @!p0 [hbm:s0], s1  }
0x274: {  	s0 =	simm.s32 @!p0 $0x5  }
0x275: {  	_ =	swait.ge @!p0 [sflag:s0], s1  }
0x276: {  	s1 =	ssub.s32 @!p0 $0x0, s1;
	[sflag:s0] =	ssyncset.done @!p0 $0x0  }
0x277: {  	[sflag:s0] =	ssyncadd.s32 @!p0 s1  }
0x278: {  	[bflag:$0x3] =	sbarrier.arrive $0xFFFF  }
0x279: {  	_ =	shalt  }

// kernel: kernel.15.cloned.1.call-start
scs
__scs_entry_jumppad:
0x0: {  	(pc) =	sbr.rel $0x88, $3  }
0x1: {  	(tag) =	ssettag $0x0;
	lr =	simm.s32 $0x1  }
0x2: {  	[smem:$0x3F9B] =	sst lr;
	_ =	strace $0xD0000000  }
0x3: {  	_ = 	snop  }
0x4: {  	_ = 	snop  }
0x5: {  	_ = 	snop  }
0x6: {  	_ = 	snop  }
0x7: {  	_ = 	snop  }
__scs_overlays_trampoline_lowered:
0x8: {  	[smem:$0x3FAA] =	sst s0  }
0x9: {  	[smem:$0x3FAB] =	sst s1  }
0xa: {  	[smem:$0x3FAC] =	sst s2  }
0xb: {  	[smem:$0x3FAD] =	sst s3  }
0xc: {  	[smem:$0x3FAE] =	sst s4  }
0xd: {  	[smem:$0x3FAF] =	sst s5  }
0xe: {  	[smem:$0x3FB0] =	sst s6  }
0xf: {  	[smem:$0x3FB1] =	sst s7  }
0x10: {  	[smem:$0x3FB2] =	sst s8  }
0x11: {  	[smem:$0x3FB3] =	sst s9;
	s0 =	simm.s32 @!p0 $0x0  }
0x12: {  	s1 =	sld [smem:$0x3F99];
	s0 =	simm.s32 @p0 $0x1  }
0x13: {  	[smem:$0x3FB4] =	sst s0;
	s0 =	simm.s32 @!p1 $0x0  }
0x14: {  	s2 =	sld [smem:$0x3F98];
	s0 =	simm.s32 @p1 $0x1  }
0x15: {  	[smem:$0x3FB5] =	sst s0;
	s0 =	simm.s32 @!p2 $0x0  }
0x16: {  	s3 =	sld [smem:$0x3FDB];
	s0 =	simm.s32 @p2 $0x1  }
0x17: {  	s4 =	simm.s32 $0x1BF5;
	[smem:$0x3FB7] =	sst s0  }
0x18: {  	s0 =	sld [smem:$0x3F9A];
	_ =	swait.ge [sflag:s4], $0x0  }
0x19: {  	s7 =	sld [smem:$0x3F9B]  }
0x1a: {  	s8 =	sadd.s32 $0xFFFFE003, lr  }
0x1b: {  	s9 =	sadd.s32 $0xFFFFFEF7, lr;
	s5 =	simm.s32 $0xFFFFFFFF;
	p2 =	slt.u32 s8, $0xFFFFF086  }
0x1c: {  	p1 =	slt.u32 s9, $0xF7A;
	s5 =	simm.s32 @!p2 $0x0  }
0x1d: {  	s5 =	simm.s32 @p1 $0x1;
	p0 =	seq.s32 s7, s2  }
0x1e: {  	s7 =	smul.u32 @!p0 $0xF7A, s2;
	p2 =	seq.s32 @!p0 s5, $0x0  }
0x1f: {  	s9 =	smul.u32 $0xF7A, s1;
	s8 =	simm.s32 @!p0 $0x1BF5;
	p2 =	por !p2, p0  }
0x20: {  	[sflag:s8] =	ssyncset.s32 @!p0 $0xFFFFF086;
	s6 =	sadd.s32 @!p0 s3, s7;
	s7 =	simm.s32 @!p0 $0x108  }
0x21: {  	s3 =	sadd.s32 s3, s9;
	s6 =	sadd.s32 @!p0 $0x88, s6;
	s7 =	simm.s32 @p2 $0x1082  }
0x22: {  	[simem:s7], [sflag:s8] =	dma.local @!p0 [hbm:s6], $0xF7A  }
0x23: {  	s9 =	sor.u32 $0xD0000000, s2;
	s6 =	simm.s32 $0x108;
	_ =	swait.ge @!p0 [sflag:s8], $0x0  }
0x24: {  	s3 =	sadd.s32 $0x88, s3;
	s6 =	simm.s32 @!p1 $0x1082;
	[sflag:s4] =	ssyncset.s32 $0xFFFFF086  }
0x25: {  	[simem:s6], [sflag:s4] =	dma.local [hbm:s3], $0xF7A  }
0x26: {  	[smem:$0x3F9B] =	sst s1;
	(tag) =	ssettag s2;
	_ =	strace s9  }
0x27: {  	s1 =	sld [smem:$0x3FAB]  }
0x28: {  	s2 =	sld [smem:$0x3FAC]  }
0x29: {  	s4 =	sld [smem:$0x3FAE]  }
0x2a: {  	p0 =	seq.s32 s5, $0x0;
	s5 =	sld [smem:$0x3FAF]  }
0x2b: {  	s6 =	sld [smem:$0x3FB0]  }
0x2c: {  	s7 =	sld [smem:$0x3FB1]  }
0x2d: {  	s3 =	simm.s32 $0x108;
	s8 =	sld [smem:$0x3FB2]  }
0x2e: {  	s3 =	simm.s32 @!p0 $0x1082;
	s9 =	sld [smem:$0x3FB3]  }
0x2f: {  	lr =	sadd.s32 s0, s3;
	s0 =	sld [smem:$0x3FAA]  }
0x30: {  	s3 =	sld [smem:$0x3FAD]  }
0x31: {  	[smem:$0x3FB6] =	sst s10  }
0x32: {  	s10 =	sld [smem:$0x3FB4];
	_ =	sdelay $0x3  }
0x33: {  	p0 =	seq.s32 s10, $0x1;
	s10 =	sld [smem:$0x3FB6];
	_ =	sdelay $0x3  }
0x34: {  	[smem:$0x3FB6] =	sst s10  }
0x35: {  	s10 =	sld [smem:$0x3FB5];
	_ =	sdelay $0x3  }
0x36: {  	p1 =	seq.s32 s10, $0x1;
	s10 =	sld [smem:$0x3FB6];
	_ =	sdelay $0x3  }
0x37: {  	[smem:$0x3FB6] =	sst s10  }
0x38: {  	s10 =	sld [smem:$0x3FB7]  }
0x39: {  	_ = 	snop;
	(pc) =	sbr.ind lr, $3  }
0x3a: {  	_ = 	snop  }
0x3b: {  	_ = 	snop  }
0x3c: {  	p2 =	seq.s32 s10, $0x1;
	s10 =	sld [smem:$0x3FB6]  }
0x3d: {  	_ =	shalt  }
0x3e: {  	_ =	shalt  }
0x3f: {  	_ =	shalt  }
0x40: {  	_ =	shalt  }
0x41: {  	_ =	shalt  }
0x42: {  	_ =	shalt  }
0x43: {  	_ =	shalt  }
0x44: {  	_ =	shalt  }
0x45: {  	_ =	shalt  }
0x46: {  	_ =	shalt  }
0x47: {  	_ =	shalt  }
0x48: {  	_ =	shalt  }
0x49: {  	_ =	shalt  }
0x4a: {  	_ =	shalt  }
0x4b: {  	_ =	shalt  }
0x4c: {  	_ =	shalt  }
0x4d: {  	_ =	shalt  }
0x4e: {  	_ =	shalt  }
0x4f: {  	_ =	shalt  }
0x50: {  	_ =	shalt  }
0x51: {  	_ =	shalt  }
0x52: {  	_ =	shalt  }
0x53: {  	_ =	shalt  }
0x54: {  	_ =	shalt  }
0x55: {  	_ =	shalt  }
0x56: {  	_ =	shalt  }
0x57: {  	_ =	shalt  }
0x58: {  	_ =	shalt  }
0x59: {  	_ =	shalt  }
0x5a: {  	_ =	shalt  }
0x5b: {  	_ =	shalt  }
0x5c: {  	_ =	shalt  }
0x5d: {  	_ =	shalt  }
0x5e: {  	_ =	shalt  }
0x5f: {  	_ =	shalt  }
0x60: {  	_ =	shalt  }
0x61: {  	_ =	shalt  }
0x62: {  	_ =	shalt  }
0x63: {  	_ =	shalt  }
0x64: {  	_ =	shalt  }
0x65: {  	_ =	shalt  }
0x66: {  	_ =	shalt  }
0x67: {  	_ =	shalt  }
0x68: {  	_ =	shalt  }
0x69: {  	_ =	shalt  }
0x6a: {  	_ =	shalt  }
0x6b: {  	_ =	shalt  }
0x6c: {  	_ =	shalt  }
0x6d: {  	_ =	shalt  }
0x6e: {  	_ =	shalt  }
0x6f: {  	_ =	shalt  }
0x70: {  	_ =	shalt  }
0x71: {  	_ =	shalt  }
0x72: {  	_ =	shalt  }
0x73: {  	_ =	shalt  }
0x74: {  	_ =	shalt  }
0x75: {  	_ =	shalt  }
0x76: {  	_ =	shalt  }
0x77: {  	_ =	shalt  }
0x78: {  	_ =	shalt  }
0x79: {  	_ =	shalt  }
0x7a: {  	_ =	shalt  }
0x7b: {  	_ =	shalt  }
0x7c: {  	_ =	shalt  }
0x7d: {  	_ =	shalt  }
0x7e: {  	_ =	shalt  }
0x7f: {  	_ =	shalt  }
0x80: {  	_ =	shalt  }
0x81: {  	_ =	shalt  }
0x82: {  	_ =	shalt  }
0x83: {  	_ =	shalt  }
0x84: {  	_ =	shalt  }
0x85: {  	_ =	shalt  }
0x86: {  	_ =	shalt  }
0x87: {  	_ =	shalt  }
.Lfunc_end0:
.L_simem_size_0:
called_computation.2_lowered:
.L_overlay_start_0:
0x88: {  	s2 =	sld [smem:$0x3FD9]  }
0x89: {  	s3 =	sld [smem:$0x3FFE];
	_ =	sdelay $0x1  }
0x8a: {  	s1 =	srdreg.scid  }
0x8b: {  	s0 =	sand.u32 $0x1, s1  }
0x8c: {  	s16 =	sshll.u32 s0, $0xA;
	s2 =	sadd.s32 s3, s2  }
0x8d: {  	s2 =	sadd.s32 s2, s16  }
0x8e: {  	[smem:$0x3FC2] =	sst s2  }
0x8f: {  	_ = 	snop  }
0x90: {  	(tm) =	ssettm $0x1  }
0x91: {  	s17 =	sld [smem:$0x3FFB];
	_ =	sdelay $0x3  }
0x92: {  	_ =	strace s17  }
0x93: {  	s2 =	sld [smem:$0x3FFC];
	_ =	sdelay $0x3  }
0x94: {  	_ =	strace s2  }
0x95: {  	s2 =	sld [smem:$0x3FFD];
	_ =	sdelay $0x3  }
0x96: {  	_ =	strace s2  }
0x97: {  	_ =	strace $0x8FFFFFFF  }
0x98: {  	s18 =	sld [smem:$0x3FDB];
	_ =	sdelay $0x1  }
0x99: {  	s19 =	simm.s32 $_scs_section_size  }
0x9a: {  	s4 =	simm.s32 $_size__tile_overlayer_lowered;
	s5 =	simm.s32 $_tile_overlayer_lowered  }
0x9b: {  	s22 =	simm.s32 $0x1BFF;
	s21 =	sshll.u32 s5, $0x1;
	s2 =	sadd.s32 s19, s18  }
0x9c: {  	s6 =	simm.s32 $0x0;
	s20 =	sshll.u32 s4, $0x1;
	s4 =	sadd.s32 s21, s2  }
0x9d: {  	[timem:s6], [sflag:s22] =	dma.local [hbm:s4], s20  }
0x9e: {  	_ =	swait.ge [sflag:s22], s20  }
0x9f: {  	s3 =	ssub.s32 $0x0, s20;
	[sflag:s22] =	ssyncset.done $0x0  }
0xa0: {  	[sflag:s22] =	ssyncadd.s32 s3;
	_ =	sdelay $0x1  }
0xa1: {  	s23 =	simm.s32 $0x1B8B  }
0xa2: {  	_ =	swait.ge [sflag:s23], $0x1  }
0xa3: {  	[sflag:s23] =	ssyncset.done $0x0  }
0xa4: {  	s25 =	simm.s32 $0x1B8E;
	s24 =	sld [smem:$0x3FFE];
	[sflag:s23] =	ssyncadd.s32 $0xFFFFFFFF  }
0xa5: {  	s26 =	simm.s32 $execute0_lowered;
	[smem:$0x3FD2] =	sst s25  }
0xa6: {  	s4 =	sshll.u32 s26, $0x1;
	_ =	strace $0x8000004C;
	[dreg:$0x1] =	wrdreg $0xFFFFFFFF  }
0xa7: {  	s28 =	simm.s32 $_size_execute0_lowered;
	s2 =	sadd.s32 s2, s4;
	[dreg:$0x0] =	wrdreg $0x0  }
0xa8: {  	s4 =	sshll.u32 s28, $0x1;
	[dreg:$0x2] =	wrdreg s2  }
0xa9: {  	[dreg:$0x3] =	wrdreg s4  }
0xaa: {  	[dreg:$0x4] =	wrdreg $0xC0  }
0xab: {  	_ =	task [dreg:s6], $0x5FFFF  }
0xac: {  	[dreg:$0x1] =	wrdreg $0xFFFFFFFF  }
0xad: {  	[dreg:$0x0] =	wrdreg $0x60  }
0xae: {  	[dreg:$0x2] =	wrdreg s24  }
0xaf: {  	[dreg:$0x3] =	wrdreg $0xB7800  }
0xb0: {  	[dreg:$0x4] =	wrdreg $0x90000  }
0xb1: {  	[dreg:$0x5] =	wrdreg $0x9  }
0xb2: {  	_ =	task.clear_ibuf [dreg:s6], $0x6FFFF;
	_ =	strace $0x9000004C  }
0xb3: {  	s29 =	simm.s32 $0x9;
	_ =	strace $0x8000004E  }
0xb4: {  	_ =	swait.ge [sflag:s29], $0x1  }
0xb5: {  	[sflag:s29] =	ssyncadd.s32 $0xFFFFFFFF  }
0xb6: {  	_ =	strace $0x9000004E  }
0xb7: {  	_ =	sfence  }
0xb8: {  	s30 =	sld [smem:$0x0];
	_ =	sdelay $0x2  }
0xb9: {  	s31 =	sshll.u32 s1, $0xD;
	s1 =	sshrl.u32 s1, $0x2  }
0xba: {  	s3 =	sand.u32 $0x4000, s31;
	s1 =	sadd.s32 s1, s30  }
0xbb: {  	s0 =	sor.u32 s3, s0;
	s1 =	sshll.u32 s1, $0x11  }
0xbc: {  	s0 =	sor.u32 s1, s0  }
0xbd: {  	s0 =	sadd.s32 $0x8F2B, s0  }
0xbe: {  	[sflag:s0] =	ssyncadd.remote.s32 $0x1  }
0xbf: {  	_ =	sfence.sel $0xFFFF  }
0xc0: {  	[dreg:$0x0] =	wrdreg $0xFFFFFFFF;
	(pc) =	sbr.abs _section_cstart, $3  }
0xc1: {  	[dreg:$0x1] =	wrdreg $0xFFFFFFFF  }
0xc2: {  	_ =	task.clear_ibuf [dreg:s6], $0x2FFFF;
	_ =	strace $0x9FFFFFFF  }
0xc3: {  	(tm) =	ssettm $0x7FFFFFFF  }
tec
execute0_lowered:
.L_overlay_start_1:
0x0: {  	(tag) =	ssettag $0x1  }
0x1: {  	s0 =	rddreg [dreg:$0x0]  }
0x2: {  	s1 =	rddreg [dreg:$0x1];
	s4 =	srdreg.scid  }
0x3: {  	s3 =	rddreg [dreg:$0x2];
	s5 =	sand.u32 $0x1, s4;
	s4 =	simm.s32 $0x0  }
0x4: {  	s12 =	stileid.u32;
	s26 =	simm.s32 $0x100;
	[smem:$0x7FF] =	sst s4  }
0x5: {  	s14 =	simm.s32 $0x200;
	_ =	strace $0x8000004D;
	[dreg:$0x6] =	wrdreg s26  }
0x6: {  	s15 =	simm.s32 $0x280;
	s17 =	simm.s32 $0x300;
	[dreg:$0x8] =	wrdreg s14  }
0x7: {  	s19 =	simm.s32 $0x380;
	s2 =	smul.u32 $0x2780, s12;
	[dreg:$0x9] =	wrdreg s15  }
0x8: {  	s31 =	simm.s32 $0x3;
	s11 =	smul.u32 $0xA00, s12;
	[dreg:$0xa] =	wrdreg s17  }
0x9: {  	s6 =	smul.u32 $0x4F0, s12;
	s13 =	sadd.s32 $0x2C00, s0;
	[dreg:$0xb] =	wrdreg s19  }
0xa: {  	s21 =	sadd.s32 s11, s13;
	s11 =	simm.s32 $0x180;
	[smem:$0x7F4] =	sst s13  }
0xb: {  	s18 =	sshll.u32 s12, $0x6;
	s26 =	simm.s32 $0xB00;
	[dreg:$0x7] =	wrdreg s11  }
0xc: {  	s7 =	smul.u32 $0x4F00, s5;
	s17 =	simm.s32 $0x600;
	[dreg:$0x11] =	wrdreg s26  }
0xd: {  	s15 =	sor.u32 $0x1C05, s18;
	s18 =	simm.s32 $0x680;
	[dreg:$0x16] =	wrdreg s17  }
0xe: {  	s22 =	ssub.s32 $0x2, s5;
	s19 =	simm.s32 $0x700;
	[dreg:$0x17] =	wrdreg s18  }
0xf: {  	s24 =	sshrl.u32 s22, $0x1;
	s6 =	sadd.s32 s6, s7;
	[dreg:$0x18] =	wrdreg s19  }
0x10: {  	s7 =	ssub.s32 s22, s24;
	s22 =	simm.s32 $0x980;
	[smem:$0x7FC] =	sst s15  }
0x11: {  	s20 =	smul.u32 $0x500, s5;
	s24 =	simm.s32 $0xA80;
	[dreg:$0xe] =	wrdreg s22  }
0x12: {  	s9 =	sshrl.u32 s2, $0x3;
	s11 =	simm.s32 $0x480;
	[dreg:$0x10] =	wrdreg s24  }
0x13: {  	s9 =	sadd.s32 s9, s0;
	s26 =	simm.s32 $0xF00;
	[dreg:$0x13] =	wrdreg s11  }
0x14: {  	s0 =	sadd.s32 s6, s0;
	s6 =	sadd.s32 s20, s21;
	[dreg:$0x1f] =	wrdreg s26  }
0x15: {  	s29 =	simm.s32 $0x3000;
	s16 =	sadd.s32 $0x16E00, s9;
	[dreg:$0x4] =	wrdreg s6  }
0x16: {  	s8 =	smul.u32 $0x5000, s12;
	s20 =	simm.s32 $0x880;
	[smem:$0x7F2] =	sst s16  }
0x17: {  	s10 =	smul.u32 $0x2800, s5;
	s21 =	simm.s32 $0x900;
	[dreg:$0xc] =	wrdreg s20  }
0x18: {  	s28 =	sshll.u32 s12, $0x1;
	s9 =	sadd.s32 $0x1BE00, s9;
	[dreg:$0xd] =	wrdreg s21  }
0x19: {  	s8 =	sadd.s32 s10, s8;
	s12 =	smax.u32 s7, $0x1;
	[smem:$0x7F3] =	sst s9  }
0x1a: {  	s30 =	simm.s32 $0x3800;
	s14 =	sadd.s32 $0x800, s8;
	[smem:$0x7F8] =	sst s12  }
0x1b: {  	s5 =	sor.u32 s5, s28;
	s22 =	simm.s32 $0xD00;
	[smem:$0x7F9] =	sst s14  }
0x1c: {  	s5 =	smul.u32 $0x2800, s5;
	s24 =	simm.s32 $0xE00;
	[dreg:$0x1b] =	wrdreg s22  }
0x1d: {  	s10 =	sadd.s32 $0x50C00, s8;
	s0 =	sadd.s32 $0x20E00, s0;
	[dreg:$0x1d] =	wrdreg s24  }
0x1e: {  	s5 =	sshrl.u32 s5, $0x3;
	s9 =	simm.s32 $0xB80;
	[smem:$0x7F7] =	sst s0  }
0x1f: {  	s8 =	simm.s32 $0x6000;
	s16 =	simm.s32 $0x580;
	[dreg:$0x12] =	wrdreg s9  }
0x20: {  	s11 =	simm.s32 $0x7000;
	s20 =	simm.s32 $0x780;
	[dreg:$0x15] =	wrdreg s16  }
0x21: {  	s23 =	sshrl.u32 s10, $0x3;
	s21 =	simm.s32 $0xC80;
	[dreg:$0x19] =	wrdreg s20  }
0x22: {  	s10 =	sadd.s32 s2, s1;
	s25 =	sadd.s32 s23, s13;
	[dreg:$0x1a] =	wrdreg s21  }
0x23: {  	s2 =	sadd.s32 s2, s3;
	s23 =	simm.s32 $0xA00;
	[dreg:$0x5] =	wrdreg s25  }
0x24: {  	s12 =	simm.s32 $0x7800;
	s2 =	sshrl.u32 s2, $0x3;
	[dreg:$0xf] =	wrdreg s23  }
0x25: {  	s14 =	simm.s32 $0x4;
	s7 =	sshrl.u32 s10, $0x3;
	[smem:$0x7FA] =	sst s2  }
0x26: {  	s20 =	simm.s32 $0x1;
	s25 =	sadd.s32 s13, s5;
	[smem:$0x7FD] =	sst s7  }
0x27: {  	s21 =	simm.s32 $0x80;
	s13 =	simm.s32 $0x500;
	[smem:$0x7F5] =	sst s25  }
0x28: {  	s10 =	simm.s32 $0x6800;
	s23 =	simm.s32 $0xD80;
	[dreg:$0x14] =	wrdreg s13  }
0x29: {  	s16 =	simm.s32 $0x8000;
	s28 =	sadd.s32 $0xA080, s25;
	[dreg:$0x1c] =	wrdreg s23  }
0x2a: {  	s9 =	simm.s32 $0x8800;
	s25 =	simm.s32 $0xE80;
	[smem:$0x7F6] =	sst s28  }
0x2b: {  	s0 =	simm.s32 $0x0;
	[dreg:$0x1e] =	wrdreg s25;
	s28 =	simm.s32 $0xF80  }
0x2c: {  	s2 =	simm.s32 $0x2;
	s13 =	simm.s32 $0x5;
	[smem:$0x7FB] =	sst s28  }
.LBB2_1:
0x2d: {  	s5 =	sld [smem:$0x7F2];
	_ =	sdelay $0x1  }
0x2e: {  	[smem:$0x7F1] =	sst s0  }
0x2f: {  	[spmem:s7], [sflag:s15] =	dma.local [hbm:s5], $0x4F0  }
0x30: {  	_ =	swait.ge [sflag:s13], $0x4F0  }
0x31: {  	s18 =	sld [smem:$0x7F3]  }
0x32: {  	s19 =	sld [smem:$0x7FA]  }
0x33: {  	[sflag:s13] =	ssyncset.done $0x0  }
0x34: {  	[sflag:s13] =	ssyncadd.s32 $0xFFFFFB10  }
0x35: {  	[spmem:s19], [sflag:s15] =	dma.local [hbm:s18], $0x4F0  }
0x36: {  	_ =	swait.ge [sflag:s13], $0x4F0  }
0x37: {  	[sflag:s13] =	ssyncset.done $0x0  }
0x38: {  	[sflag:s13] =	ssyncadd.s32 $0xFFFFFB10  }
0x39: {  	[bflag:$0x0] =	sbarrier.arrive $0xFFFF  }
0x3a: {  	s22 =	sld [smem:$0x7F5]  }
0x3b: {  	s23 =	rddreg [dreg:$0x4]  }
0x3c: {  	s24 =	sld [smem:$0x7F6]  }
0x3d: {  	[tilespmem:s4], [sflag:$0x1] =	stream.linear.gather [hbm4b:s22+s4], $0x400, $0x38;
	[tilespmem:$0xDF00] =	vst v63  }
0x3e: {  	s17 =	simm.s32 $0x800;
	s5 =	sadd.s32 $0x0, s23  }
0x3f: {  	[tilespmem:s17], [sflag:$0x1] =	stream.linear.gather [hbm4b:s24+s4], $0x400, $0x38;
	[tilespmem:$0xDF00] =	vst v63  }
0x40: {  	s13 =	simm.s32 $0x400;
	s25 =	sadd.s32 $0x80, s5  }
0x41: {  	[tilespmem:s13], [sflag:$0x2] =	stream.linear.gather [hbm4b:s25+s4], $0x400, $0x38;
	[tilespmem:$0xDF00] =	vst v63  }
0x42: {  	s15 =	simm.s32 $0xC00;
	s5 =	sadd.s32 $0xA100, s5  }
0x43: {  	[tilespmem:s15], [sflag:$0x2] =	stream.linear.gather [hbm4b:s5+s4], $0x400, $0x38;
	[tilespmem:$0xDF00] =	vst v63  }
0x44: {  	_ =	swait.ge [sflag:s20], $0x400  }
0x45: {  	[sflag:s20] =	ssyncset.done $0x0  }
0x46: {  	[sflag:s20] =	ssyncadd.s32 $0xFFFFFC00  }
0x47: {  	_ =	swait.ge [sflag:s20], $0x400  }
0x48: {  	[sflag:s20] =	ssyncset.done $0x0  }
0x49: {  	s18 =	simm.s32 $0x1000;
	[sflag:s20] =	ssyncadd.s32 $0xFFFFFC00  }
0x4a: {  	[tilespmem:s18], [sflag:$0x3] =	stream.indirect.gather [spmem:s3], $0x10, s4, s21, $0xb8;
	[tilespmem:$0xDF00] =	vst v63  }
0x4b: {  	s19 =	simm.s32 $0x1800  }
0x4c: {  	[tilespmem:s19], [sflag:$0x3] =	stream.indirect.gather [spmem:s3], $0x10, s21, s21, $0xb8;
	[tilespmem:$0xDF00] =	vst v63  }
0x4d: {  	s22 =	simm.s32 $0x2000;
	s26 =	rddreg [dreg:$0x6]  }
0x4e: {  	[tilespmem:s22], [sflag:$0x3] =	stream.indirect.gather [spmem:s3], $0x10, s26, s21, $0xb8;
	[tilespmem:$0xDF00] =	vst v63  }
0x4f: {  	s23 =	simm.s32 $0x2800;
	s28 =	rddreg [dreg:$0x7]  }
0x50: {  	[tilespmem:s23], [sflag:$0x3] =	stream.indirect.gather [spmem:s3], $0x10, s28, s21, $0xb8;
	[tilespmem:$0xDF00] =	vst v63  }
0x51: {  	s24 =	simm.s32 $0x3000;
	s0 =	rddreg [dreg:$0x8]  }
0x52: {  	[tilespmem:s24], [sflag:$0x3] =	stream.indirect.gather [spmem:s3], $0x10, s0, s21, $0xb8;
	[tilespmem:$0xDF00] =	vst v63  }
0x53: {  	s25 =	simm.s32 $0x3800;
	s6 =	rddreg [dreg:$0x9]  }
0x54: {  	[tilespmem:s25], [sflag:$0x3] =	stream.indirect.gather [spmem:s3], $0x10, s6, s21, $0xb8;
	[tilespmem:$0xDF00] =	vst v63  }
0x55: {  	s26 =	rddreg [dreg:$0xa];
	s0 =	simm.s32 $0x4000  }
0x56: {  	[tilespmem:s0], [sflag:$0x3] =	stream.indirect.gather [spmem:s3], $0x10, s26, s21, $0xb8;
	[tilespmem:$0xDF00] =	vst v63  }
0x57: {  	s28 =	rddreg [dreg:$0xb];
	s6 =	simm.s32 $0x4800  }
0x58: {  	[tilespmem:s6], [sflag:$0x3] =	stream.indirect.gather [spmem:s3], $0x10, s28, s21, $0xb8;
	[tilespmem:$0xDF00] =	vst v63  }
0x59: {  	_ =	swait.ge [sflag:s31], $0x800  }
0x5a: {  	[sflag:s31] =	ssyncset.done $0x0  }
0x5b: {  	[sflag:s31] =	ssyncadd.s32 $0xFFFFF800  }
0x5c: {  	_ =	swait.ge [sflag:s31], $0x800  }
0x5d: {  	[sflag:s31] =	ssyncset.done $0x0  }
0x5e: {  	[sflag:s31] =	ssyncadd.s32 $0xFFFFF800  }
0x5f: {  	_ =	swait.ge [sflag:s31], $0x800  }
0x60: {  	[sflag:s31] =	ssyncset.done $0x0  }
0x61: {  	[sflag:s31] =	ssyncadd.s32 $0xFFFFF800  }
0x62: {  	_ =	swait.ge [sflag:s31], $0x800  }
0x63: {  	[sflag:s31] =	ssyncset.done $0x0  }
0x64: {  	[sflag:s31] =	ssyncadd.s32 $0xFFFFF800  }
0x65: {  	_ =	swait.ge [sflag:s31], $0x800  }
0x66: {  	[sflag:s31] =	ssyncset.done $0x0  }
0x67: {  	[sflag:s31] =	ssyncadd.s32 $0xFFFFF800  }
0x68: {  	_ =	swait.ge [sflag:s31], $0x800  }
0x69: {  	[sflag:s31] =	ssyncset.done $0x0  }
0x6a: {  	[sflag:s31] =	ssyncadd.s32 $0xFFFFF800  }
0x6b: {  	_ =	swait.ge [sflag:s31], $0x800  }
0x6c: {  	[sflag:s31] =	ssyncset.done $0x0  }
0x6d: {  	[sflag:s31] =	ssyncadd.s32 $0xFFFFF800  }
0x6e: {  	_ =	swait.ge [sflag:s31], $0x800  }
0x6f: {  	[sflag:s31] =	ssyncset.done $0x0  }
0x70: {  	[sflag:s31] =	ssyncadd.s32 $0xFFFFF800  }
0x71: {  	[spmem:s1] =	stream.indirect.scatter.add.f32 [tilespmem:s18], [sflag:$0x4], $0x10, s17, s21, $0xb8;
	[tilespmem:$0xDF00] =	vst v63  }
0x72: {  	s7 =	rddreg [dreg:$0xc]  }
0x73: {  	[spmem:s1] =	stream.indirect.scatter.add.f32 [tilespmem:s19], [sflag:$0x4], $0x10, s7, s21, $0xb8;
	[tilespmem:$0xDF00] =	vst v63  }
0x74: {  	s18 =	rddreg [dreg:$0xd]  }
0x75: {  	[spmem:s1] =	stream.indirect.scatter.add.f32 [tilespmem:s22], [sflag:$0x4], $0x10, s18, s21, $0xb8;
	[tilespmem:$0xDF00] =	vst v63  }
0x76: {  	s19 =	rddreg [dreg:$0xe]  }
0x77: {  	[spmem:s1] =	stream.indirect.scatter.add.f32 [tilespmem:s23], [sflag:$0x4], $0x10, s19, s21, $0xb8;
	[tilespmem:$0xDF00] =	vst v63  }
0x78: {  	s22 =	rddreg [dreg:$0xf]  }
0x79: {  	[spmem:s1] =	stream.indirect.scatter.add.f32 [tilespmem:s24], [sflag:$0x4], $0x10, s22, s21, $0xb8;
	[tilespmem:$0xDF00] =	vst v63  }
0x7a: {  	s23 =	rddreg [dreg:$0x10]  }
0x7b: {  	[spmem:s1] =	stream.indirect.scatter.add.f32 [tilespmem:s25], [sflag:$0x4], $0x10, s23, s21, $0xb8;
	[tilespmem:$0xDF00] =	vst v63  }
0x7c: {  	s26 =	rddreg [dreg:$0x11]  }
0x7d: {  	[spmem:s1] =	stream.indirect.scatter.add.f32 [tilespmem:s0], [sflag:$0x4], $0x10, s26, s21, $0xb8;
	[tilespmem:$0xDF00] =	vst v63  }
0x7e: {  	s28 =	rddreg [dreg:$0x12]  }
0x7f: {  	[spmem:s1] =	stream.indirect.scatter.add.f32 [tilespmem:s6], [sflag:$0x4], $0x10, s28, s21, $0xb8;
	[tilespmem:$0xDF00] =	vst v63  }
0x80: {  	_ =	swait.ge [sflag:s2], $0x400  }
0x81: {  	[sflag:s2] =	ssyncset.done $0x0  }
0x82: {  	[sflag:s2] =	ssyncadd.s32 $0xFFFFFC00  }
0x83: {  	_ =	swait.ge [sflag:s2], $0x400  }
0x84: {  	[sflag:s2] =	ssyncset.done $0x0  }
0x85: {  	s18 =	simm.s32 $0x5000;
	[sflag:s2] =	ssyncadd.s32 $0xFFFFFC00  }
0x86: {  	[tilespmem:s18], [sflag:$0x3] =	stream.indirect.gather [spmem:s3], $0x10, s13, s21, $0xb8;
	[tilespmem:$0xDF00] =	vst v63  }
0x87: {  	s22 =	simm.s32 $0x5800;
	s7 =	rddreg [dreg:$0x13]  }
0x88: {  	[tilespmem:s22], [sflag:$0x3] =	stream.indirect.gather [spmem:s3], $0x10, s7, s21, $0xb8;
	[tilespmem:$0xDF00] =	vst v63  }
0x89: {  	s19 =	rddreg [dreg:$0x14]  }
0x8a: {  	[tilespmem:s8], [sflag:$0x3] =	stream.indirect.gather [spmem:s3], $0x10, s19, s21, $0xb8;
	[tilespmem:$0xDF00] =	vst v63  }
0x8b: {  	s23 =	rddreg [dreg:$0x15]  }
0x8c: {  	[tilespmem:s10], [sflag:$0x3] =	stream.indirect.gather [spmem:s3], $0x10, s23, s21, $0xb8;
	[tilespmem:$0xDF00] =	vst v63  }
0x8d: {  	s24 =	rddreg [dreg:$0x16]  }
0x8e: {  	[tilespmem:s11], [sflag:$0x3] =	stream.indirect.gather [spmem:s3], $0x10, s24, s21, $0xb8;
	[tilespmem:$0xDF00] =	vst v63  }
0x8f: {  	s25 =	rddreg [dreg:$0x17]  }
0x90: {  	[tilespmem:s12], [sflag:$0x3] =	stream.indirect.gather [spmem:s3], $0x10, s25, s21, $0xb8;
	[tilespmem:$0xDF00] =	vst v63  }
0x91: {  	s26 =	rddreg [dreg:$0x18]  }
0x92: {  	[tilespmem:s16], [sflag:$0x3] =	stream.indirect.gather [spmem:s3], $0x10, s26, s21, $0xb8;
	[tilespmem:$0xDF00] =	vst v63  }
0x93: {  	s28 =	rddreg [dreg:$0x19]  }
0x94: {  	[tilespmem:s9], [sflag:$0x3] =	stream.indirect.gather [spmem:s3], $0x10, s28, s21, $0xb8;
	[tilespmem:$0xDF00] =	vst v63  }
0x95: {  	_ =	swait.ge [sflag:s31], $0x800  }
0x96: {  	[sflag:s31] =	ssyncset.done $0x0  }
0x97: {  	[sflag:s31] =	ssyncadd.s32 $0xFFFFF800  }
0x98: {  	_ =	swait.ge [sflag:s31], $0x800  }
0x99: {  	[sflag:s31] =	ssyncset.done $0x0  }
0x9a: {  	[sflag:s31] =	ssyncadd.s32 $0xFFFFF800  }
0x9b: {  	_ =	swait.ge [sflag:s31], $0x800  }
0x9c: {  	[sflag:s31] =	ssyncset.done $0x0  }
0x9d: {  	[sflag:s31] =	ssyncadd.s32 $0xFFFFF800  }
0x9e: {  	_ =	swait.ge [sflag:s31], $0x800  }
0x9f: {  	[sflag:s31] =	ssyncset.done $0x0  }
0xa0: {  	[sflag:s31] =	ssyncadd.s32 $0xFFFFF800  }
0xa1: {  	_ =	swait.ge [sflag:s31], $0x800  }
0xa2: {  	[sflag:s31] =	ssyncset.done $0x0  }
0xa3: {  	[sflag:s31] =	ssyncadd.s32 $0xFFFFF800  }
0xa4: {  	_ =	swait.ge [sflag:s31], $0x800  }
0xa5: {  	[sflag:s31] =	ssyncset.done $0x0  }
0xa6: {  	[sflag:s31] =	ssyncadd.s32 $0xFFFFF800  }
0xa7: {  	_ =	swait.ge [sflag:s31], $0x800  }
0xa8: {  	[sflag:s31] =	ssyncset.done $0x0  }
0xa9: {  	[sflag:s31] =	ssyncadd.s32 $0xFFFFF800  }
0xaa: {  	_ =	swait.ge [sflag:s31], $0x800  }
0xab: {  	[sflag:s31] =	ssyncset.done $0x0  }
0xac: {  	s7 =	rddreg [dreg:$0x1a];
	[sflag:s31] =	ssyncadd.s32 $0xFFFFF800  }
0xad: {  	[spmem:s1] =	stream.indirect.scatter.add.f32 [tilespmem:s18], [sflag:$0x4], $0x10, s15, s21, $0xb8;
	[tilespmem:$0xDF00] =	vst v63  }
0xae: {  	s13 =	rddreg [dreg:$0x1b]  }
0xaf: {  	[spmem:s1] =	stream.indirect.scatter.add.f32 [tilespmem:s22], [sflag:$0x4], $0x10, s7, s21, $0xb8;
	[tilespmem:$0xDF00] =	vst v63  }
0xb0: {  	s19 =	rddreg [dreg:$0x1e]  }
0xb1: {  	[spmem:s1] =	stream.indirect.scatter.add.f32 [tilespmem:s8], [sflag:$0x4], $0x10, s13, s21, $0xb8;
	[tilespmem:$0xDF00] =	vst v63  }
0xb2: {  	s15 =	rddreg [dreg:$0x1c]  }
0xb3: {  	[spmem:s1] =	stream.indirect.scatter.add.f32 [tilespmem:s10], [sflag:$0x4], $0x10, s15, s21, $0xb8;
	[tilespmem:$0xDF00] =	vst v63  }
0xb4: {  	s18 =	rddreg [dreg:$0x1d]  }
0xb5: {  	[spmem:s1] =	stream.indirect.scatter.add.f32 [tilespmem:s11], [sflag:$0x4], $0x10, s18, s21, $0xb8;
	[tilespmem:$0xDF00] =	vst v63  }
0xb6: {  	s23 =	sld [smem:$0x7FB]  }
0xb7: {  	[spmem:s1] =	stream.indirect.scatter.add.f32 [tilespmem:s12], [sflag:$0x4], $0x10, s19, s21, $0xb8;
	[tilespmem:$0xDF00] =	vst v63  }
0xb8: {  	s22 =	rddreg [dreg:$0x1f]  }
0xb9: {  	[spmem:s1] =	stream.indirect.scatter.add.f32 [tilespmem:s16], [sflag:$0x4], $0x10, s22, s21, $0xb8;
	[tilespmem:$0xDF00] =	vst v63  }
0xba: {  	_ = 	snop  }
0xbb: {  	[spmem:s1] =	stream.indirect.scatter.add.f32 [tilespmem:s9], [sflag:$0x4], $0x10, s23, s21, $0xb8;
	[tilespmem:$0xDF00] =	vst v63  }
0xbc: {  	_ =	swait.ge [sflag:s14], $0x800  }
0xbd: {  	[sflag:s14] =	ssyncset.done $0x0  }
0xbe: {  	[sflag:s14] =	ssyncadd.s32 $0xFFFFF800  }
0xbf: {  	_ =	swait.ge [sflag:s14], $0x800  }
0xc0: {  	[sflag:s14] =	ssyncset.done $0x0  }
0xc1: {  	[sflag:s14] =	ssyncadd.s32 $0xFFFFF800  }
0xc2: {  	_ =	swait.ge [sflag:s14], $0x800  }
0xc3: {  	[sflag:s14] =	ssyncset.done $0x0  }
0xc4: {  	[sflag:s14] =	ssyncadd.s32 $0xFFFFF800  }
0xc5: {  	_ =	swait.ge [sflag:s14], $0x800  }
0xc6: {  	[sflag:s14] =	ssyncset.done $0x0  }
0xc7: {  	[sflag:s14] =	ssyncadd.s32 $0xFFFFF800  }
0xc8: {  	_ =	swait.ge [sflag:s14], $0x800  }
0xc9: {  	[sflag:s14] =	ssyncset.done $0x0  }
0xca: {  	[sflag:s14] =	ssyncadd.s32 $0xFFFFF800  }
0xcb: {  	_ =	swait.ge [sflag:s14], $0x800  }
0xcc: {  	[sflag:s14] =	ssyncset.done $0x0  }
0xcd: {  	[sflag:s14] =	ssyncadd.s32 $0xFFFFF800  }
0xce: {  	_ =	swait.ge [sflag:s14], $0x800  }
0xcf: {  	[sflag:s14] =	ssyncset.done $0x0  }
0xd0: {  	[sflag:s14] =	ssyncadd.s32 $0xFFFFF800  }
0xd1: {  	_ =	swait.ge [sflag:s14], $0x800  }
0xd2: {  	s15 =	sld [smem:$0x7F9]  }
0xd3: {  	s26 =	sld [smem:$0x7F4];
	_ =	sdelay $0x1  }
0xd4: {  	[sflag:s14] =	ssyncset.done $0x0;
	s24 =	sshrl.u32 s15, $0x3  }
0xd5: {  	s25 =	rddreg [dreg:$0x5];
	[sflag:s14] =	ssyncadd.s32 $0xFFFFF800;
	s5 =	sadd.s32 s26, s24  }
0xd6: {  	[tilespmem:s4], [sflag:$0x1] =	stream.linear.gather [hbm4b:s5+s4], $0x400, $0x38;
	[tilespmem:$0xDF00] =	vst v63  }
0xd7: {  	s28 =	sadd.s32 $0x0, s25  }
0xd8: {  	[tilespmem:s17], [sflag:$0x1] =	stream.linear.gather [hbm4b:s28+s4], $0x400, $0x38;
	[tilespmem:$0xDF00] =	vst v63  }
0xd9: {  	_ =	swait.ge [sflag:s14], $0x800  }
0xda: {  	[sflag:s14] =	ssyncset.done $0x0  }
0xdb: {  	[sflag:s14] =	ssyncadd.s32 $0xFFFFF800  }
0xdc: {  	_ =	swait.ge [sflag:s14], $0x800  }
0xdd: {  	[sflag:s14] =	ssyncset.done $0x0  }
0xde: {  	[sflag:s14] =	ssyncadd.s32 $0xFFFFF800  }
0xdf: {  	_ =	swait.ge [sflag:s14], $0x800  }
0xe0: {  	[sflag:s14] =	ssyncset.done $0x0  }
0xe1: {  	[sflag:s14] =	ssyncadd.s32 $0xFFFFF800  }
0xe2: {  	_ =	swait.ge [sflag:s14], $0x800  }
0xe3: {  	[sflag:s14] =	ssyncset.done $0x0  }
0xe4: {  	[sflag:s14] =	ssyncadd.s32 $0xFFFFF800  }
0xe5: {  	_ =	swait.ge [sflag:s14], $0x800  }
0xe6: {  	[sflag:s14] =	ssyncset.done $0x0  }
0xe7: {  	[sflag:s14] =	ssyncadd.s32 $0xFFFFF800  }
0xe8: {  	_ =	swait.ge [sflag:s14], $0x800  }
0xe9: {  	[sflag:s14] =	ssyncset.done $0x0  }
0xea: {  	[sflag:s14] =	ssyncadd.s32 $0xFFFFF800  }
0xeb: {  	_ =	swait.ge [sflag:s14], $0x800  }
0xec: {  	[sflag:s14] =	ssyncset.done $0x0  }
0xed: {  	[sflag:s14] =	ssyncadd.s32 $0xFFFFF800  }
0xee: {  	s7 =	simm.s32 $0x100;
	_ =	swait.ge [sflag:s14], $0x800  }
0xef: {  	s13 =	simm.s32 $0x200;
	s17 =	rddreg [dreg:$0x4];
	[sflag:s14] =	ssyncset.done $0x0  }
.LBB2_2:
0xf0: {  	s17 =	sadd.s32 s7, s17  }
0xf1: {  	[sflag:s14] =	ssyncadd.s32 $0xFFFFF800;
	s19 =	simm.s32 $0x400;
	s18 =	sadd.s32 $0x80, s17  }
0xf2: {  	[tilespmem:s19], [sflag:$0x2] =	stream.linear.gather [hbm4b:s18+s4], $0x400, $0x38;
	[tilespmem:$0xDF00] =	vst v63  }
0xf3: {  	s23 =	simm.s32 $0xC00;
	s17 =	sadd.s32 $0xA100, s17  }
0xf4: {  	[tilespmem:s23], [sflag:$0x2] =	stream.linear.gather [hbm4b:s17+s4], $0x400, $0x38;
	[tilespmem:$0xDF00] =	vst v63  }
0xf5: {  	_ =	swait.ge [sflag:s20], $0x400  }
0xf6: {  	[sflag:s20] =	ssyncset.done $0x0  }
0xf7: {  	[sflag:s20] =	ssyncadd.s32 $0xFFFFFC00  }
0xf8: {  	_ =	swait.ge [sflag:s20], $0x400  }
0xf9: {  	[sflag:s20] =	ssyncset.done $0x0  }
0xfa: {  	s24 =	simm.s32 $0x1000;
	[sflag:s20] =	ssyncadd.s32 $0xFFFFFC00  }
0xfb: {  	[tilespmem:s24], [sflag:$0x3] =	stream.indirect.gather [spmem:s3], $0x10, s4, s21, $0xb8;
	[tilespmem:$0xDF00] =	vst v63  }
0xfc: {  	s25 =	simm.s32 $0x1800  }
0xfd: {  	[tilespmem:s25], [sflag:$0x3] =	stream.indirect.gather [spmem:s3], $0x10, s21, s21, $0xb8;
	[tilespmem:$0xDF00] =	vst v63  }
0xfe: {  	s26 =	simm.s32 $0x2000;
	s0 =	rddreg [dreg:$0x6]  }
0xff: {  	[tilespmem:s26], [sflag:$0x3] =	stream.indirect.gather [spmem:s3], $0x10, s0, s21, $0xb8;
	[tilespmem:$0xDF00] =	vst v63  }
0x100: {  	s28 =	simm.s32 $0x2800;
	s6 =	rddreg [dreg:$0x7]  }
0x101: {  	[tilespmem:s28], [sflag:$0x3] =	stream.indirect.gather [spmem:s3], $0x10, s6, s21, $0xb8;
	[tilespmem:$0xDF00] =	vst v63  }
0x102: {  	s22 =	rddreg [dreg:$0x8]  }
0x103: {  	[tilespmem:s29], [sflag:$0x3] =	stream.indirect.gather [spmem:s3], $0x10, s22, s21, $0xb8;
	[tilespmem:$0xDF00] =	vst v63  }
0x104: {  	s0 =	rddreg [dreg:$0x9]  }
0x105: {  	[tilespmem:s30], [sflag:$0x3] =	stream.indirect.gather [spmem:s3], $0x10, s0, s21, $0xb8;
	[tilespmem:$0xDF00] =	vst v63  }
0x106: {  	s6 =	rddreg [dreg:$0xa];
	s0 =	simm.s32 $0x4000  }
0x107: {  	[tilespmem:s0], [sflag:$0x3] =	stream.indirect.gather [spmem:s3], $0x10, s6, s21, $0xb8;
	[tilespmem:$0xDF00] =	vst v63  }
0x108: {  	s22 =	rddreg [dreg:$0xb];
	s6 =	simm.s32 $0x4800  }
0x109: {  	[tilespmem:s6], [sflag:$0x3] =	stream.indirect.gather [spmem:s3], $0x10, s22, s21, $0xb8;
	[tilespmem:$0xDF00] =	vst v63  }
0x10a: {  	_ =	swait.ge [sflag:s31], $0x800  }
0x10b: {  	[sflag:s31] =	ssyncset.done $0x0  }
0x10c: {  	[sflag:s31] =	ssyncadd.s32 $0xFFFFF800  }
0x10d: {  	_ =	swait.ge [sflag:s31], $0x800  }
0x10e: {  	[sflag:s31] =	ssyncset.done $0x0  }
0x10f: {  	[sflag:s31] =	ssyncadd.s32 $0xFFFFF800  }
0x110: {  	_ =	swait.ge [sflag:s31], $0x800  }
0x111: {  	[sflag:s31] =	ssyncset.done $0x0  }
0x112: {  	[sflag:s31] =	ssyncadd.s32 $0xFFFFF800  }
0x113: {  	_ =	swait.ge [sflag:s31], $0x800  }
0x114: {  	[sflag:s31] =	ssyncset.done $0x0  }
0x115: {  	[sflag:s31] =	ssyncadd.s32 $0xFFFFF800  }
0x116: {  	_ =	swait.ge [sflag:s31], $0x800  }
0x117: {  	[sflag:s31] =	ssyncset.done $0x0  }
0x118: {  	[sflag:s31] =	ssyncadd.s32 $0xFFFFF800  }
0x119: {  	_ =	swait.ge [sflag:s31], $0x800  }
0x11a: {  	[sflag:s31] =	ssyncset.done $0x0  }
0x11b: {  	[sflag:s31] =	ssyncadd.s32 $0xFFFFF800  }
0x11c: {  	_ =	swait.ge [sflag:s31], $0x800  }
0x11d: {  	[sflag:s31] =	ssyncset.done $0x0  }
0x11e: {  	[sflag:s31] =	ssyncadd.s32 $0xFFFFF800  }
0x11f: {  	_ =	swait.ge [sflag:s31], $0x800  }
0x120: {  	[sflag:s31] =	ssyncset.done $0x0  }
0x121: {  	s22 =	simm.s32 $0x800;
	[sflag:s31] =	ssyncadd.s32 $0xFFFFF800  }
0x122: {  	[spmem:s1] =	stream.indirect.scatter.add.f32 [tilespmem:s24], [sflag:$0x4], $0x10, s22, s21, $0xb8;
	[tilespmem:$0xDF00] =	vst v63  }
0x123: {  	s18 =	rddreg [dreg:$0xc]  }
0x124: {  	[spmem:s1] =	stream.indirect.scatter.add.f32 [tilespmem:s25], [sflag:$0x4], $0x10, s18, s21, $0xb8;
	[tilespmem:$0xDF00] =	vst v63  }
0x125: {  	s24 =	rddreg [dreg:$0xd]  }
0x126: {  	[spmem:s1] =	stream.indirect.scatter.add.f32 [tilespmem:s26], [sflag:$0x4], $0x10, s24, s21, $0xb8;
	[tilespmem:$0xDF00] =	vst v63  }
0x127: {  	s25 =	rddreg [dreg:$0xe]  }
0x128: {  	[spmem:s1] =	stream.indirect.scatter.add.f32 [tilespmem:s28], [sflag:$0x4], $0x10, s25, s21, $0xb8;
	[tilespmem:$0xDF00] =	vst v63  }
0x129: {  	s24 =	rddreg [dreg:$0xf]  }
0x12a: {  	[spmem:s1] =	stream.indirect.scatter.add.f32 [tilespmem:s29], [sflag:$0x4], $0x10, s24, s21, $0xb8;
	[tilespmem:$0xDF00] =	vst v63  }
0x12b: {  	s25 =	rddreg [dreg:$0x10]  }
0x12c: {  	[spmem:s1] =	stream.indirect.scatter.add.f32 [tilespmem:s30], [sflag:$0x4], $0x10, s25, s21, $0xb8;
	[tilespmem:$0xDF00] =	vst v63  }
0x12d: {  	s26 =	rddreg [dreg:$0x11]  }
0x12e: {  	[spmem:s1] =	stream.indirect.scatter.add.f32 [tilespmem:s0], [sflag:$0x4], $0x10, s26, s21, $0xb8;
	[tilespmem:$0xDF00] =	vst v63  }
0x12f: {  	s28 =	rddreg [dreg:$0x12]  }
0x130: {  	[spmem:s1] =	stream.indirect.scatter.add.f32 [tilespmem:s6], [sflag:$0x4], $0x10, s28, s21, $0xb8;
	[tilespmem:$0xDF00] =	vst v63  }
0x131: {  	_ =	swait.ge [sflag:s2], $0x400  }
0x132: {  	[sflag:s2] =	ssyncset.done $0x0  }
0x133: {  	[sflag:s2] =	ssyncadd.s32 $0xFFFFFC00  }
0x134: {  	_ =	swait.ge [sflag:s2], $0x400  }
0x135: {  	[sflag:s2] =	ssyncset.done $0x0  }
0x136: {  	s0 =	simm.s32 $0x5000;
	[sflag:s2] =	ssyncadd.s32 $0xFFFFFC00  }
0x137: {  	[tilespmem:s0], [sflag:$0x3] =	stream.indirect.gather [spmem:s3], $0x10, s19, s21, $0xb8;
	[tilespmem:$0xDF00] =	vst v63  }
0x138: {  	s6 =	simm.s32 $0x5800;
	s18 =	rddreg [dreg:$0x13]  }
0x139: {  	[tilespmem:s6], [sflag:$0x3] =	stream.indirect.gather [spmem:s3], $0x10, s18, s21, $0xb8;
	[tilespmem:$0xDF00] =	vst v63  }
0x13a: {  	s24 =	rddreg [dreg:$0x14]  }
0x13b: {  	[tilespmem:s8], [sflag:$0x3] =	stream.indirect.gather [spmem:s3], $0x10, s24, s21, $0xb8;
	[tilespmem:$0xDF00] =	vst v63  }
0x13c: {  	s25 =	rddreg [dreg:$0x15]  }
0x13d: {  	[tilespmem:s10], [sflag:$0x3] =	stream.indirect.gather [spmem:s3], $0x10, s25, s21, $0xb8;
	[tilespmem:$0xDF00] =	vst v63  }
0x13e: {  	s26 =	rddreg [dreg:$0x16]  }
0x13f: {  	[tilespmem:s11], [sflag:$0x3] =	stream.indirect.gather [spmem:s3], $0x10, s26, s21, $0xb8;
	[tilespmem:$0xDF00] =	vst v63  }
0x140: {  	s28 =	rddreg [dreg:$0x17]  }
0x141: {  	[tilespmem:s12], [sflag:$0x3] =	stream.indirect.gather [spmem:s3], $0x10, s28, s21, $0xb8;
	[tilespmem:$0xDF00] =	vst v63  }
0x142: {  	s19 =	rddreg [dreg:$0x18]  }
0x143: {  	[tilespmem:s16], [sflag:$0x3] =	stream.indirect.gather [spmem:s3], $0x10, s19, s21, $0xb8;
	[tilespmem:$0xDF00] =	vst v63  }
0x144: {  	s24 =	rddreg [dreg:$0x19]  }
0x145: {  	[tilespmem:s9], [sflag:$0x3] =	stream.indirect.gather [spmem:s3], $0x10, s24, s21, $0xb8;
	[tilespmem:$0xDF00] =	vst v63  }
0x146: {  	_ =	swait.ge [sflag:s31], $0x800  }
0x147: {  	[sflag:s31] =	ssyncset.done $0x0  }
0x148: {  	[sflag:s31] =	ssyncadd.s32 $0xFFFFF800  }
0x149: {  	_ =	swait.ge [sflag:s31], $0x800  }
0x14a: {  	[sflag:s31] =	ssyncset.done $0x0  }
0x14b: {  	[sflag:s31] =	ssyncadd.s32 $0xFFFFF800  }
0x14c: {  	_ =	swait.ge [sflag:s31], $0x800  }
0x14d: {  	[sflag:s31] =	ssyncset.done $0x0  }
0x14e: {  	[sflag:s31] =	ssyncadd.s32 $0xFFFFF800  }
0x14f: {  	_ =	swait.ge [sflag:s31], $0x800  }
0x150: {  	[sflag:s31] =	ssyncset.done $0x0  }
0x151: {  	[sflag:s31] =	ssyncadd.s32 $0xFFFFF800  }
0x152: {  	_ =	swait.ge [sflag:s31], $0x800  }
0x153: {  	[sflag:s31] =	ssyncset.done $0x0  }
0x154: {  	[sflag:s31] =	ssyncadd.s32 $0xFFFFF800  }
0x155: {  	_ =	swait.ge [sflag:s31], $0x800  }
0x156: {  	[sflag:s31] =	ssyncset.done $0x0  }
0x157: {  	[sflag:s31] =	ssyncadd.s32 $0xFFFFF800  }
0x158: {  	_ =	swait.ge [sflag:s31], $0x800  }
0x159: {  	[sflag:s31] =	ssyncset.done $0x0  }
0x15a: {  	[sflag:s31] =	ssyncadd.s32 $0xFFFFF800  }
0x15b: {  	_ =	swait.ge [sflag:s31], $0x800  }
0x15c: {  	[sflag:s31] =	ssyncset.done $0x0  }
0x15d: {  	s25 =	rddreg [dreg:$0x1a];
	[sflag:s31] =	ssyncadd.s32 $0xFFFFF800  }
0x15e: {  	[spmem:s1] =	stream.indirect.scatter.add.f32 [tilespmem:s0], [sflag:$0x4], $0x10, s23, s21, $0xb8;
	[tilespmem:$0xDF00] =	vst v63  }
0x15f: {  	s26 =	rddreg [dreg:$0x1b]  }
0x160: {  	[spmem:s1] =	stream.indirect.scatter.add.f32 [tilespmem:s6], [sflag:$0x4], $0x10, s25, s21, $0xb8;
	[tilespmem:$0xDF00] =	vst v63  }
0x161: {  	s28 =	rddreg [dreg:$0x1c]  }
0x162: {  	[spmem:s1] =	stream.indirect.scatter.add.f32 [tilespmem:s8], [sflag:$0x4], $0x10, s26, s21, $0xb8;
	[tilespmem:$0xDF00] =	vst v63  }
0x163: {  	s19 =	rddreg [dreg:$0x1f]  }
0x164: {  	[spmem:s1] =	stream.indirect.scatter.add.f32 [tilespmem:s10], [sflag:$0x4], $0x10, s28, s21, $0xb8;
	[tilespmem:$0xDF00] =	vst v63  }
0x165: {  	s0 =	rddreg [dreg:$0x1d]  }
0x166: {  	[spmem:s1] =	stream.indirect.scatter.add.f32 [tilespmem:s11], [sflag:$0x4], $0x10, s0, s21, $0xb8;
	[tilespmem:$0xDF00] =	vst v63  }
0x167: {  	s6 =	rddreg [dreg:$0x1e]  }
0x168: {  	[spmem:s1] =	stream.indirect.scatter.add.f32 [tilespmem:s12], [sflag:$0x4], $0x10, s6, s21, $0xb8;
	[tilespmem:$0xDF00] =	vst v63  }
0x169: {  	s23 =	sld [smem:$0x7FB]  }
0x16a: {  	[spmem:s1] =	stream.indirect.scatter.add.f32 [tilespmem:s16], [sflag:$0x4], $0x10, s19, s21, $0xb8;
	[tilespmem:$0xDF00] =	vst v63  }
0x16b: {  	_ = 	snop  }
0x16c: {  	[spmem:s1] =	stream.indirect.scatter.add.f32 [tilespmem:s9], [sflag:$0x4], $0x10, s23, s21, $0xb8;
	[tilespmem:$0xDF00] =	vst v63  }
0x16d: {  	_ =	swait.ge [sflag:s14], $0x800  }
0x16e: {  	[sflag:s14] =	ssyncset.done $0x0  }
0x16f: {  	[sflag:s14] =	ssyncadd.s32 $0xFFFFF800  }
0x170: {  	_ =	swait.ge [sflag:s14], $0x800  }
0x171: {  	[sflag:s14] =	ssyncset.done $0x0  }
0x172: {  	[sflag:s14] =	ssyncadd.s32 $0xFFFFF800  }
0x173: {  	_ =	swait.ge [sflag:s14], $0x800  }
0x174: {  	[sflag:s14] =	ssyncset.done $0x0  }
0x175: {  	[sflag:s14] =	ssyncadd.s32 $0xFFFFF800  }
0x176: {  	_ =	swait.ge [sflag:s14], $0x800  }
0x177: {  	[sflag:s14] =	ssyncset.done $0x0  }
0x178: {  	[sflag:s14] =	ssyncadd.s32 $0xFFFFF800  }
0x179: {  	_ =	swait.ge [sflag:s14], $0x800  }
0x17a: {  	[sflag:s14] =	ssyncset.done $0x0  }
0x17b: {  	[sflag:s14] =	ssyncadd.s32 $0xFFFFF800  }
0x17c: {  	_ =	swait.ge [sflag:s14], $0x800  }
0x17d: {  	[sflag:s14] =	ssyncset.done $0x0  }
0x17e: {  	[sflag:s14] =	ssyncadd.s32 $0xFFFFF800  }
0x17f: {  	_ =	swait.ge [sflag:s14], $0x800  }
0x180: {  	[sflag:s14] =	ssyncset.done $0x0  }
0x181: {  	[sflag:s14] =	ssyncadd.s32 $0xFFFFF800  }
0x182: {  	_ =	swait.ge [sflag:s14], $0x800  }
0x183: {  	s26 =	sld [smem:$0x7F4]  }
0x184: {  	s15 =	sadd.s32 $0x800, s15  }
0x185: {  	s24 =	sshrl.u32 s15, $0x3;
	[sflag:s14] =	ssyncset.done $0x0  }
0x186: {  	s25 =	rddreg [dreg:$0x5];
	[sflag:s14] =	ssyncadd.s32 $0xFFFFF800;
	s17 =	sadd.s32 s26, s24  }
0x187: {  	[tilespmem:s4], [sflag:$0x1] =	stream.linear.gather [hbm4b:s17+s4], $0x400, $0x38;
	[tilespmem:$0xDF00] =	vst v63  }
0x188: {  	s28 =	sadd.s32 s7, s25  }
0x189: {  	[tilespmem:s22], [sflag:$0x1] =	stream.linear.gather [hbm4b:s28+s4], $0x400, $0x38;
	[tilespmem:$0xDF00] =	vst v63  }
0x18a: {  	_ =	swait.ge [sflag:s14], $0x800  }
0x18b: {  	[sflag:s14] =	ssyncset.done $0x0  }
0x18c: {  	[sflag:s14] =	ssyncadd.s32 $0xFFFFF800  }
0x18d: {  	_ =	swait.ge [sflag:s14], $0x800  }
0x18e: {  	[sflag:s14] =	ssyncset.done $0x0  }
0x18f: {  	[sflag:s14] =	ssyncadd.s32 $0xFFFFF800  }
0x190: {  	_ =	swait.ge [sflag:s14], $0x800  }
0x191: {  	[sflag:s14] =	ssyncset.done $0x0  }
0x192: {  	[sflag:s14] =	ssyncadd.s32 $0xFFFFF800  }
0x193: {  	_ =	swait.ge [sflag:s14], $0x800  }
0x194: {  	[sflag:s14] =	ssyncset.done $0x0  }
0x195: {  	[sflag:s14] =	ssyncadd.s32 $0xFFFFF800  }
0x196: {  	_ =	swait.ge [sflag:s14], $0x800  }
0x197: {  	[sflag:s14] =	ssyncset.done $0x0  }
0x198: {  	[sflag:s14] =	ssyncadd.s32 $0xFFFFF800  }
0x199: {  	_ =	swait.ge [sflag:s14], $0x800  }
0x19a: {  	[sflag:s14] =	ssyncset.done $0x0  }
0x19b: {  	p0 =	sne.s32 s13, $0x400;
	[sflag:s14] =	ssyncadd.s32 $0xFFFFF800  }
.Ltmp0:
0x19c: {  	_ =	swait.ge [sflag:s14], $0x800;
	(pc) =	sbr.rel @p0 .LBB2_2-.Ltmp0, $4  }
0x19d: {  	[sflag:s14] =	ssyncset.done $0x0  }
0x19e: {  	[sflag:s14] =	ssyncadd.s32 $0xFFFFF800  }
0x19f: {  	s5 =	smov.u32 s13;
	s13 =	sadd.s32 $0x100, s13;
	_ =	swait.ge [sflag:s14], $0x800  }
0x1a0: {  	s7 =	smov.u32 s5;
	s17 =	rddreg [dreg:$0x4];
	[sflag:s14] =	ssyncset.done $0x0  }
0x1a1: {  	s5 =	sadd.s32 s7, s17  }
0x1a2: {  	[sflag:s14] =	ssyncadd.s32 $0xFFFFF800;
	s18 =	simm.s32 $0x400;
	s13 =	sadd.s32 $0x80, s5  }
0x1a3: {  	[tilespmem:s18], [sflag:$0x2] =	stream.linear.gather [hbm4b:s13+s4], $0x400, $0x38;
	[tilespmem:$0xDF00] =	vst v63  }
0x1a4: {  	s19 =	simm.s32 $0xC00;
	s5 =	sadd.s32 $0xA100, s5  }
0x1a5: {  	[tilespmem:s19], [sflag:$0x2] =	stream.linear.gather [hbm4b:s5+s4], $0x400, $0x38;
	[tilespmem:$0xDF00] =	vst v63  }
0x1a6: {  	_ =	swait.ge [sflag:s20], $0x400  }
0x1a7: {  	[sflag:s20] =	ssyncset.done $0x0  }
0x1a8: {  	[sflag:s20] =	ssyncadd.s32 $0xFFFFFC00  }
0x1a9: {  	_ =	swait.ge [sflag:s20], $0x400  }
0x1aa: {  	[sflag:s20] =	ssyncset.done $0x0  }
0x1ab: {  	s22 =	simm.s32 $0x1000;
	[sflag:s20] =	ssyncadd.s32 $0xFFFFFC00  }
0x1ac: {  	[tilespmem:s22], [sflag:$0x3] =	stream.indirect.gather [spmem:s3], $0x10, s4, s21, $0xb8;
	[tilespmem:$0xDF00] =	vst v63  }
0x1ad: {  	s23 =	simm.s32 $0x1800  }
0x1ae: {  	[tilespmem:s23], [sflag:$0x3] =	stream.indirect.gather [spmem:s3], $0x10, s21, s21, $0xb8;
	[tilespmem:$0xDF00] =	vst v63  }
0x1af: {  	s24 =	simm.s32 $0x2000;
	s25 =	rddreg [dreg:$0x6]  }
0x1b0: {  	[tilespmem:s24], [sflag:$0x3] =	stream.indirect.gather [spmem:s3], $0x10, s25, s21, $0xb8;
	[tilespmem:$0xDF00] =	vst v63  }
0x1b1: {  	s26 =	rddreg [dreg:$0x7];
	s25 =	simm.s32 $0x2800  }
0x1b2: {  	[tilespmem:s25], [sflag:$0x3] =	stream.indirect.gather [spmem:s3], $0x10, s26, s21, $0xb8;
	[tilespmem:$0xDF00] =	vst v63  }
0x1b3: {  	s28 =	rddreg [dreg:$0x8];
	s26 =	simm.s32 $0x3000  }
0x1b4: {  	[tilespmem:s26], [sflag:$0x3] =	stream.indirect.gather [spmem:s3], $0x10, s28, s21, $0xb8;
	[tilespmem:$0xDF00] =	vst v63  }
0x1b5: {  	s0 =	rddreg [dreg:$0x9];
	s28 =	simm.s32 $0x3800  }
0x1b6: {  	[tilespmem:s28], [sflag:$0x3] =	stream.indirect.gather [spmem:s3], $0x10, s0, s21, $0xb8;
	[tilespmem:$0xDF00] =	vst v63  }
0x1b7: {  	s6 =	rddreg [dreg:$0xa];
	s0 =	simm.s32 $0x4000  }
0x1b8: {  	[tilespmem:s0], [sflag:$0x3] =	stream.indirect.gather [spmem:s3], $0x10, s6, s21, $0xb8;
	[tilespmem:$0xDF00] =	vst v63  }
0x1b9: {  	s17 =	rddreg [dreg:$0xb];
	s6 =	simm.s32 $0x4800  }
0x1ba: {  	[tilespmem:s6], [sflag:$0x3] =	stream.indirect.gather [spmem:s3], $0x10, s17, s21, $0xb8;
	[tilespmem:$0xDF00] =	vst v63  }
0x1bb: {  	_ =	swait.ge [sflag:s31], $0x800  }
0x1bc: {  	[sflag:s31] =	ssyncset.done $0x0  }
0x1bd: {  	[sflag:s31] =	ssyncadd.s32 $0xFFFFF800  }
0x1be: {  	_ =	swait.ge [sflag:s31], $0x800  }
0x1bf: {  	[sflag:s31] =	ssyncset.done $0x0  }
0x1c0: {  	[sflag:s31] =	ssyncadd.s32 $0xFFFFF800  }
0x1c1: {  	_ =	swait.ge [sflag:s31], $0x800  }
0x1c2: {  	[sflag:s31] =	ssyncset.done $0x0  }
0x1c3: {  	[sflag:s31] =	ssyncadd.s32 $0xFFFFF800  }
0x1c4: {  	_ =	swait.ge [sflag:s31], $0x800  }
0x1c5: {  	[sflag:s31] =	ssyncset.done $0x0  }
0x1c6: {  	[sflag:s31] =	ssyncadd.s32 $0xFFFFF800  }
0x1c7: {  	_ =	swait.ge [sflag:s31], $0x800  }
0x1c8: {  	[sflag:s31] =	ssyncset.done $0x0  }
0x1c9: {  	[sflag:s31] =	ssyncadd.s32 $0xFFFFF800  }
0x1ca: {  	_ =	swait.ge [sflag:s31], $0x800  }
0x1cb: {  	[sflag:s31] =	ssyncset.done $0x0  }
0x1cc: {  	[sflag:s31] =	ssyncadd.s32 $0xFFFFF800  }
0x1cd: {  	_ =	swait.ge [sflag:s31], $0x800  }
0x1ce: {  	[sflag:s31] =	ssyncset.done $0x0  }
0x1cf: {  	[sflag:s31] =	ssyncadd.s32 $0xFFFFF800  }
0x1d0: {  	_ =	swait.ge [sflag:s31], $0x800  }
0x1d1: {  	[sflag:s31] =	ssyncset.done $0x0  }
0x1d2: {  	s17 =	simm.s32 $0x800;
	[sflag:s31] =	ssyncadd.s32 $0xFFFFF800  }
0x1d3: {  	[spmem:s1] =	stream.indirect.scatter.add.f32 [tilespmem:s22], [sflag:$0x4], $0x10, s17, s21, $0xb8;
	[tilespmem:$0xDF00] =	vst v63  }
0x1d4: {  	s13 =	rddreg [dreg:$0xc]  }
0x1d5: {  	[spmem:s1] =	stream.indirect.scatter.add.f32 [tilespmem:s23], [sflag:$0x4], $0x10, s13, s21, $0xb8;
	[tilespmem:$0xDF00] =	vst v63  }
0x1d6: {  	s22 =	rddreg [dreg:$0xd]  }
0x1d7: {  	[spmem:s1] =	stream.indirect.scatter.add.f32 [tilespmem:s24], [sflag:$0x4], $0x10, s22, s21, $0xb8;
	[tilespmem:$0xDF00] =	vst v63  }
0x1d8: {  	s23 =	rddreg [dreg:$0xe]  }
0x1d9: {  	[spmem:s1] =	stream.indirect.scatter.add.f32 [tilespmem:s25], [sflag:$0x4], $0x10, s23, s21, $0xb8;
	[tilespmem:$0xDF00] =	vst v63  }
0x1da: {  	s24 =	rddreg [dreg:$0xf]  }
0x1db: {  	[spmem:s1] =	stream.indirect.scatter.add.f32 [tilespmem:s26], [sflag:$0x4], $0x10, s24, s21, $0xb8;
	[tilespmem:$0xDF00] =	vst v63  }
0x1dc: {  	s25 =	rddreg [dreg:$0x10]  }
0x1dd: {  	[spmem:s1] =	stream.indirect.scatter.add.f32 [tilespmem:s28], [sflag:$0x4], $0x10, s25, s21, $0xb8;
	[tilespmem:$0xDF00] =	vst v63  }
0x1de: {  	s22 =	rddreg [dreg:$0x11]  }
0x1df: {  	[spmem:s1] =	stream.indirect.scatter.add.f32 [tilespmem:s0], [sflag:$0x4], $0x10, s22, s21, $0xb8;
	[tilespmem:$0xDF00] =	vst v63  }
0x1e0: {  	s23 =	rddreg [dreg:$0x12]  }
0x1e1: {  	[spmem:s1] =	stream.indirect.scatter.add.f32 [tilespmem:s6], [sflag:$0x4], $0x10, s23, s21, $0xb8;
	[tilespmem:$0xDF00] =	vst v63  }
0x1e2: {  	_ =	swait.ge [sflag:s2], $0x400  }
0x1e3: {  	[sflag:s2] =	ssyncset.done $0x0  }
0x1e4: {  	[sflag:s2] =	ssyncadd.s32 $0xFFFFFC00  }
0x1e5: {  	_ =	swait.ge [sflag:s2], $0x400  }
0x1e6: {  	[sflag:s2] =	ssyncset.done $0x0  }
0x1e7: {  	s0 =	simm.s32 $0x5000;
	[sflag:s2] =	ssyncadd.s32 $0xFFFFFC00  }
0x1e8: {  	[tilespmem:s0], [sflag:$0x3] =	stream.indirect.gather [spmem:s3], $0x10, s18, s21, $0xb8;
	[tilespmem:$0xDF00] =	vst v63  }
0x1e9: {  	s6 =	simm.s32 $0x5800;
	s24 =	rddreg [dreg:$0x13]  }
0x1ea: {  	[tilespmem:s6], [sflag:$0x3] =	stream.indirect.gather [spmem:s3], $0x10, s24, s21, $0xb8;
	[tilespmem:$0xDF00] =	vst v63  }
0x1eb: {  	s25 =	rddreg [dreg:$0x14]  }
0x1ec: {  	[tilespmem:s8], [sflag:$0x3] =	stream.indirect.gather [spmem:s3], $0x10, s25, s21, $0xb8;
	[tilespmem:$0xDF00] =	vst v63  }
0x1ed: {  	s26 =	rddreg [dreg:$0x15]  }
0x1ee: {  	[tilespmem:s10], [sflag:$0x3] =	stream.indirect.gather [spmem:s3], $0x10, s26, s21, $0xb8;
	[tilespmem:$0xDF00] =	vst v63  }
0x1ef: {  	s28 =	rddreg [dreg:$0x16]  }
0x1f0: {  	[tilespmem:s11], [sflag:$0x3] =	stream.indirect.gather [spmem:s3], $0x10, s28, s21, $0xb8;
	[tilespmem:$0xDF00] =	vst v63  }
0x1f1: {  	s18 =	rddreg [dreg:$0x17]  }
0x1f2: {  	[tilespmem:s12], [sflag:$0x3] =	stream.indirect.gather [spmem:s3], $0x10, s18, s21, $0xb8;
	[tilespmem:$0xDF00] =	vst v63  }
0x1f3: {  	s22 =	rddreg [dreg:$0x18]  }
0x1f4: {  	[tilespmem:s16], [sflag:$0x3] =	stream.indirect.gather [spmem:s3], $0x10, s22, s21, $0xb8;
	[tilespmem:$0xDF00] =	vst v63  }
0x1f5: {  	s23 =	rddreg [dreg:$0x19]  }
0x1f6: {  	[tilespmem:s9], [sflag:$0x3] =	stream.indirect.gather [spmem:s3], $0x10, s23, s21, $0xb8;
	[tilespmem:$0xDF00] =	vst v63  }
0x1f7: {  	_ =	swait.ge [sflag:s31], $0x800  }
0x1f8: {  	[sflag:s31] =	ssyncset.done $0x0  }
0x1f9: {  	[sflag:s31] =	ssyncadd.s32 $0xFFFFF800  }
0x1fa: {  	_ =	swait.ge [sflag:s31], $0x800  }
0x1fb: {  	[sflag:s31] =	ssyncset.done $0x0  }
0x1fc: {  	[sflag:s31] =	ssyncadd.s32 $0xFFFFF800  }
0x1fd: {  	_ =	swait.ge [sflag:s31], $0x800  }
0x1fe: {  	[sflag:s31] =	ssyncset.done $0x0  }
0x1ff: {  	[sflag:s31] =	ssyncadd.s32 $0xFFFFF800  }
0x200: {  	_ =	swait.ge [sflag:s31], $0x800  }
0x201: {  	[sflag:s31] =	ssyncset.done $0x0  }
0x202: {  	[sflag:s31] =	ssyncadd.s32 $0xFFFFF800  }
0x203: {  	_ =	swait.ge [sflag:s31], $0x800  }
0x204: {  	[sflag:s31] =	ssyncset.done $0x0  }
0x205: {  	[sflag:s31] =	ssyncadd.s32 $0xFFFFF800  }
0x206: {  	_ =	swait.ge [sflag:s31], $0x800  }
0x207: {  	[sflag:s31] =	ssyncset.done $0x0  }
0x208: {  	[sflag:s31] =	ssyncadd.s32 $0xFFFFF800  }
0x209: {  	_ =	swait.ge [sflag:s31], $0x800  }
0x20a: {  	[sflag:s31] =	ssyncset.done $0x0  }
0x20b: {  	[sflag:s31] =	ssyncadd.s32 $0xFFFFF800  }
0x20c: {  	_ =	swait.ge [sflag:s31], $0x800  }
0x20d: {  	[sflag:s31] =	ssyncset.done $0x0  }
0x20e: {  	s24 =	rddreg [dreg:$0x1a];
	[sflag:s31] =	ssyncadd.s32 $0xFFFFF800  }
0x20f: {  	[spmem:s1] =	stream.indirect.scatter.add.f32 [tilespmem:s0], [sflag:$0x4], $0x10, s19, s21, $0xb8;
	[tilespmem:$0xDF00] =	vst v63  }
0x210: {  	s25 =	rddreg [dreg:$0x1b]  }
0x211: {  	[spmem:s1] =	stream.indirect.scatter.add.f32 [tilespmem:s6], [sflag:$0x4], $0x10, s24, s21, $0xb8;
	[tilespmem:$0xDF00] =	vst v63  }
0x212: {  	s26 =	rddreg [dreg:$0x1c]  }
0x213: {  	[spmem:s1] =	stream.indirect.scatter.add.f32 [tilespmem:s8], [sflag:$0x4], $0x10, s25, s21, $0xb8;
	[tilespmem:$0xDF00] =	vst v63  }
0x214: {  	s28 =	rddreg [dreg:$0x1d]  }
0x215: {  	[spmem:s1] =	stream.indirect.scatter.add.f32 [tilespmem:s10], [sflag:$0x4], $0x10, s26, s21, $0xb8;
	[tilespmem:$0xDF00] =	vst v63  }
0x216: {  	s18 =	sld [smem:$0x7FB]  }
0x217: {  	[spmem:s1] =	stream.indirect.scatter.add.f32 [tilespmem:s11], [sflag:$0x4], $0x10, s28, s21, $0xb8;
	[tilespmem:$0xDF00] =	vst v63  }
0x218: {  	s0 =	rddreg [dreg:$0x1e]  }
0x219: {  	[spmem:s1] =	stream.indirect.scatter.add.f32 [tilespmem:s12], [sflag:$0x4], $0x10, s0, s21, $0xb8;
	[tilespmem:$0xDF00] =	vst v63  }
0x21a: {  	s6 =	rddreg [dreg:$0x1f]  }
0x21b: {  	[spmem:s1] =	stream.indirect.scatter.add.f32 [tilespmem:s16], [sflag:$0x4], $0x10, s6, s21, $0xb8;
	[tilespmem:$0xDF00] =	vst v63  }
0x21c: {  	_ = 	snop  }
0x21d: {  	[spmem:s1] =	stream.indirect.scatter.add.f32 [tilespmem:s9], [sflag:$0x4], $0x10, s18, s21, $0xb8;
	[tilespmem:$0xDF00] =	vst v63  }
0x21e: {  	_ =	swait.ge [sflag:s14], $0x800  }
0x21f: {  	[sflag:s14] =	ssyncset.done $0x0  }
0x220: {  	[sflag:s14] =	ssyncadd.s32 $0xFFFFF800  }
0x221: {  	_ =	swait.ge [sflag:s14], $0x800  }
0x222: {  	[sflag:s14] =	ssyncset.done $0x0  }
0x223: {  	[sflag:s14] =	ssyncadd.s32 $0xFFFFF800  }
0x224: {  	_ =	swait.ge [sflag:s14], $0x800  }
0x225: {  	[sflag:s14] =	ssyncset.done $0x0  }
0x226: {  	[sflag:s14] =	ssyncadd.s32 $0xFFFFF800  }
0x227: {  	_ =	swait.ge [sflag:s14], $0x800  }
0x228: {  	[sflag:s14] =	ssyncset.done $0x0  }
0x229: {  	[sflag:s14] =	ssyncadd.s32 $0xFFFFF800  }
0x22a: {  	_ =	swait.ge [sflag:s14], $0x800  }
0x22b: {  	[sflag:s14] =	ssyncset.done $0x0  }
0x22c: {  	[sflag:s14] =	ssyncadd.s32 $0xFFFFF800  }
0x22d: {  	_ =	swait.ge [sflag:s14], $0x800  }
0x22e: {  	[sflag:s14] =	ssyncset.done $0x0  }
0x22f: {  	[sflag:s14] =	ssyncadd.s32 $0xFFFFF800  }
0x230: {  	_ =	swait.ge [sflag:s14], $0x800  }
0x231: {  	[sflag:s14] =	ssyncset.done $0x0  }
0x232: {  	[sflag:s14] =	ssyncadd.s32 $0xFFFFF800  }
0x233: {  	_ =	swait.ge [sflag:s14], $0x800  }
0x234: {  	s23 =	sld [smem:$0x7F4]  }
0x235: {  	s19 =	sadd.s32 $0x800, s15  }
0x236: {  	s5 =	sshrl.u32 s19, $0x3;
	[sflag:s14] =	ssyncset.done $0x0  }
0x237: {  	s22 =	rddreg [dreg:$0x5];
	[sflag:s14] =	ssyncadd.s32 $0xFFFFF800;
	s5 =	sadd.s32 s23, s5  }
0x238: {  	[tilespmem:s4], [sflag:$0x1] =	stream.linear.gather [hbm4b:s5+s4], $0x400, $0x38;
	[tilespmem:$0xDF00] =	vst v63  }
0x239: {  	s24 =	sadd.s32 s7, s22  }
0x23a: {  	[tilespmem:s17], [sflag:$0x1] =	stream.linear.gather [hbm4b:s24+s4], $0x400, $0x38;
	[tilespmem:$0xDF00] =	vst v63  }
0x23b: {  	_ =	swait.ge [sflag:s14], $0x800  }
0x23c: {  	[sflag:s14] =	ssyncset.done $0x0  }
0x23d: {  	[sflag:s14] =	ssyncadd.s32 $0xFFFFF800  }
0x23e: {  	_ =	swait.ge [sflag:s14], $0x800  }
0x23f: {  	[sflag:s14] =	ssyncset.done $0x0  }
0x240: {  	[sflag:s14] =	ssyncadd.s32 $0xFFFFF800  }
0x241: {  	_ =	swait.ge [sflag:s14], $0x800  }
0x242: {  	[sflag:s14] =	ssyncset.done $0x0  }
0x243: {  	[sflag:s14] =	ssyncadd.s32 $0xFFFFF800  }
0x244: {  	_ =	swait.ge [sflag:s14], $0x800  }
0x245: {  	[sflag:s14] =	ssyncset.done $0x0  }
0x246: {  	[sflag:s14] =	ssyncadd.s32 $0xFFFFF800  }
0x247: {  	_ =	swait.ge [sflag:s14], $0x800  }
0x248: {  	[sflag:s14] =	ssyncset.done $0x0  }
0x249: {  	[sflag:s14] =	ssyncadd.s32 $0xFFFFF800  }
0x24a: {  	_ =	swait.ge [sflag:s14], $0x800  }
0x24b: {  	[sflag:s14] =	ssyncset.done $0x0  }
0x24c: {  	[sflag:s14] =	ssyncadd.s32 $0xFFFFF800  }
0x24d: {  	_ =	swait.ge [sflag:s14], $0x800  }
0x24e: {  	[sflag:s14] =	ssyncset.done $0x0  }
0x24f: {  	[sflag:s14] =	ssyncadd.s32 $0xFFFFF800  }
0x250: {  	_ =	swait.ge [sflag:s14], $0x800  }
0x251: {  	[sflag:s14] =	ssyncset.done $0x0  }
0x252: {  	[sflag:s14] =	ssyncadd.s32 $0xFFFFF800  }
0x253: {  	_ =	swait.ge [sflag:s20], $0x400  }
0x254: {  	[sflag:s20] =	ssyncset.done $0x0  }
0x255: {  	[sflag:s20] =	ssyncadd.s32 $0xFFFFFC00  }
0x256: {  	_ =	swait.ge [sflag:s20], $0x400  }
0x257: {  	[sflag:s20] =	ssyncset.done $0x0  }
0x258: {  	[sflag:s20] =	ssyncadd.s32 $0xFFFFFC00  }
0x259: {  	[bflag:$0x0] =	sbarrier.arrive $0xFFFF  }
0x25a: {  	s15 =	sld [smem:$0x7FC]  }
0x25b: {  	s25 =	sld [smem:$0x7F7]  }
0x25c: {  	s7 =	sld [smem:$0x7FD];
	_ =	sdelay $0x1  }
0x25d: {  	s13 =	simm.s32 $0x5  }
0x25e: {  	[hbm:s25], [sflag:s15] =	dma.local [spmem:s7], $0x4F0  }
0x25f: {  	_ =	swait.ge [sflag:s13], $0x4F0  }
0x260: {  	s26 =	sld [smem:$0x7F1]  }
0x261: {  	s28 =	sld [smem:$0x7F8];
	_ =	sdelay $0x1  }
0x262: {  	s0 =	sadd.s32 $0x1, s26  }
0x263: {  	p0 =	sne.s32 s0, s28  }
.Ltmp1:
0x264: {  	_ = 	snop;
	(pc) =	sbr.rel @p0 .LBB2_1-.Ltmp1, $3  }
0x265: {  	_ =	sdelay $0x1  }
0x266: {  	[sflag:s13] =	ssyncset.done $0x0  }
0x267: {  	[sflag:s13] =	ssyncadd.s32 $0xFFFFFB10  }
0x268: {  	_ =	sfence.sel $0x180000  }
0x269: {  	[bflag:$0x0] =	sbarrier.arrive $0xFFFF  }
0x26a: {  	_ =	strace $0x9000004D  }
0x26b: {  	s0 =	stileid.u32;
	[bflag:$0x2] =	sbarrier.arrive $0xFFFF  }
0x26c: {  	p0 =	sne.s32 s0, $0x0;
	s0 =	rddreg [dreg:$0x3]  }
0x26d: {  	s0 =	sadd.s32 @!p0 $0x100000, s0  }
0x26e: {  	[sflag:s0] =	ssyncadd.tile.s32 @!p0 $0x1;
	_ =	shalt  }
.Lfunc_end2:
_tile_overlayer_lowered:
.L_overlay_start_2:
0x26f: {  	(tag) =	ssettag $0x2  }
0x270: {  	s0 =	rddreg [dreg:$0x0];
	s2 =	stileid.u32  }
0x271: {  	s1 =	rddreg [dreg:$0x1];
	p0 =	sne.s32 s2, $0x0  }
0x272: {  	s3 =	rddreg [dreg:$0x2];
	[bflag:$0x3] =	sbarrier.arrive $0xFFFF;
	s2 =	simm.s32 @!p0 $0x1C05  }
0x273: {  	[timem:s3], [sflag:s2] =	dma.local @!p0 [hbm:s0], s1  }
0x274: {  	s0 =	simm.s32 @!p0 $0x5  }
0x275: {  	_ =	swait.ge @!p0 [sflag:s0], s1  }
0x276: {  	s1 =	ssub.s32 @!p0 $0x0, s1;
	[sflag:s0] =	ssyncset.done @!p0 $0x0  }
0x277: {  	[sflag:s0] =	ssyncadd.s32 @!p0 s1  }
0x278: {  	[bflag:$0x3] =	sbarrier.arrive $0xFFFF  }
0x279: {  	_ =	shalt  }

// kernel: kernel.9.cloned.1.call-start
scs
__scs_entry_jumppad:
0x0: {  	(pc) =	sbr.rel $0x88, $3  }
0x1: {  	(tag) =	ssettag $0x0;
	lr =	simm.s32 $0x1  }
0x2: {  	[smem:$0x3F9B] =	sst lr;
	_ =	strace $0xD0000000  }
0x3: {  	_ = 	snop  }
0x4: {  	_ = 	snop  }
0x5: {  	_ = 	snop  }
0x6: {  	_ = 	snop  }
0x7: {  	_ = 	snop  }
__scs_overlays_trampoline_lowered:
0x8: {  	[smem:$0x3FAA] =	sst s0  }
0x9: {  	[smem:$0x3FAB] =	sst s1  }
0xa: {  	[smem:$0x3FAC] =	sst s2  }
0xb: {  	[smem:$0x3FAD] =	sst s3  }
0xc: {  	[smem:$0x3FAE] =	sst s4  }
0xd: {  	[smem:$0x3FAF] =	sst s5  }
0xe: {  	[smem:$0x3FB0] =	sst s6  }
0xf: {  	[smem:$0x3FB1] =	sst s7  }
0x10: {  	[smem:$0x3FB2] =	sst s8  }
0x11: {  	[smem:$0x3FB3] =	sst s9;
	s0 =	simm.s32 @!p0 $0x0  }
0x12: {  	s1 =	sld [smem:$0x3F99];
	s0 =	simm.s32 @p0 $0x1  }
0x13: {  	[smem:$0x3FB4] =	sst s0;
	s0 =	simm.s32 @!p1 $0x0  }
0x14: {  	s2 =	sld [smem:$0x3F98];
	s0 =	simm.s32 @p1 $0x1  }
0x15: {  	[smem:$0x3FB5] =	sst s0;
	s0 =	simm.s32 @!p2 $0x0  }
0x16: {  	s3 =	sld [smem:$0x3FDB];
	s0 =	simm.s32 @p2 $0x1  }
0x17: {  	s4 =	simm.s32 $0x1BF5;
	[smem:$0x3FB7] =	sst s0  }
0x18: {  	s0 =	sld [smem:$0x3F9A];
	_ =	swait.ge [sflag:s4], $0x0  }
0x19: {  	s7 =	sld [smem:$0x3F9B]  }
0x1a: {  	s8 =	sadd.s32 $0xFFFFE003, lr  }
0x1b: {  	s9 =	sadd.s32 $0xFFFFFEF7, lr;
	s5 =	simm.s32 $0xFFFFFFFF;
	p2 =	slt.u32 s8, $0xFFFFF086  }
0x1c: {  	p1 =	slt.u32 s9, $0xF7A;
	s5 =	simm.s32 @!p2 $0x0  }
0x1d: {  	s5 =	simm.s32 @p1 $0x1;
	p0 =	seq.s32 s7, s2  }
0x1e: {  	s7 =	smul.u32 @!p0 $0xF7A, s2;
	p2 =	seq.s32 @!p0 s5, $0x0  }
0x1f: {  	s9 =	smul.u32 $0xF7A, s1;
	s8 =	simm.s32 @!p0 $0x1BF5;
	p2 =	por !p2, p0  }
0x20: {  	[sflag:s8] =	ssyncset.s32 @!p0 $0xFFFFF086;
	s6 =	sadd.s32 @!p0 s3, s7;
	s7 =	simm.s32 @!p0 $0x108  }
0x21: {  	s3 =	sadd.s32 s3, s9;
	s6 =	sadd.s32 @!p0 $0x88, s6;
	s7 =	simm.s32 @p2 $0x1082  }
0x22: {  	[simem:s7], [sflag:s8] =	dma.local @!p0 [hbm:s6], $0xF7A  }
0x23: {  	s9 =	sor.u32 $0xD0000000, s2;
	s6 =	simm.s32 $0x108;
	_ =	swait.ge @!p0 [sflag:s8], $0x0  }
0x24: {  	s3 =	sadd.s32 $0x88, s3;
	s6 =	simm.s32 @!p1 $0x1082;
	[sflag:s4] =	ssyncset.s32 $0xFFFFF086  }
0x25: {  	[simem:s6], [sflag:s4] =	dma.local [hbm:s3], $0xF7A  }
0x26: {  	[smem:$0x3F9B] =	sst s1;
	(tag) =	ssettag s2;
	_ =	strace s9  }
0x27: {  	s1 =	sld [smem:$0x3FAB]  }
0x28: {  	s2 =	sld [smem:$0x3FAC]  }
0x29: {  	s4 =	sld [smem:$0x3FAE]  }
0x2a: {  	p0 =	seq.s32 s5, $0x0;
	s5 =	sld [smem:$0x3FAF]  }
0x2b: {  	s6 =	sld [smem:$0x3FB0]  }
0x2c: {  	s7 =	sld [smem:$0x3FB1]  }
0x2d: {  	s3 =	simm.s32 $0x108;
	s8 =	sld [smem:$0x3FB2]  }
0x2e: {  	s3 =	simm.s32 @!p0 $0x1082;
	s9 =	sld [smem:$0x3FB3]  }
0x2f: {  	lr =	sadd.s32 s0, s3;
	s0 =	sld [smem:$0x3FAA]  }
0x30: {  	s3 =	sld [smem:$0x3FAD]  }
0x31: {  	[smem:$0x3FB6] =	sst s10  }
0x32: {  	s10 =	sld [smem:$0x3FB4];
	_ =	sdelay $0x3  }
0x33: {  	p0 =	seq.s32 s10, $0x1;
	s10 =	sld [smem:$0x3FB6];
	_ =	sdelay $0x3  }
0x34: {  	[smem:$0x3FB6] =	sst s10  }
0x35: {  	s10 =	sld [smem:$0x3FB5];
	_ =	sdelay $0x3  }
0x36: {  	p1 =	seq.s32 s10, $0x1;
	s10 =	sld [smem:$0x3FB6];
	_ =	sdelay $0x3  }
0x37: {  	[smem:$0x3FB6] =	sst s10  }
0x38: {  	s10 =	sld [smem:$0x3FB7]  }
0x39: {  	_ = 	snop;
	(pc) =	sbr.ind lr, $3  }
0x3a: {  	_ = 	snop  }
0x3b: {  	_ = 	snop  }
0x3c: {  	p2 =	seq.s32 s10, $0x1;
	s10 =	sld [smem:$0x3FB6]  }
0x3d: {  	_ =	shalt  }
0x3e: {  	_ =	shalt  }
0x3f: {  	_ =	shalt  }
0x40: {  	_ =	shalt  }
0x41: {  	_ =	shalt  }
0x42: {  	_ =	shalt  }
0x43: {  	_ =	shalt  }
0x44: {  	_ =	shalt  }
0x45: {  	_ =	shalt  }
0x46: {  	_ =	shalt  }
0x47: {  	_ =	shalt  }
0x48: {  	_ =	shalt  }
0x49: {  	_ =	shalt  }
0x4a: {  	_ =	shalt  }
0x4b: {  	_ =	shalt  }
0x4c: {  	_ =	shalt  }
0x4d: {  	_ =	shalt  }
0x4e: {  	_ =	shalt  }
0x4f: {  	_ =	shalt  }
0x50: {  	_ =	shalt  }
0x51: {  	_ =	shalt  }
0x52: {  	_ =	shalt  }
0x53: {  	_ =	shalt  }
0x54: {  	_ =	shalt  }
0x55: {  	_ =	shalt  }
0x56: {  	_ =	shalt  }
0x57: {  	_ =	shalt  }
0x58: {  	_ =	shalt  }
0x59: {  	_ =	shalt  }
0x5a: {  	_ =	shalt  }
0x5b: {  	_ =	shalt  }
0x5c: {  	_ =	shalt  }
0x5d: {  	_ =	shalt  }
0x5e: {  	_ =	shalt  }
0x5f: {  	_ =	shalt  }
0x60: {  	_ =	shalt  }
0x61: {  	_ =	shalt  }
0x62: {  	_ =	shalt  }
0x63: {  	_ =	shalt  }
0x64: {  	_ =	shalt  }
0x65: {  	_ =	shalt  }
0x66: {  	_ =	shalt  }
0x67: {  	_ =	shalt  }
0x68: {  	_ =	shalt  }
0x69: {  	_ =	shalt  }
0x6a: {  	_ =	shalt  }
0x6b: {  	_ =	shalt  }
0x6c: {  	_ =	shalt  }
0x6d: {  	_ =	shalt  }
0x6e: {  	_ =	shalt  }
0x6f: {  	_ =	shalt  }
0x70: {  	_ =	shalt  }
0x71: {  	_ =	shalt  }
0x72: {  	_ =	shalt  }
0x73: {  	_ =	shalt  }
0x74: {  	_ =	shalt  }
0x75: {  	_ =	shalt  }
0x76: {  	_ =	shalt  }
0x77: {  	_ =	shalt  }
0x78: {  	_ =	shalt  }
0x79: {  	_ =	shalt  }
0x7a: {  	_ =	shalt  }
0x7b: {  	_ =	shalt  }
0x7c: {  	_ =	shalt  }
0x7d: {  	_ =	shalt  }
0x7e: {  	_ =	shalt  }
0x7f: {  	_ =	shalt  }
0x80: {  	_ =	shalt  }
0x81: {  	_ =	shalt  }
0x82: {  	_ =	shalt  }
0x83: {  	_ =	shalt  }
0x84: {  	_ =	shalt  }
0x85: {  	_ =	shalt  }
0x86: {  	_ =	shalt  }
0x87: {  	_ =	shalt  }
.Lfunc_end0:
.L_simem_size_0:
called_computation_lowered:
.L_overlay_start_0:
0x88: {  	s2 =	sld [smem:$0x3FD9]  }
0x89: {  	s3 =	sld [smem:$0x3FFE];
	_ =	sdelay $0x1  }
0x8a: {  	s1 =	srdreg.scid  }
0x8b: {  	s0 =	sand.u32 $0x1, s1  }
0x8c: {  	s17 =	sshll.u32 s0, $0xA;
	s2 =	sadd.s32 s3, s2  }
0x8d: {  	s2 =	sadd.s32 s2, s17  }
0x8e: {  	[smem:$0x3FC2] =	sst s2  }
0x8f: {  	_ = 	snop  }
0x90: {  	s2 =	sld [smem:$0x3FD0];
	(tm) =	ssettm $0x1  }
0x91: {  	s18 =	sld [smem:$0x3FFB];
	_ =	sdelay $0x3  }
0x92: {  	_ =	strace s18  }
0x93: {  	s3 =	sld [smem:$0x3FFC];
	_ =	sdelay $0x3  }
0x94: {  	_ =	strace s3  }
0x95: {  	s3 =	sld [smem:$0x3FFD];
	_ =	sdelay $0x3  }
0x96: {  	_ =	strace s3  }
0x97: {  	_ =	strace $0x8FFFFFFF  }
0x98: {  	s19 =	sld [smem:$0x3FDB];
	_ =	sdelay $0x1  }
0x99: {  	s4 =	simm.s32 $_scs_section_size  }
0x9a: {  	s5 =	simm.s32 $_size__tile_overlayer_lowered;
	s6 =	simm.s32 $_tile_overlayer_lowered  }
0x9b: {  	s22 =	simm.s32 $0x1BFF;
	s21 =	sshll.u32 s6, $0x1;
	s3 =	sadd.s32 s4, s19  }
0x9c: {  	s7 =	simm.s32 $0x0;
	s20 =	sshll.u32 s5, $0x1;
	s5 =	sadd.s32 s21, s3  }
0x9d: {  	[timem:s7], [sflag:s22] =	dma.local [hbm:s5], s20  }
0x9e: {  	_ =	swait.ge [sflag:s22], s20  }
0x9f: {  	s4 =	ssub.s32 $0x0, s20;
	[sflag:s22] =	ssyncset.done $0x0  }
0xa0: {  	[sflag:s22] =	ssyncadd.s32 s4;
	_ =	sdelay $0x1  }
0xa1: {  	s23 =	simm.s32 $0x1B8B  }
0xa2: {  	_ =	swait.ge [sflag:s23], $0x1  }
0xa3: {  	[sflag:s23] =	ssyncset.done $0x0  }
0xa4: {  	s25 =	simm.s32 $0x1B8E;
	s24 =	sld [smem:$0x3FFE];
	[sflag:s23] =	ssyncadd.s32 $0xFFFFFFFF  }
0xa5: {  	s26 =	simm.s32 $execute0_lowered;
	[smem:$0x3FD2] =	sst s25  }
0xa6: {  	s5 =	sshll.u32 s26, $0x1;
	_ =	strace $0x80000046;
	[dreg:$0x1] =	wrdreg $0xFFFFFFFF  }
0xa7: {  	s28 =	simm.s32 $_size_execute0_lowered;
	s3 =	sadd.s32 s3, s5;
	[dreg:$0x0] =	wrdreg $0x0  }
0xa8: {  	s5 =	sshll.u32 s28, $0x1;
	[dreg:$0x2] =	wrdreg s3  }
0xa9: {  	[dreg:$0x3] =	wrdreg s5  }
0xaa: {  	[dreg:$0x4] =	wrdreg $0xC0  }
0xab: {  	_ =	task [dreg:s7], $0x5FFFF  }
0xac: {  	[dreg:$0x1] =	wrdreg $0xFFFFFFFF  }
0xad: {  	[dreg:$0x0] =	wrdreg $0x60  }
0xae: {  	[dreg:$0x2] =	wrdreg s24  }
0xaf: {  	[dreg:$0x3] =	wrdreg s2  }
0xb0: {  	[dreg:$0x4] =	wrdreg $0x10000  }
0xb1: {  	[dreg:$0x5] =	wrdreg $0x9  }
0xb2: {  	_ =	task.clear_ibuf [dreg:s7], $0x6FFFF;
	_ =	strace $0x90000046  }
0xb3: {  	s29 =	simm.s32 $0x9;
	_ =	strace $0x80000048  }
0xb4: {  	_ =	swait.ge [sflag:s29], $0x1  }
0xb5: {  	[sflag:s29] =	ssyncadd.s32 $0xFFFFFFFF  }
0xb6: {  	_ =	strace $0x90000048  }
0xb7: {  	_ =	sfence  }
0xb8: {  	s30 =	sld [smem:$0x0];
	_ =	sdelay $0x2  }
0xb9: {  	s31 =	sshll.u32 s1, $0xD;
	s1 =	sshrl.u32 s1, $0x2  }
0xba: {  	s3 =	sand.u32 $0x4000, s31;
	s1 =	sadd.s32 s1, s30  }
0xbb: {  	s0 =	sor.u32 s3, s0;
	s1 =	sshll.u32 s1, $0x11  }
0xbc: {  	s0 =	sor.u32 s1, s0  }
0xbd: {  	s0 =	sadd.s32 $0x8F2B, s0  }
0xbe: {  	[sflag:s0] =	ssyncadd.remote.s32 $0x1  }
0xbf: {  	_ =	sfence.sel $0xFFFF  }
0xc0: {  	[dreg:$0x0] =	wrdreg $0xFFFFFFFF;
	(pc) =	sbr.abs _section_cstart, $3  }
0xc1: {  	[dreg:$0x1] =	wrdreg $0xFFFFFFFF  }
0xc2: {  	_ =	task.clear_ibuf [dreg:s7], $0x2FFFF;
	_ =	strace $0x9FFFFFFF  }
0xc3: {  	(tm) =	ssettm $0x7FFFFFFF  }
tec
execute0_lowered:
.L_overlay_start_1:
0x0: {  	(tag) =	ssettag $0x1  }
0x1: {  	s0 =	rddreg [dreg:$0x0]  }
0x2: {  	s3 =	rddreg [dreg:$0x2];
	s10 =	stileid.u32;
	s4 =	simm.s32 $0x0  }
0x3: {  	s2 =	srdreg.scid;
	s12 =	simm.s32 $0x4;
	s13 =	simm.s32 $0x800  }
0x4: {  	s14 =	simm.s32 $0x400;
	s15 =	simm.s32 $0x1;
	s16 =	simm.s32 $0x80  }
0x5: {  	s17 =	simm.s32 $0x100;
	s18 =	simm.s32 $0x180;
	s19 =	simm.s32 $0x200  }
0x6: {  	s20 =	simm.s32 $0x280;
	s28 =	simm.s32 $0x600;
	s29 =	simm.s32 $0x680  }
0x7: {  	s30 =	simm.s32 $0x700;
	s31 =	simm.s32 $0x780;
	s1 =	smul.u32 $0x2780, s10  }
0x8: {  	[smem:$0x7FF] =	sst s4;
	s2 =	sand.u32 $0x1, s2;
	s5 =	smul.u32 $0x4F0, s10  }
0x9: {  	s8 =	sadd.s32 $0x2C00, s0;
	s9 =	sshll.u32 s10, $0x1;
	s25 =	smul.u32 $0xA00, s10  }
0xa: {  	s23 =	sshll.u32 s10, $0x6;
	_ =	strace $0x80000047;
	s7 =	smul.u32 $0x4F00, s2  }
0xb: {  	s21 =	ssub.s32 $0x2, s2;
	s9 =	sor.u32 s2, s9;
	s2 =	smul.u32 $0x500, s2  }
0xc: {  	s6 =	sshrl.u32 s1, $0x3;
	s22 =	sshrl.u32 s21, $0x1;
	s9 =	smul.u32 $0x2800, s9  }
0xd: {  	s1 =	sadd.s32 s1, s3;
	s26 =	sadd.s32 s25, s8;
	s25 =	simm.s32 $0x500  }
0xe: {  	s6 =	sadd.s32 s6, s0;
	s5 =	sadd.s32 s5, s7;
	s10 =	sadd.s32 s2, s26  }
0xf: {  	s11 =	sshrl.u32 s1, $0x3;
	s26 =	simm.s32 $0x580;
	s1 =	simm.s32 $0x0  }
0x10: {  	s0 =	sadd.s32 s5, s0;
	s5 =	ssub.s32 s21, s22;
	s6 =	sadd.s32 $0x16E00, s6  }
0x11: {  	s24 =	sshrl.u32 s9, $0x3;
	s21 =	simm.s32 $0x300;
	s22 =	simm.s32 $0x380  }
0x12: {  	[dreg:$0x4] =	wrdreg s6;
	s6 =	sor.u32 $0x1C04, s23;
	s0 =	sadd.s32 $0x1BE00, s0  }
0x13: {  	s7 =	sadd.s32 s8, s24;
	s5 =	smax.u32 s5, $0x1;
	[dreg:$0x6] =	wrdreg s0  }
0x14: {  	s23 =	simm.s32 $0x2;
	s7 =	sadd.s32 $0xA080, s7;
	[dreg:$0x7] =	wrdreg s5  }
0x15: {  	s24 =	simm.s32 $0x480;
	s0 =	simm.s32 $0x3;
	[dreg:$0x5] =	wrdreg s7  }
.LBB2_1:
0x16: {  	s2 =	rddreg [dreg:$0x4]  }
0x17: {  	[spmem:s11], [sflag:s6] =	dma.local [hbm:s2], $0x4F0  }
0x18: {  	_ =	swait.ge [sflag:s12], $0x4F0  }
0x19: {  	[sflag:s12] =	ssyncset.done $0x0  }
0x1a: {  	[sflag:s12] =	ssyncadd.s32 $0xFFFFFB10  }
0x1b: {  	s7 =	rddreg [dreg:$0x1]  }
0x1c: {  	[tilespmem:s13], [sflag:$0x4] =	stream.linear.gather [hbm4b:s7+s4], $0x800, $0x38;
	[tilespmem:$0x3780] =	vst v63  }
0x1d: {  	_ =	swait.ge [sflag:s12], $0x800  }
0x1e: {  	[sflag:s12] =	ssyncset.done $0x0  }
0x1f: {  	[sflag:s12] =	ssyncadd.s32 $0xFFFFF800  }
0x20: {  	[bflag:$0x0] =	sbarrier.arrive $0xFFFF  }
0x21: {  	s9 =	sadd.s32 $0xFFFFFB00, s10;
	s8 =	rddreg [dreg:$0x5]  }
0x22: {  	[tilespmem:s4], [sflag:$0x1] =	stream.linear.gather [hbm4b:s8+s4], $0x400, $0x38;
	[tilespmem:$0x3780] =	vst v63  }
0x23: {  	s5 =	sadd.s32 $0xA600, s9  }
0x24: {  	[tilespmem:s14], [sflag:$0x2] =	stream.linear.gather [hbm4b:s5+s4], $0x400, $0x38;
	[tilespmem:$0x3780] =	vst v63  }
0x25: {  	_ =	swait.ge [sflag:s15], $0x400  }
0x26: {  	[sflag:s15] =	ssyncset.done $0x0  }
0x27: {  	[sflag:s15] =	ssyncadd.s32 $0xFFFFFC00  }
0x28: {  	[spmem:s3] =	stream.indirect.scatter.add.f32 [tilespmem:s13], [sflag:$0x3], $0x10, s4, s16, $0xb8;
	[tilespmem:$0x3780] =	vst v63  }
0x29: {  	_ = 	snop  }
0x2a: {  	[spmem:s3] =	stream.indirect.scatter.add.f32 [tilespmem:s13], [sflag:$0x3], $0x10, s16, s16, $0xb8;
	[tilespmem:$0x3780] =	vst v63  }
0x2b: {  	_ = 	snop  }
0x2c: {  	[spmem:s3] =	stream.indirect.scatter.add.f32 [tilespmem:s13], [sflag:$0x3], $0x10, s17, s16, $0xb8;
	[tilespmem:$0x3780] =	vst v63  }
0x2d: {  	_ = 	snop  }
0x2e: {  	[spmem:s3] =	stream.indirect.scatter.add.f32 [tilespmem:s13], [sflag:$0x3], $0x10, s18, s16, $0xb8;
	[tilespmem:$0x3780] =	vst v63  }
0x2f: {  	_ = 	snop  }
0x30: {  	[spmem:s3] =	stream.indirect.scatter.add.f32 [tilespmem:s13], [sflag:$0x3], $0x10, s19, s16, $0xb8;
	[tilespmem:$0x3780] =	vst v63  }
0x31: {  	_ = 	snop  }
0x32: {  	[spmem:s3] =	stream.indirect.scatter.add.f32 [tilespmem:s13], [sflag:$0x3], $0x10, s20, s16, $0xb8;
	[tilespmem:$0x3780] =	vst v63  }
0x33: {  	_ = 	snop  }
0x34: {  	[spmem:s3] =	stream.indirect.scatter.add.f32 [tilespmem:s13], [sflag:$0x3], $0x10, s21, s16, $0xb8;
	[tilespmem:$0x3780] =	vst v63  }
0x35: {  	_ = 	snop  }
0x36: {  	[spmem:s3] =	stream.indirect.scatter.add.f32 [tilespmem:s13], [sflag:$0x3], $0x10, s22, s16, $0xb8;
	[tilespmem:$0x3780] =	vst v63  }
0x37: {  	_ =	swait.ge [sflag:s23], $0x400  }
0x38: {  	[sflag:s23] =	ssyncset.done $0x0  }
0x39: {  	[sflag:s23] =	ssyncadd.s32 $0xFFFFFC00  }
0x3a: {  	[spmem:s3] =	stream.indirect.scatter.add.f32 [tilespmem:s13], [sflag:$0x3], $0x10, s14, s16, $0xb8;
	[tilespmem:$0x3780] =	vst v63  }
0x3b: {  	_ = 	snop  }
0x3c: {  	[spmem:s3] =	stream.indirect.scatter.add.f32 [tilespmem:s13], [sflag:$0x3], $0x10, s24, s16, $0xb8;
	[tilespmem:$0x3780] =	vst v63  }
0x3d: {  	_ = 	snop  }
0x3e: {  	[spmem:s3] =	stream.indirect.scatter.add.f32 [tilespmem:s13], [sflag:$0x3], $0x10, s25, s16, $0xb8;
	[tilespmem:$0x3780] =	vst v63  }
0x3f: {  	_ = 	snop  }
0x40: {  	[spmem:s3] =	stream.indirect.scatter.add.f32 [tilespmem:s13], [sflag:$0x3], $0x10, s26, s16, $0xb8;
	[tilespmem:$0x3780] =	vst v63  }
0x41: {  	_ = 	snop  }
0x42: {  	[spmem:s3] =	stream.indirect.scatter.add.f32 [tilespmem:s13], [sflag:$0x3], $0x10, s28, s16, $0xb8;
	[tilespmem:$0x3780] =	vst v63  }
0x43: {  	_ = 	snop  }
0x44: {  	[spmem:s3] =	stream.indirect.scatter.add.f32 [tilespmem:s13], [sflag:$0x3], $0x10, s29, s16, $0xb8;
	[tilespmem:$0x3780] =	vst v63  }
0x45: {  	_ = 	snop  }
0x46: {  	[spmem:s3] =	stream.indirect.scatter.add.f32 [tilespmem:s13], [sflag:$0x3], $0x10, s30, s16, $0xb8;
	[tilespmem:$0x3780] =	vst v63  }
0x47: {  	_ = 	snop  }
0x48: {  	[spmem:s3] =	stream.indirect.scatter.add.f32 [tilespmem:s13], [sflag:$0x3], $0x10, s31, s16, $0xb8;
	[tilespmem:$0x3780] =	vst v63  }
0x49: {  	_ =	swait.ge [sflag:s0], $0x800  }
0x4a: {  	[sflag:s0] =	ssyncset.done $0x0  }
0x4b: {  	[sflag:s0] =	ssyncadd.s32 $0xFFFFF800  }
0x4c: {  	_ =	swait.ge [sflag:s0], $0x800  }
0x4d: {  	[sflag:s0] =	ssyncset.done $0x0  }
0x4e: {  	[sflag:s0] =	ssyncadd.s32 $0xFFFFF800  }
0x4f: {  	_ =	swait.ge [sflag:s0], $0x800  }
0x50: {  	[sflag:s0] =	ssyncset.done $0x0  }
0x51: {  	[sflag:s0] =	ssyncadd.s32 $0xFFFFF800  }
0x52: {  	_ =	swait.ge [sflag:s0], $0x800  }
0x53: {  	[sflag:s0] =	ssyncset.done $0x0  }
0x54: {  	[sflag:s0] =	ssyncadd.s32 $0xFFFFF800  }
0x55: {  	_ =	swait.ge [sflag:s0], $0x800  }
0x56: {  	[sflag:s0] =	ssyncset.done $0x0  }
0x57: {  	[sflag:s0] =	ssyncadd.s32 $0xFFFFF800  }
0x58: {  	_ =	swait.ge [sflag:s0], $0x800  }
0x59: {  	[sflag:s0] =	ssyncset.done $0x0  }
0x5a: {  	[sflag:s0] =	ssyncadd.s32 $0xFFFFF800  }
0x5b: {  	_ =	swait.ge [sflag:s0], $0x800  }
0x5c: {  	[sflag:s0] =	ssyncset.done $0x0  }
0x5d: {  	[sflag:s0] =	ssyncadd.s32 $0xFFFFF800  }
0x5e: {  	_ =	swait.ge [sflag:s0], $0x800  }
0x5f: {  	[sflag:s0] =	ssyncset.done $0x0  }
0x60: {  	s2 =	sadd.s32 $0xA680, s9;
	[sflag:s0] =	ssyncadd.s32 $0xFFFFF800  }
0x61: {  	[tilespmem:s4], [sflag:$0x1] =	stream.linear.gather [hbm4b:s2+s4], $0x400, $0x38;
	[tilespmem:$0x3780] =	vst v63  }
0x62: {  	_ =	swait.ge [sflag:s0], $0x800  }
0x63: {  	[sflag:s0] =	ssyncset.done $0x0  }
0x64: {  	[sflag:s0] =	ssyncadd.s32 $0xFFFFF800  }
0x65: {  	_ =	swait.ge [sflag:s0], $0x800  }
0x66: {  	[sflag:s0] =	ssyncset.done $0x0  }
0x67: {  	[sflag:s0] =	ssyncadd.s32 $0xFFFFF800  }
0x68: {  	_ =	swait.ge [sflag:s0], $0x800  }
0x69: {  	[sflag:s0] =	ssyncset.done $0x0  }
0x6a: {  	[sflag:s0] =	ssyncadd.s32 $0xFFFFF800  }
0x6b: {  	_ =	swait.ge [sflag:s0], $0x800  }
0x6c: {  	[sflag:s0] =	ssyncset.done $0x0  }
0x6d: {  	[sflag:s0] =	ssyncadd.s32 $0xFFFFF800  }
0x6e: {  	_ =	swait.ge [sflag:s0], $0x800  }
0x6f: {  	[sflag:s0] =	ssyncset.done $0x0  }
0x70: {  	[sflag:s0] =	ssyncadd.s32 $0xFFFFF800  }
0x71: {  	_ =	swait.ge [sflag:s0], $0x800  }
0x72: {  	[sflag:s0] =	ssyncset.done $0x0  }
0x73: {  	[sflag:s0] =	ssyncadd.s32 $0xFFFFF800  }
0x74: {  	_ =	swait.ge [sflag:s0], $0x800  }
0x75: {  	[sflag:s0] =	ssyncset.done $0x0  }
0x76: {  	[sflag:s0] =	ssyncadd.s32 $0xFFFFF800  }
0x77: {  	_ =	swait.ge [sflag:s0], $0x800  }
0x78: {  	s5 =	simm.s32 $0xFFFFFD00;
	s2 =	sadd.s32 $0xFFFFFC00, s10;
	[sflag:s0] =	ssyncset.done $0x0  }
.LBB2_2:
0x79: {  	s9 =	sadd.s32 $0xA600, s2  }
0x7a: {  	[sflag:s0] =	ssyncadd.s32 $0xFFFFF800;
	s7 =	smov.u32 s5;
	s8 =	sadd.s32 $0x100, s5  }
0x7b: {  	[tilespmem:s14], [sflag:$0x2] =	stream.linear.gather [hbm4b:s9+s4], $0x400, $0x38;
	[tilespmem:$0x3780] =	vst v63  }
0x7c: {  	p0 =	sne.s32 s5, $0xFFFFFF00;
	_ =	swait.ge [sflag:s15], $0x400  }
0x7d: {  	[sflag:s15] =	ssyncset.done $0x0  }
0x7e: {  	[sflag:s15] =	ssyncadd.s32 $0xFFFFFC00  }
0x7f: {  	[spmem:s3] =	stream.indirect.scatter.add.f32 [tilespmem:s13], [sflag:$0x3], $0x10, s4, s16, $0xb8;
	[tilespmem:$0x3780] =	vst v63  }
0x80: {  	_ = 	snop  }
0x81: {  	[spmem:s3] =	stream.indirect.scatter.add.f32 [tilespmem:s13], [sflag:$0x3], $0x10, s16, s16, $0xb8;
	[tilespmem:$0x3780] =	vst v63  }
0x82: {  	_ = 	snop  }
0x83: {  	[spmem:s3] =	stream.indirect.scatter.add.f32 [tilespmem:s13], [sflag:$0x3], $0x10, s17, s16, $0xb8;
	[tilespmem:$0x3780] =	vst v63  }
0x84: {  	_ = 	snop  }
0x85: {  	[spmem:s3] =	stream.indirect.scatter.add.f32 [tilespmem:s13], [sflag:$0x3], $0x10, s18, s16, $0xb8;
	[tilespmem:$0x3780] =	vst v63  }
0x86: {  	_ = 	snop  }
0x87: {  	[spmem:s3] =	stream.indirect.scatter.add.f32 [tilespmem:s13], [sflag:$0x3], $0x10, s19, s16, $0xb8;
	[tilespmem:$0x3780] =	vst v63  }
0x88: {  	_ = 	snop  }
0x89: {  	[spmem:s3] =	stream.indirect.scatter.add.f32 [tilespmem:s13], [sflag:$0x3], $0x10, s20, s16, $0xb8;
	[tilespmem:$0x3780] =	vst v63  }
0x8a: {  	_ = 	snop  }
0x8b: {  	[spmem:s3] =	stream.indirect.scatter.add.f32 [tilespmem:s13], [sflag:$0x3], $0x10, s21, s16, $0xb8;
	[tilespmem:$0x3780] =	vst v63  }
0x8c: {  	_ = 	snop  }
0x8d: {  	[spmem:s3] =	stream.indirect.scatter.add.f32 [tilespmem:s13], [sflag:$0x3], $0x10, s22, s16, $0xb8;
	[tilespmem:$0x3780] =	vst v63  }
0x8e: {  	_ =	swait.ge [sflag:s23], $0x400  }
0x8f: {  	[sflag:s23] =	ssyncset.done $0x0  }
0x90: {  	[sflag:s23] =	ssyncadd.s32 $0xFFFFFC00  }
0x91: {  	[spmem:s3] =	stream.indirect.scatter.add.f32 [tilespmem:s13], [sflag:$0x3], $0x10, s14, s16, $0xb8;
	[tilespmem:$0x3780] =	vst v63  }
0x92: {  	_ = 	snop  }
0x93: {  	[spmem:s3] =	stream.indirect.scatter.add.f32 [tilespmem:s13], [sflag:$0x3], $0x10, s24, s16, $0xb8;
	[tilespmem:$0x3780] =	vst v63  }
0x94: {  	_ = 	snop  }
0x95: {  	[spmem:s3] =	stream.indirect.scatter.add.f32 [tilespmem:s13], [sflag:$0x3], $0x10, s25, s16, $0xb8;
	[tilespmem:$0x3780] =	vst v63  }
0x96: {  	_ = 	snop  }
0x97: {  	[spmem:s3] =	stream.indirect.scatter.add.f32 [tilespmem:s13], [sflag:$0x3], $0x10, s26, s16, $0xb8;
	[tilespmem:$0x3780] =	vst v63  }
0x98: {  	_ = 	snop  }
0x99: {  	[spmem:s3] =	stream.indirect.scatter.add.f32 [tilespmem:s13], [sflag:$0x3], $0x10, s28, s16, $0xb8;
	[tilespmem:$0x3780] =	vst v63  }
0x9a: {  	_ = 	snop  }
0x9b: {  	[spmem:s3] =	stream.indirect.scatter.add.f32 [tilespmem:s13], [sflag:$0x3], $0x10, s29, s16, $0xb8;
	[tilespmem:$0x3780] =	vst v63  }
0x9c: {  	_ = 	snop  }
0x9d: {  	[spmem:s3] =	stream.indirect.scatter.add.f32 [tilespmem:s13], [sflag:$0x3], $0x10, s30, s16, $0xb8;
	[tilespmem:$0x3780] =	vst v63  }
0x9e: {  	_ = 	snop  }
0x9f: {  	[spmem:s3] =	stream.indirect.scatter.add.f32 [tilespmem:s13], [sflag:$0x3], $0x10, s31, s16, $0xb8;
	[tilespmem:$0x3780] =	vst v63  }
0xa0: {  	_ =	swait.ge [sflag:s0], $0x800  }
0xa1: {  	[sflag:s0] =	ssyncset.done $0x0  }
0xa2: {  	[sflag:s0] =	ssyncadd.s32 $0xFFFFF800  }
0xa3: {  	_ =	swait.ge [sflag:s0], $0x800  }
0xa4: {  	[sflag:s0] =	ssyncset.done $0x0  }
0xa5: {  	[sflag:s0] =	ssyncadd.s32 $0xFFFFF800  }
0xa6: {  	_ =	swait.ge [sflag:s0], $0x800  }
0xa7: {  	[sflag:s0] =	ssyncset.done $0x0  }
0xa8: {  	[sflag:s0] =	ssyncadd.s32 $0xFFFFF800  }
0xa9: {  	_ =	swait.ge [sflag:s0], $0x800  }
0xaa: {  	[sflag:s0] =	ssyncset.done $0x0  }
0xab: {  	[sflag:s0] =	ssyncadd.s32 $0xFFFFF800  }
0xac: {  	_ =	swait.ge [sflag:s0], $0x800  }
0xad: {  	[sflag:s0] =	ssyncset.done $0x0  }
0xae: {  	[sflag:s0] =	ssyncadd.s32 $0xFFFFF800  }
0xaf: {  	_ =	swait.ge [sflag:s0], $0x800  }
0xb0: {  	[sflag:s0] =	ssyncset.done $0x0  }
0xb1: {  	[sflag:s0] =	ssyncadd.s32 $0xFFFFF800  }
0xb2: {  	_ =	swait.ge [sflag:s0], $0x800  }
0xb3: {  	[sflag:s0] =	ssyncset.done $0x0  }
0xb4: {  	[sflag:s0] =	ssyncadd.s32 $0xFFFFF800  }
0xb5: {  	_ =	swait.ge [sflag:s0], $0x800  }
0xb6: {  	[sflag:s0] =	ssyncset.done $0x0  }
0xb7: {  	s2 =	sadd.s32 $0xA680, s2;
	[sflag:s0] =	ssyncadd.s32 $0xFFFFF800  }
0xb8: {  	[tilespmem:s4], [sflag:$0x1] =	stream.linear.gather [hbm4b:s2+s4], $0x400, $0x38;
	[tilespmem:$0x3780] =	vst v63  }
0xb9: {  	_ =	swait.ge [sflag:s0], $0x800  }
0xba: {  	[sflag:s0] =	ssyncset.done $0x0  }
0xbb: {  	[sflag:s0] =	ssyncadd.s32 $0xFFFFF800  }
0xbc: {  	_ =	swait.ge [sflag:s0], $0x800  }
0xbd: {  	[sflag:s0] =	ssyncset.done $0x0  }
0xbe: {  	[sflag:s0] =	ssyncadd.s32 $0xFFFFF800  }
0xbf: {  	_ =	swait.ge [sflag:s0], $0x800  }
0xc0: {  	[sflag:s0] =	ssyncset.done $0x0  }
0xc1: {  	[sflag:s0] =	ssyncadd.s32 $0xFFFFF800  }
0xc2: {  	_ =	swait.ge [sflag:s0], $0x800  }
0xc3: {  	[sflag:s0] =	ssyncset.done $0x0  }
0xc4: {  	[sflag:s0] =	ssyncadd.s32 $0xFFFFF800  }
0xc5: {  	_ =	swait.ge [sflag:s0], $0x800  }
0xc6: {  	[sflag:s0] =	ssyncset.done $0x0  }
0xc7: {  	[sflag:s0] =	ssyncadd.s32 $0xFFFFF800  }
0xc8: {  	_ =	swait.ge [sflag:s0], $0x800  }
0xc9: {  	[sflag:s0] =	ssyncset.done $0x0  }
0xca: {  	[sflag:s0] =	ssyncadd.s32 $0xFFFFF800  }
.Ltmp0:
0xcb: {  	_ =	swait.ge [sflag:s0], $0x800;
	(pc) =	sbr.rel @p0 .LBB2_2-.Ltmp0, $4  }
0xcc: {  	[sflag:s0] =	ssyncset.done $0x0  }
0xcd: {  	[sflag:s0] =	ssyncadd.s32 $0xFFFFF800  }
0xce: {  	_ =	swait.ge [sflag:s0], $0x800  }
0xcf: {  	s5 =	smov.u32 s8;
	s2 =	sadd.s32 s7, s10;
	[sflag:s0] =	ssyncset.done $0x0  }
0xd0: {  	s5 =	sadd.s32 $0xA600, s2;
	[sflag:s0] =	ssyncadd.s32 $0xFFFFF800  }
0xd1: {  	[tilespmem:s14], [sflag:$0x2] =	stream.linear.gather [hbm4b:s5+s4], $0x400, $0x38;
	[tilespmem:$0x3780] =	vst v63  }
0xd2: {  	_ =	swait.ge [sflag:s15], $0x400  }
0xd3: {  	[sflag:s15] =	ssyncset.done $0x0  }
0xd4: {  	[sflag:s15] =	ssyncadd.s32 $0xFFFFFC00  }
0xd5: {  	[spmem:s3] =	stream.indirect.scatter.add.f32 [tilespmem:s13], [sflag:$0x3], $0x10, s4, s16, $0xb8;
	[tilespmem:$0x3780] =	vst v63  }
0xd6: {  	_ = 	snop  }
0xd7: {  	[spmem:s3] =	stream.indirect.scatter.add.f32 [tilespmem:s13], [sflag:$0x3], $0x10, s16, s16, $0xb8;
	[tilespmem:$0x3780] =	vst v63  }
0xd8: {  	_ = 	snop  }
0xd9: {  	[spmem:s3] =	stream.indirect.scatter.add.f32 [tilespmem:s13], [sflag:$0x3], $0x10, s17, s16, $0xb8;
	[tilespmem:$0x3780] =	vst v63  }
0xda: {  	_ = 	snop  }
0xdb: {  	[spmem:s3] =	stream.indirect.scatter.add.f32 [tilespmem:s13], [sflag:$0x3], $0x10, s18, s16, $0xb8;
	[tilespmem:$0x3780] =	vst v63  }
0xdc: {  	_ = 	snop  }
0xdd: {  	[spmem:s3] =	stream.indirect.scatter.add.f32 [tilespmem:s13], [sflag:$0x3], $0x10, s19, s16, $0xb8;
	[tilespmem:$0x3780] =	vst v63  }
0xde: {  	_ = 	snop  }
0xdf: {  	[spmem:s3] =	stream.indirect.scatter.add.f32 [tilespmem:s13], [sflag:$0x3], $0x10, s20, s16, $0xb8;
	[tilespmem:$0x3780] =	vst v63  }
0xe0: {  	_ = 	snop  }
0xe1: {  	[spmem:s3] =	stream.indirect.scatter.add.f32 [tilespmem:s13], [sflag:$0x3], $0x10, s21, s16, $0xb8;
	[tilespmem:$0x3780] =	vst v63  }
0xe2: {  	_ = 	snop  }
0xe3: {  	[spmem:s3] =	stream.indirect.scatter.add.f32 [tilespmem:s13], [sflag:$0x3], $0x10, s22, s16, $0xb8;
	[tilespmem:$0x3780] =	vst v63  }
0xe4: {  	_ =	swait.ge [sflag:s23], $0x400  }
0xe5: {  	[sflag:s23] =	ssyncset.done $0x0  }
0xe6: {  	[sflag:s23] =	ssyncadd.s32 $0xFFFFFC00  }
0xe7: {  	[spmem:s3] =	stream.indirect.scatter.add.f32 [tilespmem:s13], [sflag:$0x3], $0x10, s14, s16, $0xb8;
	[tilespmem:$0x3780] =	vst v63  }
0xe8: {  	_ = 	snop  }
0xe9: {  	[spmem:s3] =	stream.indirect.scatter.add.f32 [tilespmem:s13], [sflag:$0x3], $0x10, s24, s16, $0xb8;
	[tilespmem:$0x3780] =	vst v63  }
0xea: {  	_ = 	snop  }
0xeb: {  	[spmem:s3] =	stream.indirect.scatter.add.f32 [tilespmem:s13], [sflag:$0x3], $0x10, s25, s16, $0xb8;
	[tilespmem:$0x3780] =	vst v63  }
0xec: {  	_ = 	snop  }
0xed: {  	[spmem:s3] =	stream.indirect.scatter.add.f32 [tilespmem:s13], [sflag:$0x3], $0x10, s26, s16, $0xb8;
	[tilespmem:$0x3780] =	vst v63  }
0xee: {  	_ = 	snop  }
0xef: {  	[spmem:s3] =	stream.indirect.scatter.add.f32 [tilespmem:s13], [sflag:$0x3], $0x10, s28, s16, $0xb8;
	[tilespmem:$0x3780] =	vst v63  }
0xf0: {  	_ = 	snop  }
0xf1: {  	[spmem:s3] =	stream.indirect.scatter.add.f32 [tilespmem:s13], [sflag:$0x3], $0x10, s29, s16, $0xb8;
	[tilespmem:$0x3780] =	vst v63  }
0xf2: {  	_ = 	snop  }
0xf3: {  	[spmem:s3] =	stream.indirect.scatter.add.f32 [tilespmem:s13], [sflag:$0x3], $0x10, s30, s16, $0xb8;
	[tilespmem:$0x3780] =	vst v63  }
0xf4: {  	_ = 	snop  }
0xf5: {  	[spmem:s3] =	stream.indirect.scatter.add.f32 [tilespmem:s13], [sflag:$0x3], $0x10, s31, s16, $0xb8;
	[tilespmem:$0x3780] =	vst v63  }
0xf6: {  	_ =	swait.ge [sflag:s0], $0x800  }
0xf7: {  	[sflag:s0] =	ssyncset.done $0x0  }
0xf8: {  	[sflag:s0] =	ssyncadd.s32 $0xFFFFF800  }
0xf9: {  	_ =	swait.ge [sflag:s0], $0x800  }
0xfa: {  	[sflag:s0] =	ssyncset.done $0x0  }
0xfb: {  	[sflag:s0] =	ssyncadd.s32 $0xFFFFF800  }
0xfc: {  	_ =	swait.ge [sflag:s0], $0x800  }
0xfd: {  	[sflag:s0] =	ssyncset.done $0x0  }
0xfe: {  	[sflag:s0] =	ssyncadd.s32 $0xFFFFF800  }
0xff: {  	_ =	swait.ge [sflag:s0], $0x800  }
0x100: {  	[sflag:s0] =	ssyncset.done $0x0  }
0x101: {  	[sflag:s0] =	ssyncadd.s32 $0xFFFFF800  }
0x102: {  	_ =	swait.ge [sflag:s0], $0x800  }
0x103: {  	[sflag:s0] =	ssyncset.done $0x0  }
0x104: {  	[sflag:s0] =	ssyncadd.s32 $0xFFFFF800  }
0x105: {  	_ =	swait.ge [sflag:s0], $0x800  }
0x106: {  	[sflag:s0] =	ssyncset.done $0x0  }
0x107: {  	[sflag:s0] =	ssyncadd.s32 $0xFFFFF800  }
0x108: {  	_ =	swait.ge [sflag:s0], $0x800  }
0x109: {  	[sflag:s0] =	ssyncset.done $0x0  }
0x10a: {  	[sflag:s0] =	ssyncadd.s32 $0xFFFFF800  }
0x10b: {  	_ =	swait.ge [sflag:s0], $0x800  }
0x10c: {  	[sflag:s0] =	ssyncset.done $0x0  }
0x10d: {  	s7 =	sadd.s32 $0xA680, s2;
	[sflag:s0] =	ssyncadd.s32 $0xFFFFF800  }
0x10e: {  	[tilespmem:s4], [sflag:$0x1] =	stream.linear.gather [hbm4b:s7+s4], $0x400, $0x38;
	[tilespmem:$0x3780] =	vst v63  }
0x10f: {  	_ =	swait.ge [sflag:s0], $0x800  }
0x110: {  	[sflag:s0] =	ssyncset.done $0x0  }
0x111: {  	[sflag:s0] =	ssyncadd.s32 $0xFFFFF800  }
0x112: {  	_ =	swait.ge [sflag:s0], $0x800  }
0x113: {  	[sflag:s0] =	ssyncset.done $0x0  }
0x114: {  	[sflag:s0] =	ssyncadd.s32 $0xFFFFF800  }
0x115: {  	_ =	swait.ge [sflag:s0], $0x800  }
0x116: {  	[sflag:s0] =	ssyncset.done $0x0  }
0x117: {  	[sflag:s0] =	ssyncadd.s32 $0xFFFFF800  }
0x118: {  	_ =	swait.ge [sflag:s0], $0x800  }
0x119: {  	[sflag:s0] =	ssyncset.done $0x0  }
0x11a: {  	[sflag:s0] =	ssyncadd.s32 $0xFFFFF800  }
0x11b: {  	_ =	swait.ge [sflag:s0], $0x800  }
0x11c: {  	[sflag:s0] =	ssyncset.done $0x0  }
0x11d: {  	[sflag:s0] =	ssyncadd.s32 $0xFFFFF800  }
0x11e: {  	_ =	swait.ge [sflag:s0], $0x800  }
0x11f: {  	[sflag:s0] =	ssyncset.done $0x0  }
0x120: {  	[sflag:s0] =	ssyncadd.s32 $0xFFFFF800  }
0x121: {  	_ =	swait.ge [sflag:s0], $0x800  }
0x122: {  	[sflag:s0] =	ssyncset.done $0x0  }
0x123: {  	[sflag:s0] =	ssyncadd.s32 $0xFFFFF800  }
0x124: {  	_ =	swait.ge [sflag:s0], $0x800  }
0x125: {  	[sflag:s0] =	ssyncset.done $0x0  }
0x126: {  	[sflag:s0] =	ssyncadd.s32 $0xFFFFF800  }
0x127: {  	_ =	swait.ge [sflag:s15], $0x400  }
0x128: {  	[sflag:s15] =	ssyncset.done $0x0  }
0x129: {  	[sflag:s15] =	ssyncadd.s32 $0xFFFFFC00  }
0x12a: {  	[bflag:$0x0] =	sbarrier.arrive $0xFFFF  }
0x12b: {  	s8 =	rddreg [dreg:$0x6]  }
0x12c: {  	[hbm:s8], [sflag:s6] =	dma.local [spmem:s11], $0x4F0  }
0x12d: {  	_ =	swait.ge [sflag:s12], $0x4F0  }
0x12e: {  	s1 =	sadd.s32 $0x1, s1;
	s9 =	rddreg [dreg:$0x7]  }
0x12f: {  	p0 =	sne.s32 s1, s9  }
.Ltmp1:
0x130: {  	_ = 	snop;
	(pc) =	sbr.rel @p0 .LBB2_1-.Ltmp1, $3  }
0x131: {  	_ =	sdelay $0x1  }
0x132: {  	[sflag:s12] =	ssyncset.done $0x0  }
0x133: {  	[sflag:s12] =	ssyncadd.s32 $0xFFFFFB10  }
0x134: {  	_ =	sfence.sel $0x180000  }
0x135: {  	[bflag:$0x0] =	sbarrier.arrive $0xFFFF  }
0x136: {  	_ =	strace $0x90000047  }
0x137: {  	s0 =	stileid.u32;
	[bflag:$0x2] =	sbarrier.arrive $0xFFFF  }
0x138: {  	p0 =	sne.s32 s0, $0x0;
	s0 =	rddreg [dreg:$0x3]  }
0x139: {  	s0 =	sadd.s32 @!p0 $0x100000, s0  }
0x13a: {  	[sflag:s0] =	ssyncadd.tile.s32 @!p0 $0x1;
	_ =	shalt  }
.Lfunc_end2:
_tile_overlayer_lowered:
.L_overlay_start_2:
0x13b: {  	(tag) =	ssettag $0x2  }
0x13c: {  	s0 =	rddreg [dreg:$0x0];
	s2 =	stileid.u32  }
0x13d: {  	s1 =	rddreg [dreg:$0x1];
	p0 =	sne.s32 s2, $0x0  }
0x13e: {  	s3 =	rddreg [dreg:$0x2];
	[bflag:$0x3] =	sbarrier.arrive $0xFFFF;
	s2 =	simm.s32 @!p0 $0x1C04  }
0x13f: {  	[timem:s3], [sflag:s2] =	dma.local @!p0 [hbm:s0], s1  }
0x140: {  	s0 =	simm.s32 @!p0 $0x4  }
0x141: {  	_ =	swait.ge @!p0 [sflag:s0], s1  }
0x142: {  	s1 =	ssub.s32 @!p0 $0x0, s1;
	[sflag:s0] =	ssyncset.done @!p0 $0x0  }
0x143: {  	[sflag:s0] =	ssyncadd.s32 @!p0 s1  }
0x144: {  	[bflag:$0x3] =	sbarrier.arrive $0xFFFF  }
0x145: {  	_ =	shalt  }

</sc_bundles>
